<compile_context>
chip_gen: v7x
topology: tpu7x:2x2x1
jax: 0.10.2.dev20260603
libtpu: 0.0.44.dev20260713+nightly
codegen_flags: <defaults>
</compile_context>

<pallas_src>
import functools
import math
import jax
import jax.numpy as jnp
from jax import lax
from jax.experimental import pallas as pl
from jax.experimental.pallas import tpu as pltpu
from jax.experimental.pallas import tpu_sc as plsc

B, L, E, H = 1, 2048, 1024, 16
DH = E // H
LORA = DH // 2
RT = 256
NEG = -1e30

_DN_T = (((1,), (1,)), ((), ()))
_DN_N = (((1,), (0,)), ((), ()))


def _dot_t(a, b):
    return jax.lax.dot_general(a, b, _DN_T, preferred_element_type=jnp.float32)


def _dot_n(a, b):
    return jax.lax.dot_general(a, b, _DN_N, preferred_element_type=jnp.float32)


def _layernorm(x, g, b):
    mu = jnp.mean(x, axis=-1, keepdims=True)
    var = jnp.mean((x - mu) ** 2, axis=-1, keepdims=True)
    return (x - mu) / jnp.sqrt(var + 1e-5) * g + b


def _softmax(logits):
    m = jnp.max(logits, axis=-1, keepdims=True)
    p = jnp.exp(logits - m)
    return p / jnp.sum(p, axis=-1, keepdims=True)



def _pre_kernel(inp_ref, g_ref, b_ref, wqkv_ref, wg_ref, bg_ref,
                qkv_ref, gate_ref):
    x = _layernorm(inp_ref[...], g_ref[...], b_ref[...])
    qkv_ref[...] = _dot_t(x, wqkv_ref[...])
    gate_ref[...] = jax.nn.sigmoid(_dot_t(x, wg_ref[...]) + bg_ref[...])


def _pre(inp, ln_g, ln_b, W_qkv, W_gate, b_gate):
    return pl.pallas_call(
        _pre_kernel,
        grid=(L // RT,),
        in_specs=[
            pl.BlockSpec((RT, E), lambda i: (i, 0)),
            pl.BlockSpec((1, E), lambda i: (0, 0)),
            pl.BlockSpec((1, E), lambda i: (0, 0)),
            pl.BlockSpec((3 * E, E), lambda i: (0, 0)),
            pl.BlockSpec((3 * H, E), lambda i: (0, 0)),
            pl.BlockSpec((1, 3 * H), lambda i: (0, 0)),
        ],
        out_specs=[
            pl.BlockSpec((RT, 3 * E), lambda i: (i, 0)),
            pl.BlockSpec((RT, 3 * H), lambda i: (i, 0)),
        ],
        out_shape=[
            jax.ShapeDtypeStruct((L, 3 * E), jnp.float32),
            jax.ShapeDtypeStruct((L, 3 * H), jnp.float32),
        ],
    )(inp, ln_g.reshape(1, E), ln_b.reshape(1, E), W_qkv, W_gate,
      b_gate.reshape(1, 3 * H))



def _comp_scale(q1, kb, vb, wk1, bk1, wk2, bk2, wv1, bv1, wv2, bv2, blk):
    nblk = L // blk
    hk = _dot_t(kb, wk1) + bk1
    kc = _dot_t(hk * jax.nn.sigmoid(1.702 * hk), wk2) + bk2
    hv = _dot_t(vb, wv1) + bv1
    vc = _dot_t(hv * jax.nn.sigmoid(1.702 * hv), wv2) + bv2
    grp = jax.lax.broadcasted_iota(jnp.int32, (L, nblk), 0) // blk
    col = jax.lax.broadcasted_iota(jnp.int32, (L, nblk), 1)
    mask = jnp.where(col <= grp, 0.0, NEG)
    logits = _dot_t(q1, kc) / math.sqrt(LORA) + mask
    w = _softmax(logits)
    comp_out = _dot_n(w, vc)
    scores = jnp.sum(w, axis=0, keepdims=True)
    return comp_out, scores


def _nsa_kernel(q_ref, kba_ref, vba_ref, kbb_ref, vbb_ref,
                akw1, akb1, akw2, akb2, avw1, avb1, avw2, avb2,
                bkw1, bkb1, bkw2, bkb2, bvw1, bvb1, bvw2, bvb2,
                ca_ref, cb_ref, sca_ref, scb_ref):
    q1 = q_ref[0][:, :LORA]
    ca, sca = _comp_scale(q1, kba_ref[0], vba_ref[0],
                          akw1[...], akb1[...], akw2[...], akb2[...],
                          avw1[...], avb1[...], avw2[...], avb2[...], 32)
    cb, scb = _comp_scale(q1, kbb_ref[0], vbb_ref[0],
                          bkw1[...], bkb1[...], bkw2[...], bkb2[...],
                          bvw1[...], bvb1[...], bvw2[...], bvb2[...], 8)
    ca_ref[0] = ca
    cb_ref[0] = cb
    sca_ref[0] = sca
    scb_ref[0] = scb


def _nsa(q, kba, vba, kbb, vbb, wts):
    def head_spec(n, d):
        return pl.BlockSpec((1, n, d), lambda h: (h, 0, 0))

    def full_spec(shape):
        nd = len(shape)
        return pl.BlockSpec(shape, lambda h, _nd=nd: (0,) * _nd)

    in_specs = [
        head_spec(L, DH),
        head_spec(64, 32 * LORA), head_spec(64, 32 * LORA),
        head_spec(256, 8 * LORA), head_spec(256, 8 * LORA),
    ] + [full_spec(w.shape) for w in wts]
    return pl.pallas_call(
        _nsa_kernel,
        grid=(H,),
        in_specs=in_specs,
        out_specs=[head_spec(L, LORA), head_spec(L, LORA),
                   head_spec(1, 64), head_spec(1, 256)],
        out_shape=[jax.ShapeDtypeStruct((H, L, LORA), jnp.float32),
                   jax.ShapeDtypeStruct((H, L, LORA), jnp.float32),
                   jax.ShapeDtypeStruct((H, 1, 64), jnp.float32),
                   jax.ShapeDtypeStruct((H, 1, 256), jnp.float32)],
    )(q, kba, vba, kbb, vbb, *wts)



def _select(sca, scb, k2f, v2f):
    mesh = plsc.VectorSubcoreMesh(core_axis_name="c", subcore_axis_name="s")

    @functools.partial(
        pl.kernel, mesh=mesh,
        out_type=[
            jax.ShapeDtypeStruct((H, 16, 128), jnp.float32),
            jax.ShapeDtypeStruct((H, 16, 128), jnp.float32),
            jax.ShapeDtypeStruct((H, 16, 128), jnp.float32),
            jax.ShapeDtypeStruct((H, 16, 128), jnp.float32),
            jax.ShapeDtypeStruct((H, 16), jnp.int32),
            jax.ShapeDtypeStruct((H, 16), jnp.int32),
        ],
        scratch_types=[
            pltpu.VMEM((64,), jnp.float32),
            pltpu.VMEM((256,), jnp.float32),
            pltpu.VMEM((16,), jnp.int32),
            pltpu.VMEM((16, 128), jnp.float32),
            pltpu.VMEM((16, 128), jnp.float32),
            pltpu.VMEM((16,), jnp.int32),
            pltpu.SemaphoreType.DMA,
        ],
    )
    def sel_kernel(sa_hbm, sb_hbm, k2_hbm, v2_hbm,
                   ksa_hbm, vsa_hbm, ksb_hbm, vsb_hbm, ia_hbm, ib_hbm,
                   sa_v, sb_v, ridx_v, kr_v, vr_v, idx_v, sem):
        wid = lax.axis_index("s") * 2 + lax.axis_index("c")
        head = wid // 2
        scale = wid % 2
        iota = lax.iota(jnp.int32, 16)

        shuf_dn = lax.GatherDimensionNumbers(
            offset_dims=(), collapsed_slice_dims=(0,), start_index_map=(0,))

        def shuf(x, perm):
            return lax.gather(x, perm[:, None], shuf_dn, slice_sizes=(1,),
                              mode=lax.GatherScatterMode.PROMISE_IN_BOUNDS)

        def splat_max(x):
            for st in (1, 2, 4, 8):
                x = jnp.maximum(x, shuf(x, iota ^ st))
            return x

        def splat_min(x):
            for st in (1, 2, 4, 8):
                x = jnp.minimum(x, shuf(x, iota ^ st))
            return x

        def run(s_hbm, s_v, nblk, blk, topk, ks_hbm, vs_hbm, i_hbm):
            pltpu.sync_copy(s_hbm.at[head], s_v)
            nv = nblk // 16
            svs = [s_v[pl.ds(16 * j, 16)] for j in range(nv)]
            sel = jnp.zeros((16,), jnp.int32)
            inds = []
            for t in range(topk):
                vm = svs[0]
                for j in range(1, nv):
                    vm = jnp.maximum(vm, svs[j])
                mval = splat_max(vm)
                iv = jnp.full((16,), nblk, jnp.int32)
                for j in range(nv):
                    iv = jnp.minimum(
                        iv, jnp.where(svs[j] == mval, iota + 16 * j, nblk))
                ind = splat_min(iv)
                inds.append(ind)
                sel = jnp.where(iota == t, ind, sel)
                for j in range(nv):
                    svs[j] = jnp.where(iota + 16 * j == ind, NEG, svs[j])
            rpb = blk * LORA // 128
            slot = lax.shift_right_logical(iota, rpb.bit_length() - 1)
            rem = lax.bitwise_and(iota, rpb - 1)
            acc = jnp.zeros((16,), jnp.int32)
            for t in range(topk):
                acc = jnp.where(slot == t, inds[t] * rpb + rem, acc)
            ridx_v[...] = acc + head * (L * LORA // 128)
            idx_v[...] = sel
            pltpu.async_copy(k2_hbm.at[ridx_v], kr_v, sem).wait()
            pltpu.async_copy(v2_hbm.at[ridx_v], vr_v, sem).wait()
            pltpu.sync_copy(kr_v, ks_hbm.at[head])
            pltpu.sync_copy(vr_v, vs_hbm.at[head])
            pltpu.sync_copy(idx_v, i_hbm.at[head])

        @pl.when(scale == 0)
        def _():
            run(sa_hbm, sa_v, 64, 32, 2, ksa_hbm, vsa_hbm, ia_hbm)

        @pl.when(scale == 1)
        def _():
            run(sb_hbm, sb_v, 256, 8, 8, ksb_hbm, vsb_hbm, ib_hbm)

    return sel_kernel(sca, scb, k2f, v2f)



def _sel_scale(q2, ksel128, vsel128, idx_f, blk):
    kperm = jnp.concatenate(
        [ksel128[:, 32 * j:32 * (j + 1)] for j in range(4)], axis=0)
    vperm = jnp.concatenate(
        [vsel128[:, 32 * j:32 * (j + 1)] for j in range(4)], axis=0)
    rpb = blk * LORA // 128
    c = jax.lax.broadcasted_iota(jnp.int32, (64, 16), 0)
    slot = (c % 16) // rpb
    onehot = (slot == jax.lax.broadcasted_iota(jnp.int32, (64, 16), 1)
              ).astype(jnp.float32)
    bid = _dot_t(idx_f, onehot)
    qgrp = (jax.lax.broadcasted_iota(jnp.int32, (L, 1), 0) // blk
            ).astype(jnp.float32)
    selmask = jnp.where(bid <= qgrp, 0.0, NEG)
    logits = _dot_t(q2, kperm) / math.sqrt(LORA) + selmask
    w = _softmax(logits)
    return _dot_n(w, vperm)



QT = 1024


def _glob_kernel(q_ref, k_ref, v_ref, o_ref):
    i = pl.program_id(1)
    q = q_ref[0]
    row = jax.lax.broadcasted_iota(jnp.int32, (QT, QT), 0)
    col = jax.lax.broadcasted_iota(jnp.int32, (QT, QT), 1)

    def body(j, carry):
        m, l, acc = carry
        kt = k_ref[0, pl.ds(j * QT, QT), :]
        vt = v_ref[0, pl.ds(j * QT, QT), :]
        s = _dot_t(q, kt) / math.sqrt(DH)
        s = jnp.where(col + (j - i) * QT <= row, s, NEG)
        m2 = jnp.maximum(m, jnp.max(s, axis=-1, keepdims=True))
        p = jnp.exp(s - m2)
        sc = jnp.exp(m - m2)
        l2 = l * sc + jnp.sum(p, axis=-1, keepdims=True)
        acc2 = acc * sc + _dot_n(p, vt)
        return m2, l2, acc2

    m0 = jnp.full((QT, 1), NEG, jnp.float32)
    l0 = jnp.zeros((QT, 1), jnp.float32)
    a0 = jnp.zeros((QT, DH), jnp.float32)
    m, l, acc = jax.lax.fori_loop(0, i + 1, body, (m0, l0, a0))
    o_ref[0] = acc / l


def _glob(qkvh):
    return pl.pallas_call(
        _glob_kernel,
        grid=(H, L // QT),
        in_specs=[
            pl.BlockSpec((1, QT, DH), lambda h, i: (h, i, 0)),
            pl.BlockSpec((1, L, DH), lambda h, i: (H + h, 0, 0)),
            pl.BlockSpec((1, L, DH), lambda h, i: (2 * H + h, 0, 0)),
        ],
        out_specs=pl.BlockSpec((1, QT, DH), lambda h, i: (h, i, 0)),
        out_shape=jax.ShapeDtypeStruct((H, L, DH), jnp.float32),
    )(qkvh, qkvh, qkvh)


def _sel_att_kernel(q_ref, ksa_ref, vsa_ref, ksb_ref, vsb_ref,
                    ia_ref, ib_ref, sa_ref, sb_ref):
    q2 = q_ref[0][:, LORA:]
    sa_ref[0] = _sel_scale(q2, ksa_ref[0], vsa_ref[0],
                           ia_ref[0].astype(jnp.float32), 32)
    sb_ref[0] = _sel_scale(q2, ksb_ref[0], vsb_ref[0],
                           ib_ref[0].astype(jnp.float32), 8)


def _sel_att(q, ksa, vsa, ksb, vsb, ia, ib):
    def head_spec(n, d):
        return pl.BlockSpec((1, n, d), lambda h: (h, 0, 0))

    return pl.pallas_call(
        _sel_att_kernel,
        grid=(H,),
        in_specs=[head_spec(L, DH),
                  head_spec(16, 128), head_spec(16, 128),
                  head_spec(16, 128), head_spec(16, 128),
                  head_spec(1, 16), head_spec(1, 16)],
        out_specs=[head_spec(L, LORA), head_spec(L, LORA)],
        out_shape=[jax.ShapeDtypeStruct((H, L, LORA), jnp.float32),
                   jax.ShapeDtypeStruct((H, L, LORA), jnp.float32)],
    )(q, ksa, vsa, ksb, vsb, ia, ib)



def _merge_kernel(ca_ref, sa_ref, cb_ref, sb_ref, glb_ref, gate_ref,
                  g_ref, b_ref, wout_ref, o_ref):
    gt = gate_ref[...]
    pieces = []
    for h in range(H):
        g0 = gt[:, 3 * h:3 * h + 1]
        g1 = gt[:, 3 * h + 1:3 * h + 2]
        g2 = gt[:, 3 * h + 2:3 * h + 3]
        o1 = jnp.concatenate([ca_ref[h], sa_ref[h]], axis=1)
        o2 = jnp.concatenate([cb_ref[h], sb_ref[h]], axis=1)
        pieces.append(g0 * o1 + g1 * o2 + g2 * glb_ref[h])
    y = jnp.concatenate(pieces, axis=1)
    y = _layernorm(y, g_ref[...], b_ref[...])
    o_ref[...] = _dot_t(y, wout_ref[...])


def _merge(ca, sa, cb, sb, glb, gate, ln_g, ln_b, W_out):
    return pl.pallas_call(
        _merge_kernel,
        grid=(L // RT,),
        in_specs=[
            pl.BlockSpec((H, RT, LORA), lambda i: (0, i, 0)),
            pl.BlockSpec((H, RT, LORA), lambda i: (0, i, 0)),
            pl.BlockSpec((H, RT, LORA), lambda i: (0, i, 0)),
            pl.BlockSpec((H, RT, LORA), lambda i: (0, i, 0)),
            pl.BlockSpec((H, RT, DH), lambda i: (0, i, 0)),
            pl.BlockSpec((RT, 3 * H), lambda i: (i, 0)),
            pl.BlockSpec((1, E), lambda i: (0, 0)),
            pl.BlockSpec((1, E), lambda i: (0, 0)),
            pl.BlockSpec((E, E), lambda i: (0, 0)),
        ],
        out_specs=pl.BlockSpec((RT, E), lambda i: (i, 0)),
        out_shape=jax.ShapeDtypeStruct((L, E), jnp.float32),
    )(ca, sa, cb, sb, glb, gate, ln_g.reshape(1, E), ln_b.reshape(1, E),
      W_out)



def kernel(inp, ln_g, ln_b, W_qkv,
           a_kW1, a_kb1, a_kW2, a_kb2, a_vW1, a_vb1, a_vW2, a_vb2,
           b_kW1, b_kb1, b_kW2, b_kb2, b_vW1, b_vb1, b_vW2, b_vb2,
           W_gate, b_gate, W_out):
    qkv, gate = _pre(inp[0], ln_g, ln_b, W_qkv, W_gate, b_gate)
    qkvh = qkv.reshape(L, 3 * H, DH).transpose(1, 0, 2)
    k1 = qkvh[H:2 * H, :, :LORA]
    v1 = qkvh[2 * H:, :, :LORA]
    kba = k1.reshape(H, 64, 32 * LORA)
    vba = v1.reshape(H, 64, 32 * LORA)
    kbb = k1.reshape(H, 256, 8 * LORA)
    vbb = v1.reshape(H, 256, 8 * LORA)
    wts = (a_kW1, a_kb1.reshape(1, LORA), a_kW2, a_kb2.reshape(1, LORA),
           a_vW1, a_vb1.reshape(1, LORA), a_vW2, a_vb2.reshape(1, LORA),
           b_kW1, b_kb1.reshape(1, LORA), b_kW2, b_kb2.reshape(1, LORA),
           b_vW1, b_vb1.reshape(1, LORA), b_vW2, b_vb2.reshape(1, LORA))
    ca, cb, sca, scb = _nsa(qkvh, kba, vba, kbb, vbb, wts)
    k2f = qkvh[H:2 * H, :, LORA:].reshape(H * L * LORA // 128, 128)
    v2f = qkvh[2 * H:, :, LORA:].reshape(H * L * LORA // 128, 128)
    ksa, vsa, ksb, vsb, ia, ib = _select(
        sca.reshape(H, 64), scb.reshape(H, 256), k2f, v2f)
    glb = _glob(qkvh)
    sa, sb = _sel_att(qkvh, ksa, vsa, ksb, vsb,
                      ia.reshape(H, 1, 16), ib.reshape(H, 1, 16))
    out = _merge(ca, sa, cb, sb, glb, gate, ln_g, ln_b, W_out)
    return out.reshape(B, L, E)

# --- scband reference (transcript-rebuilt; emitter-appended) ---
"""Pipeline reference for scband-multi-scale-compressed-attention-73332271612355 (READ-ONLY COPY).

The authoritative reference and input builder live on the scoring server;
editing this copy changes nothing except your own understanding.
"""

import jax, jax.numpy as jnp
import numpy as np
import math

B, L, E, H = 1, 2048, 1024, 16
DH = E // H
LORA = DH // 2

ORDER = ["inp", "ln_g", "ln_b", "W_qkv",
         "a_kW1", "a_kb1", "a_kW2", "a_kb2", "a_vW1", "a_vb1", "a_vW2", "a_vb2",
         "b_kW1", "b_kb1", "b_kW2", "b_kb2", "b_vW1", "b_vb1", "b_vW2", "b_vb2",
         "W_gate", "b_gate", "W_out"]


def layernorm(x, g, b, eps=1e-5):
    mu = jnp.mean(x, axis=-1, keepdims=True)
    var = jnp.mean((x - mu) ** 2, axis=-1, keepdims=True)
    return (x - mu) / jnp.sqrt(var + eps) * g + b


def quick_gelu(x):
    return x * jax.nn.sigmoid(1.702 * x)


def comp_causal_mask(Lq, nblk, blk):
    grp = jnp.arange(Lq) // blk
    col = jnp.arange(nblk)
    return jnp.where(col[None, :] <= grp[:, None], 0.0, -jnp.inf).astype(jnp.float32)


def mlp2(x, W1, b1, W2, b2):
    h = quick_gelu(x @ W1.T + b1)
    return h @ W2.T + b2


def mha(q, k, v, mask):
    d = q.shape[-1]
    w = jnp.einsum('bhqd,bhkd->bhqk', q, k) / math.sqrt(d) + mask
    w = jax.nn.softmax(w, axis=-1)
    return jnp.einsum('bhqk,bhkd->bhqd', w, v), w


def comp_block(q, k, v, params, blk, topk):
    Wk1, bk1, Wk2, bk2, Wv1, bv1, Wv2, bv2 = params
    Bn, Hn, Lk, D = k.shape
    lora = D // 2
    q1, q2 = jnp.split(q, 2, axis=-1)
    k1, k2 = jnp.split(k, 2, axis=-1)
    v1, v2 = jnp.split(v, 2, axis=-1)
    nblk = Lk // blk
    kb = k1.reshape(Bn, Hn, nblk, blk * lora)
    vb = v1.reshape(Bn, Hn, nblk, blk * lora)
    kc = mlp2(kb, Wk1, bk1, Wk2, bk2)
    vc = mlp2(vb, Wv1, bv1, Wv2, bv2)
    mask = comp_causal_mask(Lk, nblk, blk)
    comp_out, score = mha(q1, kc, vc, mask)
    block_scores = score.sum(axis=2)
    _, idx = jax.lax.top_k(block_scores, topk)
    kblocks = k2.reshape(Bn, Hn, nblk, blk, lora)
    vblocks = v2.reshape(Bn, Hn, nblk, blk, lora)
    ksel = jnp.take_along_axis(kblocks, idx[:, :, :, None, None], axis=2).reshape(Bn, Hn, topk * blk, lora)
    vsel = jnp.take_along_axis(vblocks, idx[:, :, :, None, None], axis=2).reshape(Bn, Hn, topk * blk, lora)
    bm = jnp.take_along_axis(jnp.broadcast_to(mask[None, None], (Bn, Hn, Lk, nblk)),
                             jnp.broadcast_to(idx[:, :, None, :], (Bn, Hn, Lk, topk)), axis=-1)
    selmask = jnp.broadcast_to(bm[..., None], (Bn, Hn, Lk, topk, blk)).reshape(Bn, Hn, Lk, topk * blk)
    w = jnp.einsum('bhqd,bhkd->bhqk', q2, ksel) / math.sqrt(lora) + selmask
    w = jax.nn.softmax(w, axis=-1)
    slc_out = jnp.einsum('bhqk,bhkd->bhqd', w, vsel)
    return jnp.concatenate([comp_out, slc_out], axis=-1)


def _forward(inp, ln_g, ln_b, W_qkv,
             a_kW1, a_kb1, a_kW2, a_kb2, a_vW1, a_vb1, a_vW2, a_vb2,
             b_kW1, b_kb1, b_kW2, b_kb2, b_vW1, b_vb1, b_vW2, b_vb2,
             W_gate, b_gate, W_out):
    Bn, Lq, En = inp.shape
    x = layernorm(inp, ln_g, ln_b)
    qkv = x @ W_qkv.T
    q, k, v = jnp.split(qkv, 3, axis=-1)
    def sh(t):
        return t.reshape(Bn, Lq, H, DH).transpose(0, 2, 1, 3)
    q, k, v = sh(q), sh(k), sh(v)
    logits = jnp.einsum('bhqd,bhkd->bhqk', q, k) / math.sqrt(DH)
    causal = jnp.tril(jnp.ones((Lq, Lq), dtype=bool))
    logits = jnp.where(causal[None, None], logits, -jnp.inf)
    attn = jax.nn.softmax(logits, axis=-1)
    glb = jnp.einsum('bhqk,bhkd->bhqd', attn, v)
    out1 = comp_block(q, k, v, (a_kW1, a_kb1, a_kW2, a_kb2, a_vW1, a_vb1, a_vW2, a_vb2), 32, 2)
    out2 = comp_block(q, k, v, (b_kW1, b_kb1, b_kW2, b_kb2, b_vW1, b_vb1, b_vW2, b_vb2), 8, 8)
    gate = jax.nn.sigmoid(x @ W_gate.T + b_gate).reshape(Bn, Lq, H, 3).transpose(0, 2, 1, 3)
    merged = jnp.stack([out1, out2, glb])
    out = jnp.einsum('bhls,sbhld->bhld', gate, merged)
    out = out.transpose(0, 2, 1, 3).reshape(Bn, Lq, En)
    out = layernorm(out, ln_g, ln_b)
    return out @ W_out.T


def setup_inputs(seed=0):
    key = jax.random.key(seed)
    ks = jax.random.split(key, 16)
    s = 0.02
    d = {}
    d["inp"] = jax.random.normal(ks[0], (B, L, E), dtype=jnp.float32)
    d["ln_g"] = jnp.ones((E,), jnp.float32)
    d["ln_b"] = jnp.zeros((E,), jnp.float32)
    d["W_qkv"] = (jax.random.normal(ks[1], (3 * E, E)) * s).astype(jnp.float32)
    d["a_kW1"] = (jax.random.normal(ks[2], (LORA, 32 * LORA)) * s).astype(jnp.float32)
    d["a_kb1"] = jnp.zeros((LORA,), jnp.float32)
    d["a_kW2"] = (jax.random.normal(ks[3], (LORA, LORA)) * s).astype(jnp.float32)
    d["a_kb2"] = jnp.zeros((LORA,), jnp.float32)
    d["a_vW1"] = (jax.random.normal(ks[4], (LORA, 32 * LORA)) * s).astype(jnp.float32)
    d["a_vb1"] = jnp.zeros((LORA,), jnp.float32)
    d["a_vW2"] = (jax.random.normal(ks[5], (LORA, LORA)) * s).astype(jnp.float32)
    d["a_vb2"] = jnp.zeros((LORA,), jnp.float32)
    d["b_kW1"] = (jax.random.normal(ks[6], (LORA, 8 * LORA)) * s).astype(jnp.float32)
    d["b_kb1"] = jnp.zeros((LORA,), jnp.float32)
    d["b_kW2"] = (jax.random.normal(ks[7], (LORA, LORA)) * s).astype(jnp.float32)
    d["b_kb2"] = jnp.zeros((LORA,), jnp.float32)
    d["b_vW1"] = (jax.random.normal(ks[8], (LORA, 8 * LORA)) * s).astype(jnp.float32)
    d["b_vb1"] = jnp.zeros((LORA,), jnp.float32)
    d["b_vW2"] = (jax.random.normal(ks[9], (LORA, LORA)) * s).astype(jnp.float32)
    d["b_vb2"] = jnp.zeros((LORA,), jnp.float32)
    d["W_gate"] = jnp.zeros((3 * H, E), jnp.float32)
    d["b_gate"] = jnp.tile(jnp.array([-2.0, -2.0, 2.0], jnp.float32), H)
    d["W_out"] = (jax.random.normal(ks[10], (E, E)) * s).astype(jnp.float32)
    return d


def reference(inp, ln_g, ln_b, W_qkv,
              a_kW1, a_kb1, a_kW2, a_kb2, a_vW1, a_vb1, a_vW2, a_vb2,
              b_kW1, b_kb1, b_kW2, b_kb2, b_vW1, b_vb1, b_vW2, b_vb2,
              W_gate, b_gate, W_out):
    return _forward(inp, ln_g, ln_b, W_qkv,
                    a_kW1, a_kb1, a_kW2, a_kb2, a_vW1, a_vb1, a_vW2, a_vb2,
                    b_kW1, b_kb1, b_kW2, b_kb2, b_vW1, b_vb1, b_vW2, b_vb2,
                    W_gate, b_gate, W_out)

if __name__ == "__main__":
    import jax
    _d = setup_inputs()
    print(jax.jit(kernel)(*tuple(_d.values())))

</pallas_src>

<mosaic_0001>
#map = affine_map<(d0, d1) -> (0, 0)>
#map1 = affine_map<(d0, d1) -> (0, 0, 0)>
module attributes {stable_mosaic.version = 14 : i64} {
  func.func @sel_kernel(%arg0: i32, %arg1: i32, %arg2: memref<16x64xf32, #tpu.memory_space<hbm>>, %arg3: memref<16x256xf32, #tpu.memory_space<hbm>>, %arg4: memref<8192x128xf32, #tpu.memory_space<hbm>>, %arg5: memref<8192x128xf32, #tpu.memory_space<hbm>>, %arg6: memref<16x16x128xf32, #tpu.memory_space<hbm>>, %arg7: memref<16x16x128xf32, #tpu.memory_space<hbm>>, %arg8: memref<16x16x128xf32, #tpu.memory_space<hbm>>, %arg9: memref<16x16x128xf32, #tpu.memory_space<hbm>>, %arg10: memref<16x16xi32, #tpu.memory_space<hbm>>, %arg11: memref<16x16xi32, #tpu.memory_space<hbm>>, %arg12: memref<64xf32, #tpu.memory_space<vmem>>, %arg13: memref<256xf32, #tpu.memory_space<vmem>>, %arg14: memref<16xi32, #tpu.memory_space<vmem>>, %arg15: memref<16x128xf32, #tpu.memory_space<vmem>>, %arg16: memref<16x128xf32, #tpu.memory_space<vmem>>, %arg17: memref<16xi32, #tpu.memory_space<vmem>>, %arg18: memref<!tpu.dma_semaphore, #tpu.memory_space<semaphore_mem>>) attributes {dimension_semantics = [#tpu.dimension_semantics<core_parallel>, #tpu.dimension_semantics<subcore_parallel>], iteration_bounds = array<i64: 2, 16>, scalar_prefetch = 0 : i64, scratch_operands = 7 : i64, tpu.core_type = #tpu.core_type<sc_vector_subcore>, window_params = [{transform_indices = #map}, {transform_indices = #map}, {transform_indices = #map}, {transform_indices = #map}, {transform_indices = #map1}, {transform_indices = #map1}, {transform_indices = #map1}, {transform_indices = #map1}, {transform_indices = #map}, {transform_indices = #map}]} {
    %mul3A = arith.constant 2 : i32
    %mul3A_0 = arith.muli %arg1, %mul3A : i32
    %add3A = arith.addi %mul3A_0, %arg0 : i32
    %jit3A = arith.constant 2 : i32
    %div3A = arith.divsi %add3A, %jit3A : i32
    %sign3A = arith.constant 0 : i32
    %sign3A_1 = arith.cmpi sgt, %add3A, %sign3A : i32
    %sign3A_2 = arith.extui %sign3A_1 : i1 to i32
    %sign3A_3 = arith.constant 0 : i32
    %sign3A_4 = arith.cmpi slt, %add3A, %sign3A_3 : i32
    %sign3A_5 = arith.extui %sign3A_4 : i1 to i32
    %sign3A_6 = arith.subi %sign3A_2, %sign3A_5 : i32
    %sign3A_7 = arith.constant 0 : i32
    %sign3A_8 = arith.cmpi sgt, %jit3A, %sign3A_7 : i32
    %sign3A_9 = arith.extui %sign3A_8 : i1 to i32
    %sign3A_10 = arith.constant 0 : i32
    %sign3A_11 = arith.cmpi slt, %jit3A, %sign3A_10 : i32
    %sign3A_12 = arith.extui %sign3A_11 : i1 to i32
    %sign3A_13 = arith.subi %sign3A_9, %sign3A_12 : i32
    %ne3A = arith.cmpi ne, %sign3A_6, %sign3A_13 : i32
    %rem3A = arith.remsi %add3A, %jit3A : i32
    %ne3A_14 = arith.constant 0 : i32
    %ne3A_15 = arith.cmpi ne, %rem3A, %ne3A_14 : i32
    %and3A = arith.andi %ne3A, %ne3A_15 : i1
    %sub3A = arith.constant 1 : i32
    %sub3A_16 = arith.subi %div3A, %sub3A : i32
    %select_n3A = arith.select %and3A, %sub3A_16, %div3A : i32
    %jit3A_17 = arith.constant 2 : i32
    %eq3A = arith.constant 0 : i32
    %eq3A_18 = arith.cmpi eq, %jit3A_17, %eq3A : i32
    %jit3A_19 = arith.constant 1 : i32
    %select_n3A_20 = arith.select %eq3A_18, %jit3A_19, %jit3A_17 : i32
    %rem3A_21 = arith.remsi %add3A, %select_n3A_20 : i32
    %ne3A_22 = arith.constant 0 : i32
    %ne3A_23 = arith.cmpi ne, %rem3A_21, %ne3A_22 : i32
    %lt3A = arith.constant 0 : i32
    %lt3A_24 = arith.cmpi slt, %rem3A_21, %lt3A : i32
    %lt3A_25 = arith.constant 0 : i32
    %lt3A_26 = arith.cmpi slt, %select_n3A_20, %lt3A_25 : i32
    %ne3A_27 = arith.xori %lt3A_24, %lt3A_26 : i1
    %and3A_28 = arith.andi %ne3A_27, %ne3A_23 : i1
    %add3A_29 = arith.addi %rem3A_21, %select_n3A_20 : i32
    %select_n3A_30 = arith.select %and3A_28, %add3A_29, %rem3A_21 : i32
    %iota3A = tpu.iota {dimensions = array<i32: 0>} : vector<16xi32>
    %eq3A_31 = arith.constant 0 : i32
    %eq3A_32 = arith.cmpi eq, %select_n3A_30, %eq3A_31 : i32
    %convert_element_type3A = arith.extui %eq3A_32 : i1 to i32
    %cond3A = arith.constant 0 : i32
    %cond3A_33 = arith.cmpi ne, %convert_element_type3A, %cond3A : i32
    scf.if %cond3A_33 {
      "tpu.region"() ({
        %run_scoped3A = tpu.sem_alloc : memref<!tpu.dma_semaphore, #tpu.memory_space<semaphore_mem>>
        %dma_start3A_341 = arith.constant 0 : i32
        %dma_start3A_342 = tpu.memref_slice %arg2[%select_n3A, %dma_start3A_341] : memref<16x64xf32, #tpu.memory_space<hbm>> -> memref<1x64xf32, #tpu.memory_space<hbm>>
        %dma_start3A_343 = tpu.memref_squeeze %dma_start3A_342 : memref<1x64xf32, #tpu.memory_space<hbm>> -> memref<64xf32, #tpu.memory_space<hbm>>
        %dma_start3A_344 = arith.constant 0 : i32
        %dma_start3A_345 = tpu.memref_slice %arg2[%select_n3A, %dma_start3A_344] : memref<16x64xf32, #tpu.memory_space<hbm>> -> memref<1x64xf32, #tpu.memory_space<hbm>>
        %dma_start3A_346 = tpu.memref_squeeze %dma_start3A_345 : memref<1x64xf32, #tpu.memory_space<hbm>> -> memref<64xf32, #tpu.memory_space<hbm>>
        tpu.enqueue_dma source(%dma_start3A_346 : memref<64xf32, #tpu.memory_space<hbm>>) target(%arg12 : memref<64xf32, #tpu.memory_space<vmem>>) target_semaphore(%run_scoped3A : memref<!tpu.dma_semaphore, #tpu.memory_space<semaphore_mem>>)
        %dma_wait3A_347 = arith.constant 0 : i32
        %dma_wait3A_348 = tpu.memref_slice %arg2[%select_n3A, %dma_wait3A_347] : memref<16x64xf32, #tpu.memory_space<hbm>> -> memref<1x64xf32, #tpu.memory_space<hbm>>
        %dma_wait3A_349 = tpu.memref_squeeze %dma_wait3A_348 : memref<1x64xf32, #tpu.memory_space<hbm>> -> memref<64xf32, #tpu.memory_space<hbm>>
        %dma_wait3A_350 = arith.constant 0 : i32
        %dma_wait3A_351 = tpu.memref_slice %arg2[%select_n3A, %dma_wait3A_350] : memref<16x64xf32, #tpu.memory_space<hbm>> -> memref<1x64xf32, #tpu.memory_space<hbm>>
        %dma_wait3A_352 = tpu.memref_squeeze %dma_wait3A_351 : memref<1x64xf32, #tpu.memory_space<hbm>> -> memref<64xf32, #tpu.memory_space<hbm>>
        tpu.wait_dma2 semaphore(%run_scoped3A : memref<!tpu.dma_semaphore, #tpu.memory_space<semaphore_mem>>) src(%dma_wait3A_352 : memref<64xf32, #tpu.memory_space<hbm>>) dst(%arg12 : memref<64xf32, #tpu.memory_space<vmem>>)
        tpu.yield
      }) : () -> ()
      %get3A = arith.constant 0 : index
      %get3A_39 = tpu.vector_load %arg12[%get3A] {strides = array<i32>} : memref<64xf32, #tpu.memory_space<vmem>>, vector<16xf32>,
      %get3A_40 = vector.shape_cast %get3A_39 : vector<16xf32> to vector<16xf32>
      %get3A_41 = arith.constant 16 : index
      %get3A_42 = tpu.vector_load %arg12[%get3A_41] {strides = array<i32>} : memref<64xf32, #tpu.memory_space<vmem>>, vector<16xf32>,
      %get3A_43 = vector.shape_cast %get3A_42 : vector<16xf32> to vector<16xf32>
      %get3A_44 = arith.constant 32 : index
      %get3A_45 = tpu.vector_load %arg12[%get3A_44] {strides = array<i32>} : memref<64xf32, #tpu.memory_space<vmem>>, vector<16xf32>,
      %get3A_46 = vector.shape_cast %get3A_45 : vector<16xf32> to vector<16xf32>
      %get3A_47 = arith.constant 48 : index
      %get3A_48 = tpu.vector_load %arg12[%get3A_47] {strides = array<i32>} : memref<64xf32, #tpu.memory_space<vmem>>, vector<16xf32>,
      %get3A_49 = vector.shape_cast %get3A_48 : vector<16xf32> to vector<16xf32>
      %broadcast_in_dim3A = arith.constant 0 : i32
      %broadcast_in_dim3A_50 = vector.broadcast %broadcast_in_dim3A : i32 to vector<16xi32>
      %max3A = arith.maximumf %get3A_40, %get3A_43 : vector<16xf32>
      %max3A_51 = arith.maximumf %max3A, %get3A_46 : vector<16xf32>
      %max3A_52 = arith.maximumf %max3A_51, %get3A_49 : vector<16xf32>
      %xor3A = arith.constant 1 : i32
      %xor3A_53 = vector.broadcast %xor3A : i32 to vector<16xi32>
      %xor3A_54 = arith.xori %iota3A, %xor3A_53 : vector<16xi32>
      %broadcast_in_dim3A_55 = vector.shape_cast %xor3A_54 : vector<16xi32> to vector<16x1xi32>
      %gather3A = vector.shape_cast %broadcast_in_dim3A_55 : vector<16x1xi32> to vector<16xi32>
      %gather3A_56 = tpu.dynamic_gather %max3A_52[%gather3A] in [0] : vector<16xf32>, vector<16xi32> -> vector<16xf32>
      %max3A_57 = arith.maximumf %max3A_52, %gather3A_56 : vector<16xf32>
      %xor3A_58 = arith.constant 2 : i32
      %xor3A_59 = vector.broadcast %xor3A_58 : i32 to vector<16xi32>
      %xor3A_60 = arith.xori %iota3A, %xor3A_59 : vector<16xi32>
      %broadcast_in_dim3A_61 = vector.shape_cast %xor3A_60 : vector<16xi32> to vector<16x1xi32>
      %gather3A_62 = vector.shape_cast %broadcast_in_dim3A_61 : vector<16x1xi32> to vector<16xi32>
      %gather3A_63 = tpu.dynamic_gather %max3A_57[%gather3A_62] in [0] : vector<16xf32>, vector<16xi32> -> vector<16xf32>
      %max3A_64 = arith.maximumf %max3A_57, %gather3A_63 : vector<16xf32>
      %xor3A_65 = arith.constant 4 : i32
      %xor3A_66 = vector.broadcast %xor3A_65 : i32 to vector<16xi32>
      %xor3A_67 = arith.xori %iota3A, %xor3A_66 : vector<16xi32>
      %broadcast_in_dim3A_68 = vector.shape_cast %xor3A_67 : vector<16xi32> to vector<16x1xi32>
      %gather3A_69 = vector.shape_cast %broadcast_in_dim3A_68 : vector<16x1xi32> to vector<16xi32>
      %gather3A_70 = tpu.dynamic_gather %max3A_64[%gather3A_69] in [0] : vector<16xf32>, vector<16xi32> -> vector<16xf32>
      %max3A_71 = arith.maximumf %max3A_64, %gather3A_70 : vector<16xf32>
      %xor3A_72 = arith.constant 8 : i32
      %xor3A_73 = vector.broadcast %xor3A_72 : i32 to vector<16xi32>
      %xor3A_74 = arith.xori %iota3A, %xor3A_73 : vector<16xi32>
      %broadcast_in_dim3A_75 = vector.shape_cast %xor3A_74 : vector<16xi32> to vector<16x1xi32>
      %gather3A_76 = vector.shape_cast %broadcast_in_dim3A_75 : vector<16x1xi32> to vector<16xi32>
      %gather3A_77 = tpu.dynamic_gather %max3A_71[%gather3A_76] in [0] : vector<16xf32>, vector<16xi32> -> vector<16xf32>
      %max3A_78 = arith.maximumf %max3A_71, %gather3A_77 : vector<16xf32>
      %broadcast_in_dim3A_79 = arith.constant 64 : i32
      %broadcast_in_dim3A_80 = vector.broadcast %broadcast_in_dim3A_79 : i32 to vector<16xi32>
      %eq3A_81 = arith.cmpf oeq, %get3A_40, %max3A_78 : vector<16xf32>
      %add3A_82 = arith.constant 0 : i32
      %add3A_83 = vector.broadcast %add3A_82 : i32 to vector<16xi32>
      %add3A_84 = arith.addi %iota3A, %add3A_83 : vector<16xi32>
      %jit3A_85 = arith.constant 64 : i32
      %broadcast_in_dim3A_86 = vector.broadcast %jit3A_85 : i32 to vector<16xi32>
      %select_n3A_87 = arith.select %eq3A_81, %add3A_84, %broadcast_in_dim3A_86 : vector<16xi1>, vector<16xi32>
      %min3A = arith.minsi %broadcast_in_dim3A_80, %select_n3A_87 : vector<16xi32>
      %eq3A_88 = arith.cmpf oeq, %get3A_43, %max3A_78 : vector<16xf32>
      %add3A_89 = arith.constant 16 : i32
      %add3A_90 = vector.broadcast %add3A_89 : i32 to vector<16xi32>
      %add3A_91 = arith.addi %iota3A, %add3A_90 : vector<16xi32>
      %jit3A_92 = arith.constant 64 : i32
      %broadcast_in_dim3A_93 = vector.broadcast %jit3A_92 : i32 to vector<16xi32>
      %select_n3A_94 = arith.select %eq3A_88, %add3A_91, %broadcast_in_dim3A_93 : vector<16xi1>, vector<16xi32>
      %min3A_95 = arith.minsi %min3A, %select_n3A_94 : vector<16xi32>
      %eq3A_96 = arith.cmpf oeq, %get3A_46, %max3A_78 : vector<16xf32>
      %add3A_97 = arith.constant 32 : i32
      %add3A_98 = vector.broadcast %add3A_97 : i32 to vector<16xi32>
      %add3A_99 = arith.addi %iota3A, %add3A_98 : vector<16xi32>
      %jit3A_100 = arith.constant 64 : i32
      %broadcast_in_dim3A_101 = vector.broadcast %jit3A_100 : i32 to vector<16xi32>
      %select_n3A_102 = arith.select %eq3A_96, %add3A_99, %broadcast_in_dim3A_101 : vector<16xi1>, vector<16xi32>
      %min3A_103 = arith.minsi %min3A_95, %select_n3A_102 : vector<16xi32>
      %eq3A_104 = arith.cmpf oeq, %get3A_49, %max3A_78 : vector<16xf32>
      %add3A_105 = arith.constant 48 : i32
      %add3A_106 = vector.broadcast %add3A_105 : i32 to vector<16xi32>
      %add3A_107 = arith.addi %iota3A, %add3A_106 : vector<16xi32>
      %jit3A_108 = arith.constant 64 : i32
      %broadcast_in_dim3A_109 = vector.broadcast %jit3A_108 : i32 to vector<16xi32>
      %select_n3A_110 = arith.select %eq3A_104, %add3A_107, %broadcast_in_dim3A_109 : vector<16xi1>, vector<16xi32>
      %min3A_111 = arith.minsi %min3A_103, %select_n3A_110 : vector<16xi32>
      %xor3A_112 = arith.constant 1 : i32
      %xor3A_113 = vector.broadcast %xor3A_112 : i32 to vector<16xi32>
      %xor3A_114 = arith.xori %iota3A, %xor3A_113 : vector<16xi32>
      %broadcast_in_dim3A_115 = vector.shape_cast %xor3A_114 : vector<16xi32> to vector<16x1xi32>
      %gather3A_116 = vector.shape_cast %broadcast_in_dim3A_115 : vector<16x1xi32> to vector<16xi32>
      %gather3A_117 = tpu.dynamic_gather %min3A_111[%gather3A_116] in [0] : vector<16xi32>, vector<16xi32> -> vector<16xi32>
      %min3A_118 = arith.minsi %min3A_111, %gather3A_117 : vector<16xi32>
      %xor3A_119 = arith.constant 2 : i32
      %xor3A_120 = vector.broadcast %xor3A_119 : i32 to vector<16xi32>
      %xor3A_121 = arith.xori %iota3A, %xor3A_120 : vector<16xi32>
      %broadcast_in_dim3A_122 = vector.shape_cast %xor3A_121 : vector<16xi32> to vector<16x1xi32>
      %gather3A_123 = vector.shape_cast %broadcast_in_dim3A_122 : vector<16x1xi32> to vector<16xi32>
      %gather3A_124 = tpu.dynamic_gather %min3A_118[%gather3A_123] in [0] : vector<16xi32>, vector<16xi32> -> vector<16xi32>
      %min3A_125 = arith.minsi %min3A_118, %gather3A_124 : vector<16xi32>
      %xor3A_126 = arith.constant 4 : i32
      %xor3A_127 = vector.broadcast %xor3A_126 : i32 to vector<16xi32>
      %xor3A_128 = arith.xori %iota3A, %xor3A_127 : vector<16xi32>
      %broadcast_in_dim3A_129 = vector.shape_cast %xor3A_128 : vector<16xi32> to vector<16x1xi32>
      %gather3A_130 = vector.shape_cast %broadcast_in_dim3A_129 : vector<16x1xi32> to vector<16xi32>
      %gather3A_131 = tpu.dynamic_gather %min3A_125[%gather3A_130] in [0] : vector<16xi32>, vector<16xi32> -> vector<16xi32>
      %min3A_132 = arith.minsi %min3A_125, %gather3A_131 : vector<16xi32>
      %xor3A_133 = arith.constant 8 : i32
      %xor3A_134 = vector.broadcast %xor3A_133 : i32 to vector<16xi32>
      %xor3A_135 = arith.xori %iota3A, %xor3A_134 : vector<16xi32>
      %broadcast_in_dim3A_136 = vector.shape_cast %xor3A_135 : vector<16xi32> to vector<16x1xi32>
      %gather3A_137 = vector.shape_cast %broadcast_in_dim3A_136 : vector<16x1xi32> to vector<16xi32>
      %gather3A_138 = tpu.dynamic_gather %min3A_132[%gather3A_137] in [0] : vector<16xi32>, vector<16xi32> -> vector<16xi32>
      %min3A_139 = arith.minsi %min3A_132, %gather3A_138 : vector<16xi32>
      %eq3A_140 = arith.constant 0 : i32
      %eq3A_141 = vector.broadcast %eq3A_140 : i32 to vector<16xi32>
      %eq3A_142 = arith.cmpi eq, %iota3A, %eq3A_141 : vector<16xi32>
      %select_n3A_143 = arith.select %eq3A_142, %min3A_139, %broadcast_in_dim3A_50 : vector<16xi1>, vector<16xi32>
      %add3A_144 = arith.constant 0 : i32
      %add3A_145 = vector.broadcast %add3A_144 : i32 to vector<16xi32>
      %add3A_146 = arith.addi %iota3A, %add3A_145 : vector<16xi32>
      %eq3A_147 = arith.cmpi eq, %add3A_146, %min3A_139 : vector<16xi32>
      %jit3A_148 = arith.constant -1.000000e+30 : f32
      %broadcast_in_dim3A_149 = vector.broadcast %jit3A_148 : f32 to vector<16xf32>
      %select_n3A_150 = arith.select %eq3A_147, %broadcast_in_dim3A_149, %get3A_40 : vector<16xi1>, vector<16xf32>
      %add3A_151 = arith.constant 16 : i32
      %add3A_152 = vector.broadcast %add3A_151 : i32 to vector<16xi32>
      %add3A_153 = arith.addi %iota3A, %add3A_152 : vector<16xi32>
      %eq3A_154 = arith.cmpi eq, %add3A_153, %min3A_139 : vector<16xi32>
      %jit3A_155 = arith.constant -1.000000e+30 : f32
      %broadcast_in_dim3A_156 = vector.broadcast %jit3A_155 : f32 to vector<16xf32>
      %select_n3A_157 = arith.select %eq3A_154, %broadcast_in_dim3A_156, %get3A_43 : vector<16xi1>, vector<16xf32>
      %add3A_158 = arith.constant 32 : i32
      %add3A_159 = vector.broadcast %add3A_158 : i32 to vector<16xi32>
      %add3A_160 = arith.addi %iota3A, %add3A_159 : vector<16xi32>
      %eq3A_161 = arith.cmpi eq, %add3A_160, %min3A_139 : vector<16xi32>
      %jit3A_162 = arith.constant -1.000000e+30 : f32
      %broadcast_in_dim3A_163 = vector.broadcast %jit3A_162 : f32 to vector<16xf32>
      %select_n3A_164 = arith.select %eq3A_161, %broadcast_in_dim3A_163, %get3A_46 : vector<16xi1>, vector<16xf32>
      %add3A_165 = arith.constant 48 : i32
      %add3A_166 = vector.broadcast %add3A_165 : i32 to vector<16xi32>
      %add3A_167 = arith.addi %iota3A, %add3A_166 : vector<16xi32>
      %eq3A_168 = arith.cmpi eq, %add3A_167, %min3A_139 : vector<16xi32>
      %jit3A_169 = arith.constant -1.000000e+30 : f32
      %broadcast_in_dim3A_170 = vector.broadcast %jit3A_169 : f32 to vector<16xf32>
      %select_n3A_171 = arith.select %eq3A_168, %broadcast_in_dim3A_170, %get3A_49 : vector<16xi1>, vector<16xf32>
      %max3A_172 = arith.maximumf %select_n3A_150, %select_n3A_157 : vector<16xf32>
      %max3A_173 = arith.maximumf %max3A_172, %select_n3A_164 : vector<16xf32>
      %max3A_174 = arith.maximumf %max3A_173, %select_n3A_171 : vector<16xf32>
      %xor3A_175 = arith.constant 1 : i32
      %xor3A_176 = vector.broadcast %xor3A_175 : i32 to vector<16xi32>
      %xor3A_177 = arith.xori %iota3A, %xor3A_176 : vector<16xi32>
      %broadcast_in_dim3A_178 = vector.shape_cast %xor3A_177 : vector<16xi32> to vector<16x1xi32>
      %gather3A_179 = vector.shape_cast %broadcast_in_dim3A_178 : vector<16x1xi32> to vector<16xi32>
      %gather3A_180 = tpu.dynamic_gather %max3A_174[%gather3A_179] in [0] : vector<16xf32>, vector<16xi32> -> vector<16xf32>
      %max3A_181 = arith.maximumf %max3A_174, %gather3A_180 : vector<16xf32>
      %xor3A_182 = arith.constant 2 : i32
      %xor3A_183 = vector.broadcast %xor3A_182 : i32 to vector<16xi32>
      %xor3A_184 = arith.xori %iota3A, %xor3A_183 : vector<16xi32>
      %broadcast_in_dim3A_185 = vector.shape_cast %xor3A_184 : vector<16xi32> to vector<16x1xi32>
      %gather3A_186 = vector.shape_cast %broadcast_in_dim3A_185 : vector<16x1xi32> to vector<16xi32>
      %gather3A_187 = tpu.dynamic_gather %max3A_181[%gather3A_186] in [0] : vector<16xf32>, vector<16xi32> -> vector<16xf32>
      %max3A_188 = arith.maximumf %max3A_181, %gather3A_187 : vector<16xf32>
      %xor3A_189 = arith.constant 4 : i32
      %xor3A_190 = vector.broadcast %xor3A_189 : i32 to vector<16xi32>
      %xor3A_191 = arith.xori %iota3A, %xor3A_190 : vector<16xi32>
      %broadcast_in_dim3A_192 = vector.shape_cast %xor3A_191 : vector<16xi32> to vector<16x1xi32>
      %gather3A_193 = vector.shape_cast %broadcast_in_dim3A_192 : vector<16x1xi32> to vector<16xi32>
      %gather3A_194 = tpu.dynamic_gather %max3A_188[%gather3A_193] in [0] : vector<16xf32>, vector<16xi32> -> vector<16xf32>
      %max3A_195 = arith.maximumf %max3A_188, %gather3A_194 : vector<16xf32>
      %xor3A_196 = arith.constant 8 : i32
      %xor3A_197 = vector.broadcast %xor3A_196 : i32 to vector<16xi32>
      %xor3A_198 = arith.xori %iota3A, %xor3A_197 : vector<16xi32>
      %broadcast_in_dim3A_199 = vector.shape_cast %xor3A_198 : vector<16xi32> to vector<16x1xi32>
      %gather3A_200 = vector.shape_cast %broadcast_in_dim3A_199 : vector<16x1xi32> to vector<16xi32>
      %gather3A_201 = tpu.dynamic_gather %max3A_195[%gather3A_200] in [0] : vector<16xf32>, vector<16xi32> -> vector<16xf32>
      %max3A_202 = arith.maximumf %max3A_195, %gather3A_201 : vector<16xf32>
      %broadcast_in_dim3A_203 = arith.constant 64 : i32
      %broadcast_in_dim3A_204 = vector.broadcast %broadcast_in_dim3A_203 : i32 to vector<16xi32>
      %eq3A_205 = arith.cmpf oeq, %select_n3A_150, %max3A_202 : vector<16xf32>
      %add3A_206 = arith.constant 0 : i32
      %add3A_207 = vector.broadcast %add3A_206 : i32 to vector<16xi32>
      %add3A_208 = arith.addi %iota3A, %add3A_207 : vector<16xi32>
      %jit3A_209 = arith.constant 64 : i32
      %broadcast_in_dim3A_210 = vector.broadcast %jit3A_209 : i32 to vector<16xi32>
      %select_n3A_211 = arith.select %eq3A_205, %add3A_208, %broadcast_in_dim3A_210 : vector<16xi1>, vector<16xi32>
      %min3A_212 = arith.minsi %broadcast_in_dim3A_204, %select_n3A_211 : vector<16xi32>
      %eq3A_213 = arith.cmpf oeq, %select_n3A_157, %max3A_202 : vector<16xf32>
      %add3A_214 = arith.constant 16 : i32
      %add3A_215 = vector.broadcast %add3A_214 : i32 to vector<16xi32>
      %add3A_216 = arith.addi %iota3A, %add3A_215 : vector<16xi32>
      %jit3A_217 = arith.constant 64 : i32
      %broadcast_in_dim3A_218 = vector.broadcast %jit3A_217 : i32 to vector<16xi32>
      %select_n3A_219 = arith.select %eq3A_213, %add3A_216, %broadcast_in_dim3A_218 : vector<16xi1>, vector<16xi32>
      %min3A_220 = arith.minsi %min3A_212, %select_n3A_219 : vector<16xi32>
      %eq3A_221 = arith.cmpf oeq, %select_n3A_164, %max3A_202 : vector<16xf32>
      %add3A_222 = arith.constant 32 : i32
      %add3A_223 = vector.broadcast %add3A_222 : i32 to vector<16xi32>
      %add3A_224 = arith.addi %iota3A, %add3A_223 : vector<16xi32>
      %jit3A_225 = arith.constant 64 : i32
      %broadcast_in_dim3A_226 = vector.broadcast %jit3A_225 : i32 to vector<16xi32>
      %select_n3A_227 = arith.select %eq3A_221, %add3A_224, %broadcast_in_dim3A_226 : vector<16xi1>, vector<16xi32>
      %min3A_228 = arith.minsi %min3A_220, %select_n3A_227 : vector<16xi32>
      %eq3A_229 = arith.cmpf oeq, %select_n3A_171, %max3A_202 : vector<16xf32>
      %add3A_230 = arith.constant 48 : i32
      %add3A_231 = vector.broadcast %add3A_230 : i32 to vector<16xi32>
      %add3A_232 = arith.addi %iota3A, %add3A_231 : vector<16xi32>
      %jit3A_233 = arith.constant 64 : i32
      %broadcast_in_dim3A_234 = vector.broadcast %jit3A_233 : i32 to vector<16xi32>
      %select_n3A_235 = arith.select %eq3A_229, %add3A_232, %broadcast_in_dim3A_234 : vector<16xi1>, vector<16xi32>
      %min3A_236 = arith.minsi %min3A_228, %select_n3A_235 : vector<16xi32>
      %xor3A_237 = arith.constant 1 : i32
      %xor3A_238 = vector.broadcast %xor3A_237 : i32 to vector<16xi32>
      %xor3A_239 = arith.xori %iota3A, %xor3A_238 : vector<16xi32>
      %broadcast_in_dim3A_240 = vector.shape_cast %xor3A_239 : vector<16xi32> to vector<16x1xi32>
      %gather3A_241 = vector.shape_cast %broadcast_in_dim3A_240 : vector<16x1xi32> to vector<16xi32>
      %gather3A_242 = tpu.dynamic_gather %min3A_236[%gather3A_241] in [0] : vector<16xi32>, vector<16xi32> -> vector<16xi32>
      %min3A_243 = arith.minsi %min3A_236, %gather3A_242 : vector<16xi32>
      %xor3A_244 = arith.constant 2 : i32
      %xor3A_245 = vector.broadcast %xor3A_244 : i32 to vector<16xi32>
      %xor3A_246 = arith.xori %iota3A, %xor3A_245 : vector<16xi32>
      %broadcast_in_dim3A_247 = vector.shape_cast %xor3A_246 : vector<16xi32> to vector<16x1xi32>
      %gather3A_248 = vector.shape_cast %broadcast_in_dim3A_247 : vector<16x1xi32> to vector<16xi32>
      %gather3A_249 = tpu.dynamic_gather %min3A_243[%gather3A_248] in [0] : vector<16xi32>, vector<16xi32> -> vector<16xi32>
      %min3A_250 = arith.minsi %min3A_243, %gather3A_249 : vector<16xi32>
      %xor3A_251 = arith.constant 4 : i32
      %xor3A_252 = vector.broadcast %xor3A_251 : i32 to vector<16xi32>
      %xor3A_253 = arith.xori %iota3A, %xor3A_252 : vector<16xi32>
      %broadcast_in_dim3A_254 = vector.shape_cast %xor3A_253 : vector<16xi32> to vector<16x1xi32>
      %gather3A_255 = vector.shape_cast %broadcast_in_dim3A_254 : vector<16x1xi32> to vector<16xi32>
      %gather3A_256 = tpu.dynamic_gather %min3A_250[%gather3A_255] in [0] : vector<16xi32>, vector<16xi32> -> vector<16xi32>
      %min3A_257 = arith.minsi %min3A_250, %gather3A_256 : vector<16xi32>
      %xor3A_258 = arith.constant 8 : i32
      %xor3A_259 = vector.broadcast %xor3A_258 : i32 to vector<16xi32>
      %xor3A_260 = arith.xori %iota3A, %xor3A_259 : vector<16xi32>
      %broadcast_in_dim3A_261 = vector.shape_cast %xor3A_260 : vector<16xi32> to vector<16x1xi32>
      %gather3A_262 = vector.shape_cast %broadcast_in_dim3A_261 : vector<16x1xi32> to vector<16xi32>
      %gather3A_263 = tpu.dynamic_gather %min3A_257[%gather3A_262] in [0] : vector<16xi32>, vector<16xi32> -> vector<16xi32>
      %min3A_264 = arith.minsi %min3A_257, %gather3A_263 : vector<16xi32>
      %eq3A_265 = arith.constant 1 : i32
      %eq3A_266 = vector.broadcast %eq3A_265 : i32 to vector<16xi32>
      %eq3A_267 = arith.cmpi eq, %iota3A, %eq3A_266 : vector<16xi32>
      %select_n3A_268 = arith.select %eq3A_267, %min3A_264, %select_n3A_143 : vector<16xi1>, vector<16xi32>
      %add3A_269 = arith.constant 0 : i32
      %add3A_270 = vector.broadcast %add3A_269 : i32 to vector<16xi32>
      %add3A_271 = arith.addi %iota3A, %add3A_270 : vector<16xi32>
      %eq3A_272 = arith.cmpi eq, %add3A_271, %min3A_264 : vector<16xi32>
      %jit3A_273 = arith.constant -1.000000e+30 : f32
      %broadcast_in_dim3A_274 = vector.broadcast %jit3A_273 : f32 to vector<16xf32>
      %select_n3A_275 = arith.select %eq3A_272, %broadcast_in_dim3A_274, %select_n3A_150 : vector<16xi1>, vector<16xf32>
      %add3A_276 = arith.constant 16 : i32
      %add3A_277 = vector.broadcast %add3A_276 : i32 to vector<16xi32>
      %add3A_278 = arith.addi %iota3A, %add3A_277 : vector<16xi32>
      %eq3A_279 = arith.cmpi eq, %add3A_278, %min3A_264 : vector<16xi32>
      %jit3A_280 = arith.constant -1.000000e+30 : f32
      %broadcast_in_dim3A_281 = vector.broadcast %jit3A_280 : f32 to vector<16xf32>
      %select_n3A_282 = arith.select %eq3A_279, %broadcast_in_dim3A_281, %select_n3A_157 : vector<16xi1>, vector<16xf32>
      %add3A_283 = arith.constant 32 : i32
      %add3A_284 = vector.broadcast %add3A_283 : i32 to vector<16xi32>
      %add3A_285 = arith.addi %iota3A, %add3A_284 : vector<16xi32>
      %eq3A_286 = arith.cmpi eq, %add3A_285, %min3A_264 : vector<16xi32>
      %jit3A_287 = arith.constant -1.000000e+30 : f32
      %broadcast_in_dim3A_288 = vector.broadcast %jit3A_287 : f32 to vector<16xf32>
      %select_n3A_289 = arith.select %eq3A_286, %broadcast_in_dim3A_288, %select_n3A_164 : vector<16xi1>, vector<16xf32>
      %add3A_290 = arith.constant 48 : i32
      %add3A_291 = vector.broadcast %add3A_290 : i32 to vector<16xi32>
      %add3A_292 = arith.addi %iota3A, %add3A_291 : vector<16xi32>
      %eq3A_293 = arith.cmpi eq, %add3A_292, %min3A_264 : vector<16xi32>
      %jit3A_294 = arith.constant -1.000000e+30 : f32
      %broadcast_in_dim3A_295 = vector.broadcast %jit3A_294 : f32 to vector<16xf32>
      %select_n3A_296 = arith.select %eq3A_293, %broadcast_in_dim3A_295, %select_n3A_171 : vector<16xi1>, vector<16xf32>
      %shift_right_logical3A = arith.constant 3 : i32
      %shift_right_logical3A_297 = vector.broadcast %shift_right_logical3A : i32 to vector<16xi32>
      %shift_right_logical3A_298 = arith.shrui %iota3A, %shift_right_logical3A_297 : vector<16xi32>
      %and3A_299 = arith.constant 7 : i32
      %and3A_300 = vector.broadcast %and3A_299 : i32 to vector<16xi32>
      %and3A_301 = arith.andi %iota3A, %and3A_300 : vector<16xi32>
      %broadcast_in_dim3A_302 = arith.constant 0 : i32
      %broadcast_in_dim3A_303 = vector.broadcast %broadcast_in_dim3A_302 : i32 to vector<16xi32>
      %eq3A_304 = arith.constant 0 : i32
      %eq3A_305 = vector.broadcast %eq3A_304 : i32 to vector<16xi32>
      %eq3A_306 = arith.cmpi eq, %shift_right_logical3A_298, %eq3A_305 : vector<16xi32>
      %mul3A_307 = arith.constant 8 : i32
      %mul3A_308 = vector.broadcast %mul3A_307 : i32 to vector<16xi32>
      %mul3A_309 = arith.muli %min3A_139, %mul3A_308 : vector<16xi32>
      %add3A_310 = arith.addi %mul3A_309, %and3A_301 : vector<16xi32>
      %select_n3A_311 = arith.select %eq3A_306, %add3A_310, %broadcast_in_dim3A_303 : vector<16xi1>, vector<16xi32>
      %eq3A_312 = arith.constant 1 : i32
      %eq3A_313 = vector.broadcast %eq3A_312 : i32 to vector<16xi32>
      %eq3A_314 = arith.cmpi eq, %shift_right_logical3A_298, %eq3A_313 : vector<16xi32>
      %mul3A_315 = arith.constant 8 : i32
      %mul3A_316 = vector.broadcast %mul3A_315 : i32 to vector<16xi32>
      %mul3A_317 = arith.muli %min3A_264, %mul3A_316 : vector<16xi32>
      %add3A_318 = arith.addi %mul3A_317, %and3A_301 : vector<16xi32>
      %select_n3A_319 = arith.select %eq3A_314, %add3A_318, %select_n3A_311 : vector<16xi1>, vector<16xi32>
      %mul3A_320 = arith.constant 512 : i32
      %mul3A_321 = arith.muli %select_n3A, %mul3A_320 : i32
      %add3A_322 = vector.broadcast %mul3A_321 : i32 to vector<16xi32>
      %add3A_323 = arith.addi %select_n3A_319, %add3A_322 : vector<16xi32>
      %swap3A = arith.constant 0 : index
      %swap3A_324 = tpu.vector_load %arg14[%swap3A] {strides = array<i32>} : memref<16xi32, #tpu.memory_space<vmem>>, vector<16xi32>,
      %swap3A_325 = vector.shape_cast %swap3A_324 : vector<16xi32> to vector<16xi32>
      %swap3A_326 = vector.shape_cast %add3A_323 : vector<16xi32> to vector<16xi32>
      tpu.vector_store %arg14[%swap3A], %swap3A_326 {strides = array<i32>} : memref<16xi32, #tpu.memory_space<vmem>>, vector<16xi32>,
      %swap3A_327 = arith.constant 0 : index
      %swap3A_328 = tpu.vector_load %arg17[%swap3A_327] {strides = array<i32>} : memref<16xi32, #tpu.memory_space<vmem>>, vector<16xi32>,
      %swap3A_329 = vector.shape_cast %swap3A_328 : vector<16xi32> to vector<16xi32>
      %swap3A_330 = vector.shape_cast %select_n3A_268 : vector<16xi32> to vector<16xi32>
      tpu.vector_store %arg17[%swap3A_327], %swap3A_330 {strides = array<i32>} : memref<16xi32, #tpu.memory_space<vmem>>, vector<16xi32>,
      %dma_start3A = arith.constant 0 : i32
      %dma_start3A_331 = arith.constant 0 : i32
      %dma_start3A_332 = tpu.memref_slice %arg4[%dma_start3A, %dma_start3A_331] : memref<8192x128xf32, #tpu.memory_space<hbm>> -> memref<8192x128xf32, #tpu.memory_space<hbm>>
      tpu.enqueue_indirect_dma source(%dma_start3A_332 : memref<8192x128xf32, #tpu.memory_space<hbm>>) target(%arg15 : memref<16x128xf32, #tpu.memory_space<vmem>>) offsets(%arg14 : memref<16xi32, #tpu.memory_space<vmem>>) semaphore(%arg18 : memref<!tpu.dma_semaphore, #tpu.memory_space<semaphore_mem>>)
      %dma_wait3A = arith.constant 0 : i32
      %dma_wait3A_333 = arith.constant 0 : i32
      %dma_wait3A_334 = tpu.memref_slice %arg4[%dma_wait3A, %dma_wait3A_333] : memref<8192x128xf32, #tpu.memory_space<hbm>> -> memref<8192x128xf32, #tpu.memory_space<hbm>>
      tpu.wait_indirect_dma semaphore(%arg18 : memref<!tpu.dma_semaphore, #tpu.memory_space<semaphore_mem>>) src(%dma_wait3A_334 : memref<8192x128xf32, #tpu.memory_space<hbm>>) dst(%arg15 : memref<16x128xf32, #tpu.memory_space<vmem>>)
      %dma_start3A_335 = arith.constant 0 : i32
      %dma_start3A_336 = arith.constant 0 : i32
      %dma_start3A_337 = tpu.memref_slice %arg5[%dma_start3A_335, %dma_start3A_336] : memref<8192x128xf32, #tpu.memory_space<hbm>> -> memref<8192x128xf32, #tpu.memory_space<hbm>>
      tpu.enqueue_indirect_dma source(%dma_start3A_337 : memref<8192x128xf32, #tpu.memory_space<hbm>>) target(%arg16 : memref<16x128xf32, #tpu.memory_space<vmem>>) offsets(%arg14 : memref<16xi32, #tpu.memory_space<vmem>>) semaphore(%arg18 : memref<!tpu.dma_semaphore, #tpu.memory_space<semaphore_mem>>)
      %dma_wait3A_338 = arith.constant 0 : i32
      %dma_wait3A_339 = arith.constant 0 : i32
      %dma_wait3A_340 = tpu.memref_slice %arg5[%dma_wait3A_338, %dma_wait3A_339] : memref<8192x128xf32, #tpu.memory_space<hbm>> -> memref<8192x128xf32, #tpu.memory_space<hbm>>
      tpu.wait_indirect_dma semaphore(%arg18 : memref<!tpu.dma_semaphore, #tpu.memory_space<semaphore_mem>>) src(%dma_wait3A_340 : memref<8192x128xf32, #tpu.memory_space<hbm>>) dst(%arg16 : memref<16x128xf32, #tpu.memory_space<vmem>>)
      "tpu.region"() ({
        %run_scoped3A = tpu.sem_alloc : memref<!tpu.dma_semaphore, #tpu.memory_space<semaphore_mem>>
        %dma_start3A_341 = arith.constant 0 : i32
        %dma_start3A_342 = arith.constant 0 : i32
        %dma_start3A_343 = tpu.memref_slice %arg6[%select_n3A, %dma_start3A_341, %dma_start3A_342] : memref<16x16x128xf32, #tpu.memory_space<hbm>> -> memref<1x16x128xf32, #tpu.memory_space<hbm>>
        %dma_start3A_344 = tpu.memref_squeeze %dma_start3A_343 : memref<1x16x128xf32, #tpu.memory_space<hbm>> -> memref<16x128xf32, #tpu.memory_space<hbm>>
        %dma_start3A_345 = arith.constant 0 : i32
        %dma_start3A_346 = arith.constant 0 : i32
        %dma_start3A_347 = tpu.memref_slice %arg6[%select_n3A, %dma_start3A_345, %dma_start3A_346] : memref<16x16x128xf32, #tpu.memory_space<hbm>> -> memref<1x16x128xf32, #tpu.memory_space<hbm>>
        %dma_start3A_348 = tpu.memref_squeeze %dma_start3A_347 : memref<1x16x128xf32, #tpu.memory_space<hbm>> -> memref<16x128xf32, #tpu.memory_space<hbm>>
        tpu.enqueue_dma source(%arg15 : memref<16x128xf32, #tpu.memory_space<vmem>>) target(%dma_start3A_348 : memref<16x128xf32, #tpu.memory_space<hbm>>) target_semaphore(%run_scoped3A : memref<!tpu.dma_semaphore, #tpu.memory_space<semaphore_mem>>)
        %dma_wait3A_349 = arith.constant 0 : i32
        %dma_wait3A_350 = arith.constant 0 : i32
        %dma_wait3A_351 = tpu.memref_slice %arg6[%select_n3A, %dma_wait3A_349, %dma_wait3A_350] : memref<16x16x128xf32, #tpu.memory_space<hbm>> -> memref<1x16x128xf32, #tpu.memory_space<hbm>>
        %dma_wait3A_352 = tpu.memref_squeeze %dma_wait3A_351 : memref<1x16x128xf32, #tpu.memory_space<hbm>> -> memref<16x128xf32, #tpu.memory_space<hbm>>
        %dma_wait3A_353 = arith.constant 0 : i32
        %dma_wait3A_354 = arith.constant 0 : i32
        %dma_wait3A_355 = tpu.memref_slice %arg6[%select_n3A, %dma_wait3A_353, %dma_wait3A_354] : memref<16x16x128xf32, #tpu.memory_space<hbm>> -> memref<1x16x128xf32, #tpu.memory_space<hbm>>
        %dma_wait3A_356 = tpu.memref_squeeze %dma_wait3A_355 : memref<1x16x128xf32, #tpu.memory_space<hbm>> -> memref<16x128xf32, #tpu.memory_space<hbm>>
        tpu.wait_dma2 semaphore(%run_scoped3A : memref<!tpu.dma_semaphore, #tpu.memory_space<semaphore_mem>>) src(%arg15 : memref<16x128xf32, #tpu.memory_space<vmem>>) dst(%dma_wait3A_356 : memref<16x128xf32, #tpu.memory_space<hbm>>)
        tpu.yield
      }) : () -> ()
      "tpu.region"() ({
        %run_scoped3A = tpu.sem_alloc : memref<!tpu.dma_semaphore, #tpu.memory_space<semaphore_mem>>
        %dma_start3A_341 = arith.constant 0 : i32
        %dma_start3A_342 = arith.constant 0 : i32
        %dma_start3A_343 = tpu.memref_slice %arg7[%select_n3A, %dma_start3A_341, %dma_start3A_342] : memref<16x16x128xf32, #tpu.memory_space<hbm>> -> memref<1x16x128xf32, #tpu.memory_space<hbm>>
        %dma_start3A_344 = tpu.memref_squeeze %dma_start3A_343 : memref<1x16x128xf32, #tpu.memory_space<hbm>> -> memref<16x128xf32, #tpu.memory_space<hbm>>
        %dma_start3A_345 = arith.constant 0 : i32
        %dma_start3A_346 = arith.constant 0 : i32
        %dma_start3A_347 = tpu.memref_slice %arg7[%select_n3A, %dma_start3A_345, %dma_start3A_346] : memref<16x16x128xf32, #tpu.memory_space<hbm>> -> memref<1x16x128xf32, #tpu.memory_space<hbm>>
        %dma_start3A_348 = tpu.memref_squeeze %dma_start3A_347 : memref<1x16x128xf32, #tpu.memory_space<hbm>> -> memref<16x128xf32, #tpu.memory_space<hbm>>
        tpu.enqueue_dma source(%arg16 : memref<16x128xf32, #tpu.memory_space<vmem>>) target(%dma_start3A_348 : memref<16x128xf32, #tpu.memory_space<hbm>>) target_semaphore(%run_scoped3A : memref<!tpu.dma_semaphore, #tpu.memory_space<semaphore_mem>>)
        %dma_wait3A_349 = arith.constant 0 : i32
        %dma_wait3A_350 = arith.constant 0 : i32
        %dma_wait3A_351 = tpu.memref_slice %arg7[%select_n3A, %dma_wait3A_349, %dma_wait3A_350] : memref<16x16x128xf32, #tpu.memory_space<hbm>> -> memref<1x16x128xf32, #tpu.memory_space<hbm>>
        %dma_wait3A_352 = tpu.memref_squeeze %dma_wait3A_351 : memref<1x16x128xf32, #tpu.memory_space<hbm>> -> memref<16x128xf32, #tpu.memory_space<hbm>>
        %dma_wait3A_353 = arith.constant 0 : i32
        %dma_wait3A_354 = arith.constant 0 : i32
        %dma_wait3A_355 = tpu.memref_slice %arg7[%select_n3A, %dma_wait3A_353, %dma_wait3A_354] : memref<16x16x128xf32, #tpu.memory_space<hbm>> -> memref<1x16x128xf32, #tpu.memory_space<hbm>>
        %dma_wait3A_356 = tpu.memref_squeeze %dma_wait3A_355 : memref<1x16x128xf32, #tpu.memory_space<hbm>> -> memref<16x128xf32, #tpu.memory_space<hbm>>
        tpu.wait_dma2 semaphore(%run_scoped3A : memref<!tpu.dma_semaphore, #tpu.memory_space<semaphore_mem>>) src(%arg16 : memref<16x128xf32, #tpu.memory_space<vmem>>) dst(%dma_wait3A_356 : memref<16x128xf32, #tpu.memory_space<hbm>>)
        tpu.yield
      }) : () -> ()
      "tpu.region"() ({
        %run_scoped3A = tpu.sem_alloc : memref<!tpu.dma_semaphore, #tpu.memory_space<semaphore_mem>>
        %dma_start3A_341 = arith.constant 0 : i32
        %dma_start3A_342 = tpu.memref_slice %arg10[%select_n3A, %dma_start3A_341] : memref<16x16xi32, #tpu.memory_space<hbm>> -> memref<1x16xi32, #tpu.memory_space<hbm>>
        %dma_start3A_343 = tpu.memref_squeeze %dma_start3A_342 : memref<1x16xi32, #tpu.memory_space<hbm>> -> memref<16xi32, #tpu.memory_space<hbm>>
        %dma_start3A_344 = arith.constant 0 : i32
        %dma_start3A_345 = tpu.memref_slice %arg10[%select_n3A, %dma_start3A_344] : memref<16x16xi32, #tpu.memory_space<hbm>> -> memref<1x16xi32, #tpu.memory_space<hbm>>
        %dma_start3A_346 = tpu.memref_squeeze %dma_start3A_345 : memref<1x16xi32, #tpu.memory_space<hbm>> -> memref<16xi32, #tpu.memory_space<hbm>>
        tpu.enqueue_dma source(%arg17 : memref<16xi32, #tpu.memory_space<vmem>>) target(%dma_start3A_346 : memref<16xi32, #tpu.memory_space<hbm>>) target_semaphore(%run_scoped3A : memref<!tpu.dma_semaphore, #tpu.memory_space<semaphore_mem>>)
        %dma_wait3A_347 = arith.constant 0 : i32
        %dma_wait3A_348 = tpu.memref_slice %arg10[%select_n3A, %dma_wait3A_347] : memref<16x16xi32, #tpu.memory_space<hbm>> -> memref<1x16xi32, #tpu.memory_space<hbm>>
        %dma_wait3A_349 = tpu.memref_squeeze %dma_wait3A_348 : memref<1x16xi32, #tpu.memory_space<hbm>> -> memref<16xi32, #tpu.memory_space<hbm>>
        %dma_wait3A_350 = arith.constant 0 : i32
        %dma_wait3A_351 = tpu.memref_slice %arg10[%select_n3A, %dma_wait3A_350] : memref<16x16xi32, #tpu.memory_space<hbm>> -> memref<1x16xi32, #tpu.memory_space<hbm>>
        %dma_wait3A_352 = tpu.memref_squeeze %dma_wait3A_351 : memref<1x16xi32, #tpu.memory_space<hbm>> -> memref<16xi32, #tpu.memory_space<hbm>>
        tpu.wait_dma2 semaphore(%run_scoped3A : memref<!tpu.dma_semaphore, #tpu.memory_space<semaphore_mem>>) src(%arg17 : memref<16xi32, #tpu.memory_space<vmem>>) dst(%dma_wait3A_352 : memref<16xi32, #tpu.memory_space<hbm>>)
        tpu.yield
      }) : () -> ()
    } else {
    }
    %eq3A_34 = arith.constant 1 : i32
    %eq3A_35 = arith.cmpi eq, %select_n3A_30, %eq3A_34 : i32
    %convert_element_type3A_36 = arith.extui %eq3A_35 : i1 to i32
    %cond3A_37 = arith.constant 0 : i32
    %cond3A_38 = arith.cmpi ne, %convert_element_type3A_36, %cond3A_37 : i32
    scf.if %cond3A_38 {
      "tpu.region"() ({
        %run_scoped3A = tpu.sem_alloc : memref<!tpu.dma_semaphore, #tpu.memory_space<semaphore_mem>>
        %dma_start3A_2711 = arith.constant 0 : i32
        %dma_start3A_2712 = tpu.memref_slice %arg3[%select_n3A, %dma_start3A_2711] : memref<16x256xf32, #tpu.memory_space<hbm>> -> memref<1x256xf32, #tpu.memory_space<hbm>>
        %dma_start3A_2713 = tpu.memref_squeeze %dma_start3A_2712 : memref<1x256xf32, #tpu.memory_space<hbm>> -> memref<256xf32, #tpu.memory_space<hbm>>
        %dma_start3A_2714 = arith.constant 0 : i32
        %dma_start3A_2715 = tpu.memref_slice %arg3[%select_n3A, %dma_start3A_2714] : memref<16x256xf32, #tpu.memory_space<hbm>> -> memref<1x256xf32, #tpu.memory_space<hbm>>
        %dma_start3A_2716 = tpu.memref_squeeze %dma_start3A_2715 : memref<1x256xf32, #tpu.memory_space<hbm>> -> memref<256xf32, #tpu.memory_space<hbm>>
        tpu.enqueue_dma source(%dma_start3A_2716 : memref<256xf32, #tpu.memory_space<hbm>>) target(%arg13 : memref<256xf32, #tpu.memory_space<vmem>>) target_semaphore(%run_scoped3A : memref<!tpu.dma_semaphore, #tpu.memory_space<semaphore_mem>>)
        %dma_wait3A_2717 = arith.constant 0 : i32
        %dma_wait3A_2718 = tpu.memref_slice %arg3[%select_n3A, %dma_wait3A_2717] : memref<16x256xf32, #tpu.memory_space<hbm>> -> memref<1x256xf32, #tpu.memory_space<hbm>>
        %dma_wait3A_2719 = tpu.memref_squeeze %dma_wait3A_2718 : memref<1x256xf32, #tpu.memory_space<hbm>> -> memref<256xf32, #tpu.memory_space<hbm>>
        %dma_wait3A_2720 = arith.constant 0 : i32
        %dma_wait3A_2721 = tpu.memref_slice %arg3[%select_n3A, %dma_wait3A_2720] : memref<16x256xf32, #tpu.memory_space<hbm>> -> memref<1x256xf32, #tpu.memory_space<hbm>>
        %dma_wait3A_2722 = tpu.memref_squeeze %dma_wait3A_2721 : memref<1x256xf32, #tpu.memory_space<hbm>> -> memref<256xf32, #tpu.memory_space<hbm>>
        tpu.wait_dma2 semaphore(%run_scoped3A : memref<!tpu.dma_semaphore, #tpu.memory_space<semaphore_mem>>) src(%dma_wait3A_2722 : memref<256xf32, #tpu.memory_space<hbm>>) dst(%arg13 : memref<256xf32, #tpu.memory_space<vmem>>)
        tpu.yield
      }) : () -> ()
      %get3A = arith.constant 0 : index
      %get3A_39 = tpu.vector_load %arg13[%get3A] {strides = array<i32>} : memref<256xf32, #tpu.memory_space<vmem>>, vector<16xf32>,
      %get3A_40 = vector.shape_cast %get3A_39 : vector<16xf32> to vector<16xf32>
      %get3A_41 = arith.constant 16 : index
      %get3A_42 = tpu.vector_load %arg13[%get3A_41] {strides = array<i32>} : memref<256xf32, #tpu.memory_space<vmem>>, vector<16xf32>,
      %get3A_43 = vector.shape_cast %get3A_42 : vector<16xf32> to vector<16xf32>
      %get3A_44 = arith.constant 32 : index
      %get3A_45 = tpu.vector_load %arg13[%get3A_44] {strides = array<i32>} : memref<256xf32, #tpu.memory_space<vmem>>, vector<16xf32>,
      %get3A_46 = vector.shape_cast %get3A_45 : vector<16xf32> to vector<16xf32>
      %get3A_47 = arith.constant 48 : index
      %get3A_48 = tpu.vector_load %arg13[%get3A_47] {strides = array<i32>} : memref<256xf32, #tpu.memory_space<vmem>>, vector<16xf32>,
      %get3A_49 = vector.shape_cast %get3A_48 : vector<16xf32> to vector<16xf32>
      %get3A_50 = arith.constant 64 : index
      %get3A_51 = tpu.vector_load %arg13[%get3A_50] {strides = array<i32>} : memref<256xf32, #tpu.memory_space<vmem>>, vector<16xf32>,
      %get3A_52 = vector.shape_cast %get3A_51 : vector<16xf32> to vector<16xf32>
      %get3A_53 = arith.constant 80 : index
      %get3A_54 = tpu.vector_load %arg13[%get3A_53] {strides = array<i32>} : memref<256xf32, #tpu.memory_space<vmem>>, vector<16xf32>,
      %get3A_55 = vector.shape_cast %get3A_54 : vector<16xf32> to vector<16xf32>
      %get3A_56 = arith.constant 96 : index
      %get3A_57 = tpu.vector_load %arg13[%get3A_56] {strides = array<i32>} : memref<256xf32, #tpu.memory_space<vmem>>, vector<16xf32>,
      %get3A_58 = vector.shape_cast %get3A_57 : vector<16xf32> to vector<16xf32>
      %get3A_59 = arith.constant 112 : index
      %get3A_60 = tpu.vector_load %arg13[%get3A_59] {strides = array<i32>} : memref<256xf32, #tpu.memory_space<vmem>>, vector<16xf32>,
      %get3A_61 = vector.shape_cast %get3A_60 : vector<16xf32> to vector<16xf32>
      %get3A_62 = arith.constant 128 : index
      %get3A_63 = tpu.vector_load %arg13[%get3A_62] {strides = array<i32>} : memref<256xf32, #tpu.memory_space<vmem>>, vector<16xf32>,
      %get3A_64 = vector.shape_cast %get3A_63 : vector<16xf32> to vector<16xf32>
      %get3A_65 = arith.constant 144 : index
      %get3A_66 = tpu.vector_load %arg13[%get3A_65] {strides = array<i32>} : memref<256xf32, #tpu.memory_space<vmem>>, vector<16xf32>,
      %get3A_67 = vector.shape_cast %get3A_66 : vector<16xf32> to vector<16xf32>
      %get3A_68 = arith.constant 160 : index
      %get3A_69 = tpu.vector_load %arg13[%get3A_68] {strides = array<i32>} : memref<256xf32, #tpu.memory_space<vmem>>, vector<16xf32>,
      %get3A_70 = vector.shape_cast %get3A_69 : vector<16xf32> to vector<16xf32>
      %get3A_71 = arith.constant 176 : index
      %get3A_72 = tpu.vector_load %arg13[%get3A_71] {strides = array<i32>} : memref<256xf32, #tpu.memory_space<vmem>>, vector<16xf32>,
      %get3A_73 = vector.shape_cast %get3A_72 : vector<16xf32> to vector<16xf32>
      %get3A_74 = arith.constant 192 : index
      %get3A_75 = tpu.vector_load %arg13[%get3A_74] {strides = array<i32>} : memref<256xf32, #tpu.memory_space<vmem>>, vector<16xf32>,
      %get3A_76 = vector.shape_cast %get3A_75 : vector<16xf32> to vector<16xf32>
      %get3A_77 = arith.constant 208 : index
      %get3A_78 = tpu.vector_load %arg13[%get3A_77] {strides = array<i32>} : memref<256xf32, #tpu.memory_space<vmem>>, vector<16xf32>,
      %get3A_79 = vector.shape_cast %get3A_78 : vector<16xf32> to vector<16xf32>
      %get3A_80 = arith.constant 224 : index
      %get3A_81 = tpu.vector_load %arg13[%get3A_80] {strides = array<i32>} : memref<256xf32, #tpu.memory_space<vmem>>, vector<16xf32>,
      %get3A_82 = vector.shape_cast %get3A_81 : vector<16xf32> to vector<16xf32>
      %get3A_83 = arith.constant 240 : index
      %get3A_84 = tpu.vector_load %arg13[%get3A_83] {strides = array<i32>} : memref<256xf32, #tpu.memory_space<vmem>>, vector<16xf32>,
      %get3A_85 = vector.shape_cast %get3A_84 : vector<16xf32> to vector<16xf32>
      %broadcast_in_dim3A = arith.constant 0 : i32
      %broadcast_in_dim3A_86 = vector.broadcast %broadcast_in_dim3A : i32 to vector<16xi32>
      %max3A = arith.maximumf %get3A_40, %get3A_43 : vector<16xf32>
      %max3A_87 = arith.maximumf %max3A, %get3A_46 : vector<16xf32>
      %max3A_88 = arith.maximumf %max3A_87, %get3A_49 : vector<16xf32>
      %max3A_89 = arith.maximumf %max3A_88, %get3A_52 : vector<16xf32>
      %max3A_90 = arith.maximumf %max3A_89, %get3A_55 : vector<16xf32>
      %max3A_91 = arith.maximumf %max3A_90, %get3A_58 : vector<16xf32>
      %max3A_92 = arith.maximumf %max3A_91, %get3A_61 : vector<16xf32>
      %max3A_93 = arith.maximumf %max3A_92, %get3A_64 : vector<16xf32>
      %max3A_94 = arith.maximumf %max3A_93, %get3A_67 : vector<16xf32>
      %max3A_95 = arith.maximumf %max3A_94, %get3A_70 : vector<16xf32>
      %max3A_96 = arith.maximumf %max3A_95, %get3A_73 : vector<16xf32>
      %max3A_97 = arith.maximumf %max3A_96, %get3A_76 : vector<16xf32>
      %max3A_98 = arith.maximumf %max3A_97, %get3A_79 : vector<16xf32>
      %max3A_99 = arith.maximumf %max3A_98, %get3A_82 : vector<16xf32>
      %max3A_100 = arith.maximumf %max3A_99, %get3A_85 : vector<16xf32>
      %xor3A = arith.constant 1 : i32
      %xor3A_101 = vector.broadcast %xor3A : i32 to vector<16xi32>
      %xor3A_102 = arith.xori %iota3A, %xor3A_101 : vector<16xi32>
      %broadcast_in_dim3A_103 = vector.shape_cast %xor3A_102 : vector<16xi32> to vector<16x1xi32>
      %gather3A = vector.shape_cast %broadcast_in_dim3A_103 : vector<16x1xi32> to vector<16xi32>
      %gather3A_104 = tpu.dynamic_gather %max3A_100[%gather3A] in [0] : vector<16xf32>, vector<16xi32> -> vector<16xf32>
      %max3A_105 = arith.maximumf %max3A_100, %gather3A_104 : vector<16xf32>
      %xor3A_106 = arith.constant 2 : i32
      %xor3A_107 = vector.broadcast %xor3A_106 : i32 to vector<16xi32>
      %xor3A_108 = arith.xori %iota3A, %xor3A_107 : vector<16xi32>
      %broadcast_in_dim3A_109 = vector.shape_cast %xor3A_108 : vector<16xi32> to vector<16x1xi32>
      %gather3A_110 = vector.shape_cast %broadcast_in_dim3A_109 : vector<16x1xi32> to vector<16xi32>
      %gather3A_111 = tpu.dynamic_gather %max3A_105[%gather3A_110] in [0] : vector<16xf32>, vector<16xi32> -> vector<16xf32>
      %max3A_112 = arith.maximumf %max3A_105, %gather3A_111 : vector<16xf32>
      %xor3A_113 = arith.constant 4 : i32
      %xor3A_114 = vector.broadcast %xor3A_113 : i32 to vector<16xi32>
      %xor3A_115 = arith.xori %iota3A, %xor3A_114 : vector<16xi32>
      %broadcast_in_dim3A_116 = vector.shape_cast %xor3A_115 : vector<16xi32> to vector<16x1xi32>
      %gather3A_117 = vector.shape_cast %broadcast_in_dim3A_116 : vector<16x1xi32> to vector<16xi32>
      %gather3A_118 = tpu.dynamic_gather %max3A_112[%gather3A_117] in [0] : vector<16xf32>, vector<16xi32> -> vector<16xf32>
      %max3A_119 = arith.maximumf %max3A_112, %gather3A_118 : vector<16xf32>
      %xor3A_120 = arith.constant 8 : i32
      %xor3A_121 = vector.broadcast %xor3A_120 : i32 to vector<16xi32>
      %xor3A_122 = arith.xori %iota3A, %xor3A_121 : vector<16xi32>
      %broadcast_in_dim3A_123 = vector.shape_cast %xor3A_122 : vector<16xi32> to vector<16x1xi32>
      %gather3A_124 = vector.shape_cast %broadcast_in_dim3A_123 : vector<16x1xi32> to vector<16xi32>
      %gather3A_125 = tpu.dynamic_gather %max3A_119[%gather3A_124] in [0] : vector<16xf32>, vector<16xi32> -> vector<16xf32>
      %max3A_126 = arith.maximumf %max3A_119, %gather3A_125 : vector<16xf32>
      %broadcast_in_dim3A_127 = arith.constant 256 : i32
      %broadcast_in_dim3A_128 = vector.broadcast %broadcast_in_dim3A_127 : i32 to vector<16xi32>
      %eq3A_129 = arith.cmpf oeq, %get3A_40, %max3A_126 : vector<16xf32>
      %add3A_130 = arith.constant 0 : i32
      %add3A_131 = vector.broadcast %add3A_130 : i32 to vector<16xi32>
      %add3A_132 = arith.addi %iota3A, %add3A_131 : vector<16xi32>
      %jit3A_133 = arith.constant 256 : i32
      %broadcast_in_dim3A_134 = vector.broadcast %jit3A_133 : i32 to vector<16xi32>
      %select_n3A_135 = arith.select %eq3A_129, %add3A_132, %broadcast_in_dim3A_134 : vector<16xi1>, vector<16xi32>
      %min3A = arith.minsi %broadcast_in_dim3A_128, %select_n3A_135 : vector<16xi32>
      %eq3A_136 = arith.cmpf oeq, %get3A_43, %max3A_126 : vector<16xf32>
      %add3A_137 = arith.constant 16 : i32
      %add3A_138 = vector.broadcast %add3A_137 : i32 to vector<16xi32>
      %add3A_139 = arith.addi %iota3A, %add3A_138 : vector<16xi32>
      %jit3A_140 = arith.constant 256 : i32
      %broadcast_in_dim3A_141 = vector.broadcast %jit3A_140 : i32 to vector<16xi32>
      %select_n3A_142 = arith.select %eq3A_136, %add3A_139, %broadcast_in_dim3A_141 : vector<16xi1>, vector<16xi32>
      %min3A_143 = arith.minsi %min3A, %select_n3A_142 : vector<16xi32>
      %eq3A_144 = arith.cmpf oeq, %get3A_46, %max3A_126 : vector<16xf32>
      %add3A_145 = arith.constant 32 : i32
      %add3A_146 = vector.broadcast %add3A_145 : i32 to vector<16xi32>
      %add3A_147 = arith.addi %iota3A, %add3A_146 : vector<16xi32>
      %jit3A_148 = arith.constant 256 : i32
      %broadcast_in_dim3A_149 = vector.broadcast %jit3A_148 : i32 to vector<16xi32>
      %select_n3A_150 = arith.select %eq3A_144, %add3A_147, %broadcast_in_dim3A_149 : vector<16xi1>, vector<16xi32>
      %min3A_151 = arith.minsi %min3A_143, %select_n3A_150 : vector<16xi32>
      %eq3A_152 = arith.cmpf oeq, %get3A_49, %max3A_126 : vector<16xf32>
      %add3A_153 = arith.constant 48 : i32
      %add3A_154 = vector.broadcast %add3A_153 : i32 to vector<16xi32>
      %add3A_155 = arith.addi %iota3A, %add3A_154 : vector<16xi32>
      %jit3A_156 = arith.constant 256 : i32
      %broadcast_in_dim3A_157 = vector.broadcast %jit3A_156 : i32 to vector<16xi32>
      %select_n3A_158 = arith.select %eq3A_152, %add3A_155, %broadcast_in_dim3A_157 : vector<16xi1>, vector<16xi32>
      %min3A_159 = arith.minsi %min3A_151, %select_n3A_158 : vector<16xi32>
      %eq3A_160 = arith.cmpf oeq, %get3A_52, %max3A_126 : vector<16xf32>
      %add3A_161 = arith.constant 64 : i32
      %add3A_162 = vector.broadcast %add3A_161 : i32 to vector<16xi32>
      %add3A_163 = arith.addi %iota3A, %add3A_162 : vector<16xi32>
      %jit3A_164 = arith.constant 256 : i32
      %broadcast_in_dim3A_165 = vector.broadcast %jit3A_164 : i32 to vector<16xi32>
      %select_n3A_166 = arith.select %eq3A_160, %add3A_163, %broadcast_in_dim3A_165 : vector<16xi1>, vector<16xi32>
      %min3A_167 = arith.minsi %min3A_159, %select_n3A_166 : vector<16xi32>
      %eq3A_168 = arith.cmpf oeq, %get3A_55, %max3A_126 : vector<16xf32>
      %add3A_169 = arith.constant 80 : i32
      %add3A_170 = vector.broadcast %add3A_169 : i32 to vector<16xi32>
      %add3A_171 = arith.addi %iota3A, %add3A_170 : vector<16xi32>
      %jit3A_172 = arith.constant 256 : i32
      %broadcast_in_dim3A_173 = vector.broadcast %jit3A_172 : i32 to vector<16xi32>
      %select_n3A_174 = arith.select %eq3A_168, %add3A_171, %broadcast_in_dim3A_173 : vector<16xi1>, vector<16xi32>
      %min3A_175 = arith.minsi %min3A_167, %select_n3A_174 : vector<16xi32>
      %eq3A_176 = arith.cmpf oeq, %get3A_58, %max3A_126 : vector<16xf32>
      %add3A_177 = arith.constant 96 : i32
      %add3A_178 = vector.broadcast %add3A_177 : i32 to vector<16xi32>
      %add3A_179 = arith.addi %iota3A, %add3A_178 : vector<16xi32>
      %jit3A_180 = arith.constant 256 : i32
      %broadcast_in_dim3A_181 = vector.broadcast %jit3A_180 : i32 to vector<16xi32>
      %select_n3A_182 = arith.select %eq3A_176, %add3A_179, %broadcast_in_dim3A_181 : vector<16xi1>, vector<16xi32>
      %min3A_183 = arith.minsi %min3A_175, %select_n3A_182 : vector<16xi32>
      %eq3A_184 = arith.cmpf oeq, %get3A_61, %max3A_126 : vector<16xf32>
      %add3A_185 = arith.constant 112 : i32
      %add3A_186 = vector.broadcast %add3A_185 : i32 to vector<16xi32>
      %add3A_187 = arith.addi %iota3A, %add3A_186 : vector<16xi32>
      %jit3A_188 = arith.constant 256 : i32
      %broadcast_in_dim3A_189 = vector.broadcast %jit3A_188 : i32 to vector<16xi32>
      %select_n3A_190 = arith.select %eq3A_184, %add3A_187, %broadcast_in_dim3A_189 : vector<16xi1>, vector<16xi32>
      %min3A_191 = arith.minsi %min3A_183, %select_n3A_190 : vector<16xi32>
      %eq3A_192 = arith.cmpf oeq, %get3A_64, %max3A_126 : vector<16xf32>
      %add3A_193 = arith.constant 128 : i32
      %add3A_194 = vector.broadcast %add3A_193 : i32 to vector<16xi32>
      %add3A_195 = arith.addi %iota3A, %add3A_194 : vector<16xi32>
      %jit3A_196 = arith.constant 256 : i32
      %broadcast_in_dim3A_197 = vector.broadcast %jit3A_196 : i32 to vector<16xi32>
      %select_n3A_198 = arith.select %eq3A_192, %add3A_195, %broadcast_in_dim3A_197 : vector<16xi1>, vector<16xi32>
      %min3A_199 = arith.minsi %min3A_191, %select_n3A_198 : vector<16xi32>
      %eq3A_200 = arith.cmpf oeq, %get3A_67, %max3A_126 : vector<16xf32>
      %add3A_201 = arith.constant 144 : i32
      %add3A_202 = vector.broadcast %add3A_201 : i32 to vector<16xi32>
      %add3A_203 = arith.addi %iota3A, %add3A_202 : vector<16xi32>
      %jit3A_204 = arith.constant 256 : i32
      %broadcast_in_dim3A_205 = vector.broadcast %jit3A_204 : i32 to vector<16xi32>
      %select_n3A_206 = arith.select %eq3A_200, %add3A_203, %broadcast_in_dim3A_205 : vector<16xi1>, vector<16xi32>
      %min3A_207 = arith.minsi %min3A_199, %select_n3A_206 : vector<16xi32>
      %eq3A_208 = arith.cmpf oeq, %get3A_70, %max3A_126 : vector<16xf32>
      %add3A_209 = arith.constant 160 : i32
      %add3A_210 = vector.broadcast %add3A_209 : i32 to vector<16xi32>
      %add3A_211 = arith.addi %iota3A, %add3A_210 : vector<16xi32>
      %jit3A_212 = arith.constant 256 : i32
      %broadcast_in_dim3A_213 = vector.broadcast %jit3A_212 : i32 to vector<16xi32>
      %select_n3A_214 = arith.select %eq3A_208, %add3A_211, %broadcast_in_dim3A_213 : vector<16xi1>, vector<16xi32>
      %min3A_215 = arith.minsi %min3A_207, %select_n3A_214 : vector<16xi32>
      %eq3A_216 = arith.cmpf oeq, %get3A_73, %max3A_126 : vector<16xf32>
      %add3A_217 = arith.constant 176 : i32
      %add3A_218 = vector.broadcast %add3A_217 : i32 to vector<16xi32>
      %add3A_219 = arith.addi %iota3A, %add3A_218 : vector<16xi32>
      %jit3A_220 = arith.constant 256 : i32
      %broadcast_in_dim3A_221 = vector.broadcast %jit3A_220 : i32 to vector<16xi32>
      %select_n3A_222 = arith.select %eq3A_216, %add3A_219, %broadcast_in_dim3A_221 : vector<16xi1>, vector<16xi32>
      %min3A_223 = arith.minsi %min3A_215, %select_n3A_222 : vector<16xi32>
      %eq3A_224 = arith.cmpf oeq, %get3A_76, %max3A_126 : vector<16xf32>
      %add3A_225 = arith.constant 192 : i32
      %add3A_226 = vector.broadcast %add3A_225 : i32 to vector<16xi32>
      %add3A_227 = arith.addi %iota3A, %add3A_226 : vector<16xi32>
      %jit3A_228 = arith.constant 256 : i32
      %broadcast_in_dim3A_229 = vector.broadcast %jit3A_228 : i32 to vector<16xi32>
      %select_n3A_230 = arith.select %eq3A_224, %add3A_227, %broadcast_in_dim3A_229 : vector<16xi1>, vector<16xi32>
      %min3A_231 = arith.minsi %min3A_223, %select_n3A_230 : vector<16xi32>
      %eq3A_232 = arith.cmpf oeq, %get3A_79, %max3A_126 : vector<16xf32>
      %add3A_233 = arith.constant 208 : i32
      %add3A_234 = vector.broadcast %add3A_233 : i32 to vector<16xi32>
      %add3A_235 = arith.addi %iota3A, %add3A_234 : vector<16xi32>
      %jit3A_236 = arith.constant 256 : i32
      %broadcast_in_dim3A_237 = vector.broadcast %jit3A_236 : i32 to vector<16xi32>
      %select_n3A_238 = arith.select %eq3A_232, %add3A_235, %broadcast_in_dim3A_237 : vector<16xi1>, vector<16xi32>
      %min3A_239 = arith.minsi %min3A_231, %select_n3A_238 : vector<16xi32>
      %eq3A_240 = arith.cmpf oeq, %get3A_82, %max3A_126 : vector<16xf32>
      %add3A_241 = arith.constant 224 : i32
      %add3A_242 = vector.broadcast %add3A_241 : i32 to vector<16xi32>
      %add3A_243 = arith.addi %iota3A, %add3A_242 : vector<16xi32>
      %jit3A_244 = arith.constant 256 : i32
      %broadcast_in_dim3A_245 = vector.broadcast %jit3A_244 : i32 to vector<16xi32>
      %select_n3A_246 = arith.select %eq3A_240, %add3A_243, %broadcast_in_dim3A_245 : vector<16xi1>, vector<16xi32>
      %min3A_247 = arith.minsi %min3A_239, %select_n3A_246 : vector<16xi32>
      %eq3A_248 = arith.cmpf oeq, %get3A_85, %max3A_126 : vector<16xf32>
      %add3A_249 = arith.constant 240 : i32
      %add3A_250 = vector.broadcast %add3A_249 : i32 to vector<16xi32>
      %add3A_251 = arith.addi %iota3A, %add3A_250 : vector<16xi32>
      %jit3A_252 = arith.constant 256 : i32
      %broadcast_in_dim3A_253 = vector.broadcast %jit3A_252 : i32 to vector<16xi32>
      %select_n3A_254 = arith.select %eq3A_248, %add3A_251, %broadcast_in_dim3A_253 : vector<16xi1>, vector<16xi32>
      %min3A_255 = arith.minsi %min3A_247, %select_n3A_254 : vector<16xi32>
      %xor3A_256 = arith.constant 1 : i32
      %xor3A_257 = vector.broadcast %xor3A_256 : i32 to vector<16xi32>
      %xor3A_258 = arith.xori %iota3A, %xor3A_257 : vector<16xi32>
      %broadcast_in_dim3A_259 = vector.shape_cast %xor3A_258 : vector<16xi32> to vector<16x1xi32>
      %gather3A_260 = vector.shape_cast %broadcast_in_dim3A_259 : vector<16x1xi32> to vector<16xi32>
      %gather3A_261 = tpu.dynamic_gather %min3A_255[%gather3A_260] in [0] : vector<16xi32>, vector<16xi32> -> vector<16xi32>
      %min3A_262 = arith.minsi %min3A_255, %gather3A_261 : vector<16xi32>
      %xor3A_263 = arith.constant 2 : i32
      %xor3A_264 = vector.broadcast %xor3A_263 : i32 to vector<16xi32>
      %xor3A_265 = arith.xori %iota3A, %xor3A_264 : vector<16xi32>
      %broadcast_in_dim3A_266 = vector.shape_cast %xor3A_265 : vector<16xi32> to vector<16x1xi32>
      %gather3A_267 = vector.shape_cast %broadcast_in_dim3A_266 : vector<16x1xi32> to vector<16xi32>
      %gather3A_268 = tpu.dynamic_gather %min3A_262[%gather3A_267] in [0] : vector<16xi32>, vector<16xi32> -> vector<16xi32>
      %min3A_269 = arith.minsi %min3A_262, %gather3A_268 : vector<16xi32>
      %xor3A_270 = arith.constant 4 : i32
      %xor3A_271 = vector.broadcast %xor3A_270 : i32 to vector<16xi32>
      %xor3A_272 = arith.xori %iota3A, %xor3A_271 : vector<16xi32>
      %broadcast_in_dim3A_273 = vector.shape_cast %xor3A_272 : vector<16xi32> to vector<16x1xi32>
      %gather3A_274 = vector.shape_cast %broadcast_in_dim3A_273 : vector<16x1xi32> to vector<16xi32>
      %gather3A_275 = tpu.dynamic_gather %min3A_269[%gather3A_274] in [0] : vector<16xi32>, vector<16xi32> -> vector<16xi32>
      %min3A_276 = arith.minsi %min3A_269, %gather3A_275 : vector<16xi32>
      %xor3A_277 = arith.constant 8 : i32
      %xor3A_278 = vector.broadcast %xor3A_277 : i32 to vector<16xi32>
      %xor3A_279 = arith.xori %iota3A, %xor3A_278 : vector<16xi32>
      %broadcast_in_dim3A_280 = vector.shape_cast %xor3A_279 : vector<16xi32> to vector<16x1xi32>
      %gather3A_281 = vector.shape_cast %broadcast_in_dim3A_280 : vector<16x1xi32> to vector<16xi32>
      %gather3A_282 = tpu.dynamic_gather %min3A_276[%gather3A_281] in [0] : vector<16xi32>, vector<16xi32> -> vector<16xi32>
      %min3A_283 = arith.minsi %min3A_276, %gather3A_282 : vector<16xi32>
      %eq3A_284 = arith.constant 0 : i32
      %eq3A_285 = vector.broadcast %eq3A_284 : i32 to vector<16xi32>
      %eq3A_286 = arith.cmpi eq, %iota3A, %eq3A_285 : vector<16xi32>
      %select_n3A_287 = arith.select %eq3A_286, %min3A_283, %broadcast_in_dim3A_86 : vector<16xi1>, vector<16xi32>
      %add3A_288 = arith.constant 0 : i32
      %add3A_289 = vector.broadcast %add3A_288 : i32 to vector<16xi32>
      %add3A_290 = arith.addi %iota3A, %add3A_289 : vector<16xi32>
      %eq3A_291 = arith.cmpi eq, %add3A_290, %min3A_283 : vector<16xi32>
      %jit3A_292 = arith.constant -1.000000e+30 : f32
      %broadcast_in_dim3A_293 = vector.broadcast %jit3A_292 : f32 to vector<16xf32>
      %select_n3A_294 = arith.select %eq3A_291, %broadcast_in_dim3A_293, %get3A_40 : vector<16xi1>, vector<16xf32>
      %add3A_295 = arith.constant 16 : i32
      %add3A_296 = vector.broadcast %add3A_295 : i32 to vector<16xi32>
      %add3A_297 = arith.addi %iota3A, %add3A_296 : vector<16xi32>
      %eq3A_298 = arith.cmpi eq, %add3A_297, %min3A_283 : vector<16xi32>
      %jit3A_299 = arith.constant -1.000000e+30 : f32
      %broadcast_in_dim3A_300 = vector.broadcast %jit3A_299 : f32 to vector<16xf32>
      %select_n3A_301 = arith.select %eq3A_298, %broadcast_in_dim3A_300, %get3A_43 : vector<16xi1>, vector<16xf32>
      %add3A_302 = arith.constant 32 : i32
      %add3A_303 = vector.broadcast %add3A_302 : i32 to vector<16xi32>
      %add3A_304 = arith.addi %iota3A, %add3A_303 : vector<16xi32>
      %eq3A_305 = arith.cmpi eq, %add3A_304, %min3A_283 : vector<16xi32>
      %jit3A_306 = arith.constant -1.000000e+30 : f32
      %broadcast_in_dim3A_307 = vector.broadcast %jit3A_306 : f32 to vector<16xf32>
      %select_n3A_308 = arith.select %eq3A_305, %broadcast_in_dim3A_307, %get3A_46 : vector<16xi1>, vector<16xf32>
      %add3A_309 = arith.constant 48 : i32
      %add3A_310 = vector.broadcast %add3A_309 : i32 to vector<16xi32>
      %add3A_311 = arith.addi %iota3A, %add3A_310 : vector<16xi32>
      %eq3A_312 = arith.cmpi eq, %add3A_311, %min3A_283 : vector<16xi32>
      %jit3A_313 = arith.constant -1.000000e+30 : f32
      %broadcast_in_dim3A_314 = vector.broadcast %jit3A_313 : f32 to vector<16xf32>
      %select_n3A_315 = arith.select %eq3A_312, %broadcast_in_dim3A_314, %get3A_49 : vector<16xi1>, vector<16xf32>
      %add3A_316 = arith.constant 64 : i32
      %add3A_317 = vector.broadcast %add3A_316 : i32 to vector<16xi32>
      %add3A_318 = arith.addi %iota3A, %add3A_317 : vector<16xi32>
      %eq3A_319 = arith.cmpi eq, %add3A_318, %min3A_283 : vector<16xi32>
      %jit3A_320 = arith.constant -1.000000e+30 : f32
      %broadcast_in_dim3A_321 = vector.broadcast %jit3A_320 : f32 to vector<16xf32>
      %select_n3A_322 = arith.select %eq3A_319, %broadcast_in_dim3A_321, %get3A_52 : vector<16xi1>, vector<16xf32>
      %add3A_323 = arith.constant 80 : i32
      %add3A_324 = vector.broadcast %add3A_323 : i32 to vector<16xi32>
      %add3A_325 = arith.addi %iota3A, %add3A_324 : vector<16xi32>
      %eq3A_326 = arith.cmpi eq, %add3A_325, %min3A_283 : vector<16xi32>
      %jit3A_327 = arith.constant -1.000000e+30 : f32
      %broadcast_in_dim3A_328 = vector.broadcast %jit3A_327 : f32 to vector<16xf32>
      %select_n3A_329 = arith.select %eq3A_326, %broadcast_in_dim3A_328, %get3A_55 : vector<16xi1>, vector<16xf32>
      %add3A_330 = arith.constant 96 : i32
      %add3A_331 = vector.broadcast %add3A_330 : i32 to vector<16xi32>
      %add3A_332 = arith.addi %iota3A, %add3A_331 : vector<16xi32>
      %eq3A_333 = arith.cmpi eq, %add3A_332, %min3A_283 : vector<16xi32>
      %jit3A_334 = arith.constant -1.000000e+30 : f32
      %broadcast_in_dim3A_335 = vector.broadcast %jit3A_334 : f32 to vector<16xf32>
      %select_n3A_336 = arith.select %eq3A_333, %broadcast_in_dim3A_335, %get3A_58 : vector<16xi1>, vector<16xf32>
      %add3A_337 = arith.constant 112 : i32
      %add3A_338 = vector.broadcast %add3A_337 : i32 to vector<16xi32>
      %add3A_339 = arith.addi %iota3A, %add3A_338 : vector<16xi32>
      %eq3A_340 = arith.cmpi eq, %add3A_339, %min3A_283 : vector<16xi32>
      %jit3A_341 = arith.constant -1.000000e+30 : f32
      %broadcast_in_dim3A_342 = vector.broadcast %jit3A_341 : f32 to vector<16xf32>
      %select_n3A_343 = arith.select %eq3A_340, %broadcast_in_dim3A_342, %get3A_61 : vector<16xi1>, vector<16xf32>
      %add3A_344 = arith.constant 128 : i32
      %add3A_345 = vector.broadcast %add3A_344 : i32 to vector<16xi32>
      %add3A_346 = arith.addi %iota3A, %add3A_345 : vector<16xi32>
      %eq3A_347 = arith.cmpi eq, %add3A_346, %min3A_283 : vector<16xi32>
      %jit3A_348 = arith.constant -1.000000e+30 : f32
      %broadcast_in_dim3A_349 = vector.broadcast %jit3A_348 : f32 to vector<16xf32>
      %select_n3A_350 = arith.select %eq3A_347, %broadcast_in_dim3A_349, %get3A_64 : vector<16xi1>, vector<16xf32>
      %add3A_351 = arith.constant 144 : i32
      %add3A_352 = vector.broadcast %add3A_351 : i32 to vector<16xi32>
      %add3A_353 = arith.addi %iota3A, %add3A_352 : vector<16xi32>
      %eq3A_354 = arith.cmpi eq, %add3A_353, %min3A_283 : vector<16xi32>
      %jit3A_355 = arith.constant -1.000000e+30 : f32
      %broadcast_in_dim3A_356 = vector.broadcast %jit3A_355 : f32 to vector<16xf32>
      %select_n3A_357 = arith.select %eq3A_354, %broadcast_in_dim3A_356, %get3A_67 : vector<16xi1>, vector<16xf32>
      %add3A_358 = arith.constant 160 : i32
      %add3A_359 = vector.broadcast %add3A_358 : i32 to vector<16xi32>
      %add3A_360 = arith.addi %iota3A, %add3A_359 : vector<16xi32>
      %eq3A_361 = arith.cmpi eq, %add3A_360, %min3A_283 : vector<16xi32>
      %jit3A_362 = arith.constant -1.000000e+30 : f32
      %broadcast_in_dim3A_363 = vector.broadcast %jit3A_362 : f32 to vector<16xf32>
      %select_n3A_364 = arith.select %eq3A_361, %broadcast_in_dim3A_363, %get3A_70 : vector<16xi1>, vector<16xf32>
      %add3A_365 = arith.constant 176 : i32
      %add3A_366 = vector.broadcast %add3A_365 : i32 to vector<16xi32>
      %add3A_367 = arith.addi %iota3A, %add3A_366 : vector<16xi32>
      %eq3A_368 = arith.cmpi eq, %add3A_367, %min3A_283 : vector<16xi32>
      %jit3A_369 = arith.constant -1.000000e+30 : f32
      %broadcast_in_dim3A_370 = vector.broadcast %jit3A_369 : f32 to vector<16xf32>
      %select_n3A_371 = arith.select %eq3A_368, %broadcast_in_dim3A_370, %get3A_73 : vector<16xi1>, vector<16xf32>
      %add3A_372 = arith.constant 192 : i32
      %add3A_373 = vector.broadcast %add3A_372 : i32 to vector<16xi32>
      %add3A_374 = arith.addi %iota3A, %add3A_373 : vector<16xi32>
      %eq3A_375 = arith.cmpi eq, %add3A_374, %min3A_283 : vector<16xi32>
      %jit3A_376 = arith.constant -1.000000e+30 : f32
      %broadcast_in_dim3A_377 = vector.broadcast %jit3A_376 : f32 to vector<16xf32>
      %select_n3A_378 = arith.select %eq3A_375, %broadcast_in_dim3A_377, %get3A_76 : vector<16xi1>, vector<16xf32>
      %add3A_379 = arith.constant 208 : i32
      %add3A_380 = vector.broadcast %add3A_379 : i32 to vector<16xi32>
      %add3A_381 = arith.addi %iota3A, %add3A_380 : vector<16xi32>
      %eq3A_382 = arith.cmpi eq, %add3A_381, %min3A_283 : vector<16xi32>
      %jit3A_383 = arith.constant -1.000000e+30 : f32
      %broadcast_in_dim3A_384 = vector.broadcast %jit3A_383 : f32 to vector<16xf32>
      %select_n3A_385 = arith.select %eq3A_382, %broadcast_in_dim3A_384, %get3A_79 : vector<16xi1>, vector<16xf32>
      %add3A_386 = arith.constant 224 : i32
      %add3A_387 = vector.broadcast %add3A_386 : i32 to vector<16xi32>
      %add3A_388 = arith.addi %iota3A, %add3A_387 : vector<16xi32>
      %eq3A_389 = arith.cmpi eq, %add3A_388, %min3A_283 : vector<16xi32>
      %jit3A_390 = arith.constant -1.000000e+30 : f32
      %broadcast_in_dim3A_391 = vector.broadcast %jit3A_390 : f32 to vector<16xf32>
      %select_n3A_392 = arith.select %eq3A_389, %broadcast_in_dim3A_391, %get3A_82 : vector<16xi1>, vector<16xf32>
      %add3A_393 = arith.constant 240 : i32
      %add3A_394 = vector.broadcast %add3A_393 : i32 to vector<16xi32>
      %add3A_395 = arith.addi %iota3A, %add3A_394 : vector<16xi32>
      %eq3A_396 = arith.cmpi eq, %add3A_395, %min3A_283 : vector<16xi32>
      %jit3A_397 = arith.constant -1.000000e+30 : f32
      %broadcast_in_dim3A_398 = vector.broadcast %jit3A_397 : f32 to vector<16xf32>
      %select_n3A_399 = arith.select %eq3A_396, %broadcast_in_dim3A_398, %get3A_85 : vector<16xi1>, vector<16xf32>
      %max3A_400 = arith.maximumf %select_n3A_294, %select_n3A_301 : vector<16xf32>
      %max3A_401 = arith.maximumf %max3A_400, %select_n3A_308 : vector<16xf32>
      %max3A_402 = arith.maximumf %max3A_401, %select_n3A_315 : vector<16xf32>
      %max3A_403 = arith.maximumf %max3A_402, %select_n3A_322 : vector<16xf32>
      %max3A_404 = arith.maximumf %max3A_403, %select_n3A_329 : vector<16xf32>
      %max3A_405 = arith.maximumf %max3A_404, %select_n3A_336 : vector<16xf32>
      %max3A_406 = arith.maximumf %max3A_405, %select_n3A_343 : vector<16xf32>
      %max3A_407 = arith.maximumf %max3A_406, %select_n3A_350 : vector<16xf32>
      %max3A_408 = arith.maximumf %max3A_407, %select_n3A_357 : vector<16xf32>
      %max3A_409 = arith.maximumf %max3A_408, %select_n3A_364 : vector<16xf32>
      %max3A_410 = arith.maximumf %max3A_409, %select_n3A_371 : vector<16xf32>
      %max3A_411 = arith.maximumf %max3A_410, %select_n3A_378 : vector<16xf32>
      %max3A_412 = arith.maximumf %max3A_411, %select_n3A_385 : vector<16xf32>
      %max3A_413 = arith.maximumf %max3A_412, %select_n3A_392 : vector<16xf32>
      %max3A_414 = arith.maximumf %max3A_413, %select_n3A_399 : vector<16xf32>
      %xor3A_415 = arith.constant 1 : i32
      %xor3A_416 = vector.broadcast %xor3A_415 : i32 to vector<16xi32>
      %xor3A_417 = arith.xori %iota3A, %xor3A_416 : vector<16xi32>
      %broadcast_in_dim3A_418 = vector.shape_cast %xor3A_417 : vector<16xi32> to vector<16x1xi32>
      %gather3A_419 = vector.shape_cast %broadcast_in_dim3A_418 : vector<16x1xi32> to vector<16xi32>
      %gather3A_420 = tpu.dynamic_gather %max3A_414[%gather3A_419] in [0] : vector<16xf32>, vector<16xi32> -> vector<16xf32>
      %max3A_421 = arith.maximumf %max3A_414, %gather3A_420 : vector<16xf32>
      %xor3A_422 = arith.constant 2 : i32
      %xor3A_423 = vector.broadcast %xor3A_422 : i32 to vector<16xi32>
      %xor3A_424 = arith.xori %iota3A, %xor3A_423 : vector<16xi32>
      %broadcast_in_dim3A_425 = vector.shape_cast %xor3A_424 : vector<16xi32> to vector<16x1xi32>
      %gather3A_426 = vector.shape_cast %broadcast_in_dim3A_425 : vector<16x1xi32> to vector<16xi32>
      %gather3A_427 = tpu.dynamic_gather %max3A_421[%gather3A_426] in [0] : vector<16xf32>, vector<16xi32> -> vector<16xf32>
      %max3A_428 = arith.maximumf %max3A_421, %gather3A_427 : vector<16xf32>
      %xor3A_429 = arith.constant 4 : i32
      %xor3A_430 = vector.broadcast %xor3A_429 : i32 to vector<16xi32>
      %xor3A_431 = arith.xori %iota3A, %xor3A_430 : vector<16xi32>
      %broadcast_in_dim3A_432 = vector.shape_cast %xor3A_431 : vector<16xi32> to vector<16x1xi32>
      %gather3A_433 = vector.shape_cast %broadcast_in_dim3A_432 : vector<16x1xi32> to vector<16xi32>
      %gather3A_434 = tpu.dynamic_gather %max3A_428[%gather3A_433] in [0] : vector<16xf32>, vector<16xi32> -> vector<16xf32>
      %max3A_435 = arith.maximumf %max3A_428, %gather3A_434 : vector<16xf32>
      %xor3A_436 = arith.constant 8 : i32
      %xor3A_437 = vector.broadcast %xor3A_436 : i32 to vector<16xi32>
      %xor3A_438 = arith.xori %iota3A, %xor3A_437 : vector<16xi32>
      %broadcast_in_dim3A_439 = vector.shape_cast %xor3A_438 : vector<16xi32> to vector<16x1xi32>
      %gather3A_440 = vector.shape_cast %broadcast_in_dim3A_439 : vector<16x1xi32> to vector<16xi32>
      %gather3A_441 = tpu.dynamic_gather %max3A_435[%gather3A_440] in [0] : vector<16xf32>, vector<16xi32> -> vector<16xf32>
      %max3A_442 = arith.maximumf %max3A_435, %gather3A_441 : vector<16xf32>
      %broadcast_in_dim3A_443 = arith.constant 256 : i32
      %broadcast_in_dim3A_444 = vector.broadcast %broadcast_in_dim3A_443 : i32 to vector<16xi32>
      %eq3A_445 = arith.cmpf oeq, %select_n3A_294, %max3A_442 : vector<16xf32>
      %add3A_446 = arith.constant 0 : i32
      %add3A_447 = vector.broadcast %add3A_446 : i32 to vector<16xi32>
      %add3A_448 = arith.addi %iota3A, %add3A_447 : vector<16xi32>
      %jit3A_449 = arith.constant 256 : i32
      %broadcast_in_dim3A_450 = vector.broadcast %jit3A_449 : i32 to vector<16xi32>
      %select_n3A_451 = arith.select %eq3A_445, %add3A_448, %broadcast_in_dim3A_450 : vector<16xi1>, vector<16xi32>
      %min3A_452 = arith.minsi %broadcast_in_dim3A_444, %select_n3A_451 : vector<16xi32>
      %eq3A_453 = arith.cmpf oeq, %select_n3A_301, %max3A_442 : vector<16xf32>
      %add3A_454 = arith.constant 16 : i32
      %add3A_455 = vector.broadcast %add3A_454 : i32 to vector<16xi32>
      %add3A_456 = arith.addi %iota3A, %add3A_455 : vector<16xi32>
      %jit3A_457 = arith.constant 256 : i32
      %broadcast_in_dim3A_458 = vector.broadcast %jit3A_457 : i32 to vector<16xi32>
      %select_n3A_459 = arith.select %eq3A_453, %add3A_456, %broadcast_in_dim3A_458 : vector<16xi1>, vector<16xi32>
      %min3A_460 = arith.minsi %min3A_452, %select_n3A_459 : vector<16xi32>
      %eq3A_461 = arith.cmpf oeq, %select_n3A_308, %max3A_442 : vector<16xf32>
      %add3A_462 = arith.constant 32 : i32
      %add3A_463 = vector.broadcast %add3A_462 : i32 to vector<16xi32>
      %add3A_464 = arith.addi %iota3A, %add3A_463 : vector<16xi32>
      %jit3A_465 = arith.constant 256 : i32
      %broadcast_in_dim3A_466 = vector.broadcast %jit3A_465 : i32 to vector<16xi32>
      %select_n3A_467 = arith.select %eq3A_461, %add3A_464, %broadcast_in_dim3A_466 : vector<16xi1>, vector<16xi32>
      %min3A_468 = arith.minsi %min3A_460, %select_n3A_467 : vector<16xi32>
      %eq3A_469 = arith.cmpf oeq, %select_n3A_315, %max3A_442 : vector<16xf32>
      %add3A_470 = arith.constant 48 : i32
      %add3A_471 = vector.broadcast %add3A_470 : i32 to vector<16xi32>
      %add3A_472 = arith.addi %iota3A, %add3A_471 : vector<16xi32>
      %jit3A_473 = arith.constant 256 : i32
      %broadcast_in_dim3A_474 = vector.broadcast %jit3A_473 : i32 to vector<16xi32>
      %select_n3A_475 = arith.select %eq3A_469, %add3A_472, %broadcast_in_dim3A_474 : vector<16xi1>, vector<16xi32>
      %min3A_476 = arith.minsi %min3A_468, %select_n3A_475 : vector<16xi32>
      %eq3A_477 = arith.cmpf oeq, %select_n3A_322, %max3A_442 : vector<16xf32>
      %add3A_478 = arith.constant 64 : i32
      %add3A_479 = vector.broadcast %add3A_478 : i32 to vector<16xi32>
      %add3A_480 = arith.addi %iota3A, %add3A_479 : vector<16xi32>
      %jit3A_481 = arith.constant 256 : i32
      %broadcast_in_dim3A_482 = vector.broadcast %jit3A_481 : i32 to vector<16xi32>
      %select_n3A_483 = arith.select %eq3A_477, %add3A_480, %broadcast_in_dim3A_482 : vector<16xi1>, vector<16xi32>
      %min3A_484 = arith.minsi %min3A_476, %select_n3A_483 : vector<16xi32>
      %eq3A_485 = arith.cmpf oeq, %select_n3A_329, %max3A_442 : vector<16xf32>
      %add3A_486 = arith.constant 80 : i32
      %add3A_487 = vector.broadcast %add3A_486 : i32 to vector<16xi32>
      %add3A_488 = arith.addi %iota3A, %add3A_487 : vector<16xi32>
      %jit3A_489 = arith.constant 256 : i32
      %broadcast_in_dim3A_490 = vector.broadcast %jit3A_489 : i32 to vector<16xi32>
      %select_n3A_491 = arith.select %eq3A_485, %add3A_488, %broadcast_in_dim3A_490 : vector<16xi1>, vector<16xi32>
      %min3A_492 = arith.minsi %min3A_484, %select_n3A_491 : vector<16xi32>
      %eq3A_493 = arith.cmpf oeq, %select_n3A_336, %max3A_442 : vector<16xf32>
      %add3A_494 = arith.constant 96 : i32
      %add3A_495 = vector.broadcast %add3A_494 : i32 to vector<16xi32>
      %add3A_496 = arith.addi %iota3A, %add3A_495 : vector<16xi32>
      %jit3A_497 = arith.constant 256 : i32
      %broadcast_in_dim3A_498 = vector.broadcast %jit3A_497 : i32 to vector<16xi32>
      %select_n3A_499 = arith.select %eq3A_493, %add3A_496, %broadcast_in_dim3A_498 : vector<16xi1>, vector<16xi32>
      %min3A_500 = arith.minsi %min3A_492, %select_n3A_499 : vector<16xi32>
      %eq3A_501 = arith.cmpf oeq, %select_n3A_343, %max3A_442 : vector<16xf32>
      %add3A_502 = arith.constant 112 : i32
      %add3A_503 = vector.broadcast %add3A_502 : i32 to vector<16xi32>
      %add3A_504 = arith.addi %iota3A, %add3A_503 : vector<16xi32>
      %jit3A_505 = arith.constant 256 : i32
      %broadcast_in_dim3A_506 = vector.broadcast %jit3A_505 : i32 to vector<16xi32>
      %select_n3A_507 = arith.select %eq3A_501, %add3A_504, %broadcast_in_dim3A_506 : vector<16xi1>, vector<16xi32>
      %min3A_508 = arith.minsi %min3A_500, %select_n3A_507 : vector<16xi32>
      %eq3A_509 = arith.cmpf oeq, %select_n3A_350, %max3A_442 : vector<16xf32>
      %add3A_510 = arith.constant 128 : i32
      %add3A_511 = vector.broadcast %add3A_510 : i32 to vector<16xi32>
      %add3A_512 = arith.addi %iota3A, %add3A_511 : vector<16xi32>
      %jit3A_513 = arith.constant 256 : i32
      %broadcast_in_dim3A_514 = vector.broadcast %jit3A_513 : i32 to vector<16xi32>
      %select_n3A_515 = arith.select %eq3A_509, %add3A_512, %broadcast_in_dim3A_514 : vector<16xi1>, vector<16xi32>
      %min3A_516 = arith.minsi %min3A_508, %select_n3A_515 : vector<16xi32>
      %eq3A_517 = arith.cmpf oeq, %select_n3A_357, %max3A_442 : vector<16xf32>
      %add3A_518 = arith.constant 144 : i32
      %add3A_519 = vector.broadcast %add3A_518 : i32 to vector<16xi32>
      %add3A_520 = arith.addi %iota3A, %add3A_519 : vector<16xi32>
      %jit3A_521 = arith.constant 256 : i32
      %broadcast_in_dim3A_522 = vector.broadcast %jit3A_521 : i32 to vector<16xi32>
      %select_n3A_523 = arith.select %eq3A_517, %add3A_520, %broadcast_in_dim3A_522 : vector<16xi1>, vector<16xi32>
      %min3A_524 = arith.minsi %min3A_516, %select_n3A_523 : vector<16xi32>
      %eq3A_525 = arith.cmpf oeq, %select_n3A_364, %max3A_442 : vector<16xf32>
      %add3A_526 = arith.constant 160 : i32
      %add3A_527 = vector.broadcast %add3A_526 : i32 to vector<16xi32>
      %add3A_528 = arith.addi %iota3A, %add3A_527 : vector<16xi32>
      %jit3A_529 = arith.constant 256 : i32
      %broadcast_in_dim3A_530 = vector.broadcast %jit3A_529 : i32 to vector<16xi32>
      %select_n3A_531 = arith.select %eq3A_525, %add3A_528, %broadcast_in_dim3A_530 : vector<16xi1>, vector<16xi32>
      %min3A_532 = arith.minsi %min3A_524, %select_n3A_531 : vector<16xi32>
      %eq3A_533 = arith.cmpf oeq, %select_n3A_371, %max3A_442 : vector<16xf32>
      %add3A_534 = arith.constant 176 : i32
      %add3A_535 = vector.broadcast %add3A_534 : i32 to vector<16xi32>
      %add3A_536 = arith.addi %iota3A, %add3A_535 : vector<16xi32>
      %jit3A_537 = arith.constant 256 : i32
      %broadcast_in_dim3A_538 = vector.broadcast %jit3A_537 : i32 to vector<16xi32>
      %select_n3A_539 = arith.select %eq3A_533, %add3A_536, %broadcast_in_dim3A_538 : vector<16xi1>, vector<16xi32>
      %min3A_540 = arith.minsi %min3A_532, %select_n3A_539 : vector<16xi32>
      %eq3A_541 = arith.cmpf oeq, %select_n3A_378, %max3A_442 : vector<16xf32>
      %add3A_542 = arith.constant 192 : i32
      %add3A_543 = vector.broadcast %add3A_542 : i32 to vector<16xi32>
      %add3A_544 = arith.addi %iota3A, %add3A_543 : vector<16xi32>
      %jit3A_545 = arith.constant 256 : i32
      %broadcast_in_dim3A_546 = vector.broadcast %jit3A_545 : i32 to vector<16xi32>
      %select_n3A_547 = arith.select %eq3A_541, %add3A_544, %broadcast_in_dim3A_546 : vector<16xi1>, vector<16xi32>
      %min3A_548 = arith.minsi %min3A_540, %select_n3A_547 : vector<16xi32>
      %eq3A_549 = arith.cmpf oeq, %select_n3A_385, %max3A_442 : vector<16xf32>
      %add3A_550 = arith.constant 208 : i32
      %add3A_551 = vector.broadcast %add3A_550 : i32 to vector<16xi32>
      %add3A_552 = arith.addi %iota3A, %add3A_551 : vector<16xi32>
      %jit3A_553 = arith.constant 256 : i32
      %broadcast_in_dim3A_554 = vector.broadcast %jit3A_553 : i32 to vector<16xi32>
      %select_n3A_555 = arith.select %eq3A_549, %add3A_552, %broadcast_in_dim3A_554 : vector<16xi1>, vector<16xi32>
      %min3A_556 = arith.minsi %min3A_548, %select_n3A_555 : vector<16xi32>
      %eq3A_557 = arith.cmpf oeq, %select_n3A_392, %max3A_442 : vector<16xf32>
      %add3A_558 = arith.constant 224 : i32
      %add3A_559 = vector.broadcast %add3A_558 : i32 to vector<16xi32>
      %add3A_560 = arith.addi %iota3A, %add3A_559 : vector<16xi32>
      %jit3A_561 = arith.constant 256 : i32
      %broadcast_in_dim3A_562 = vector.broadcast %jit3A_561 : i32 to vector<16xi32>
      %select_n3A_563 = arith.select %eq3A_557, %add3A_560, %broadcast_in_dim3A_562 : vector<16xi1>, vector<16xi32>
      %min3A_564 = arith.minsi %min3A_556, %select_n3A_563 : vector<16xi32>
      %eq3A_565 = arith.cmpf oeq, %select_n3A_399, %max3A_442 : vector<16xf32>
      %add3A_566 = arith.constant 240 : i32
      %add3A_567 = vector.broadcast %add3A_566 : i32 to vector<16xi32>
      %add3A_568 = arith.addi %iota3A, %add3A_567 : vector<16xi32>
      %jit3A_569 = arith.constant 256 : i32
      %broadcast_in_dim3A_570 = vector.broadcast %jit3A_569 : i32 to vector<16xi32>
      %select_n3A_571 = arith.select %eq3A_565, %add3A_568, %broadcast_in_dim3A_570 : vector<16xi1>, vector<16xi32>
      %min3A_572 = arith.minsi %min3A_564, %select_n3A_571 : vector<16xi32>
      %xor3A_573 = arith.constant 1 : i32
      %xor3A_574 = vector.broadcast %xor3A_573 : i32 to vector<16xi32>
      %xor3A_575 = arith.xori %iota3A, %xor3A_574 : vector<16xi32>
      %broadcast_in_dim3A_576 = vector.shape_cast %xor3A_575 : vector<16xi32> to vector<16x1xi32>
      %gather3A_577 = vector.shape_cast %broadcast_in_dim3A_576 : vector<16x1xi32> to vector<16xi32>
      %gather3A_578 = tpu.dynamic_gather %min3A_572[%gather3A_577] in [0] : vector<16xi32>, vector<16xi32> -> vector<16xi32>
      %min3A_579 = arith.minsi %min3A_572, %gather3A_578 : vector<16xi32>
      %xor3A_580 = arith.constant 2 : i32
      %xor3A_581 = vector.broadcast %xor3A_580 : i32 to vector<16xi32>
      %xor3A_582 = arith.xori %iota3A, %xor3A_581 : vector<16xi32>
      %broadcast_in_dim3A_583 = vector.shape_cast %xor3A_582 : vector<16xi32> to vector<16x1xi32>
      %gather3A_584 = vector.shape_cast %broadcast_in_dim3A_583 : vector<16x1xi32> to vector<16xi32>
      %gather3A_585 = tpu.dynamic_gather %min3A_579[%gather3A_584] in [0] : vector<16xi32>, vector<16xi32> -> vector<16xi32>
      %min3A_586 = arith.minsi %min3A_579, %gather3A_585 : vector<16xi32>
      %xor3A_587 = arith.constant 4 : i32
      %xor3A_588 = vector.broadcast %xor3A_587 : i32 to vector<16xi32>
      %xor3A_589 = arith.xori %iota3A, %xor3A_588 : vector<16xi32>
      %broadcast_in_dim3A_590 = vector.shape_cast %xor3A_589 : vector<16xi32> to vector<16x1xi32>
      %gather3A_591 = vector.shape_cast %broadcast_in_dim3A_590 : vector<16x1xi32> to vector<16xi32>
      %gather3A_592 = tpu.dynamic_gather %min3A_586[%gather3A_591] in [0] : vector<16xi32>, vector<16xi32> -> vector<16xi32>
      %min3A_593 = arith.minsi %min3A_586, %gather3A_592 : vector<16xi32>
      %xor3A_594 = arith.constant 8 : i32
      %xor3A_595 = vector.broadcast %xor3A_594 : i32 to vector<16xi32>
      %xor3A_596 = arith.xori %iota3A, %xor3A_595 : vector<16xi32>
      %broadcast_in_dim3A_597 = vector.shape_cast %xor3A_596 : vector<16xi32> to vector<16x1xi32>
      %gather3A_598 = vector.shape_cast %broadcast_in_dim3A_597 : vector<16x1xi32> to vector<16xi32>
      %gather3A_599 = tpu.dynamic_gather %min3A_593[%gather3A_598] in [0] : vector<16xi32>, vector<16xi32> -> vector<16xi32>
      %min3A_600 = arith.minsi %min3A_593, %gather3A_599 : vector<16xi32>
      %eq3A_601 = arith.constant 1 : i32
      %eq3A_602 = vector.broadcast %eq3A_601 : i32 to vector<16xi32>
      %eq3A_603 = arith.cmpi eq, %iota3A, %eq3A_602 : vector<16xi32>
      %select_n3A_604 = arith.select %eq3A_603, %min3A_600, %select_n3A_287 : vector<16xi1>, vector<16xi32>
      %add3A_605 = arith.constant 0 : i32
      %add3A_606 = vector.broadcast %add3A_605 : i32 to vector<16xi32>
      %add3A_607 = arith.addi %iota3A, %add3A_606 : vector<16xi32>
      %eq3A_608 = arith.cmpi eq, %add3A_607, %min3A_600 : vector<16xi32>
      %jit3A_609 = arith.constant -1.000000e+30 : f32
      %broadcast_in_dim3A_610 = vector.broadcast %jit3A_609 : f32 to vector<16xf32>
      %select_n3A_611 = arith.select %eq3A_608, %broadcast_in_dim3A_610, %select_n3A_294 : vector<16xi1>, vector<16xf32>
      %add3A_612 = arith.constant 16 : i32
      %add3A_613 = vector.broadcast %add3A_612 : i32 to vector<16xi32>
      %add3A_614 = arith.addi %iota3A, %add3A_613 : vector<16xi32>
      %eq3A_615 = arith.cmpi eq, %add3A_614, %min3A_600 : vector<16xi32>
      %jit3A_616 = arith.constant -1.000000e+30 : f32
      %broadcast_in_dim3A_617 = vector.broadcast %jit3A_616 : f32 to vector<16xf32>
      %select_n3A_618 = arith.select %eq3A_615, %broadcast_in_dim3A_617, %select_n3A_301 : vector<16xi1>, vector<16xf32>
      %add3A_619 = arith.constant 32 : i32
      %add3A_620 = vector.broadcast %add3A_619 : i32 to vector<16xi32>
      %add3A_621 = arith.addi %iota3A, %add3A_620 : vector<16xi32>
      %eq3A_622 = arith.cmpi eq, %add3A_621, %min3A_600 : vector<16xi32>
      %jit3A_623 = arith.constant -1.000000e+30 : f32
      %broadcast_in_dim3A_624 = vector.broadcast %jit3A_623 : f32 to vector<16xf32>
      %select_n3A_625 = arith.select %eq3A_622, %broadcast_in_dim3A_624, %select_n3A_308 : vector<16xi1>, vector<16xf32>
      %add3A_626 = arith.constant 48 : i32
      %add3A_627 = vector.broadcast %add3A_626 : i32 to vector<16xi32>
      %add3A_628 = arith.addi %iota3A, %add3A_627 : vector<16xi32>
      %eq3A_629 = arith.cmpi eq, %add3A_628, %min3A_600 : vector<16xi32>
      %jit3A_630 = arith.constant -1.000000e+30 : f32
      %broadcast_in_dim3A_631 = vector.broadcast %jit3A_630 : f32 to vector<16xf32>
      %select_n3A_632 = arith.select %eq3A_629, %broadcast_in_dim3A_631, %select_n3A_315 : vector<16xi1>, vector<16xf32>
      %add3A_633 = arith.constant 64 : i32
      %add3A_634 = vector.broadcast %add3A_633 : i32 to vector<16xi32>
      %add3A_635 = arith.addi %iota3A, %add3A_634 : vector<16xi32>
      %eq3A_636 = arith.cmpi eq, %add3A_635, %min3A_600 : vector<16xi32>
      %jit3A_637 = arith.constant -1.000000e+30 : f32
      %broadcast_in_dim3A_638 = vector.broadcast %jit3A_637 : f32 to vector<16xf32>
      %select_n3A_639 = arith.select %eq3A_636, %broadcast_in_dim3A_638, %select_n3A_322 : vector<16xi1>, vector<16xf32>
      %add3A_640 = arith.constant 80 : i32
      %add3A_641 = vector.broadcast %add3A_640 : i32 to vector<16xi32>
      %add3A_642 = arith.addi %iota3A, %add3A_641 : vector<16xi32>
      %eq3A_643 = arith.cmpi eq, %add3A_642, %min3A_600 : vector<16xi32>
      %jit3A_644 = arith.constant -1.000000e+30 : f32
      %broadcast_in_dim3A_645 = vector.broadcast %jit3A_644 : f32 to vector<16xf32>
      %select_n3A_646 = arith.select %eq3A_643, %broadcast_in_dim3A_645, %select_n3A_329 : vector<16xi1>, vector<16xf32>
      %add3A_647 = arith.constant 96 : i32
      %add3A_648 = vector.broadcast %add3A_647 : i32 to vector<16xi32>
      %add3A_649 = arith.addi %iota3A, %add3A_648 : vector<16xi32>
      %eq3A_650 = arith.cmpi eq, %add3A_649, %min3A_600 : vector<16xi32>
      %jit3A_651 = arith.constant -1.000000e+30 : f32
      %broadcast_in_dim3A_652 = vector.broadcast %jit3A_651 : f32 to vector<16xf32>
      %select_n3A_653 = arith.select %eq3A_650, %broadcast_in_dim3A_652, %select_n3A_336 : vector<16xi1>, vector<16xf32>
      %add3A_654 = arith.constant 112 : i32
      %add3A_655 = vector.broadcast %add3A_654 : i32 to vector<16xi32>
      %add3A_656 = arith.addi %iota3A, %add3A_655 : vector<16xi32>
      %eq3A_657 = arith.cmpi eq, %add3A_656, %min3A_600 : vector<16xi32>
      %jit3A_658 = arith.constant -1.000000e+30 : f32
      %broadcast_in_dim3A_659 = vector.broadcast %jit3A_658 : f32 to vector<16xf32>
      %select_n3A_660 = arith.select %eq3A_657, %broadcast_in_dim3A_659, %select_n3A_343 : vector<16xi1>, vector<16xf32>
      %add3A_661 = arith.constant 128 : i32
      %add3A_662 = vector.broadcast %add3A_661 : i32 to vector<16xi32>
      %add3A_663 = arith.addi %iota3A, %add3A_662 : vector<16xi32>
      %eq3A_664 = arith.cmpi eq, %add3A_663, %min3A_600 : vector<16xi32>
      %jit3A_665 = arith.constant -1.000000e+30 : f32
      %broadcast_in_dim3A_666 = vector.broadcast %jit3A_665 : f32 to vector<16xf32>
      %select_n3A_667 = arith.select %eq3A_664, %broadcast_in_dim3A_666, %select_n3A_350 : vector<16xi1>, vector<16xf32>
      %add3A_668 = arith.constant 144 : i32
      %add3A_669 = vector.broadcast %add3A_668 : i32 to vector<16xi32>
      %add3A_670 = arith.addi %iota3A, %add3A_669 : vector<16xi32>
      %eq3A_671 = arith.cmpi eq, %add3A_670, %min3A_600 : vector<16xi32>
      %jit3A_672 = arith.constant -1.000000e+30 : f32
      %broadcast_in_dim3A_673 = vector.broadcast %jit3A_672 : f32 to vector<16xf32>
      %select_n3A_674 = arith.select %eq3A_671, %broadcast_in_dim3A_673, %select_n3A_357 : vector<16xi1>, vector<16xf32>
      %add3A_675 = arith.constant 160 : i32
      %add3A_676 = vector.broadcast %add3A_675 : i32 to vector<16xi32>
      %add3A_677 = arith.addi %iota3A, %add3A_676 : vector<16xi32>
      %eq3A_678 = arith.cmpi eq, %add3A_677, %min3A_600 : vector<16xi32>
      %jit3A_679 = arith.constant -1.000000e+30 : f32
      %broadcast_in_dim3A_680 = vector.broadcast %jit3A_679 : f32 to vector<16xf32>
      %select_n3A_681 = arith.select %eq3A_678, %broadcast_in_dim3A_680, %select_n3A_364 : vector<16xi1>, vector<16xf32>
      %add3A_682 = arith.constant 176 : i32
      %add3A_683 = vector.broadcast %add3A_682 : i32 to vector<16xi32>
      %add3A_684 = arith.addi %iota3A, %add3A_683 : vector<16xi32>
      %eq3A_685 = arith.cmpi eq, %add3A_684, %min3A_600 : vector<16xi32>
      %jit3A_686 = arith.constant -1.000000e+30 : f32
      %broadcast_in_dim3A_687 = vector.broadcast %jit3A_686 : f32 to vector<16xf32>
      %select_n3A_688 = arith.select %eq3A_685, %broadcast_in_dim3A_687, %select_n3A_371 : vector<16xi1>, vector<16xf32>
      %add3A_689 = arith.constant 192 : i32
      %add3A_690 = vector.broadcast %add3A_689 : i32 to vector<16xi32>
      %add3A_691 = arith.addi %iota3A, %add3A_690 : vector<16xi32>
      %eq3A_692 = arith.cmpi eq, %add3A_691, %min3A_600 : vector<16xi32>
      %jit3A_693 = arith.constant -1.000000e+30 : f32
      %broadcast_in_dim3A_694 = vector.broadcast %jit3A_693 : f32 to vector<16xf32>
      %select_n3A_695 = arith.select %eq3A_692, %broadcast_in_dim3A_694, %select_n3A_378 : vector<16xi1>, vector<16xf32>
      %add3A_696 = arith.constant 208 : i32
      %add3A_697 = vector.broadcast %add3A_696 : i32 to vector<16xi32>
      %add3A_698 = arith.addi %iota3A, %add3A_697 : vector<16xi32>
      %eq3A_699 = arith.cmpi eq, %add3A_698, %min3A_600 : vector<16xi32>
      %jit3A_700 = arith.constant -1.000000e+30 : f32
      %broadcast_in_dim3A_701 = vector.broadcast %jit3A_700 : f32 to vector<16xf32>
      %select_n3A_702 = arith.select %eq3A_699, %broadcast_in_dim3A_701, %select_n3A_385 : vector<16xi1>, vector<16xf32>
      %add3A_703 = arith.constant 224 : i32
      %add3A_704 = vector.broadcast %add3A_703 : i32 to vector<16xi32>
      %add3A_705 = arith.addi %iota3A, %add3A_704 : vector<16xi32>
      %eq3A_706 = arith.cmpi eq, %add3A_705, %min3A_600 : vector<16xi32>
      %jit3A_707 = arith.constant -1.000000e+30 : f32
      %broadcast_in_dim3A_708 = vector.broadcast %jit3A_707 : f32 to vector<16xf32>
      %select_n3A_709 = arith.select %eq3A_706, %broadcast_in_dim3A_708, %select_n3A_392 : vector<16xi1>, vector<16xf32>
      %add3A_710 = arith.constant 240 : i32
      %add3A_711 = vector.broadcast %add3A_710 : i32 to vector<16xi32>
      %add3A_712 = arith.addi %iota3A, %add3A_711 : vector<16xi32>
      %eq3A_713 = arith.cmpi eq, %add3A_712, %min3A_600 : vector<16xi32>
      %jit3A_714 = arith.constant -1.000000e+30 : f32
      %broadcast_in_dim3A_715 = vector.broadcast %jit3A_714 : f32 to vector<16xf32>
      %select_n3A_716 = arith.select %eq3A_713, %broadcast_in_dim3A_715, %select_n3A_399 : vector<16xi1>, vector<16xf32>
      %max3A_717 = arith.maximumf %select_n3A_611, %select_n3A_618 : vector<16xf32>
      %max3A_718 = arith.maximumf %max3A_717, %select_n3A_625 : vector<16xf32>
      %max3A_719 = arith.maximumf %max3A_718, %select_n3A_632 : vector<16xf32>
      %max3A_720 = arith.maximumf %max3A_719, %select_n3A_639 : vector<16xf32>
      %max3A_721 = arith.maximumf %max3A_720, %select_n3A_646 : vector<16xf32>
      %max3A_722 = arith.maximumf %max3A_721, %select_n3A_653 : vector<16xf32>
      %max3A_723 = arith.maximumf %max3A_722, %select_n3A_660 : vector<16xf32>
      %max3A_724 = arith.maximumf %max3A_723, %select_n3A_667 : vector<16xf32>
      %max3A_725 = arith.maximumf %max3A_724, %select_n3A_674 : vector<16xf32>
      %max3A_726 = arith.maximumf %max3A_725, %select_n3A_681 : vector<16xf32>
      %max3A_727 = arith.maximumf %max3A_726, %select_n3A_688 : vector<16xf32>
      %max3A_728 = arith.maximumf %max3A_727, %select_n3A_695 : vector<16xf32>
      %max3A_729 = arith.maximumf %max3A_728, %select_n3A_702 : vector<16xf32>
      %max3A_730 = arith.maximumf %max3A_729, %select_n3A_709 : vector<16xf32>
      %max3A_731 = arith.maximumf %max3A_730, %select_n3A_716 : vector<16xf32>
      %xor3A_732 = arith.constant 1 : i32
      %xor3A_733 = vector.broadcast %xor3A_732 : i32 to vector<16xi32>
      %xor3A_734 = arith.xori %iota3A, %xor3A_733 : vector<16xi32>
      %broadcast_in_dim3A_735 = vector.shape_cast %xor3A_734 : vector<16xi32> to vector<16x1xi32>
      %gather3A_736 = vector.shape_cast %broadcast_in_dim3A_735 : vector<16x1xi32> to vector<16xi32>
      %gather3A_737 = tpu.dynamic_gather %max3A_731[%gather3A_736] in [0] : vector<16xf32>, vector<16xi32> -> vector<16xf32>
      %max3A_738 = arith.maximumf %max3A_731, %gather3A_737 : vector<16xf32>
      %xor3A_739 = arith.constant 2 : i32
      %xor3A_740 = vector.broadcast %xor3A_739 : i32 to vector<16xi32>
      %xor3A_741 = arith.xori %iota3A, %xor3A_740 : vector<16xi32>
      %broadcast_in_dim3A_742 = vector.shape_cast %xor3A_741 : vector<16xi32> to vector<16x1xi32>
      %gather3A_743 = vector.shape_cast %broadcast_in_dim3A_742 : vector<16x1xi32> to vector<16xi32>
      %gather3A_744 = tpu.dynamic_gather %max3A_738[%gather3A_743] in [0] : vector<16xf32>, vector<16xi32> -> vector<16xf32>
      %max3A_745 = arith.maximumf %max3A_738, %gather3A_744 : vector<16xf32>
      %xor3A_746 = arith.constant 4 : i32
      %xor3A_747 = vector.broadcast %xor3A_746 : i32 to vector<16xi32>
      %xor3A_748 = arith.xori %iota3A, %xor3A_747 : vector<16xi32>
      %broadcast_in_dim3A_749 = vector.shape_cast %xor3A_748 : vector<16xi32> to vector<16x1xi32>
      %gather3A_750 = vector.shape_cast %broadcast_in_dim3A_749 : vector<16x1xi32> to vector<16xi32>
      %gather3A_751 = tpu.dynamic_gather %max3A_745[%gather3A_750] in [0] : vector<16xf32>, vector<16xi32> -> vector<16xf32>
      %max3A_752 = arith.maximumf %max3A_745, %gather3A_751 : vector<16xf32>
      %xor3A_753 = arith.constant 8 : i32
      %xor3A_754 = vector.broadcast %xor3A_753 : i32 to vector<16xi32>
      %xor3A_755 = arith.xori %iota3A, %xor3A_754 : vector<16xi32>
      %broadcast_in_dim3A_756 = vector.shape_cast %xor3A_755 : vector<16xi32> to vector<16x1xi32>
      %gather3A_757 = vector.shape_cast %broadcast_in_dim3A_756 : vector<16x1xi32> to vector<16xi32>
      %gather3A_758 = tpu.dynamic_gather %max3A_752[%gather3A_757] in [0] : vector<16xf32>, vector<16xi32> -> vector<16xf32>
      %max3A_759 = arith.maximumf %max3A_752, %gather3A_758 : vector<16xf32>
      %broadcast_in_dim3A_760 = arith.constant 256 : i32
      %broadcast_in_dim3A_761 = vector.broadcast %broadcast_in_dim3A_760 : i32 to vector<16xi32>
      %eq3A_762 = arith.cmpf oeq, %select_n3A_611, %max3A_759 : vector<16xf32>
      %add3A_763 = arith.constant 0 : i32
      %add3A_764 = vector.broadcast %add3A_763 : i32 to vector<16xi32>
      %add3A_765 = arith.addi %iota3A, %add3A_764 : vector<16xi32>
      %jit3A_766 = arith.constant 256 : i32
      %broadcast_in_dim3A_767 = vector.broadcast %jit3A_766 : i32 to vector<16xi32>
      %select_n3A_768 = arith.select %eq3A_762, %add3A_765, %broadcast_in_dim3A_767 : vector<16xi1>, vector<16xi32>
      %min3A_769 = arith.minsi %broadcast_in_dim3A_761, %select_n3A_768 : vector<16xi32>
      %eq3A_770 = arith.cmpf oeq, %select_n3A_618, %max3A_759 : vector<16xf32>
      %add3A_771 = arith.constant 16 : i32
      %add3A_772 = vector.broadcast %add3A_771 : i32 to vector<16xi32>
      %add3A_773 = arith.addi %iota3A, %add3A_772 : vector<16xi32>
      %jit3A_774 = arith.constant 256 : i32
      %broadcast_in_dim3A_775 = vector.broadcast %jit3A_774 : i32 to vector<16xi32>
      %select_n3A_776 = arith.select %eq3A_770, %add3A_773, %broadcast_in_dim3A_775 : vector<16xi1>, vector<16xi32>
      %min3A_777 = arith.minsi %min3A_769, %select_n3A_776 : vector<16xi32>
      %eq3A_778 = arith.cmpf oeq, %select_n3A_625, %max3A_759 : vector<16xf32>
      %add3A_779 = arith.constant 32 : i32
      %add3A_780 = vector.broadcast %add3A_779 : i32 to vector<16xi32>
      %add3A_781 = arith.addi %iota3A, %add3A_780 : vector<16xi32>
      %jit3A_782 = arith.constant 256 : i32
      %broadcast_in_dim3A_783 = vector.broadcast %jit3A_782 : i32 to vector<16xi32>
      %select_n3A_784 = arith.select %eq3A_778, %add3A_781, %broadcast_in_dim3A_783 : vector<16xi1>, vector<16xi32>
      %min3A_785 = arith.minsi %min3A_777, %select_n3A_784 : vector<16xi32>
      %eq3A_786 = arith.cmpf oeq, %select_n3A_632, %max3A_759 : vector<16xf32>
      %add3A_787 = arith.constant 48 : i32
      %add3A_788 = vector.broadcast %add3A_787 : i32 to vector<16xi32>
      %add3A_789 = arith.addi %iota3A, %add3A_788 : vector<16xi32>
      %jit3A_790 = arith.constant 256 : i32
      %broadcast_in_dim3A_791 = vector.broadcast %jit3A_790 : i32 to vector<16xi32>
      %select_n3A_792 = arith.select %eq3A_786, %add3A_789, %broadcast_in_dim3A_791 : vector<16xi1>, vector<16xi32>
      %min3A_793 = arith.minsi %min3A_785, %select_n3A_792 : vector<16xi32>
      %eq3A_794 = arith.cmpf oeq, %select_n3A_639, %max3A_759 : vector<16xf32>
      %add3A_795 = arith.constant 64 : i32
      %add3A_796 = vector.broadcast %add3A_795 : i32 to vector<16xi32>
      %add3A_797 = arith.addi %iota3A, %add3A_796 : vector<16xi32>
      %jit3A_798 = arith.constant 256 : i32
      %broadcast_in_dim3A_799 = vector.broadcast %jit3A_798 : i32 to vector<16xi32>
      %select_n3A_800 = arith.select %eq3A_794, %add3A_797, %broadcast_in_dim3A_799 : vector<16xi1>, vector<16xi32>
      %min3A_801 = arith.minsi %min3A_793, %select_n3A_800 : vector<16xi32>
      %eq3A_802 = arith.cmpf oeq, %select_n3A_646, %max3A_759 : vector<16xf32>
      %add3A_803 = arith.constant 80 : i32
      %add3A_804 = vector.broadcast %add3A_803 : i32 to vector<16xi32>
      %add3A_805 = arith.addi %iota3A, %add3A_804 : vector<16xi32>
      %jit3A_806 = arith.constant 256 : i32
      %broadcast_in_dim3A_807 = vector.broadcast %jit3A_806 : i32 to vector<16xi32>
      %select_n3A_808 = arith.select %eq3A_802, %add3A_805, %broadcast_in_dim3A_807 : vector<16xi1>, vector<16xi32>
      %min3A_809 = arith.minsi %min3A_801, %select_n3A_808 : vector<16xi32>
      %eq3A_810 = arith.cmpf oeq, %select_n3A_653, %max3A_759 : vector<16xf32>
      %add3A_811 = arith.constant 96 : i32
      %add3A_812 = vector.broadcast %add3A_811 : i32 to vector<16xi32>
      %add3A_813 = arith.addi %iota3A, %add3A_812 : vector<16xi32>
      %jit3A_814 = arith.constant 256 : i32
      %broadcast_in_dim3A_815 = vector.broadcast %jit3A_814 : i32 to vector<16xi32>
      %select_n3A_816 = arith.select %eq3A_810, %add3A_813, %broadcast_in_dim3A_815 : vector<16xi1>, vector<16xi32>
      %min3A_817 = arith.minsi %min3A_809, %select_n3A_816 : vector<16xi32>
      %eq3A_818 = arith.cmpf oeq, %select_n3A_660, %max3A_759 : vector<16xf32>
      %add3A_819 = arith.constant 112 : i32
      %add3A_820 = vector.broadcast %add3A_819 : i32 to vector<16xi32>
      %add3A_821 = arith.addi %iota3A, %add3A_820 : vector<16xi32>
      %jit3A_822 = arith.constant 256 : i32
      %broadcast_in_dim3A_823 = vector.broadcast %jit3A_822 : i32 to vector<16xi32>
      %select_n3A_824 = arith.select %eq3A_818, %add3A_821, %broadcast_in_dim3A_823 : vector<16xi1>, vector<16xi32>
      %min3A_825 = arith.minsi %min3A_817, %select_n3A_824 : vector<16xi32>
      %eq3A_826 = arith.cmpf oeq, %select_n3A_667, %max3A_759 : vector<16xf32>
      %add3A_827 = arith.constant 128 : i32
      %add3A_828 = vector.broadcast %add3A_827 : i32 to vector<16xi32>
      %add3A_829 = arith.addi %iota3A, %add3A_828 : vector<16xi32>
      %jit3A_830 = arith.constant 256 : i32
      %broadcast_in_dim3A_831 = vector.broadcast %jit3A_830 : i32 to vector<16xi32>
      %select_n3A_832 = arith.select %eq3A_826, %add3A_829, %broadcast_in_dim3A_831 : vector<16xi1>, vector<16xi32>
      %min3A_833 = arith.minsi %min3A_825, %select_n3A_832 : vector<16xi32>
      %eq3A_834 = arith.cmpf oeq, %select_n3A_674, %max3A_759 : vector<16xf32>
      %add3A_835 = arith.constant 144 : i32
      %add3A_836 = vector.broadcast %add3A_835 : i32 to vector<16xi32>
      %add3A_837 = arith.addi %iota3A, %add3A_836 : vector<16xi32>
      %jit3A_838 = arith.constant 256 : i32
      %broadcast_in_dim3A_839 = vector.broadcast %jit3A_838 : i32 to vector<16xi32>
      %select_n3A_840 = arith.select %eq3A_834, %add3A_837, %broadcast_in_dim3A_839 : vector<16xi1>, vector<16xi32>
      %min3A_841 = arith.minsi %min3A_833, %select_n3A_840 : vector<16xi32>
      %eq3A_842 = arith.cmpf oeq, %select_n3A_681, %max3A_759 : vector<16xf32>
      %add3A_843 = arith.constant 160 : i32
      %add3A_844 = vector.broadcast %add3A_843 : i32 to vector<16xi32>
      %add3A_845 = arith.addi %iota3A, %add3A_844 : vector<16xi32>
      %jit3A_846 = arith.constant 256 : i32
      %broadcast_in_dim3A_847 = vector.broadcast %jit3A_846 : i32 to vector<16xi32>
      %select_n3A_848 = arith.select %eq3A_842, %add3A_845, %broadcast_in_dim3A_847 : vector<16xi1>, vector<16xi32>
      %min3A_849 = arith.minsi %min3A_841, %select_n3A_848 : vector<16xi32>
      %eq3A_850 = arith.cmpf oeq, %select_n3A_688, %max3A_759 : vector<16xf32>
      %add3A_851 = arith.constant 176 : i32
      %add3A_852 = vector.broadcast %add3A_851 : i32 to vector<16xi32>
      %add3A_853 = arith.addi %iota3A, %add3A_852 : vector<16xi32>
      %jit3A_854 = arith.constant 256 : i32
      %broadcast_in_dim3A_855 = vector.broadcast %jit3A_854 : i32 to vector<16xi32>
      %select_n3A_856 = arith.select %eq3A_850, %add3A_853, %broadcast_in_dim3A_855 : vector<16xi1>, vector<16xi32>
      %min3A_857 = arith.minsi %min3A_849, %select_n3A_856 : vector<16xi32>
      %eq3A_858 = arith.cmpf oeq, %select_n3A_695, %max3A_759 : vector<16xf32>
      %add3A_859 = arith.constant 192 : i32
      %add3A_860 = vector.broadcast %add3A_859 : i32 to vector<16xi32>
      %add3A_861 = arith.addi %iota3A, %add3A_860 : vector<16xi32>
      %jit3A_862 = arith.constant 256 : i32
      %broadcast_in_dim3A_863 = vector.broadcast %jit3A_862 : i32 to vector<16xi32>
      %select_n3A_864 = arith.select %eq3A_858, %add3A_861, %broadcast_in_dim3A_863 : vector<16xi1>, vector<16xi32>
      %min3A_865 = arith.minsi %min3A_857, %select_n3A_864 : vector<16xi32>
      %eq3A_866 = arith.cmpf oeq, %select_n3A_702, %max3A_759 : vector<16xf32>
      %add3A_867 = arith.constant 208 : i32
      %add3A_868 = vector.broadcast %add3A_867 : i32 to vector<16xi32>
      %add3A_869 = arith.addi %iota3A, %add3A_868 : vector<16xi32>
      %jit3A_870 = arith.constant 256 : i32
      %broadcast_in_dim3A_871 = vector.broadcast %jit3A_870 : i32 to vector<16xi32>
      %select_n3A_872 = arith.select %eq3A_866, %add3A_869, %broadcast_in_dim3A_871 : vector<16xi1>, vector<16xi32>
      %min3A_873 = arith.minsi %min3A_865, %select_n3A_872 : vector<16xi32>
      %eq3A_874 = arith.cmpf oeq, %select_n3A_709, %max3A_759 : vector<16xf32>
      %add3A_875 = arith.constant 224 : i32
      %add3A_876 = vector.broadcast %add3A_875 : i32 to vector<16xi32>
      %add3A_877 = arith.addi %iota3A, %add3A_876 : vector<16xi32>
      %jit3A_878 = arith.constant 256 : i32
      %broadcast_in_dim3A_879 = vector.broadcast %jit3A_878 : i32 to vector<16xi32>
      %select_n3A_880 = arith.select %eq3A_874, %add3A_877, %broadcast_in_dim3A_879 : vector<16xi1>, vector<16xi32>
      %min3A_881 = arith.minsi %min3A_873, %select_n3A_880 : vector<16xi32>
      %eq3A_882 = arith.cmpf oeq, %select_n3A_716, %max3A_759 : vector<16xf32>
      %add3A_883 = arith.constant 240 : i32
      %add3A_884 = vector.broadcast %add3A_883 : i32 to vector<16xi32>
      %add3A_885 = arith.addi %iota3A, %add3A_884 : vector<16xi32>
      %jit3A_886 = arith.constant 256 : i32
      %broadcast_in_dim3A_887 = vector.broadcast %jit3A_886 : i32 to vector<16xi32>
      %select_n3A_888 = arith.select %eq3A_882, %add3A_885, %broadcast_in_dim3A_887 : vector<16xi1>, vector<16xi32>
      %min3A_889 = arith.minsi %min3A_881, %select_n3A_888 : vector<16xi32>
      %xor3A_890 = arith.constant 1 : i32
      %xor3A_891 = vector.broadcast %xor3A_890 : i32 to vector<16xi32>
      %xor3A_892 = arith.xori %iota3A, %xor3A_891 : vector<16xi32>
      %broadcast_in_dim3A_893 = vector.shape_cast %xor3A_892 : vector<16xi32> to vector<16x1xi32>
      %gather3A_894 = vector.shape_cast %broadcast_in_dim3A_893 : vector<16x1xi32> to vector<16xi32>
      %gather3A_895 = tpu.dynamic_gather %min3A_889[%gather3A_894] in [0] : vector<16xi32>, vector<16xi32> -> vector<16xi32>
      %min3A_896 = arith.minsi %min3A_889, %gather3A_895 : vector<16xi32>
      %xor3A_897 = arith.constant 2 : i32
      %xor3A_898 = vector.broadcast %xor3A_897 : i32 to vector<16xi32>
      %xor3A_899 = arith.xori %iota3A, %xor3A_898 : vector<16xi32>
      %broadcast_in_dim3A_900 = vector.shape_cast %xor3A_899 : vector<16xi32> to vector<16x1xi32>
      %gather3A_901 = vector.shape_cast %broadcast_in_dim3A_900 : vector<16x1xi32> to vector<16xi32>
      %gather3A_902 = tpu.dynamic_gather %min3A_896[%gather3A_901] in [0] : vector<16xi32>, vector<16xi32> -> vector<16xi32>
      %min3A_903 = arith.minsi %min3A_896, %gather3A_902 : vector<16xi32>
      %xor3A_904 = arith.constant 4 : i32
      %xor3A_905 = vector.broadcast %xor3A_904 : i32 to vector<16xi32>
      %xor3A_906 = arith.xori %iota3A, %xor3A_905 : vector<16xi32>
      %broadcast_in_dim3A_907 = vector.shape_cast %xor3A_906 : vector<16xi32> to vector<16x1xi32>
      %gather3A_908 = vector.shape_cast %broadcast_in_dim3A_907 : vector<16x1xi32> to vector<16xi32>
      %gather3A_909 = tpu.dynamic_gather %min3A_903[%gather3A_908] in [0] : vector<16xi32>, vector<16xi32> -> vector<16xi32>
      %min3A_910 = arith.minsi %min3A_903, %gather3A_909 : vector<16xi32>
      %xor3A_911 = arith.constant 8 : i32
      %xor3A_912 = vector.broadcast %xor3A_911 : i32 to vector<16xi32>
      %xor3A_913 = arith.xori %iota3A, %xor3A_912 : vector<16xi32>
      %broadcast_in_dim3A_914 = vector.shape_cast %xor3A_913 : vector<16xi32> to vector<16x1xi32>
      %gather3A_915 = vector.shape_cast %broadcast_in_dim3A_914 : vector<16x1xi32> to vector<16xi32>
      %gather3A_916 = tpu.dynamic_gather %min3A_910[%gather3A_915] in [0] : vector<16xi32>, vector<16xi32> -> vector<16xi32>
      %min3A_917 = arith.minsi %min3A_910, %gather3A_916 : vector<16xi32>
      %eq3A_918 = arith.constant 2 : i32
      %eq3A_919 = vector.broadcast %eq3A_918 : i32 to vector<16xi32>
      %eq3A_920 = arith.cmpi eq, %iota3A, %eq3A_919 : vector<16xi32>
      %select_n3A_921 = arith.select %eq3A_920, %min3A_917, %select_n3A_604 : vector<16xi1>, vector<16xi32>
      %add3A_922 = arith.constant 0 : i32
      %add3A_923 = vector.broadcast %add3A_922 : i32 to vector<16xi32>
      %add3A_924 = arith.addi %iota3A, %add3A_923 : vector<16xi32>
      %eq3A_925 = arith.cmpi eq, %add3A_924, %min3A_917 : vector<16xi32>
      %jit3A_926 = arith.constant -1.000000e+30 : f32
      %broadcast_in_dim3A_927 = vector.broadcast %jit3A_926 : f32 to vector<16xf32>
      %select_n3A_928 = arith.select %eq3A_925, %broadcast_in_dim3A_927, %select_n3A_611 : vector<16xi1>, vector<16xf32>
      %add3A_929 = arith.constant 16 : i32
      %add3A_930 = vector.broadcast %add3A_929 : i32 to vector<16xi32>
      %add3A_931 = arith.addi %iota3A, %add3A_930 : vector<16xi32>
      %eq3A_932 = arith.cmpi eq, %add3A_931, %min3A_917 : vector<16xi32>
      %jit3A_933 = arith.constant -1.000000e+30 : f32
      %broadcast_in_dim3A_934 = vector.broadcast %jit3A_933 : f32 to vector<16xf32>
      %select_n3A_935 = arith.select %eq3A_932, %broadcast_in_dim3A_934, %select_n3A_618 : vector<16xi1>, vector<16xf32>
      %add3A_936 = arith.constant 32 : i32
      %add3A_937 = vector.broadcast %add3A_936 : i32 to vector<16xi32>
      %add3A_938 = arith.addi %iota3A, %add3A_937 : vector<16xi32>
      %eq3A_939 = arith.cmpi eq, %add3A_938, %min3A_917 : vector<16xi32>
      %jit3A_940 = arith.constant -1.000000e+30 : f32
      %broadcast_in_dim3A_941 = vector.broadcast %jit3A_940 : f32 to vector<16xf32>
      %select_n3A_942 = arith.select %eq3A_939, %broadcast_in_dim3A_941, %select_n3A_625 : vector<16xi1>, vector<16xf32>
      %add3A_943 = arith.constant 48 : i32
      %add3A_944 = vector.broadcast %add3A_943 : i32 to vector<16xi32>
      %add3A_945 = arith.addi %iota3A, %add3A_944 : vector<16xi32>
      %eq3A_946 = arith.cmpi eq, %add3A_945, %min3A_917 : vector<16xi32>
      %jit3A_947 = arith.constant -1.000000e+30 : f32
      %broadcast_in_dim3A_948 = vector.broadcast %jit3A_947 : f32 to vector<16xf32>
      %select_n3A_949 = arith.select %eq3A_946, %broadcast_in_dim3A_948, %select_n3A_632 : vector<16xi1>, vector<16xf32>
      %add3A_950 = arith.constant 64 : i32
      %add3A_951 = vector.broadcast %add3A_950 : i32 to vector<16xi32>
      %add3A_952 = arith.addi %iota3A, %add3A_951 : vector<16xi32>
      %eq3A_953 = arith.cmpi eq, %add3A_952, %min3A_917 : vector<16xi32>
      %jit3A_954 = arith.constant -1.000000e+30 : f32
      %broadcast_in_dim3A_955 = vector.broadcast %jit3A_954 : f32 to vector<16xf32>
      %select_n3A_956 = arith.select %eq3A_953, %broadcast_in_dim3A_955, %select_n3A_639 : vector<16xi1>, vector<16xf32>
      %add3A_957 = arith.constant 80 : i32
      %add3A_958 = vector.broadcast %add3A_957 : i32 to vector<16xi32>
      %add3A_959 = arith.addi %iota3A, %add3A_958 : vector<16xi32>
      %eq3A_960 = arith.cmpi eq, %add3A_959, %min3A_917 : vector<16xi32>
      %jit3A_961 = arith.constant -1.000000e+30 : f32
      %broadcast_in_dim3A_962 = vector.broadcast %jit3A_961 : f32 to vector<16xf32>
      %select_n3A_963 = arith.select %eq3A_960, %broadcast_in_dim3A_962, %select_n3A_646 : vector<16xi1>, vector<16xf32>
      %add3A_964 = arith.constant 96 : i32
      %add3A_965 = vector.broadcast %add3A_964 : i32 to vector<16xi32>
      %add3A_966 = arith.addi %iota3A, %add3A_965 : vector<16xi32>
      %eq3A_967 = arith.cmpi eq, %add3A_966, %min3A_917 : vector<16xi32>
      %jit3A_968 = arith.constant -1.000000e+30 : f32
      %broadcast_in_dim3A_969 = vector.broadcast %jit3A_968 : f32 to vector<16xf32>
      %select_n3A_970 = arith.select %eq3A_967, %broadcast_in_dim3A_969, %select_n3A_653 : vector<16xi1>, vector<16xf32>
      %add3A_971 = arith.constant 112 : i32
      %add3A_972 = vector.broadcast %add3A_971 : i32 to vector<16xi32>
      %add3A_973 = arith.addi %iota3A, %add3A_972 : vector<16xi32>
      %eq3A_974 = arith.cmpi eq, %add3A_973, %min3A_917 : vector<16xi32>
      %jit3A_975 = arith.constant -1.000000e+30 : f32
      %broadcast_in_dim3A_976 = vector.broadcast %jit3A_975 : f32 to vector<16xf32>
      %select_n3A_977 = arith.select %eq3A_974, %broadcast_in_dim3A_976, %select_n3A_660 : vector<16xi1>, vector<16xf32>
      %add3A_978 = arith.constant 128 : i32
      %add3A_979 = vector.broadcast %add3A_978 : i32 to vector<16xi32>
      %add3A_980 = arith.addi %iota3A, %add3A_979 : vector<16xi32>
      %eq3A_981 = arith.cmpi eq, %add3A_980, %min3A_917 : vector<16xi32>
      %jit3A_982 = arith.constant -1.000000e+30 : f32
      %broadcast_in_dim3A_983 = vector.broadcast %jit3A_982 : f32 to vector<16xf32>
      %select_n3A_984 = arith.select %eq3A_981, %broadcast_in_dim3A_983, %select_n3A_667 : vector<16xi1>, vector<16xf32>
      %add3A_985 = arith.constant 144 : i32
      %add3A_986 = vector.broadcast %add3A_985 : i32 to vector<16xi32>
      %add3A_987 = arith.addi %iota3A, %add3A_986 : vector<16xi32>
      %eq3A_988 = arith.cmpi eq, %add3A_987, %min3A_917 : vector<16xi32>
      %jit3A_989 = arith.constant -1.000000e+30 : f32
      %broadcast_in_dim3A_990 = vector.broadcast %jit3A_989 : f32 to vector<16xf32>
      %select_n3A_991 = arith.select %eq3A_988, %broadcast_in_dim3A_990, %select_n3A_674 : vector<16xi1>, vector<16xf32>
      %add3A_992 = arith.constant 160 : i32
      %add3A_993 = vector.broadcast %add3A_992 : i32 to vector<16xi32>
      %add3A_994 = arith.addi %iota3A, %add3A_993 : vector<16xi32>
      %eq3A_995 = arith.cmpi eq, %add3A_994, %min3A_917 : vector<16xi32>
      %jit3A_996 = arith.constant -1.000000e+30 : f32
      %broadcast_in_dim3A_997 = vector.broadcast %jit3A_996 : f32 to vector<16xf32>
      %select_n3A_998 = arith.select %eq3A_995, %broadcast_in_dim3A_997, %select_n3A_681 : vector<16xi1>, vector<16xf32>
      %add3A_999 = arith.constant 176 : i32
      %add3A_1000 = vector.broadcast %add3A_999 : i32 to vector<16xi32>
      %add3A_1001 = arith.addi %iota3A, %add3A_1000 : vector<16xi32>
      %eq3A_1002 = arith.cmpi eq, %add3A_1001, %min3A_917 : vector<16xi32>
      %jit3A_1003 = arith.constant -1.000000e+30 : f32
      %broadcast_in_dim3A_1004 = vector.broadcast %jit3A_1003 : f32 to vector<16xf32>
      %select_n3A_1005 = arith.select %eq3A_1002, %broadcast_in_dim3A_1004, %select_n3A_688 : vector<16xi1>, vector<16xf32>
      %add3A_1006 = arith.constant 192 : i32
      %add3A_1007 = vector.broadcast %add3A_1006 : i32 to vector<16xi32>
      %add3A_1008 = arith.addi %iota3A, %add3A_1007 : vector<16xi32>
      %eq3A_1009 = arith.cmpi eq, %add3A_1008, %min3A_917 : vector<16xi32>
      %jit3A_1010 = arith.constant -1.000000e+30 : f32
      %broadcast_in_dim3A_1011 = vector.broadcast %jit3A_1010 : f32 to vector<16xf32>
      %select_n3A_1012 = arith.select %eq3A_1009, %broadcast_in_dim3A_1011, %select_n3A_695 : vector<16xi1>, vector<16xf32>
      %add3A_1013 = arith.constant 208 : i32
      %add3A_1014 = vector.broadcast %add3A_1013 : i32 to vector<16xi32>
      %add3A_1015 = arith.addi %iota3A, %add3A_1014 : vector<16xi32>
      %eq3A_1016 = arith.cmpi eq, %add3A_1015, %min3A_917 : vector<16xi32>
      %jit3A_1017 = arith.constant -1.000000e+30 : f32
      %broadcast_in_dim3A_1018 = vector.broadcast %jit3A_1017 : f32 to vector<16xf32>
      %select_n3A_1019 = arith.select %eq3A_1016, %broadcast_in_dim3A_1018, %select_n3A_702 : vector<16xi1>, vector<16xf32>
      %add3A_1020 = arith.constant 224 : i32
      %add3A_1021 = vector.broadcast %add3A_1020 : i32 to vector<16xi32>
      %add3A_1022 = arith.addi %iota3A, %add3A_1021 : vector<16xi32>
      %eq3A_1023 = arith.cmpi eq, %add3A_1022, %min3A_917 : vector<16xi32>
      %jit3A_1024 = arith.constant -1.000000e+30 : f32
      %broadcast_in_dim3A_1025 = vector.broadcast %jit3A_1024 : f32 to vector<16xf32>
      %select_n3A_1026 = arith.select %eq3A_1023, %broadcast_in_dim3A_1025, %select_n3A_709 : vector<16xi1>, vector<16xf32>
      %add3A_1027 = arith.constant 240 : i32
      %add3A_1028 = vector.broadcast %add3A_1027 : i32 to vector<16xi32>
      %add3A_1029 = arith.addi %iota3A, %add3A_1028 : vector<16xi32>
      %eq3A_1030 = arith.cmpi eq, %add3A_1029, %min3A_917 : vector<16xi32>
      %jit3A_1031 = arith.constant -1.000000e+30 : f32
      %broadcast_in_dim3A_1032 = vector.broadcast %jit3A_1031 : f32 to vector<16xf32>
      %select_n3A_1033 = arith.select %eq3A_1030, %broadcast_in_dim3A_1032, %select_n3A_716 : vector<16xi1>, vector<16xf32>
      %max3A_1034 = arith.maximumf %select_n3A_928, %select_n3A_935 : vector<16xf32>
      %max3A_1035 = arith.maximumf %max3A_1034, %select_n3A_942 : vector<16xf32>
      %max3A_1036 = arith.maximumf %max3A_1035, %select_n3A_949 : vector<16xf32>
      %max3A_1037 = arith.maximumf %max3A_1036, %select_n3A_956 : vector<16xf32>
      %max3A_1038 = arith.maximumf %max3A_1037, %select_n3A_963 : vector<16xf32>
      %max3A_1039 = arith.maximumf %max3A_1038, %select_n3A_970 : vector<16xf32>
      %max3A_1040 = arith.maximumf %max3A_1039, %select_n3A_977 : vector<16xf32>
      %max3A_1041 = arith.maximumf %max3A_1040, %select_n3A_984 : vector<16xf32>
      %max3A_1042 = arith.maximumf %max3A_1041, %select_n3A_991 : vector<16xf32>
      %max3A_1043 = arith.maximumf %max3A_1042, %select_n3A_998 : vector<16xf32>
      %max3A_1044 = arith.maximumf %max3A_1043, %select_n3A_1005 : vector<16xf32>
      %max3A_1045 = arith.maximumf %max3A_1044, %select_n3A_1012 : vector<16xf32>
      %max3A_1046 = arith.maximumf %max3A_1045, %select_n3A_1019 : vector<16xf32>
      %max3A_1047 = arith.maximumf %max3A_1046, %select_n3A_1026 : vector<16xf32>
      %max3A_1048 = arith.maximumf %max3A_1047, %select_n3A_1033 : vector<16xf32>
      %xor3A_1049 = arith.constant 1 : i32
      %xor3A_1050 = vector.broadcast %xor3A_1049 : i32 to vector<16xi32>
      %xor3A_1051 = arith.xori %iota3A, %xor3A_1050 : vector<16xi32>
      %broadcast_in_dim3A_1052 = vector.shape_cast %xor3A_1051 : vector<16xi32> to vector<16x1xi32>
      %gather3A_1053 = vector.shape_cast %broadcast_in_dim3A_1052 : vector<16x1xi32> to vector<16xi32>
      %gather3A_1054 = tpu.dynamic_gather %max3A_1048[%gather3A_1053] in [0] : vector<16xf32>, vector<16xi32> -> vector<16xf32>
      %max3A_1055 = arith.maximumf %max3A_1048, %gather3A_1054 : vector<16xf32>
      %xor3A_1056 = arith.constant 2 : i32
      %xor3A_1057 = vector.broadcast %xor3A_1056 : i32 to vector<16xi32>
      %xor3A_1058 = arith.xori %iota3A, %xor3A_1057 : vector<16xi32>
      %broadcast_in_dim3A_1059 = vector.shape_cast %xor3A_1058 : vector<16xi32> to vector<16x1xi32>
      %gather3A_1060 = vector.shape_cast %broadcast_in_dim3A_1059 : vector<16x1xi32> to vector<16xi32>
      %gather3A_1061 = tpu.dynamic_gather %max3A_1055[%gather3A_1060] in [0] : vector<16xf32>, vector<16xi32> -> vector<16xf32>
      %max3A_1062 = arith.maximumf %max3A_1055, %gather3A_1061 : vector<16xf32>
      %xor3A_1063 = arith.constant 4 : i32
      %xor3A_1064 = vector.broadcast %xor3A_1063 : i32 to vector<16xi32>
      %xor3A_1065 = arith.xori %iota3A, %xor3A_1064 : vector<16xi32>
      %broadcast_in_dim3A_1066 = vector.shape_cast %xor3A_1065 : vector<16xi32> to vector<16x1xi32>
      %gather3A_1067 = vector.shape_cast %broadcast_in_dim3A_1066 : vector<16x1xi32> to vector<16xi32>
      %gather3A_1068 = tpu.dynamic_gather %max3A_1062[%gather3A_1067] in [0] : vector<16xf32>, vector<16xi32> -> vector<16xf32>
      %max3A_1069 = arith.maximumf %max3A_1062, %gather3A_1068 : vector<16xf32>
      %xor3A_1070 = arith.constant 8 : i32
      %xor3A_1071 = vector.broadcast %xor3A_1070 : i32 to vector<16xi32>
      %xor3A_1072 = arith.xori %iota3A, %xor3A_1071 : vector<16xi32>
      %broadcast_in_dim3A_1073 = vector.shape_cast %xor3A_1072 : vector<16xi32> to vector<16x1xi32>
      %gather3A_1074 = vector.shape_cast %broadcast_in_dim3A_1073 : vector<16x1xi32> to vector<16xi32>
      %gather3A_1075 = tpu.dynamic_gather %max3A_1069[%gather3A_1074] in [0] : vector<16xf32>, vector<16xi32> -> vector<16xf32>
      %max3A_1076 = arith.maximumf %max3A_1069, %gather3A_1075 : vector<16xf32>
      %broadcast_in_dim3A_1077 = arith.constant 256 : i32
      %broadcast_in_dim3A_1078 = vector.broadcast %broadcast_in_dim3A_1077 : i32 to vector<16xi32>
      %eq3A_1079 = arith.cmpf oeq, %select_n3A_928, %max3A_1076 : vector<16xf32>
      %add3A_1080 = arith.constant 0 : i32
      %add3A_1081 = vector.broadcast %add3A_1080 : i32 to vector<16xi32>
      %add3A_1082 = arith.addi %iota3A, %add3A_1081 : vector<16xi32>
      %jit3A_1083 = arith.constant 256 : i32
      %broadcast_in_dim3A_1084 = vector.broadcast %jit3A_1083 : i32 to vector<16xi32>
      %select_n3A_1085 = arith.select %eq3A_1079, %add3A_1082, %broadcast_in_dim3A_1084 : vector<16xi1>, vector<16xi32>
      %min3A_1086 = arith.minsi %broadcast_in_dim3A_1078, %select_n3A_1085 : vector<16xi32>
      %eq3A_1087 = arith.cmpf oeq, %select_n3A_935, %max3A_1076 : vector<16xf32>
      %add3A_1088 = arith.constant 16 : i32
      %add3A_1089 = vector.broadcast %add3A_1088 : i32 to vector<16xi32>
      %add3A_1090 = arith.addi %iota3A, %add3A_1089 : vector<16xi32>
      %jit3A_1091 = arith.constant 256 : i32
      %broadcast_in_dim3A_1092 = vector.broadcast %jit3A_1091 : i32 to vector<16xi32>
      %select_n3A_1093 = arith.select %eq3A_1087, %add3A_1090, %broadcast_in_dim3A_1092 : vector<16xi1>, vector<16xi32>
      %min3A_1094 = arith.minsi %min3A_1086, %select_n3A_1093 : vector<16xi32>
      %eq3A_1095 = arith.cmpf oeq, %select_n3A_942, %max3A_1076 : vector<16xf32>
      %add3A_1096 = arith.constant 32 : i32
      %add3A_1097 = vector.broadcast %add3A_1096 : i32 to vector<16xi32>
      %add3A_1098 = arith.addi %iota3A, %add3A_1097 : vector<16xi32>
      %jit3A_1099 = arith.constant 256 : i32
      %broadcast_in_dim3A_1100 = vector.broadcast %jit3A_1099 : i32 to vector<16xi32>
      %select_n3A_1101 = arith.select %eq3A_1095, %add3A_1098, %broadcast_in_dim3A_1100 : vector<16xi1>, vector<16xi32>
      %min3A_1102 = arith.minsi %min3A_1094, %select_n3A_1101 : vector<16xi32>
      %eq3A_1103 = arith.cmpf oeq, %select_n3A_949, %max3A_1076 : vector<16xf32>
      %add3A_1104 = arith.constant 48 : i32
      %add3A_1105 = vector.broadcast %add3A_1104 : i32 to vector<16xi32>
      %add3A_1106 = arith.addi %iota3A, %add3A_1105 : vector<16xi32>
      %jit3A_1107 = arith.constant 256 : i32
      %broadcast_in_dim3A_1108 = vector.broadcast %jit3A_1107 : i32 to vector<16xi32>
      %select_n3A_1109 = arith.select %eq3A_1103, %add3A_1106, %broadcast_in_dim3A_1108 : vector<16xi1>, vector<16xi32>
      %min3A_1110 = arith.minsi %min3A_1102, %select_n3A_1109 : vector<16xi32>
      %eq3A_1111 = arith.cmpf oeq, %select_n3A_956, %max3A_1076 : vector<16xf32>
      %add3A_1112 = arith.constant 64 : i32
      %add3A_1113 = vector.broadcast %add3A_1112 : i32 to vector<16xi32>
      %add3A_1114 = arith.addi %iota3A, %add3A_1113 : vector<16xi32>
      %jit3A_1115 = arith.constant 256 : i32
      %broadcast_in_dim3A_1116 = vector.broadcast %jit3A_1115 : i32 to vector<16xi32>
      %select_n3A_1117 = arith.select %eq3A_1111, %add3A_1114, %broadcast_in_dim3A_1116 : vector<16xi1>, vector<16xi32>
      %min3A_1118 = arith.minsi %min3A_1110, %select_n3A_1117 : vector<16xi32>
      %eq3A_1119 = arith.cmpf oeq, %select_n3A_963, %max3A_1076 : vector<16xf32>
      %add3A_1120 = arith.constant 80 : i32
      %add3A_1121 = vector.broadcast %add3A_1120 : i32 to vector<16xi32>
      %add3A_1122 = arith.addi %iota3A, %add3A_1121 : vector<16xi32>
      %jit3A_1123 = arith.constant 256 : i32
      %broadcast_in_dim3A_1124 = vector.broadcast %jit3A_1123 : i32 to vector<16xi32>
      %select_n3A_1125 = arith.select %eq3A_1119, %add3A_1122, %broadcast_in_dim3A_1124 : vector<16xi1>, vector<16xi32>
      %min3A_1126 = arith.minsi %min3A_1118, %select_n3A_1125 : vector<16xi32>
      %eq3A_1127 = arith.cmpf oeq, %select_n3A_970, %max3A_1076 : vector<16xf32>
      %add3A_1128 = arith.constant 96 : i32
      %add3A_1129 = vector.broadcast %add3A_1128 : i32 to vector<16xi32>
      %add3A_1130 = arith.addi %iota3A, %add3A_1129 : vector<16xi32>
      %jit3A_1131 = arith.constant 256 : i32
      %broadcast_in_dim3A_1132 = vector.broadcast %jit3A_1131 : i32 to vector<16xi32>
      %select_n3A_1133 = arith.select %eq3A_1127, %add3A_1130, %broadcast_in_dim3A_1132 : vector<16xi1>, vector<16xi32>
      %min3A_1134 = arith.minsi %min3A_1126, %select_n3A_1133 : vector<16xi32>
      %eq3A_1135 = arith.cmpf oeq, %select_n3A_977, %max3A_1076 : vector<16xf32>
      %add3A_1136 = arith.constant 112 : i32
      %add3A_1137 = vector.broadcast %add3A_1136 : i32 to vector<16xi32>
      %add3A_1138 = arith.addi %iota3A, %add3A_1137 : vector<16xi32>
      %jit3A_1139 = arith.constant 256 : i32
      %broadcast_in_dim3A_1140 = vector.broadcast %jit3A_1139 : i32 to vector<16xi32>
      %select_n3A_1141 = arith.select %eq3A_1135, %add3A_1138, %broadcast_in_dim3A_1140 : vector<16xi1>, vector<16xi32>
      %min3A_1142 = arith.minsi %min3A_1134, %select_n3A_1141 : vector<16xi32>
      %eq3A_1143 = arith.cmpf oeq, %select_n3A_984, %max3A_1076 : vector<16xf32>
      %add3A_1144 = arith.constant 128 : i32
      %add3A_1145 = vector.broadcast %add3A_1144 : i32 to vector<16xi32>
      %add3A_1146 = arith.addi %iota3A, %add3A_1145 : vector<16xi32>
      %jit3A_1147 = arith.constant 256 : i32
      %broadcast_in_dim3A_1148 = vector.broadcast %jit3A_1147 : i32 to vector<16xi32>
      %select_n3A_1149 = arith.select %eq3A_1143, %add3A_1146, %broadcast_in_dim3A_1148 : vector<16xi1>, vector<16xi32>
      %min3A_1150 = arith.minsi %min3A_1142, %select_n3A_1149 : vector<16xi32>
      %eq3A_1151 = arith.cmpf oeq, %select_n3A_991, %max3A_1076 : vector<16xf32>
      %add3A_1152 = arith.constant 144 : i32
      %add3A_1153 = vector.broadcast %add3A_1152 : i32 to vector<16xi32>
      %add3A_1154 = arith.addi %iota3A, %add3A_1153 : vector<16xi32>
      %jit3A_1155 = arith.constant 256 : i32
      %broadcast_in_dim3A_1156 = vector.broadcast %jit3A_1155 : i32 to vector<16xi32>
      %select_n3A_1157 = arith.select %eq3A_1151, %add3A_1154, %broadcast_in_dim3A_1156 : vector<16xi1>, vector<16xi32>
      %min3A_1158 = arith.minsi %min3A_1150, %select_n3A_1157 : vector<16xi32>
      %eq3A_1159 = arith.cmpf oeq, %select_n3A_998, %max3A_1076 : vector<16xf32>
      %add3A_1160 = arith.constant 160 : i32
      %add3A_1161 = vector.broadcast %add3A_1160 : i32 to vector<16xi32>
      %add3A_1162 = arith.addi %iota3A, %add3A_1161 : vector<16xi32>
      %jit3A_1163 = arith.constant 256 : i32
      %broadcast_in_dim3A_1164 = vector.broadcast %jit3A_1163 : i32 to vector<16xi32>
      %select_n3A_1165 = arith.select %eq3A_1159, %add3A_1162, %broadcast_in_dim3A_1164 : vector<16xi1>, vector<16xi32>
      %min3A_1166 = arith.minsi %min3A_1158, %select_n3A_1165 : vector<16xi32>
      %eq3A_1167 = arith.cmpf oeq, %select_n3A_1005, %max3A_1076 : vector<16xf32>
      %add3A_1168 = arith.constant 176 : i32
      %add3A_1169 = vector.broadcast %add3A_1168 : i32 to vector<16xi32>
      %add3A_1170 = arith.addi %iota3A, %add3A_1169 : vector<16xi32>
      %jit3A_1171 = arith.constant 256 : i32
      %broadcast_in_dim3A_1172 = vector.broadcast %jit3A_1171 : i32 to vector<16xi32>
      %select_n3A_1173 = arith.select %eq3A_1167, %add3A_1170, %broadcast_in_dim3A_1172 : vector<16xi1>, vector<16xi32>
      %min3A_1174 = arith.minsi %min3A_1166, %select_n3A_1173 : vector<16xi32>
      %eq3A_1175 = arith.cmpf oeq, %select_n3A_1012, %max3A_1076 : vector<16xf32>
      %add3A_1176 = arith.constant 192 : i32
      %add3A_1177 = vector.broadcast %add3A_1176 : i32 to vector<16xi32>
      %add3A_1178 = arith.addi %iota3A, %add3A_1177 : vector<16xi32>
      %jit3A_1179 = arith.constant 256 : i32
      %broadcast_in_dim3A_1180 = vector.broadcast %jit3A_1179 : i32 to vector<16xi32>
      %select_n3A_1181 = arith.select %eq3A_1175, %add3A_1178, %broadcast_in_dim3A_1180 : vector<16xi1>, vector<16xi32>
      %min3A_1182 = arith.minsi %min3A_1174, %select_n3A_1181 : vector<16xi32>
      %eq3A_1183 = arith.cmpf oeq, %select_n3A_1019, %max3A_1076 : vector<16xf32>
      %add3A_1184 = arith.constant 208 : i32
      %add3A_1185 = vector.broadcast %add3A_1184 : i32 to vector<16xi32>
      %add3A_1186 = arith.addi %iota3A, %add3A_1185 : vector<16xi32>
      %jit3A_1187 = arith.constant 256 : i32
      %broadcast_in_dim3A_1188 = vector.broadcast %jit3A_1187 : i32 to vector<16xi32>
      %select_n3A_1189 = arith.select %eq3A_1183, %add3A_1186, %broadcast_in_dim3A_1188 : vector<16xi1>, vector<16xi32>
      %min3A_1190 = arith.minsi %min3A_1182, %select_n3A_1189 : vector<16xi32>
      %eq3A_1191 = arith.cmpf oeq, %select_n3A_1026, %max3A_1076 : vector<16xf32>
      %add3A_1192 = arith.constant 224 : i32
      %add3A_1193 = vector.broadcast %add3A_1192 : i32 to vector<16xi32>
      %add3A_1194 = arith.addi %iota3A, %add3A_1193 : vector<16xi32>
      %jit3A_1195 = arith.constant 256 : i32
      %broadcast_in_dim3A_1196 = vector.broadcast %jit3A_1195 : i32 to vector<16xi32>
      %select_n3A_1197 = arith.select %eq3A_1191, %add3A_1194, %broadcast_in_dim3A_1196 : vector<16xi1>, vector<16xi32>
      %min3A_1198 = arith.minsi %min3A_1190, %select_n3A_1197 : vector<16xi32>
      %eq3A_1199 = arith.cmpf oeq, %select_n3A_1033, %max3A_1076 : vector<16xf32>
      %add3A_1200 = arith.constant 240 : i32
      %add3A_1201 = vector.broadcast %add3A_1200 : i32 to vector<16xi32>
      %add3A_1202 = arith.addi %iota3A, %add3A_1201 : vector<16xi32>
      %jit3A_1203 = arith.constant 256 : i32
      %broadcast_in_dim3A_1204 = vector.broadcast %jit3A_1203 : i32 to vector<16xi32>
      %select_n3A_1205 = arith.select %eq3A_1199, %add3A_1202, %broadcast_in_dim3A_1204 : vector<16xi1>, vector<16xi32>
      %min3A_1206 = arith.minsi %min3A_1198, %select_n3A_1205 : vector<16xi32>
      %xor3A_1207 = arith.constant 1 : i32
      %xor3A_1208 = vector.broadcast %xor3A_1207 : i32 to vector<16xi32>
      %xor3A_1209 = arith.xori %iota3A, %xor3A_1208 : vector<16xi32>
      %broadcast_in_dim3A_1210 = vector.shape_cast %xor3A_1209 : vector<16xi32> to vector<16x1xi32>
      %gather3A_1211 = vector.shape_cast %broadcast_in_dim3A_1210 : vector<16x1xi32> to vector<16xi32>
      %gather3A_1212 = tpu.dynamic_gather %min3A_1206[%gather3A_1211] in [0] : vector<16xi32>, vector<16xi32> -> vector<16xi32>
      %min3A_1213 = arith.minsi %min3A_1206, %gather3A_1212 : vector<16xi32>
      %xor3A_1214 = arith.constant 2 : i32
      %xor3A_1215 = vector.broadcast %xor3A_1214 : i32 to vector<16xi32>
      %xor3A_1216 = arith.xori %iota3A, %xor3A_1215 : vector<16xi32>
      %broadcast_in_dim3A_1217 = vector.shape_cast %xor3A_1216 : vector<16xi32> to vector<16x1xi32>
      %gather3A_1218 = vector.shape_cast %broadcast_in_dim3A_1217 : vector<16x1xi32> to vector<16xi32>
      %gather3A_1219 = tpu.dynamic_gather %min3A_1213[%gather3A_1218] in [0] : vector<16xi32>, vector<16xi32> -> vector<16xi32>
      %min3A_1220 = arith.minsi %min3A_1213, %gather3A_1219 : vector<16xi32>
      %xor3A_1221 = arith.constant 4 : i32
      %xor3A_1222 = vector.broadcast %xor3A_1221 : i32 to vector<16xi32>
      %xor3A_1223 = arith.xori %iota3A, %xor3A_1222 : vector<16xi32>
      %broadcast_in_dim3A_1224 = vector.shape_cast %xor3A_1223 : vector<16xi32> to vector<16x1xi32>
      %gather3A_1225 = vector.shape_cast %broadcast_in_dim3A_1224 : vector<16x1xi32> to vector<16xi32>
      %gather3A_1226 = tpu.dynamic_gather %min3A_1220[%gather3A_1225] in [0] : vector<16xi32>, vector<16xi32> -> vector<16xi32>
      %min3A_1227 = arith.minsi %min3A_1220, %gather3A_1226 : vector<16xi32>
      %xor3A_1228 = arith.constant 8 : i32
      %xor3A_1229 = vector.broadcast %xor3A_1228 : i32 to vector<16xi32>
      %xor3A_1230 = arith.xori %iota3A, %xor3A_1229 : vector<16xi32>
      %broadcast_in_dim3A_1231 = vector.shape_cast %xor3A_1230 : vector<16xi32> to vector<16x1xi32>
      %gather3A_1232 = vector.shape_cast %broadcast_in_dim3A_1231 : vector<16x1xi32> to vector<16xi32>
      %gather3A_1233 = tpu.dynamic_gather %min3A_1227[%gather3A_1232] in [0] : vector<16xi32>, vector<16xi32> -> vector<16xi32>
      %min3A_1234 = arith.minsi %min3A_1227, %gather3A_1233 : vector<16xi32>
      %eq3A_1235 = arith.constant 3 : i32
      %eq3A_1236 = vector.broadcast %eq3A_1235 : i32 to vector<16xi32>
      %eq3A_1237 = arith.cmpi eq, %iota3A, %eq3A_1236 : vector<16xi32>
      %select_n3A_1238 = arith.select %eq3A_1237, %min3A_1234, %select_n3A_921 : vector<16xi1>, vector<16xi32>
      %add3A_1239 = arith.constant 0 : i32
      %add3A_1240 = vector.broadcast %add3A_1239 : i32 to vector<16xi32>
      %add3A_1241 = arith.addi %iota3A, %add3A_1240 : vector<16xi32>
      %eq3A_1242 = arith.cmpi eq, %add3A_1241, %min3A_1234 : vector<16xi32>
      %jit3A_1243 = arith.constant -1.000000e+30 : f32
      %broadcast_in_dim3A_1244 = vector.broadcast %jit3A_1243 : f32 to vector<16xf32>
      %select_n3A_1245 = arith.select %eq3A_1242, %broadcast_in_dim3A_1244, %select_n3A_928 : vector<16xi1>, vector<16xf32>
      %add3A_1246 = arith.constant 16 : i32
      %add3A_1247 = vector.broadcast %add3A_1246 : i32 to vector<16xi32>
      %add3A_1248 = arith.addi %iota3A, %add3A_1247 : vector<16xi32>
      %eq3A_1249 = arith.cmpi eq, %add3A_1248, %min3A_1234 : vector<16xi32>
      %jit3A_1250 = arith.constant -1.000000e+30 : f32
      %broadcast_in_dim3A_1251 = vector.broadcast %jit3A_1250 : f32 to vector<16xf32>
      %select_n3A_1252 = arith.select %eq3A_1249, %broadcast_in_dim3A_1251, %select_n3A_935 : vector<16xi1>, vector<16xf32>
      %add3A_1253 = arith.constant 32 : i32
      %add3A_1254 = vector.broadcast %add3A_1253 : i32 to vector<16xi32>
      %add3A_1255 = arith.addi %iota3A, %add3A_1254 : vector<16xi32>
      %eq3A_1256 = arith.cmpi eq, %add3A_1255, %min3A_1234 : vector<16xi32>
      %jit3A_1257 = arith.constant -1.000000e+30 : f32
      %broadcast_in_dim3A_1258 = vector.broadcast %jit3A_1257 : f32 to vector<16xf32>
      %select_n3A_1259 = arith.select %eq3A_1256, %broadcast_in_dim3A_1258, %select_n3A_942 : vector<16xi1>, vector<16xf32>
      %add3A_1260 = arith.constant 48 : i32
      %add3A_1261 = vector.broadcast %add3A_1260 : i32 to vector<16xi32>
      %add3A_1262 = arith.addi %iota3A, %add3A_1261 : vector<16xi32>
      %eq3A_1263 = arith.cmpi eq, %add3A_1262, %min3A_1234 : vector<16xi32>
      %jit3A_1264 = arith.constant -1.000000e+30 : f32
      %broadcast_in_dim3A_1265 = vector.broadcast %jit3A_1264 : f32 to vector<16xf32>
      %select_n3A_1266 = arith.select %eq3A_1263, %broadcast_in_dim3A_1265, %select_n3A_949 : vector<16xi1>, vector<16xf32>
      %add3A_1267 = arith.constant 64 : i32
      %add3A_1268 = vector.broadcast %add3A_1267 : i32 to vector<16xi32>
      %add3A_1269 = arith.addi %iota3A, %add3A_1268 : vector<16xi32>
      %eq3A_1270 = arith.cmpi eq, %add3A_1269, %min3A_1234 : vector<16xi32>
      %jit3A_1271 = arith.constant -1.000000e+30 : f32
      %broadcast_in_dim3A_1272 = vector.broadcast %jit3A_1271 : f32 to vector<16xf32>
      %select_n3A_1273 = arith.select %eq3A_1270, %broadcast_in_dim3A_1272, %select_n3A_956 : vector<16xi1>, vector<16xf32>
      %add3A_1274 = arith.constant 80 : i32
      %add3A_1275 = vector.broadcast %add3A_1274 : i32 to vector<16xi32>
      %add3A_1276 = arith.addi %iota3A, %add3A_1275 : vector<16xi32>
      %eq3A_1277 = arith.cmpi eq, %add3A_1276, %min3A_1234 : vector<16xi32>
      %jit3A_1278 = arith.constant -1.000000e+30 : f32
      %broadcast_in_dim3A_1279 = vector.broadcast %jit3A_1278 : f32 to vector<16xf32>
      %select_n3A_1280 = arith.select %eq3A_1277, %broadcast_in_dim3A_1279, %select_n3A_963 : vector<16xi1>, vector<16xf32>
      %add3A_1281 = arith.constant 96 : i32
      %add3A_1282 = vector.broadcast %add3A_1281 : i32 to vector<16xi32>
      %add3A_1283 = arith.addi %iota3A, %add3A_1282 : vector<16xi32>
      %eq3A_1284 = arith.cmpi eq, %add3A_1283, %min3A_1234 : vector<16xi32>
      %jit3A_1285 = arith.constant -1.000000e+30 : f32
      %broadcast_in_dim3A_1286 = vector.broadcast %jit3A_1285 : f32 to vector<16xf32>
      %select_n3A_1287 = arith.select %eq3A_1284, %broadcast_in_dim3A_1286, %select_n3A_970 : vector<16xi1>, vector<16xf32>
      %add3A_1288 = arith.constant 112 : i32
      %add3A_1289 = vector.broadcast %add3A_1288 : i32 to vector<16xi32>
      %add3A_1290 = arith.addi %iota3A, %add3A_1289 : vector<16xi32>
      %eq3A_1291 = arith.cmpi eq, %add3A_1290, %min3A_1234 : vector<16xi32>
      %jit3A_1292 = arith.constant -1.000000e+30 : f32
      %broadcast_in_dim3A_1293 = vector.broadcast %jit3A_1292 : f32 to vector<16xf32>
      %select_n3A_1294 = arith.select %eq3A_1291, %broadcast_in_dim3A_1293, %select_n3A_977 : vector<16xi1>, vector<16xf32>
      %add3A_1295 = arith.constant 128 : i32
      %add3A_1296 = vector.broadcast %add3A_1295 : i32 to vector<16xi32>
      %add3A_1297 = arith.addi %iota3A, %add3A_1296 : vector<16xi32>
      %eq3A_1298 = arith.cmpi eq, %add3A_1297, %min3A_1234 : vector<16xi32>
      %jit3A_1299 = arith.constant -1.000000e+30 : f32
      %broadcast_in_dim3A_1300 = vector.broadcast %jit3A_1299 : f32 to vector<16xf32>
      %select_n3A_1301 = arith.select %eq3A_1298, %broadcast_in_dim3A_1300, %select_n3A_984 : vector<16xi1>, vector<16xf32>
      %add3A_1302 = arith.constant 144 : i32
      %add3A_1303 = vector.broadcast %add3A_1302 : i32 to vector<16xi32>
      %add3A_1304 = arith.addi %iota3A, %add3A_1303 : vector<16xi32>
      %eq3A_1305 = arith.cmpi eq, %add3A_1304, %min3A_1234 : vector<16xi32>
      %jit3A_1306 = arith.constant -1.000000e+30 : f32
      %broadcast_in_dim3A_1307 = vector.broadcast %jit3A_1306 : f32 to vector<16xf32>
      %select_n3A_1308 = arith.select %eq3A_1305, %broadcast_in_dim3A_1307, %select_n3A_991 : vector<16xi1>, vector<16xf32>
      %add3A_1309 = arith.constant 160 : i32
      %add3A_1310 = vector.broadcast %add3A_1309 : i32 to vector<16xi32>
      %add3A_1311 = arith.addi %iota3A, %add3A_1310 : vector<16xi32>
      %eq3A_1312 = arith.cmpi eq, %add3A_1311, %min3A_1234 : vector<16xi32>
      %jit3A_1313 = arith.constant -1.000000e+30 : f32
      %broadcast_in_dim3A_1314 = vector.broadcast %jit3A_1313 : f32 to vector<16xf32>
      %select_n3A_1315 = arith.select %eq3A_1312, %broadcast_in_dim3A_1314, %select_n3A_998 : vector<16xi1>, vector<16xf32>
      %add3A_1316 = arith.constant 176 : i32
      %add3A_1317 = vector.broadcast %add3A_1316 : i32 to vector<16xi32>
      %add3A_1318 = arith.addi %iota3A, %add3A_1317 : vector<16xi32>
      %eq3A_1319 = arith.cmpi eq, %add3A_1318, %min3A_1234 : vector<16xi32>
      %jit3A_1320 = arith.constant -1.000000e+30 : f32
      %broadcast_in_dim3A_1321 = vector.broadcast %jit3A_1320 : f32 to vector<16xf32>
      %select_n3A_1322 = arith.select %eq3A_1319, %broadcast_in_dim3A_1321, %select_n3A_1005 : vector<16xi1>, vector<16xf32>
      %add3A_1323 = arith.constant 192 : i32
      %add3A_1324 = vector.broadcast %add3A_1323 : i32 to vector<16xi32>
      %add3A_1325 = arith.addi %iota3A, %add3A_1324 : vector<16xi32>
      %eq3A_1326 = arith.cmpi eq, %add3A_1325, %min3A_1234 : vector<16xi32>
      %jit3A_1327 = arith.constant -1.000000e+30 : f32
      %broadcast_in_dim3A_1328 = vector.broadcast %jit3A_1327 : f32 to vector<16xf32>
      %select_n3A_1329 = arith.select %eq3A_1326, %broadcast_in_dim3A_1328, %select_n3A_1012 : vector<16xi1>, vector<16xf32>
      %add3A_1330 = arith.constant 208 : i32
      %add3A_1331 = vector.broadcast %add3A_1330 : i32 to vector<16xi32>
      %add3A_1332 = arith.addi %iota3A, %add3A_1331 : vector<16xi32>
      %eq3A_1333 = arith.cmpi eq, %add3A_1332, %min3A_1234 : vector<16xi32>
      %jit3A_1334 = arith.constant -1.000000e+30 : f32
      %broadcast_in_dim3A_1335 = vector.broadcast %jit3A_1334 : f32 to vector<16xf32>
      %select_n3A_1336 = arith.select %eq3A_1333, %broadcast_in_dim3A_1335, %select_n3A_1019 : vector<16xi1>, vector<16xf32>
      %add3A_1337 = arith.constant 224 : i32
      %add3A_1338 = vector.broadcast %add3A_1337 : i32 to vector<16xi32>
      %add3A_1339 = arith.addi %iota3A, %add3A_1338 : vector<16xi32>
      %eq3A_1340 = arith.cmpi eq, %add3A_1339, %min3A_1234 : vector<16xi32>
      %jit3A_1341 = arith.constant -1.000000e+30 : f32
      %broadcast_in_dim3A_1342 = vector.broadcast %jit3A_1341 : f32 to vector<16xf32>
      %select_n3A_1343 = arith.select %eq3A_1340, %broadcast_in_dim3A_1342, %select_n3A_1026 : vector<16xi1>, vector<16xf32>
      %add3A_1344 = arith.constant 240 : i32
      %add3A_1345 = vector.broadcast %add3A_1344 : i32 to vector<16xi32>
      %add3A_1346 = arith.addi %iota3A, %add3A_1345 : vector<16xi32>
      %eq3A_1347 = arith.cmpi eq, %add3A_1346, %min3A_1234 : vector<16xi32>
      %jit3A_1348 = arith.constant -1.000000e+30 : f32
      %broadcast_in_dim3A_1349 = vector.broadcast %jit3A_1348 : f32 to vector<16xf32>
      %select_n3A_1350 = arith.select %eq3A_1347, %broadcast_in_dim3A_1349, %select_n3A_1033 : vector<16xi1>, vector<16xf32>
      %max3A_1351 = arith.maximumf %select_n3A_1245, %select_n3A_1252 : vector<16xf32>
      %max3A_1352 = arith.maximumf %max3A_1351, %select_n3A_1259 : vector<16xf32>
      %max3A_1353 = arith.maximumf %max3A_1352, %select_n3A_1266 : vector<16xf32>
      %max3A_1354 = arith.maximumf %max3A_1353, %select_n3A_1273 : vector<16xf32>
      %max3A_1355 = arith.maximumf %max3A_1354, %select_n3A_1280 : vector<16xf32>
      %max3A_1356 = arith.maximumf %max3A_1355, %select_n3A_1287 : vector<16xf32>
      %max3A_1357 = arith.maximumf %max3A_1356, %select_n3A_1294 : vector<16xf32>
      %max3A_1358 = arith.maximumf %max3A_1357, %select_n3A_1301 : vector<16xf32>
      %max3A_1359 = arith.maximumf %max3A_1358, %select_n3A_1308 : vector<16xf32>
      %max3A_1360 = arith.maximumf %max3A_1359, %select_n3A_1315 : vector<16xf32>
      %max3A_1361 = arith.maximumf %max3A_1360, %select_n3A_1322 : vector<16xf32>
      %max3A_1362 = arith.maximumf %max3A_1361, %select_n3A_1329 : vector<16xf32>
      %max3A_1363 = arith.maximumf %max3A_1362, %select_n3A_1336 : vector<16xf32>
      %max3A_1364 = arith.maximumf %max3A_1363, %select_n3A_1343 : vector<16xf32>
      %max3A_1365 = arith.maximumf %max3A_1364, %select_n3A_1350 : vector<16xf32>
      %xor3A_1366 = arith.constant 1 : i32
      %xor3A_1367 = vector.broadcast %xor3A_1366 : i32 to vector<16xi32>
      %xor3A_1368 = arith.xori %iota3A, %xor3A_1367 : vector<16xi32>
      %broadcast_in_dim3A_1369 = vector.shape_cast %xor3A_1368 : vector<16xi32> to vector<16x1xi32>
      %gather3A_1370 = vector.shape_cast %broadcast_in_dim3A_1369 : vector<16x1xi32> to vector<16xi32>
      %gather3A_1371 = tpu.dynamic_gather %max3A_1365[%gather3A_1370] in [0] : vector<16xf32>, vector<16xi32> -> vector<16xf32>
      %max3A_1372 = arith.maximumf %max3A_1365, %gather3A_1371 : vector<16xf32>
      %xor3A_1373 = arith.constant 2 : i32
      %xor3A_1374 = vector.broadcast %xor3A_1373 : i32 to vector<16xi32>
      %xor3A_1375 = arith.xori %iota3A, %xor3A_1374 : vector<16xi32>
      %broadcast_in_dim3A_1376 = vector.shape_cast %xor3A_1375 : vector<16xi32> to vector<16x1xi32>
      %gather3A_1377 = vector.shape_cast %broadcast_in_dim3A_1376 : vector<16x1xi32> to vector<16xi32>
      %gather3A_1378 = tpu.dynamic_gather %max3A_1372[%gather3A_1377] in [0] : vector<16xf32>, vector<16xi32> -> vector<16xf32>
      %max3A_1379 = arith.maximumf %max3A_1372, %gather3A_1378 : vector<16xf32>
      %xor3A_1380 = arith.constant 4 : i32
      %xor3A_1381 = vector.broadcast %xor3A_1380 : i32 to vector<16xi32>
      %xor3A_1382 = arith.xori %iota3A, %xor3A_1381 : vector<16xi32>
      %broadcast_in_dim3A_1383 = vector.shape_cast %xor3A_1382 : vector<16xi32> to vector<16x1xi32>
      %gather3A_1384 = vector.shape_cast %broadcast_in_dim3A_1383 : vector<16x1xi32> to vector<16xi32>
      %gather3A_1385 = tpu.dynamic_gather %max3A_1379[%gather3A_1384] in [0] : vector<16xf32>, vector<16xi32> -> vector<16xf32>
      %max3A_1386 = arith.maximumf %max3A_1379, %gather3A_1385 : vector<16xf32>
      %xor3A_1387 = arith.constant 8 : i32
      %xor3A_1388 = vector.broadcast %xor3A_1387 : i32 to vector<16xi32>
      %xor3A_1389 = arith.xori %iota3A, %xor3A_1388 : vector<16xi32>
      %broadcast_in_dim3A_1390 = vector.shape_cast %xor3A_1389 : vector<16xi32> to vector<16x1xi32>
      %gather3A_1391 = vector.shape_cast %broadcast_in_dim3A_1390 : vector<16x1xi32> to vector<16xi32>
      %gather3A_1392 = tpu.dynamic_gather %max3A_1386[%gather3A_1391] in [0] : vector<16xf32>, vector<16xi32> -> vector<16xf32>
      %max3A_1393 = arith.maximumf %max3A_1386, %gather3A_1392 : vector<16xf32>
      %broadcast_in_dim3A_1394 = arith.constant 256 : i32
      %broadcast_in_dim3A_1395 = vector.broadcast %broadcast_in_dim3A_1394 : i32 to vector<16xi32>
      %eq3A_1396 = arith.cmpf oeq, %select_n3A_1245, %max3A_1393 : vector<16xf32>
      %add3A_1397 = arith.constant 0 : i32
      %add3A_1398 = vector.broadcast %add3A_1397 : i32 to vector<16xi32>
      %add3A_1399 = arith.addi %iota3A, %add3A_1398 : vector<16xi32>
      %jit3A_1400 = arith.constant 256 : i32
      %broadcast_in_dim3A_1401 = vector.broadcast %jit3A_1400 : i32 to vector<16xi32>
      %select_n3A_1402 = arith.select %eq3A_1396, %add3A_1399, %broadcast_in_dim3A_1401 : vector<16xi1>, vector<16xi32>
      %min3A_1403 = arith.minsi %broadcast_in_dim3A_1395, %select_n3A_1402 : vector<16xi32>
      %eq3A_1404 = arith.cmpf oeq, %select_n3A_1252, %max3A_1393 : vector<16xf32>
      %add3A_1405 = arith.constant 16 : i32
      %add3A_1406 = vector.broadcast %add3A_1405 : i32 to vector<16xi32>
      %add3A_1407 = arith.addi %iota3A, %add3A_1406 : vector<16xi32>
      %jit3A_1408 = arith.constant 256 : i32
      %broadcast_in_dim3A_1409 = vector.broadcast %jit3A_1408 : i32 to vector<16xi32>
      %select_n3A_1410 = arith.select %eq3A_1404, %add3A_1407, %broadcast_in_dim3A_1409 : vector<16xi1>, vector<16xi32>
      %min3A_1411 = arith.minsi %min3A_1403, %select_n3A_1410 : vector<16xi32>
      %eq3A_1412 = arith.cmpf oeq, %select_n3A_1259, %max3A_1393 : vector<16xf32>
      %add3A_1413 = arith.constant 32 : i32
      %add3A_1414 = vector.broadcast %add3A_1413 : i32 to vector<16xi32>
      %add3A_1415 = arith.addi %iota3A, %add3A_1414 : vector<16xi32>
      %jit3A_1416 = arith.constant 256 : i32
      %broadcast_in_dim3A_1417 = vector.broadcast %jit3A_1416 : i32 to vector<16xi32>
      %select_n3A_1418 = arith.select %eq3A_1412, %add3A_1415, %broadcast_in_dim3A_1417 : vector<16xi1>, vector<16xi32>
      %min3A_1419 = arith.minsi %min3A_1411, %select_n3A_1418 : vector<16xi32>
      %eq3A_1420 = arith.cmpf oeq, %select_n3A_1266, %max3A_1393 : vector<16xf32>
      %add3A_1421 = arith.constant 48 : i32
      %add3A_1422 = vector.broadcast %add3A_1421 : i32 to vector<16xi32>
      %add3A_1423 = arith.addi %iota3A, %add3A_1422 : vector<16xi32>
      %jit3A_1424 = arith.constant 256 : i32
      %broadcast_in_dim3A_1425 = vector.broadcast %jit3A_1424 : i32 to vector<16xi32>
      %select_n3A_1426 = arith.select %eq3A_1420, %add3A_1423, %broadcast_in_dim3A_1425 : vector<16xi1>, vector<16xi32>
      %min3A_1427 = arith.minsi %min3A_1419, %select_n3A_1426 : vector<16xi32>
      %eq3A_1428 = arith.cmpf oeq, %select_n3A_1273, %max3A_1393 : vector<16xf32>
      %add3A_1429 = arith.constant 64 : i32
      %add3A_1430 = vector.broadcast %add3A_1429 : i32 to vector<16xi32>
      %add3A_1431 = arith.addi %iota3A, %add3A_1430 : vector<16xi32>
      %jit3A_1432 = arith.constant 256 : i32
      %broadcast_in_dim3A_1433 = vector.broadcast %jit3A_1432 : i32 to vector<16xi32>
      %select_n3A_1434 = arith.select %eq3A_1428, %add3A_1431, %broadcast_in_dim3A_1433 : vector<16xi1>, vector<16xi32>
      %min3A_1435 = arith.minsi %min3A_1427, %select_n3A_1434 : vector<16xi32>
      %eq3A_1436 = arith.cmpf oeq, %select_n3A_1280, %max3A_1393 : vector<16xf32>
      %add3A_1437 = arith.constant 80 : i32
      %add3A_1438 = vector.broadcast %add3A_1437 : i32 to vector<16xi32>
      %add3A_1439 = arith.addi %iota3A, %add3A_1438 : vector<16xi32>
      %jit3A_1440 = arith.constant 256 : i32
      %broadcast_in_dim3A_1441 = vector.broadcast %jit3A_1440 : i32 to vector<16xi32>
      %select_n3A_1442 = arith.select %eq3A_1436, %add3A_1439, %broadcast_in_dim3A_1441 : vector<16xi1>, vector<16xi32>
      %min3A_1443 = arith.minsi %min3A_1435, %select_n3A_1442 : vector<16xi32>
      %eq3A_1444 = arith.cmpf oeq, %select_n3A_1287, %max3A_1393 : vector<16xf32>
      %add3A_1445 = arith.constant 96 : i32
      %add3A_1446 = vector.broadcast %add3A_1445 : i32 to vector<16xi32>
      %add3A_1447 = arith.addi %iota3A, %add3A_1446 : vector<16xi32>
      %jit3A_1448 = arith.constant 256 : i32
      %broadcast_in_dim3A_1449 = vector.broadcast %jit3A_1448 : i32 to vector<16xi32>
      %select_n3A_1450 = arith.select %eq3A_1444, %add3A_1447, %broadcast_in_dim3A_1449 : vector<16xi1>, vector<16xi32>
      %min3A_1451 = arith.minsi %min3A_1443, %select_n3A_1450 : vector<16xi32>
      %eq3A_1452 = arith.cmpf oeq, %select_n3A_1294, %max3A_1393 : vector<16xf32>
      %add3A_1453 = arith.constant 112 : i32
      %add3A_1454 = vector.broadcast %add3A_1453 : i32 to vector<16xi32>
      %add3A_1455 = arith.addi %iota3A, %add3A_1454 : vector<16xi32>
      %jit3A_1456 = arith.constant 256 : i32
      %broadcast_in_dim3A_1457 = vector.broadcast %jit3A_1456 : i32 to vector<16xi32>
      %select_n3A_1458 = arith.select %eq3A_1452, %add3A_1455, %broadcast_in_dim3A_1457 : vector<16xi1>, vector<16xi32>
      %min3A_1459 = arith.minsi %min3A_1451, %select_n3A_1458 : vector<16xi32>
      %eq3A_1460 = arith.cmpf oeq, %select_n3A_1301, %max3A_1393 : vector<16xf32>
      %add3A_1461 = arith.constant 128 : i32
      %add3A_1462 = vector.broadcast %add3A_1461 : i32 to vector<16xi32>
      %add3A_1463 = arith.addi %iota3A, %add3A_1462 : vector<16xi32>
      %jit3A_1464 = arith.constant 256 : i32
      %broadcast_in_dim3A_1465 = vector.broadcast %jit3A_1464 : i32 to vector<16xi32>
      %select_n3A_1466 = arith.select %eq3A_1460, %add3A_1463, %broadcast_in_dim3A_1465 : vector<16xi1>, vector<16xi32>
      %min3A_1467 = arith.minsi %min3A_1459, %select_n3A_1466 : vector<16xi32>
      %eq3A_1468 = arith.cmpf oeq, %select_n3A_1308, %max3A_1393 : vector<16xf32>
      %add3A_1469 = arith.constant 144 : i32
      %add3A_1470 = vector.broadcast %add3A_1469 : i32 to vector<16xi32>
      %add3A_1471 = arith.addi %iota3A, %add3A_1470 : vector<16xi32>
      %jit3A_1472 = arith.constant 256 : i32
      %broadcast_in_dim3A_1473 = vector.broadcast %jit3A_1472 : i32 to vector<16xi32>
      %select_n3A_1474 = arith.select %eq3A_1468, %add3A_1471, %broadcast_in_dim3A_1473 : vector<16xi1>, vector<16xi32>
      %min3A_1475 = arith.minsi %min3A_1467, %select_n3A_1474 : vector<16xi32>
      %eq3A_1476 = arith.cmpf oeq, %select_n3A_1315, %max3A_1393 : vector<16xf32>
      %add3A_1477 = arith.constant 160 : i32
      %add3A_1478 = vector.broadcast %add3A_1477 : i32 to vector<16xi32>
      %add3A_1479 = arith.addi %iota3A, %add3A_1478 : vector<16xi32>
      %jit3A_1480 = arith.constant 256 : i32
      %broadcast_in_dim3A_1481 = vector.broadcast %jit3A_1480 : i32 to vector<16xi32>
      %select_n3A_1482 = arith.select %eq3A_1476, %add3A_1479, %broadcast_in_dim3A_1481 : vector<16xi1>, vector<16xi32>
      %min3A_1483 = arith.minsi %min3A_1475, %select_n3A_1482 : vector<16xi32>
      %eq3A_1484 = arith.cmpf oeq, %select_n3A_1322, %max3A_1393 : vector<16xf32>
      %add3A_1485 = arith.constant 176 : i32
      %add3A_1486 = vector.broadcast %add3A_1485 : i32 to vector<16xi32>
      %add3A_1487 = arith.addi %iota3A, %add3A_1486 : vector<16xi32>
      %jit3A_1488 = arith.constant 256 : i32
      %broadcast_in_dim3A_1489 = vector.broadcast %jit3A_1488 : i32 to vector<16xi32>
      %select_n3A_1490 = arith.select %eq3A_1484, %add3A_1487, %broadcast_in_dim3A_1489 : vector<16xi1>, vector<16xi32>
      %min3A_1491 = arith.minsi %min3A_1483, %select_n3A_1490 : vector<16xi32>
      %eq3A_1492 = arith.cmpf oeq, %select_n3A_1329, %max3A_1393 : vector<16xf32>
      %add3A_1493 = arith.constant 192 : i32
      %add3A_1494 = vector.broadcast %add3A_1493 : i32 to vector<16xi32>
      %add3A_1495 = arith.addi %iota3A, %add3A_1494 : vector<16xi32>
      %jit3A_1496 = arith.constant 256 : i32
      %broadcast_in_dim3A_1497 = vector.broadcast %jit3A_1496 : i32 to vector<16xi32>
      %select_n3A_1498 = arith.select %eq3A_1492, %add3A_1495, %broadcast_in_dim3A_1497 : vector<16xi1>, vector<16xi32>
      %min3A_1499 = arith.minsi %min3A_1491, %select_n3A_1498 : vector<16xi32>
      %eq3A_1500 = arith.cmpf oeq, %select_n3A_1336, %max3A_1393 : vector<16xf32>
      %add3A_1501 = arith.constant 208 : i32
      %add3A_1502 = vector.broadcast %add3A_1501 : i32 to vector<16xi32>
      %add3A_1503 = arith.addi %iota3A, %add3A_1502 : vector<16xi32>
      %jit3A_1504 = arith.constant 256 : i32
      %broadcast_in_dim3A_1505 = vector.broadcast %jit3A_1504 : i32 to vector<16xi32>
      %select_n3A_1506 = arith.select %eq3A_1500, %add3A_1503, %broadcast_in_dim3A_1505 : vector<16xi1>, vector<16xi32>
      %min3A_1507 = arith.minsi %min3A_1499, %select_n3A_1506 : vector<16xi32>
      %eq3A_1508 = arith.cmpf oeq, %select_n3A_1343, %max3A_1393 : vector<16xf32>
      %add3A_1509 = arith.constant 224 : i32
      %add3A_1510 = vector.broadcast %add3A_1509 : i32 to vector<16xi32>
      %add3A_1511 = arith.addi %iota3A, %add3A_1510 : vector<16xi32>
      %jit3A_1512 = arith.constant 256 : i32
      %broadcast_in_dim3A_1513 = vector.broadcast %jit3A_1512 : i32 to vector<16xi32>
      %select_n3A_1514 = arith.select %eq3A_1508, %add3A_1511, %broadcast_in_dim3A_1513 : vector<16xi1>, vector<16xi32>
      %min3A_1515 = arith.minsi %min3A_1507, %select_n3A_1514 : vector<16xi32>
      %eq3A_1516 = arith.cmpf oeq, %select_n3A_1350, %max3A_1393 : vector<16xf32>
      %add3A_1517 = arith.constant 240 : i32
      %add3A_1518 = vector.broadcast %add3A_1517 : i32 to vector<16xi32>
      %add3A_1519 = arith.addi %iota3A, %add3A_1518 : vector<16xi32>
      %jit3A_1520 = arith.constant 256 : i32
      %broadcast_in_dim3A_1521 = vector.broadcast %jit3A_1520 : i32 to vector<16xi32>
      %select_n3A_1522 = arith.select %eq3A_1516, %add3A_1519, %broadcast_in_dim3A_1521 : vector<16xi1>, vector<16xi32>
      %min3A_1523 = arith.minsi %min3A_1515, %select_n3A_1522 : vector<16xi32>
      %xor3A_1524 = arith.constant 1 : i32
      %xor3A_1525 = vector.broadcast %xor3A_1524 : i32 to vector<16xi32>
      %xor3A_1526 = arith.xori %iota3A, %xor3A_1525 : vector<16xi32>
      %broadcast_in_dim3A_1527 = vector.shape_cast %xor3A_1526 : vector<16xi32> to vector<16x1xi32>
      %gather3A_1528 = vector.shape_cast %broadcast_in_dim3A_1527 : vector<16x1xi32> to vector<16xi32>
      %gather3A_1529 = tpu.dynamic_gather %min3A_1523[%gather3A_1528] in [0] : vector<16xi32>, vector<16xi32> -> vector<16xi32>
      %min3A_1530 = arith.minsi %min3A_1523, %gather3A_1529 : vector<16xi32>
      %xor3A_1531 = arith.constant 2 : i32
      %xor3A_1532 = vector.broadcast %xor3A_1531 : i32 to vector<16xi32>
      %xor3A_1533 = arith.xori %iota3A, %xor3A_1532 : vector<16xi32>
      %broadcast_in_dim3A_1534 = vector.shape_cast %xor3A_1533 : vector<16xi32> to vector<16x1xi32>
      %gather3A_1535 = vector.shape_cast %broadcast_in_dim3A_1534 : vector<16x1xi32> to vector<16xi32>
      %gather3A_1536 = tpu.dynamic_gather %min3A_1530[%gather3A_1535] in [0] : vector<16xi32>, vector<16xi32> -> vector<16xi32>
      %min3A_1537 = arith.minsi %min3A_1530, %gather3A_1536 : vector<16xi32>
      %xor3A_1538 = arith.constant 4 : i32
      %xor3A_1539 = vector.broadcast %xor3A_1538 : i32 to vector<16xi32>
      %xor3A_1540 = arith.xori %iota3A, %xor3A_1539 : vector<16xi32>
      %broadcast_in_dim3A_1541 = vector.shape_cast %xor3A_1540 : vector<16xi32> to vector<16x1xi32>
      %gather3A_1542 = vector.shape_cast %broadcast_in_dim3A_1541 : vector<16x1xi32> to vector<16xi32>
      %gather3A_1543 = tpu.dynamic_gather %min3A_1537[%gather3A_1542] in [0] : vector<16xi32>, vector<16xi32> -> vector<16xi32>
      %min3A_1544 = arith.minsi %min3A_1537, %gather3A_1543 : vector<16xi32>
      %xor3A_1545 = arith.constant 8 : i32
      %xor3A_1546 = vector.broadcast %xor3A_1545 : i32 to vector<16xi32>
      %xor3A_1547 = arith.xori %iota3A, %xor3A_1546 : vector<16xi32>
      %broadcast_in_dim3A_1548 = vector.shape_cast %xor3A_1547 : vector<16xi32> to vector<16x1xi32>
      %gather3A_1549 = vector.shape_cast %broadcast_in_dim3A_1548 : vector<16x1xi32> to vector<16xi32>
      %gather3A_1550 = tpu.dynamic_gather %min3A_1544[%gather3A_1549] in [0] : vector<16xi32>, vector<16xi32> -> vector<16xi32>
      %min3A_1551 = arith.minsi %min3A_1544, %gather3A_1550 : vector<16xi32>
      %eq3A_1552 = arith.constant 4 : i32
      %eq3A_1553 = vector.broadcast %eq3A_1552 : i32 to vector<16xi32>
      %eq3A_1554 = arith.cmpi eq, %iota3A, %eq3A_1553 : vector<16xi32>
      %select_n3A_1555 = arith.select %eq3A_1554, %min3A_1551, %select_n3A_1238 : vector<16xi1>, vector<16xi32>
      %add3A_1556 = arith.constant 0 : i32
      %add3A_1557 = vector.broadcast %add3A_1556 : i32 to vector<16xi32>
      %add3A_1558 = arith.addi %iota3A, %add3A_1557 : vector<16xi32>
      %eq3A_1559 = arith.cmpi eq, %add3A_1558, %min3A_1551 : vector<16xi32>
      %jit3A_1560 = arith.constant -1.000000e+30 : f32
      %broadcast_in_dim3A_1561 = vector.broadcast %jit3A_1560 : f32 to vector<16xf32>
      %select_n3A_1562 = arith.select %eq3A_1559, %broadcast_in_dim3A_1561, %select_n3A_1245 : vector<16xi1>, vector<16xf32>
      %add3A_1563 = arith.constant 16 : i32
      %add3A_1564 = vector.broadcast %add3A_1563 : i32 to vector<16xi32>
      %add3A_1565 = arith.addi %iota3A, %add3A_1564 : vector<16xi32>
      %eq3A_1566 = arith.cmpi eq, %add3A_1565, %min3A_1551 : vector<16xi32>
      %jit3A_1567 = arith.constant -1.000000e+30 : f32
      %broadcast_in_dim3A_1568 = vector.broadcast %jit3A_1567 : f32 to vector<16xf32>
      %select_n3A_1569 = arith.select %eq3A_1566, %broadcast_in_dim3A_1568, %select_n3A_1252 : vector<16xi1>, vector<16xf32>
      %add3A_1570 = arith.constant 32 : i32
      %add3A_1571 = vector.broadcast %add3A_1570 : i32 to vector<16xi32>
      %add3A_1572 = arith.addi %iota3A, %add3A_1571 : vector<16xi32>
      %eq3A_1573 = arith.cmpi eq, %add3A_1572, %min3A_1551 : vector<16xi32>
      %jit3A_1574 = arith.constant -1.000000e+30 : f32
      %broadcast_in_dim3A_1575 = vector.broadcast %jit3A_1574 : f32 to vector<16xf32>
      %select_n3A_1576 = arith.select %eq3A_1573, %broadcast_in_dim3A_1575, %select_n3A_1259 : vector<16xi1>, vector<16xf32>
      %add3A_1577 = arith.constant 48 : i32
      %add3A_1578 = vector.broadcast %add3A_1577 : i32 to vector<16xi32>
      %add3A_1579 = arith.addi %iota3A, %add3A_1578 : vector<16xi32>
      %eq3A_1580 = arith.cmpi eq, %add3A_1579, %min3A_1551 : vector<16xi32>
      %jit3A_1581 = arith.constant -1.000000e+30 : f32
      %broadcast_in_dim3A_1582 = vector.broadcast %jit3A_1581 : f32 to vector<16xf32>
      %select_n3A_1583 = arith.select %eq3A_1580, %broadcast_in_dim3A_1582, %select_n3A_1266 : vector<16xi1>, vector<16xf32>
      %add3A_1584 = arith.constant 64 : i32
      %add3A_1585 = vector.broadcast %add3A_1584 : i32 to vector<16xi32>
      %add3A_1586 = arith.addi %iota3A, %add3A_1585 : vector<16xi32>
      %eq3A_1587 = arith.cmpi eq, %add3A_1586, %min3A_1551 : vector<16xi32>
      %jit3A_1588 = arith.constant -1.000000e+30 : f32
      %broadcast_in_dim3A_1589 = vector.broadcast %jit3A_1588 : f32 to vector<16xf32>
      %select_n3A_1590 = arith.select %eq3A_1587, %broadcast_in_dim3A_1589, %select_n3A_1273 : vector<16xi1>, vector<16xf32>
      %add3A_1591 = arith.constant 80 : i32
      %add3A_1592 = vector.broadcast %add3A_1591 : i32 to vector<16xi32>
      %add3A_1593 = arith.addi %iota3A, %add3A_1592 : vector<16xi32>
      %eq3A_1594 = arith.cmpi eq, %add3A_1593, %min3A_1551 : vector<16xi32>
      %jit3A_1595 = arith.constant -1.000000e+30 : f32
      %broadcast_in_dim3A_1596 = vector.broadcast %jit3A_1595 : f32 to vector<16xf32>
      %select_n3A_1597 = arith.select %eq3A_1594, %broadcast_in_dim3A_1596, %select_n3A_1280 : vector<16xi1>, vector<16xf32>
      %add3A_1598 = arith.constant 96 : i32
      %add3A_1599 = vector.broadcast %add3A_1598 : i32 to vector<16xi32>
      %add3A_1600 = arith.addi %iota3A, %add3A_1599 : vector<16xi32>
      %eq3A_1601 = arith.cmpi eq, %add3A_1600, %min3A_1551 : vector<16xi32>
      %jit3A_1602 = arith.constant -1.000000e+30 : f32
      %broadcast_in_dim3A_1603 = vector.broadcast %jit3A_1602 : f32 to vector<16xf32>
      %select_n3A_1604 = arith.select %eq3A_1601, %broadcast_in_dim3A_1603, %select_n3A_1287 : vector<16xi1>, vector<16xf32>
      %add3A_1605 = arith.constant 112 : i32
      %add3A_1606 = vector.broadcast %add3A_1605 : i32 to vector<16xi32>
      %add3A_1607 = arith.addi %iota3A, %add3A_1606 : vector<16xi32>
      %eq3A_1608 = arith.cmpi eq, %add3A_1607, %min3A_1551 : vector<16xi32>
      %jit3A_1609 = arith.constant -1.000000e+30 : f32
      %broadcast_in_dim3A_1610 = vector.broadcast %jit3A_1609 : f32 to vector<16xf32>
      %select_n3A_1611 = arith.select %eq3A_1608, %broadcast_in_dim3A_1610, %select_n3A_1294 : vector<16xi1>, vector<16xf32>
      %add3A_1612 = arith.constant 128 : i32
      %add3A_1613 = vector.broadcast %add3A_1612 : i32 to vector<16xi32>
      %add3A_1614 = arith.addi %iota3A, %add3A_1613 : vector<16xi32>
      %eq3A_1615 = arith.cmpi eq, %add3A_1614, %min3A_1551 : vector<16xi32>
      %jit3A_1616 = arith.constant -1.000000e+30 : f32
      %broadcast_in_dim3A_1617 = vector.broadcast %jit3A_1616 : f32 to vector<16xf32>
      %select_n3A_1618 = arith.select %eq3A_1615, %broadcast_in_dim3A_1617, %select_n3A_1301 : vector<16xi1>, vector<16xf32>
      %add3A_1619 = arith.constant 144 : i32
      %add3A_1620 = vector.broadcast %add3A_1619 : i32 to vector<16xi32>
      %add3A_1621 = arith.addi %iota3A, %add3A_1620 : vector<16xi32>
      %eq3A_1622 = arith.cmpi eq, %add3A_1621, %min3A_1551 : vector<16xi32>
      %jit3A_1623 = arith.constant -1.000000e+30 : f32
      %broadcast_in_dim3A_1624 = vector.broadcast %jit3A_1623 : f32 to vector<16xf32>
      %select_n3A_1625 = arith.select %eq3A_1622, %broadcast_in_dim3A_1624, %select_n3A_1308 : vector<16xi1>, vector<16xf32>
      %add3A_1626 = arith.constant 160 : i32
      %add3A_1627 = vector.broadcast %add3A_1626 : i32 to vector<16xi32>
      %add3A_1628 = arith.addi %iota3A, %add3A_1627 : vector<16xi32>
      %eq3A_1629 = arith.cmpi eq, %add3A_1628, %min3A_1551 : vector<16xi32>
      %jit3A_1630 = arith.constant -1.000000e+30 : f32
      %broadcast_in_dim3A_1631 = vector.broadcast %jit3A_1630 : f32 to vector<16xf32>
      %select_n3A_1632 = arith.select %eq3A_1629, %broadcast_in_dim3A_1631, %select_n3A_1315 : vector<16xi1>, vector<16xf32>
      %add3A_1633 = arith.constant 176 : i32
      %add3A_1634 = vector.broadcast %add3A_1633 : i32 to vector<16xi32>
      %add3A_1635 = arith.addi %iota3A, %add3A_1634 : vector<16xi32>
      %eq3A_1636 = arith.cmpi eq, %add3A_1635, %min3A_1551 : vector<16xi32>
      %jit3A_1637 = arith.constant -1.000000e+30 : f32
      %broadcast_in_dim3A_1638 = vector.broadcast %jit3A_1637 : f32 to vector<16xf32>
      %select_n3A_1639 = arith.select %eq3A_1636, %broadcast_in_dim3A_1638, %select_n3A_1322 : vector<16xi1>, vector<16xf32>
      %add3A_1640 = arith.constant 192 : i32
      %add3A_1641 = vector.broadcast %add3A_1640 : i32 to vector<16xi32>
      %add3A_1642 = arith.addi %iota3A, %add3A_1641 : vector<16xi32>
      %eq3A_1643 = arith.cmpi eq, %add3A_1642, %min3A_1551 : vector<16xi32>
      %jit3A_1644 = arith.constant -1.000000e+30 : f32
      %broadcast_in_dim3A_1645 = vector.broadcast %jit3A_1644 : f32 to vector<16xf32>
      %select_n3A_1646 = arith.select %eq3A_1643, %broadcast_in_dim3A_1645, %select_n3A_1329 : vector<16xi1>, vector<16xf32>
      %add3A_1647 = arith.constant 208 : i32
      %add3A_1648 = vector.broadcast %add3A_1647 : i32 to vector<16xi32>
      %add3A_1649 = arith.addi %iota3A, %add3A_1648 : vector<16xi32>
      %eq3A_1650 = arith.cmpi eq, %add3A_1649, %min3A_1551 : vector<16xi32>
      %jit3A_1651 = arith.constant -1.000000e+30 : f32
      %broadcast_in_dim3A_1652 = vector.broadcast %jit3A_1651 : f32 to vector<16xf32>
      %select_n3A_1653 = arith.select %eq3A_1650, %broadcast_in_dim3A_1652, %select_n3A_1336 : vector<16xi1>, vector<16xf32>
      %add3A_1654 = arith.constant 224 : i32
      %add3A_1655 = vector.broadcast %add3A_1654 : i32 to vector<16xi32>
      %add3A_1656 = arith.addi %iota3A, %add3A_1655 : vector<16xi32>
      %eq3A_1657 = arith.cmpi eq, %add3A_1656, %min3A_1551 : vector<16xi32>
      %jit3A_1658 = arith.constant -1.000000e+30 : f32
      %broadcast_in_dim3A_1659 = vector.broadcast %jit3A_1658 : f32 to vector<16xf32>
      %select_n3A_1660 = arith.select %eq3A_1657, %broadcast_in_dim3A_1659, %select_n3A_1343 : vector<16xi1>, vector<16xf32>
      %add3A_1661 = arith.constant 240 : i32
      %add3A_1662 = vector.broadcast %add3A_1661 : i32 to vector<16xi32>
      %add3A_1663 = arith.addi %iota3A, %add3A_1662 : vector<16xi32>
      %eq3A_1664 = arith.cmpi eq, %add3A_1663, %min3A_1551 : vector<16xi32>
      %jit3A_1665 = arith.constant -1.000000e+30 : f32
      %broadcast_in_dim3A_1666 = vector.broadcast %jit3A_1665 : f32 to vector<16xf32>
      %select_n3A_1667 = arith.select %eq3A_1664, %broadcast_in_dim3A_1666, %select_n3A_1350 : vector<16xi1>, vector<16xf32>
      %max3A_1668 = arith.maximumf %select_n3A_1562, %select_n3A_1569 : vector<16xf32>
      %max3A_1669 = arith.maximumf %max3A_1668, %select_n3A_1576 : vector<16xf32>
      %max3A_1670 = arith.maximumf %max3A_1669, %select_n3A_1583 : vector<16xf32>
      %max3A_1671 = arith.maximumf %max3A_1670, %select_n3A_1590 : vector<16xf32>
      %max3A_1672 = arith.maximumf %max3A_1671, %select_n3A_1597 : vector<16xf32>
      %max3A_1673 = arith.maximumf %max3A_1672, %select_n3A_1604 : vector<16xf32>
      %max3A_1674 = arith.maximumf %max3A_1673, %select_n3A_1611 : vector<16xf32>
      %max3A_1675 = arith.maximumf %max3A_1674, %select_n3A_1618 : vector<16xf32>
      %max3A_1676 = arith.maximumf %max3A_1675, %select_n3A_1625 : vector<16xf32>
      %max3A_1677 = arith.maximumf %max3A_1676, %select_n3A_1632 : vector<16xf32>
      %max3A_1678 = arith.maximumf %max3A_1677, %select_n3A_1639 : vector<16xf32>
      %max3A_1679 = arith.maximumf %max3A_1678, %select_n3A_1646 : vector<16xf32>
      %max3A_1680 = arith.maximumf %max3A_1679, %select_n3A_1653 : vector<16xf32>
      %max3A_1681 = arith.maximumf %max3A_1680, %select_n3A_1660 : vector<16xf32>
      %max3A_1682 = arith.maximumf %max3A_1681, %select_n3A_1667 : vector<16xf32>
      %xor3A_1683 = arith.constant 1 : i32
      %xor3A_1684 = vector.broadcast %xor3A_1683 : i32 to vector<16xi32>
      %xor3A_1685 = arith.xori %iota3A, %xor3A_1684 : vector<16xi32>
      %broadcast_in_dim3A_1686 = vector.shape_cast %xor3A_1685 : vector<16xi32> to vector<16x1xi32>
      %gather3A_1687 = vector.shape_cast %broadcast_in_dim3A_1686 : vector<16x1xi32> to vector<16xi32>
      %gather3A_1688 = tpu.dynamic_gather %max3A_1682[%gather3A_1687] in [0] : vector<16xf32>, vector<16xi32> -> vector<16xf32>
      %max3A_1689 = arith.maximumf %max3A_1682, %gather3A_1688 : vector<16xf32>
      %xor3A_1690 = arith.constant 2 : i32
      %xor3A_1691 = vector.broadcast %xor3A_1690 : i32 to vector<16xi32>
      %xor3A_1692 = arith.xori %iota3A, %xor3A_1691 : vector<16xi32>
      %broadcast_in_dim3A_1693 = vector.shape_cast %xor3A_1692 : vector<16xi32> to vector<16x1xi32>
      %gather3A_1694 = vector.shape_cast %broadcast_in_dim3A_1693 : vector<16x1xi32> to vector<16xi32>
      %gather3A_1695 = tpu.dynamic_gather %max3A_1689[%gather3A_1694] in [0] : vector<16xf32>, vector<16xi32> -> vector<16xf32>
      %max3A_1696 = arith.maximumf %max3A_1689, %gather3A_1695 : vector<16xf32>
      %xor3A_1697 = arith.constant 4 : i32
      %xor3A_1698 = vector.broadcast %xor3A_1697 : i32 to vector<16xi32>
      %xor3A_1699 = arith.xori %iota3A, %xor3A_1698 : vector<16xi32>
      %broadcast_in_dim3A_1700 = vector.shape_cast %xor3A_1699 : vector<16xi32> to vector<16x1xi32>
      %gather3A_1701 = vector.shape_cast %broadcast_in_dim3A_1700 : vector<16x1xi32> to vector<16xi32>
      %gather3A_1702 = tpu.dynamic_gather %max3A_1696[%gather3A_1701] in [0] : vector<16xf32>, vector<16xi32> -> vector<16xf32>
      %max3A_1703 = arith.maximumf %max3A_1696, %gather3A_1702 : vector<16xf32>
      %xor3A_1704 = arith.constant 8 : i32
      %xor3A_1705 = vector.broadcast %xor3A_1704 : i32 to vector<16xi32>
      %xor3A_1706 = arith.xori %iota3A, %xor3A_1705 : vector<16xi32>
      %broadcast_in_dim3A_1707 = vector.shape_cast %xor3A_1706 : vector<16xi32> to vector<16x1xi32>
      %gather3A_1708 = vector.shape_cast %broadcast_in_dim3A_1707 : vector<16x1xi32> to vector<16xi32>
      %gather3A_1709 = tpu.dynamic_gather %max3A_1703[%gather3A_1708] in [0] : vector<16xf32>, vector<16xi32> -> vector<16xf32>
      %max3A_1710 = arith.maximumf %max3A_1703, %gather3A_1709 : vector<16xf32>
      %broadcast_in_dim3A_1711 = arith.constant 256 : i32
      %broadcast_in_dim3A_1712 = vector.broadcast %broadcast_in_dim3A_1711 : i32 to vector<16xi32>
      %eq3A_1713 = arith.cmpf oeq, %select_n3A_1562, %max3A_1710 : vector<16xf32>
      %add3A_1714 = arith.constant 0 : i32
      %add3A_1715 = vector.broadcast %add3A_1714 : i32 to vector<16xi32>
      %add3A_1716 = arith.addi %iota3A, %add3A_1715 : vector<16xi32>
      %jit3A_1717 = arith.constant 256 : i32
      %broadcast_in_dim3A_1718 = vector.broadcast %jit3A_1717 : i32 to vector<16xi32>
      %select_n3A_1719 = arith.select %eq3A_1713, %add3A_1716, %broadcast_in_dim3A_1718 : vector<16xi1>, vector<16xi32>
      %min3A_1720 = arith.minsi %broadcast_in_dim3A_1712, %select_n3A_1719 : vector<16xi32>
      %eq3A_1721 = arith.cmpf oeq, %select_n3A_1569, %max3A_1710 : vector<16xf32>
      %add3A_1722 = arith.constant 16 : i32
      %add3A_1723 = vector.broadcast %add3A_1722 : i32 to vector<16xi32>
      %add3A_1724 = arith.addi %iota3A, %add3A_1723 : vector<16xi32>
      %jit3A_1725 = arith.constant 256 : i32
      %broadcast_in_dim3A_1726 = vector.broadcast %jit3A_1725 : i32 to vector<16xi32>
      %select_n3A_1727 = arith.select %eq3A_1721, %add3A_1724, %broadcast_in_dim3A_1726 : vector<16xi1>, vector<16xi32>
      %min3A_1728 = arith.minsi %min3A_1720, %select_n3A_1727 : vector<16xi32>
      %eq3A_1729 = arith.cmpf oeq, %select_n3A_1576, %max3A_1710 : vector<16xf32>
      %add3A_1730 = arith.constant 32 : i32
      %add3A_1731 = vector.broadcast %add3A_1730 : i32 to vector<16xi32>
      %add3A_1732 = arith.addi %iota3A, %add3A_1731 : vector<16xi32>
      %jit3A_1733 = arith.constant 256 : i32
      %broadcast_in_dim3A_1734 = vector.broadcast %jit3A_1733 : i32 to vector<16xi32>
      %select_n3A_1735 = arith.select %eq3A_1729, %add3A_1732, %broadcast_in_dim3A_1734 : vector<16xi1>, vector<16xi32>
      %min3A_1736 = arith.minsi %min3A_1728, %select_n3A_1735 : vector<16xi32>
      %eq3A_1737 = arith.cmpf oeq, %select_n3A_1583, %max3A_1710 : vector<16xf32>
      %add3A_1738 = arith.constant 48 : i32
      %add3A_1739 = vector.broadcast %add3A_1738 : i32 to vector<16xi32>
      %add3A_1740 = arith.addi %iota3A, %add3A_1739 : vector<16xi32>
      %jit3A_1741 = arith.constant 256 : i32
      %broadcast_in_dim3A_1742 = vector.broadcast %jit3A_1741 : i32 to vector<16xi32>
      %select_n3A_1743 = arith.select %eq3A_1737, %add3A_1740, %broadcast_in_dim3A_1742 : vector<16xi1>, vector<16xi32>
      %min3A_1744 = arith.minsi %min3A_1736, %select_n3A_1743 : vector<16xi32>
      %eq3A_1745 = arith.cmpf oeq, %select_n3A_1590, %max3A_1710 : vector<16xf32>
      %add3A_1746 = arith.constant 64 : i32
      %add3A_1747 = vector.broadcast %add3A_1746 : i32 to vector<16xi32>
      %add3A_1748 = arith.addi %iota3A, %add3A_1747 : vector<16xi32>
      %jit3A_1749 = arith.constant 256 : i32
      %broadcast_in_dim3A_1750 = vector.broadcast %jit3A_1749 : i32 to vector<16xi32>
      %select_n3A_1751 = arith.select %eq3A_1745, %add3A_1748, %broadcast_in_dim3A_1750 : vector<16xi1>, vector<16xi32>
      %min3A_1752 = arith.minsi %min3A_1744, %select_n3A_1751 : vector<16xi32>
      %eq3A_1753 = arith.cmpf oeq, %select_n3A_1597, %max3A_1710 : vector<16xf32>
      %add3A_1754 = arith.constant 80 : i32
      %add3A_1755 = vector.broadcast %add3A_1754 : i32 to vector<16xi32>
      %add3A_1756 = arith.addi %iota3A, %add3A_1755 : vector<16xi32>
      %jit3A_1757 = arith.constant 256 : i32
      %broadcast_in_dim3A_1758 = vector.broadcast %jit3A_1757 : i32 to vector<16xi32>
      %select_n3A_1759 = arith.select %eq3A_1753, %add3A_1756, %broadcast_in_dim3A_1758 : vector<16xi1>, vector<16xi32>
      %min3A_1760 = arith.minsi %min3A_1752, %select_n3A_1759 : vector<16xi32>
      %eq3A_1761 = arith.cmpf oeq, %select_n3A_1604, %max3A_1710 : vector<16xf32>
      %add3A_1762 = arith.constant 96 : i32
      %add3A_1763 = vector.broadcast %add3A_1762 : i32 to vector<16xi32>
      %add3A_1764 = arith.addi %iota3A, %add3A_1763 : vector<16xi32>
      %jit3A_1765 = arith.constant 256 : i32
      %broadcast_in_dim3A_1766 = vector.broadcast %jit3A_1765 : i32 to vector<16xi32>
      %select_n3A_1767 = arith.select %eq3A_1761, %add3A_1764, %broadcast_in_dim3A_1766 : vector<16xi1>, vector<16xi32>
      %min3A_1768 = arith.minsi %min3A_1760, %select_n3A_1767 : vector<16xi32>
      %eq3A_1769 = arith.cmpf oeq, %select_n3A_1611, %max3A_1710 : vector<16xf32>
      %add3A_1770 = arith.constant 112 : i32
      %add3A_1771 = vector.broadcast %add3A_1770 : i32 to vector<16xi32>
      %add3A_1772 = arith.addi %iota3A, %add3A_1771 : vector<16xi32>
      %jit3A_1773 = arith.constant 256 : i32
      %broadcast_in_dim3A_1774 = vector.broadcast %jit3A_1773 : i32 to vector<16xi32>
      %select_n3A_1775 = arith.select %eq3A_1769, %add3A_1772, %broadcast_in_dim3A_1774 : vector<16xi1>, vector<16xi32>
      %min3A_1776 = arith.minsi %min3A_1768, %select_n3A_1775 : vector<16xi32>
      %eq3A_1777 = arith.cmpf oeq, %select_n3A_1618, %max3A_1710 : vector<16xf32>
      %add3A_1778 = arith.constant 128 : i32
      %add3A_1779 = vector.broadcast %add3A_1778 : i32 to vector<16xi32>
      %add3A_1780 = arith.addi %iota3A, %add3A_1779 : vector<16xi32>
      %jit3A_1781 = arith.constant 256 : i32
      %broadcast_in_dim3A_1782 = vector.broadcast %jit3A_1781 : i32 to vector<16xi32>
      %select_n3A_1783 = arith.select %eq3A_1777, %add3A_1780, %broadcast_in_dim3A_1782 : vector<16xi1>, vector<16xi32>
      %min3A_1784 = arith.minsi %min3A_1776, %select_n3A_1783 : vector<16xi32>
      %eq3A_1785 = arith.cmpf oeq, %select_n3A_1625, %max3A_1710 : vector<16xf32>
      %add3A_1786 = arith.constant 144 : i32
      %add3A_1787 = vector.broadcast %add3A_1786 : i32 to vector<16xi32>
      %add3A_1788 = arith.addi %iota3A, %add3A_1787 : vector<16xi32>
      %jit3A_1789 = arith.constant 256 : i32
      %broadcast_in_dim3A_1790 = vector.broadcast %jit3A_1789 : i32 to vector<16xi32>
      %select_n3A_1791 = arith.select %eq3A_1785, %add3A_1788, %broadcast_in_dim3A_1790 : vector<16xi1>, vector<16xi32>
      %min3A_1792 = arith.minsi %min3A_1784, %select_n3A_1791 : vector<16xi32>
      %eq3A_1793 = arith.cmpf oeq, %select_n3A_1632, %max3A_1710 : vector<16xf32>
      %add3A_1794 = arith.constant 160 : i32
      %add3A_1795 = vector.broadcast %add3A_1794 : i32 to vector<16xi32>
      %add3A_1796 = arith.addi %iota3A, %add3A_1795 : vector<16xi32>
      %jit3A_1797 = arith.constant 256 : i32
      %broadcast_in_dim3A_1798 = vector.broadcast %jit3A_1797 : i32 to vector<16xi32>
      %select_n3A_1799 = arith.select %eq3A_1793, %add3A_1796, %broadcast_in_dim3A_1798 : vector<16xi1>, vector<16xi32>
      %min3A_1800 = arith.minsi %min3A_1792, %select_n3A_1799 : vector<16xi32>
      %eq3A_1801 = arith.cmpf oeq, %select_n3A_1639, %max3A_1710 : vector<16xf32>
      %add3A_1802 = arith.constant 176 : i32
      %add3A_1803 = vector.broadcast %add3A_1802 : i32 to vector<16xi32>
      %add3A_1804 = arith.addi %iota3A, %add3A_1803 : vector<16xi32>
      %jit3A_1805 = arith.constant 256 : i32
      %broadcast_in_dim3A_1806 = vector.broadcast %jit3A_1805 : i32 to vector<16xi32>
      %select_n3A_1807 = arith.select %eq3A_1801, %add3A_1804, %broadcast_in_dim3A_1806 : vector<16xi1>, vector<16xi32>
      %min3A_1808 = arith.minsi %min3A_1800, %select_n3A_1807 : vector<16xi32>
      %eq3A_1809 = arith.cmpf oeq, %select_n3A_1646, %max3A_1710 : vector<16xf32>
      %add3A_1810 = arith.constant 192 : i32
      %add3A_1811 = vector.broadcast %add3A_1810 : i32 to vector<16xi32>
      %add3A_1812 = arith.addi %iota3A, %add3A_1811 : vector<16xi32>
      %jit3A_1813 = arith.constant 256 : i32
      %broadcast_in_dim3A_1814 = vector.broadcast %jit3A_1813 : i32 to vector<16xi32>
      %select_n3A_1815 = arith.select %eq3A_1809, %add3A_1812, %broadcast_in_dim3A_1814 : vector<16xi1>, vector<16xi32>
      %min3A_1816 = arith.minsi %min3A_1808, %select_n3A_1815 : vector<16xi32>
      %eq3A_1817 = arith.cmpf oeq, %select_n3A_1653, %max3A_1710 : vector<16xf32>
      %add3A_1818 = arith.constant 208 : i32
      %add3A_1819 = vector.broadcast %add3A_1818 : i32 to vector<16xi32>
      %add3A_1820 = arith.addi %iota3A, %add3A_1819 : vector<16xi32>
      %jit3A_1821 = arith.constant 256 : i32
      %broadcast_in_dim3A_1822 = vector.broadcast %jit3A_1821 : i32 to vector<16xi32>
      %select_n3A_1823 = arith.select %eq3A_1817, %add3A_1820, %broadcast_in_dim3A_1822 : vector<16xi1>, vector<16xi32>
      %min3A_1824 = arith.minsi %min3A_1816, %select_n3A_1823 : vector<16xi32>
      %eq3A_1825 = arith.cmpf oeq, %select_n3A_1660, %max3A_1710 : vector<16xf32>
      %add3A_1826 = arith.constant 224 : i32
      %add3A_1827 = vector.broadcast %add3A_1826 : i32 to vector<16xi32>
      %add3A_1828 = arith.addi %iota3A, %add3A_1827 : vector<16xi32>
      %jit3A_1829 = arith.constant 256 : i32
      %broadcast_in_dim3A_1830 = vector.broadcast %jit3A_1829 : i32 to vector<16xi32>
      %select_n3A_1831 = arith.select %eq3A_1825, %add3A_1828, %broadcast_in_dim3A_1830 : vector<16xi1>, vector<16xi32>
      %min3A_1832 = arith.minsi %min3A_1824, %select_n3A_1831 : vector<16xi32>
      %eq3A_1833 = arith.cmpf oeq, %select_n3A_1667, %max3A_1710 : vector<16xf32>
      %add3A_1834 = arith.constant 240 : i32
      %add3A_1835 = vector.broadcast %add3A_1834 : i32 to vector<16xi32>
      %add3A_1836 = arith.addi %iota3A, %add3A_1835 : vector<16xi32>
      %jit3A_1837 = arith.constant 256 : i32
      %broadcast_in_dim3A_1838 = vector.broadcast %jit3A_1837 : i32 to vector<16xi32>
      %select_n3A_1839 = arith.select %eq3A_1833, %add3A_1836, %broadcast_in_dim3A_1838 : vector<16xi1>, vector<16xi32>
      %min3A_1840 = arith.minsi %min3A_1832, %select_n3A_1839 : vector<16xi32>
      %xor3A_1841 = arith.constant 1 : i32
      %xor3A_1842 = vector.broadcast %xor3A_1841 : i32 to vector<16xi32>
      %xor3A_1843 = arith.xori %iota3A, %xor3A_1842 : vector<16xi32>
      %broadcast_in_dim3A_1844 = vector.shape_cast %xor3A_1843 : vector<16xi32> to vector<16x1xi32>
      %gather3A_1845 = vector.shape_cast %broadcast_in_dim3A_1844 : vector<16x1xi32> to vector<16xi32>
      %gather3A_1846 = tpu.dynamic_gather %min3A_1840[%gather3A_1845] in [0] : vector<16xi32>, vector<16xi32> -> vector<16xi32>
      %min3A_1847 = arith.minsi %min3A_1840, %gather3A_1846 : vector<16xi32>
      %xor3A_1848 = arith.constant 2 : i32
      %xor3A_1849 = vector.broadcast %xor3A_1848 : i32 to vector<16xi32>
      %xor3A_1850 = arith.xori %iota3A, %xor3A_1849 : vector<16xi32>
      %broadcast_in_dim3A_1851 = vector.shape_cast %xor3A_1850 : vector<16xi32> to vector<16x1xi32>
      %gather3A_1852 = vector.shape_cast %broadcast_in_dim3A_1851 : vector<16x1xi32> to vector<16xi32>
      %gather3A_1853 = tpu.dynamic_gather %min3A_1847[%gather3A_1852] in [0] : vector<16xi32>, vector<16xi32> -> vector<16xi32>
      %min3A_1854 = arith.minsi %min3A_1847, %gather3A_1853 : vector<16xi32>
      %xor3A_1855 = arith.constant 4 : i32
      %xor3A_1856 = vector.broadcast %xor3A_1855 : i32 to vector<16xi32>
      %xor3A_1857 = arith.xori %iota3A, %xor3A_1856 : vector<16xi32>
      %broadcast_in_dim3A_1858 = vector.shape_cast %xor3A_1857 : vector<16xi32> to vector<16x1xi32>
      %gather3A_1859 = vector.shape_cast %broadcast_in_dim3A_1858 : vector<16x1xi32> to vector<16xi32>
      %gather3A_1860 = tpu.dynamic_gather %min3A_1854[%gather3A_1859] in [0] : vector<16xi32>, vector<16xi32> -> vector<16xi32>
      %min3A_1861 = arith.minsi %min3A_1854, %gather3A_1860 : vector<16xi32>
      %xor3A_1862 = arith.constant 8 : i32
      %xor3A_1863 = vector.broadcast %xor3A_1862 : i32 to vector<16xi32>
      %xor3A_1864 = arith.xori %iota3A, %xor3A_1863 : vector<16xi32>
      %broadcast_in_dim3A_1865 = vector.shape_cast %xor3A_1864 : vector<16xi32> to vector<16x1xi32>
      %gather3A_1866 = vector.shape_cast %broadcast_in_dim3A_1865 : vector<16x1xi32> to vector<16xi32>
      %gather3A_1867 = tpu.dynamic_gather %min3A_1861[%gather3A_1866] in [0] : vector<16xi32>, vector<16xi32> -> vector<16xi32>
      %min3A_1868 = arith.minsi %min3A_1861, %gather3A_1867 : vector<16xi32>
      %eq3A_1869 = arith.constant 5 : i32
      %eq3A_1870 = vector.broadcast %eq3A_1869 : i32 to vector<16xi32>
      %eq3A_1871 = arith.cmpi eq, %iota3A, %eq3A_1870 : vector<16xi32>
      %select_n3A_1872 = arith.select %eq3A_1871, %min3A_1868, %select_n3A_1555 : vector<16xi1>, vector<16xi32>
      %add3A_1873 = arith.constant 0 : i32
      %add3A_1874 = vector.broadcast %add3A_1873 : i32 to vector<16xi32>
      %add3A_1875 = arith.addi %iota3A, %add3A_1874 : vector<16xi32>
      %eq3A_1876 = arith.cmpi eq, %add3A_1875, %min3A_1868 : vector<16xi32>
      %jit3A_1877 = arith.constant -1.000000e+30 : f32
      %broadcast_in_dim3A_1878 = vector.broadcast %jit3A_1877 : f32 to vector<16xf32>
      %select_n3A_1879 = arith.select %eq3A_1876, %broadcast_in_dim3A_1878, %select_n3A_1562 : vector<16xi1>, vector<16xf32>
      %add3A_1880 = arith.constant 16 : i32
      %add3A_1881 = vector.broadcast %add3A_1880 : i32 to vector<16xi32>
      %add3A_1882 = arith.addi %iota3A, %add3A_1881 : vector<16xi32>
      %eq3A_1883 = arith.cmpi eq, %add3A_1882, %min3A_1868 : vector<16xi32>
      %jit3A_1884 = arith.constant -1.000000e+30 : f32
      %broadcast_in_dim3A_1885 = vector.broadcast %jit3A_1884 : f32 to vector<16xf32>
      %select_n3A_1886 = arith.select %eq3A_1883, %broadcast_in_dim3A_1885, %select_n3A_1569 : vector<16xi1>, vector<16xf32>
      %add3A_1887 = arith.constant 32 : i32
      %add3A_1888 = vector.broadcast %add3A_1887 : i32 to vector<16xi32>
      %add3A_1889 = arith.addi %iota3A, %add3A_1888 : vector<16xi32>
      %eq3A_1890 = arith.cmpi eq, %add3A_1889, %min3A_1868 : vector<16xi32>
      %jit3A_1891 = arith.constant -1.000000e+30 : f32
      %broadcast_in_dim3A_1892 = vector.broadcast %jit3A_1891 : f32 to vector<16xf32>
      %select_n3A_1893 = arith.select %eq3A_1890, %broadcast_in_dim3A_1892, %select_n3A_1576 : vector<16xi1>, vector<16xf32>
      %add3A_1894 = arith.constant 48 : i32
      %add3A_1895 = vector.broadcast %add3A_1894 : i32 to vector<16xi32>
      %add3A_1896 = arith.addi %iota3A, %add3A_1895 : vector<16xi32>
      %eq3A_1897 = arith.cmpi eq, %add3A_1896, %min3A_1868 : vector<16xi32>
      %jit3A_1898 = arith.constant -1.000000e+30 : f32
      %broadcast_in_dim3A_1899 = vector.broadcast %jit3A_1898 : f32 to vector<16xf32>
      %select_n3A_1900 = arith.select %eq3A_1897, %broadcast_in_dim3A_1899, %select_n3A_1583 : vector<16xi1>, vector<16xf32>
      %add3A_1901 = arith.constant 64 : i32
      %add3A_1902 = vector.broadcast %add3A_1901 : i32 to vector<16xi32>
      %add3A_1903 = arith.addi %iota3A, %add3A_1902 : vector<16xi32>
      %eq3A_1904 = arith.cmpi eq, %add3A_1903, %min3A_1868 : vector<16xi32>
      %jit3A_1905 = arith.constant -1.000000e+30 : f32
      %broadcast_in_dim3A_1906 = vector.broadcast %jit3A_1905 : f32 to vector<16xf32>
      %select_n3A_1907 = arith.select %eq3A_1904, %broadcast_in_dim3A_1906, %select_n3A_1590 : vector<16xi1>, vector<16xf32>
      %add3A_1908 = arith.constant 80 : i32
      %add3A_1909 = vector.broadcast %add3A_1908 : i32 to vector<16xi32>
      %add3A_1910 = arith.addi %iota3A, %add3A_1909 : vector<16xi32>
      %eq3A_1911 = arith.cmpi eq, %add3A_1910, %min3A_1868 : vector<16xi32>
      %jit3A_1912 = arith.constant -1.000000e+30 : f32
      %broadcast_in_dim3A_1913 = vector.broadcast %jit3A_1912 : f32 to vector<16xf32>
      %select_n3A_1914 = arith.select %eq3A_1911, %broadcast_in_dim3A_1913, %select_n3A_1597 : vector<16xi1>, vector<16xf32>
      %add3A_1915 = arith.constant 96 : i32
      %add3A_1916 = vector.broadcast %add3A_1915 : i32 to vector<16xi32>
      %add3A_1917 = arith.addi %iota3A, %add3A_1916 : vector<16xi32>
      %eq3A_1918 = arith.cmpi eq, %add3A_1917, %min3A_1868 : vector<16xi32>
      %jit3A_1919 = arith.constant -1.000000e+30 : f32
      %broadcast_in_dim3A_1920 = vector.broadcast %jit3A_1919 : f32 to vector<16xf32>
      %select_n3A_1921 = arith.select %eq3A_1918, %broadcast_in_dim3A_1920, %select_n3A_1604 : vector<16xi1>, vector<16xf32>
      %add3A_1922 = arith.constant 112 : i32
      %add3A_1923 = vector.broadcast %add3A_1922 : i32 to vector<16xi32>
      %add3A_1924 = arith.addi %iota3A, %add3A_1923 : vector<16xi32>
      %eq3A_1925 = arith.cmpi eq, %add3A_1924, %min3A_1868 : vector<16xi32>
      %jit3A_1926 = arith.constant -1.000000e+30 : f32
      %broadcast_in_dim3A_1927 = vector.broadcast %jit3A_1926 : f32 to vector<16xf32>
      %select_n3A_1928 = arith.select %eq3A_1925, %broadcast_in_dim3A_1927, %select_n3A_1611 : vector<16xi1>, vector<16xf32>
      %add3A_1929 = arith.constant 128 : i32
      %add3A_1930 = vector.broadcast %add3A_1929 : i32 to vector<16xi32>
      %add3A_1931 = arith.addi %iota3A, %add3A_1930 : vector<16xi32>
      %eq3A_1932 = arith.cmpi eq, %add3A_1931, %min3A_1868 : vector<16xi32>
      %jit3A_1933 = arith.constant -1.000000e+30 : f32
      %broadcast_in_dim3A_1934 = vector.broadcast %jit3A_1933 : f32 to vector<16xf32>
      %select_n3A_1935 = arith.select %eq3A_1932, %broadcast_in_dim3A_1934, %select_n3A_1618 : vector<16xi1>, vector<16xf32>
      %add3A_1936 = arith.constant 144 : i32
      %add3A_1937 = vector.broadcast %add3A_1936 : i32 to vector<16xi32>
      %add3A_1938 = arith.addi %iota3A, %add3A_1937 : vector<16xi32>
      %eq3A_1939 = arith.cmpi eq, %add3A_1938, %min3A_1868 : vector<16xi32>
      %jit3A_1940 = arith.constant -1.000000e+30 : f32
      %broadcast_in_dim3A_1941 = vector.broadcast %jit3A_1940 : f32 to vector<16xf32>
      %select_n3A_1942 = arith.select %eq3A_1939, %broadcast_in_dim3A_1941, %select_n3A_1625 : vector<16xi1>, vector<16xf32>
      %add3A_1943 = arith.constant 160 : i32
      %add3A_1944 = vector.broadcast %add3A_1943 : i32 to vector<16xi32>
      %add3A_1945 = arith.addi %iota3A, %add3A_1944 : vector<16xi32>
      %eq3A_1946 = arith.cmpi eq, %add3A_1945, %min3A_1868 : vector<16xi32>
      %jit3A_1947 = arith.constant -1.000000e+30 : f32
      %broadcast_in_dim3A_1948 = vector.broadcast %jit3A_1947 : f32 to vector<16xf32>
      %select_n3A_1949 = arith.select %eq3A_1946, %broadcast_in_dim3A_1948, %select_n3A_1632 : vector<16xi1>, vector<16xf32>
      %add3A_1950 = arith.constant 176 : i32
      %add3A_1951 = vector.broadcast %add3A_1950 : i32 to vector<16xi32>
      %add3A_1952 = arith.addi %iota3A, %add3A_1951 : vector<16xi32>
      %eq3A_1953 = arith.cmpi eq, %add3A_1952, %min3A_1868 : vector<16xi32>
      %jit3A_1954 = arith.constant -1.000000e+30 : f32
      %broadcast_in_dim3A_1955 = vector.broadcast %jit3A_1954 : f32 to vector<16xf32>
      %select_n3A_1956 = arith.select %eq3A_1953, %broadcast_in_dim3A_1955, %select_n3A_1639 : vector<16xi1>, vector<16xf32>
      %add3A_1957 = arith.constant 192 : i32
      %add3A_1958 = vector.broadcast %add3A_1957 : i32 to vector<16xi32>
      %add3A_1959 = arith.addi %iota3A, %add3A_1958 : vector<16xi32>
      %eq3A_1960 = arith.cmpi eq, %add3A_1959, %min3A_1868 : vector<16xi32>
      %jit3A_1961 = arith.constant -1.000000e+30 : f32
      %broadcast_in_dim3A_1962 = vector.broadcast %jit3A_1961 : f32 to vector<16xf32>
      %select_n3A_1963 = arith.select %eq3A_1960, %broadcast_in_dim3A_1962, %select_n3A_1646 : vector<16xi1>, vector<16xf32>
      %add3A_1964 = arith.constant 208 : i32
      %add3A_1965 = vector.broadcast %add3A_1964 : i32 to vector<16xi32>
      %add3A_1966 = arith.addi %iota3A, %add3A_1965 : vector<16xi32>
      %eq3A_1967 = arith.cmpi eq, %add3A_1966, %min3A_1868 : vector<16xi32>
      %jit3A_1968 = arith.constant -1.000000e+30 : f32
      %broadcast_in_dim3A_1969 = vector.broadcast %jit3A_1968 : f32 to vector<16xf32>
      %select_n3A_1970 = arith.select %eq3A_1967, %broadcast_in_dim3A_1969, %select_n3A_1653 : vector<16xi1>, vector<16xf32>
      %add3A_1971 = arith.constant 224 : i32
      %add3A_1972 = vector.broadcast %add3A_1971 : i32 to vector<16xi32>
      %add3A_1973 = arith.addi %iota3A, %add3A_1972 : vector<16xi32>
      %eq3A_1974 = arith.cmpi eq, %add3A_1973, %min3A_1868 : vector<16xi32>
      %jit3A_1975 = arith.constant -1.000000e+30 : f32
      %broadcast_in_dim3A_1976 = vector.broadcast %jit3A_1975 : f32 to vector<16xf32>
      %select_n3A_1977 = arith.select %eq3A_1974, %broadcast_in_dim3A_1976, %select_n3A_1660 : vector<16xi1>, vector<16xf32>
      %add3A_1978 = arith.constant 240 : i32
      %add3A_1979 = vector.broadcast %add3A_1978 : i32 to vector<16xi32>
      %add3A_1980 = arith.addi %iota3A, %add3A_1979 : vector<16xi32>
      %eq3A_1981 = arith.cmpi eq, %add3A_1980, %min3A_1868 : vector<16xi32>
      %jit3A_1982 = arith.constant -1.000000e+30 : f32
      %broadcast_in_dim3A_1983 = vector.broadcast %jit3A_1982 : f32 to vector<16xf32>
      %select_n3A_1984 = arith.select %eq3A_1981, %broadcast_in_dim3A_1983, %select_n3A_1667 : vector<16xi1>, vector<16xf32>
      %max3A_1985 = arith.maximumf %select_n3A_1879, %select_n3A_1886 : vector<16xf32>
      %max3A_1986 = arith.maximumf %max3A_1985, %select_n3A_1893 : vector<16xf32>
      %max3A_1987 = arith.maximumf %max3A_1986, %select_n3A_1900 : vector<16xf32>
      %max3A_1988 = arith.maximumf %max3A_1987, %select_n3A_1907 : vector<16xf32>
      %max3A_1989 = arith.maximumf %max3A_1988, %select_n3A_1914 : vector<16xf32>
      %max3A_1990 = arith.maximumf %max3A_1989, %select_n3A_1921 : vector<16xf32>
      %max3A_1991 = arith.maximumf %max3A_1990, %select_n3A_1928 : vector<16xf32>
      %max3A_1992 = arith.maximumf %max3A_1991, %select_n3A_1935 : vector<16xf32>
      %max3A_1993 = arith.maximumf %max3A_1992, %select_n3A_1942 : vector<16xf32>
      %max3A_1994 = arith.maximumf %max3A_1993, %select_n3A_1949 : vector<16xf32>
      %max3A_1995 = arith.maximumf %max3A_1994, %select_n3A_1956 : vector<16xf32>
      %max3A_1996 = arith.maximumf %max3A_1995, %select_n3A_1963 : vector<16xf32>
      %max3A_1997 = arith.maximumf %max3A_1996, %select_n3A_1970 : vector<16xf32>
      %max3A_1998 = arith.maximumf %max3A_1997, %select_n3A_1977 : vector<16xf32>
      %max3A_1999 = arith.maximumf %max3A_1998, %select_n3A_1984 : vector<16xf32>
      %xor3A_2000 = arith.constant 1 : i32
      %xor3A_2001 = vector.broadcast %xor3A_2000 : i32 to vector<16xi32>
      %xor3A_2002 = arith.xori %iota3A, %xor3A_2001 : vector<16xi32>
      %broadcast_in_dim3A_2003 = vector.shape_cast %xor3A_2002 : vector<16xi32> to vector<16x1xi32>
      %gather3A_2004 = vector.shape_cast %broadcast_in_dim3A_2003 : vector<16x1xi32> to vector<16xi32>
      %gather3A_2005 = tpu.dynamic_gather %max3A_1999[%gather3A_2004] in [0] : vector<16xf32>, vector<16xi32> -> vector<16xf32>
      %max3A_2006 = arith.maximumf %max3A_1999, %gather3A_2005 : vector<16xf32>
      %xor3A_2007 = arith.constant 2 : i32
      %xor3A_2008 = vector.broadcast %xor3A_2007 : i32 to vector<16xi32>
      %xor3A_2009 = arith.xori %iota3A, %xor3A_2008 : vector<16xi32>
      %broadcast_in_dim3A_2010 = vector.shape_cast %xor3A_2009 : vector<16xi32> to vector<16x1xi32>
      %gather3A_2011 = vector.shape_cast %broadcast_in_dim3A_2010 : vector<16x1xi32> to vector<16xi32>
      %gather3A_2012 = tpu.dynamic_gather %max3A_2006[%gather3A_2011] in [0] : vector<16xf32>, vector<16xi32> -> vector<16xf32>
      %max3A_2013 = arith.maximumf %max3A_2006, %gather3A_2012 : vector<16xf32>
      %xor3A_2014 = arith.constant 4 : i32
      %xor3A_2015 = vector.broadcast %xor3A_2014 : i32 to vector<16xi32>
      %xor3A_2016 = arith.xori %iota3A, %xor3A_2015 : vector<16xi32>
      %broadcast_in_dim3A_2017 = vector.shape_cast %xor3A_2016 : vector<16xi32> to vector<16x1xi32>
      %gather3A_2018 = vector.shape_cast %broadcast_in_dim3A_2017 : vector<16x1xi32> to vector<16xi32>
      %gather3A_2019 = tpu.dynamic_gather %max3A_2013[%gather3A_2018] in [0] : vector<16xf32>, vector<16xi32> -> vector<16xf32>
      %max3A_2020 = arith.maximumf %max3A_2013, %gather3A_2019 : vector<16xf32>
      %xor3A_2021 = arith.constant 8 : i32
      %xor3A_2022 = vector.broadcast %xor3A_2021 : i32 to vector<16xi32>
      %xor3A_2023 = arith.xori %iota3A, %xor3A_2022 : vector<16xi32>
      %broadcast_in_dim3A_2024 = vector.shape_cast %xor3A_2023 : vector<16xi32> to vector<16x1xi32>
      %gather3A_2025 = vector.shape_cast %broadcast_in_dim3A_2024 : vector<16x1xi32> to vector<16xi32>
      %gather3A_2026 = tpu.dynamic_gather %max3A_2020[%gather3A_2025] in [0] : vector<16xf32>, vector<16xi32> -> vector<16xf32>
      %max3A_2027 = arith.maximumf %max3A_2020, %gather3A_2026 : vector<16xf32>
      %broadcast_in_dim3A_2028 = arith.constant 256 : i32
      %broadcast_in_dim3A_2029 = vector.broadcast %broadcast_in_dim3A_2028 : i32 to vector<16xi32>
      %eq3A_2030 = arith.cmpf oeq, %select_n3A_1879, %max3A_2027 : vector<16xf32>
      %add3A_2031 = arith.constant 0 : i32
      %add3A_2032 = vector.broadcast %add3A_2031 : i32 to vector<16xi32>
      %add3A_2033 = arith.addi %iota3A, %add3A_2032 : vector<16xi32>
      %jit3A_2034 = arith.constant 256 : i32
      %broadcast_in_dim3A_2035 = vector.broadcast %jit3A_2034 : i32 to vector<16xi32>
      %select_n3A_2036 = arith.select %eq3A_2030, %add3A_2033, %broadcast_in_dim3A_2035 : vector<16xi1>, vector<16xi32>
      %min3A_2037 = arith.minsi %broadcast_in_dim3A_2029, %select_n3A_2036 : vector<16xi32>
      %eq3A_2038 = arith.cmpf oeq, %select_n3A_1886, %max3A_2027 : vector<16xf32>
      %add3A_2039 = arith.constant 16 : i32
      %add3A_2040 = vector.broadcast %add3A_2039 : i32 to vector<16xi32>
      %add3A_2041 = arith.addi %iota3A, %add3A_2040 : vector<16xi32>
      %jit3A_2042 = arith.constant 256 : i32
      %broadcast_in_dim3A_2043 = vector.broadcast %jit3A_2042 : i32 to vector<16xi32>
      %select_n3A_2044 = arith.select %eq3A_2038, %add3A_2041, %broadcast_in_dim3A_2043 : vector<16xi1>, vector<16xi32>
      %min3A_2045 = arith.minsi %min3A_2037, %select_n3A_2044 : vector<16xi32>
      %eq3A_2046 = arith.cmpf oeq, %select_n3A_1893, %max3A_2027 : vector<16xf32>
      %add3A_2047 = arith.constant 32 : i32
      %add3A_2048 = vector.broadcast %add3A_2047 : i32 to vector<16xi32>
      %add3A_2049 = arith.addi %iota3A, %add3A_2048 : vector<16xi32>
      %jit3A_2050 = arith.constant 256 : i32
      %broadcast_in_dim3A_2051 = vector.broadcast %jit3A_2050 : i32 to vector<16xi32>
      %select_n3A_2052 = arith.select %eq3A_2046, %add3A_2049, %broadcast_in_dim3A_2051 : vector<16xi1>, vector<16xi32>
      %min3A_2053 = arith.minsi %min3A_2045, %select_n3A_2052 : vector<16xi32>
      %eq3A_2054 = arith.cmpf oeq, %select_n3A_1900, %max3A_2027 : vector<16xf32>
      %add3A_2055 = arith.constant 48 : i32
      %add3A_2056 = vector.broadcast %add3A_2055 : i32 to vector<16xi32>
      %add3A_2057 = arith.addi %iota3A, %add3A_2056 : vector<16xi32>
      %jit3A_2058 = arith.constant 256 : i32
      %broadcast_in_dim3A_2059 = vector.broadcast %jit3A_2058 : i32 to vector<16xi32>
      %select_n3A_2060 = arith.select %eq3A_2054, %add3A_2057, %broadcast_in_dim3A_2059 : vector<16xi1>, vector<16xi32>
      %min3A_2061 = arith.minsi %min3A_2053, %select_n3A_2060 : vector<16xi32>
      %eq3A_2062 = arith.cmpf oeq, %select_n3A_1907, %max3A_2027 : vector<16xf32>
      %add3A_2063 = arith.constant 64 : i32
      %add3A_2064 = vector.broadcast %add3A_2063 : i32 to vector<16xi32>
      %add3A_2065 = arith.addi %iota3A, %add3A_2064 : vector<16xi32>
      %jit3A_2066 = arith.constant 256 : i32
      %broadcast_in_dim3A_2067 = vector.broadcast %jit3A_2066 : i32 to vector<16xi32>
      %select_n3A_2068 = arith.select %eq3A_2062, %add3A_2065, %broadcast_in_dim3A_2067 : vector<16xi1>, vector<16xi32>
      %min3A_2069 = arith.minsi %min3A_2061, %select_n3A_2068 : vector<16xi32>
      %eq3A_2070 = arith.cmpf oeq, %select_n3A_1914, %max3A_2027 : vector<16xf32>
      %add3A_2071 = arith.constant 80 : i32
      %add3A_2072 = vector.broadcast %add3A_2071 : i32 to vector<16xi32>
      %add3A_2073 = arith.addi %iota3A, %add3A_2072 : vector<16xi32>
      %jit3A_2074 = arith.constant 256 : i32
      %broadcast_in_dim3A_2075 = vector.broadcast %jit3A_2074 : i32 to vector<16xi32>
      %select_n3A_2076 = arith.select %eq3A_2070, %add3A_2073, %broadcast_in_dim3A_2075 : vector<16xi1>, vector<16xi32>
      %min3A_2077 = arith.minsi %min3A_2069, %select_n3A_2076 : vector<16xi32>
      %eq3A_2078 = arith.cmpf oeq, %select_n3A_1921, %max3A_2027 : vector<16xf32>
      %add3A_2079 = arith.constant 96 : i32
      %add3A_2080 = vector.broadcast %add3A_2079 : i32 to vector<16xi32>
      %add3A_2081 = arith.addi %iota3A, %add3A_2080 : vector<16xi32>
      %jit3A_2082 = arith.constant 256 : i32
      %broadcast_in_dim3A_2083 = vector.broadcast %jit3A_2082 : i32 to vector<16xi32>
      %select_n3A_2084 = arith.select %eq3A_2078, %add3A_2081, %broadcast_in_dim3A_2083 : vector<16xi1>, vector<16xi32>
      %min3A_2085 = arith.minsi %min3A_2077, %select_n3A_2084 : vector<16xi32>
      %eq3A_2086 = arith.cmpf oeq, %select_n3A_1928, %max3A_2027 : vector<16xf32>
      %add3A_2087 = arith.constant 112 : i32
      %add3A_2088 = vector.broadcast %add3A_2087 : i32 to vector<16xi32>
      %add3A_2089 = arith.addi %iota3A, %add3A_2088 : vector<16xi32>
      %jit3A_2090 = arith.constant 256 : i32
      %broadcast_in_dim3A_2091 = vector.broadcast %jit3A_2090 : i32 to vector<16xi32>
      %select_n3A_2092 = arith.select %eq3A_2086, %add3A_2089, %broadcast_in_dim3A_2091 : vector<16xi1>, vector<16xi32>
      %min3A_2093 = arith.minsi %min3A_2085, %select_n3A_2092 : vector<16xi32>
      %eq3A_2094 = arith.cmpf oeq, %select_n3A_1935, %max3A_2027 : vector<16xf32>
      %add3A_2095 = arith.constant 128 : i32
      %add3A_2096 = vector.broadcast %add3A_2095 : i32 to vector<16xi32>
      %add3A_2097 = arith.addi %iota3A, %add3A_2096 : vector<16xi32>
      %jit3A_2098 = arith.constant 256 : i32
      %broadcast_in_dim3A_2099 = vector.broadcast %jit3A_2098 : i32 to vector<16xi32>
      %select_n3A_2100 = arith.select %eq3A_2094, %add3A_2097, %broadcast_in_dim3A_2099 : vector<16xi1>, vector<16xi32>
      %min3A_2101 = arith.minsi %min3A_2093, %select_n3A_2100 : vector<16xi32>
      %eq3A_2102 = arith.cmpf oeq, %select_n3A_1942, %max3A_2027 : vector<16xf32>
      %add3A_2103 = arith.constant 144 : i32
      %add3A_2104 = vector.broadcast %add3A_2103 : i32 to vector<16xi32>
      %add3A_2105 = arith.addi %iota3A, %add3A_2104 : vector<16xi32>
      %jit3A_2106 = arith.constant 256 : i32
      %broadcast_in_dim3A_2107 = vector.broadcast %jit3A_2106 : i32 to vector<16xi32>
      %select_n3A_2108 = arith.select %eq3A_2102, %add3A_2105, %broadcast_in_dim3A_2107 : vector<16xi1>, vector<16xi32>
      %min3A_2109 = arith.minsi %min3A_2101, %select_n3A_2108 : vector<16xi32>
      %eq3A_2110 = arith.cmpf oeq, %select_n3A_1949, %max3A_2027 : vector<16xf32>
      %add3A_2111 = arith.constant 160 : i32
      %add3A_2112 = vector.broadcast %add3A_2111 : i32 to vector<16xi32>
      %add3A_2113 = arith.addi %iota3A, %add3A_2112 : vector<16xi32>
      %jit3A_2114 = arith.constant 256 : i32
      %broadcast_in_dim3A_2115 = vector.broadcast %jit3A_2114 : i32 to vector<16xi32>
      %select_n3A_2116 = arith.select %eq3A_2110, %add3A_2113, %broadcast_in_dim3A_2115 : vector<16xi1>, vector<16xi32>
      %min3A_2117 = arith.minsi %min3A_2109, %select_n3A_2116 : vector<16xi32>
      %eq3A_2118 = arith.cmpf oeq, %select_n3A_1956, %max3A_2027 : vector<16xf32>
      %add3A_2119 = arith.constant 176 : i32
      %add3A_2120 = vector.broadcast %add3A_2119 : i32 to vector<16xi32>
      %add3A_2121 = arith.addi %iota3A, %add3A_2120 : vector<16xi32>
      %jit3A_2122 = arith.constant 256 : i32
      %broadcast_in_dim3A_2123 = vector.broadcast %jit3A_2122 : i32 to vector<16xi32>
      %select_n3A_2124 = arith.select %eq3A_2118, %add3A_2121, %broadcast_in_dim3A_2123 : vector<16xi1>, vector<16xi32>
      %min3A_2125 = arith.minsi %min3A_2117, %select_n3A_2124 : vector<16xi32>
      %eq3A_2126 = arith.cmpf oeq, %select_n3A_1963, %max3A_2027 : vector<16xf32>
      %add3A_2127 = arith.constant 192 : i32
      %add3A_2128 = vector.broadcast %add3A_2127 : i32 to vector<16xi32>
      %add3A_2129 = arith.addi %iota3A, %add3A_2128 : vector<16xi32>
      %jit3A_2130 = arith.constant 256 : i32
      %broadcast_in_dim3A_2131 = vector.broadcast %jit3A_2130 : i32 to vector<16xi32>
      %select_n3A_2132 = arith.select %eq3A_2126, %add3A_2129, %broadcast_in_dim3A_2131 : vector<16xi1>, vector<16xi32>
      %min3A_2133 = arith.minsi %min3A_2125, %select_n3A_2132 : vector<16xi32>
      %eq3A_2134 = arith.cmpf oeq, %select_n3A_1970, %max3A_2027 : vector<16xf32>
      %add3A_2135 = arith.constant 208 : i32
      %add3A_2136 = vector.broadcast %add3A_2135 : i32 to vector<16xi32>
      %add3A_2137 = arith.addi %iota3A, %add3A_2136 : vector<16xi32>
      %jit3A_2138 = arith.constant 256 : i32
      %broadcast_in_dim3A_2139 = vector.broadcast %jit3A_2138 : i32 to vector<16xi32>
      %select_n3A_2140 = arith.select %eq3A_2134, %add3A_2137, %broadcast_in_dim3A_2139 : vector<16xi1>, vector<16xi32>
      %min3A_2141 = arith.minsi %min3A_2133, %select_n3A_2140 : vector<16xi32>
      %eq3A_2142 = arith.cmpf oeq, %select_n3A_1977, %max3A_2027 : vector<16xf32>
      %add3A_2143 = arith.constant 224 : i32
      %add3A_2144 = vector.broadcast %add3A_2143 : i32 to vector<16xi32>
      %add3A_2145 = arith.addi %iota3A, %add3A_2144 : vector<16xi32>
      %jit3A_2146 = arith.constant 256 : i32
      %broadcast_in_dim3A_2147 = vector.broadcast %jit3A_2146 : i32 to vector<16xi32>
      %select_n3A_2148 = arith.select %eq3A_2142, %add3A_2145, %broadcast_in_dim3A_2147 : vector<16xi1>, vector<16xi32>
      %min3A_2149 = arith.minsi %min3A_2141, %select_n3A_2148 : vector<16xi32>
      %eq3A_2150 = arith.cmpf oeq, %select_n3A_1984, %max3A_2027 : vector<16xf32>
      %add3A_2151 = arith.constant 240 : i32
      %add3A_2152 = vector.broadcast %add3A_2151 : i32 to vector<16xi32>
      %add3A_2153 = arith.addi %iota3A, %add3A_2152 : vector<16xi32>
      %jit3A_2154 = arith.constant 256 : i32
      %broadcast_in_dim3A_2155 = vector.broadcast %jit3A_2154 : i32 to vector<16xi32>
      %select_n3A_2156 = arith.select %eq3A_2150, %add3A_2153, %broadcast_in_dim3A_2155 : vector<16xi1>, vector<16xi32>
      %min3A_2157 = arith.minsi %min3A_2149, %select_n3A_2156 : vector<16xi32>
      %xor3A_2158 = arith.constant 1 : i32
      %xor3A_2159 = vector.broadcast %xor3A_2158 : i32 to vector<16xi32>
      %xor3A_2160 = arith.xori %iota3A, %xor3A_2159 : vector<16xi32>
      %broadcast_in_dim3A_2161 = vector.shape_cast %xor3A_2160 : vector<16xi32> to vector<16x1xi32>
      %gather3A_2162 = vector.shape_cast %broadcast_in_dim3A_2161 : vector<16x1xi32> to vector<16xi32>
      %gather3A_2163 = tpu.dynamic_gather %min3A_2157[%gather3A_2162] in [0] : vector<16xi32>, vector<16xi32> -> vector<16xi32>
      %min3A_2164 = arith.minsi %min3A_2157, %gather3A_2163 : vector<16xi32>
      %xor3A_2165 = arith.constant 2 : i32
      %xor3A_2166 = vector.broadcast %xor3A_2165 : i32 to vector<16xi32>
      %xor3A_2167 = arith.xori %iota3A, %xor3A_2166 : vector<16xi32>
      %broadcast_in_dim3A_2168 = vector.shape_cast %xor3A_2167 : vector<16xi32> to vector<16x1xi32>
      %gather3A_2169 = vector.shape_cast %broadcast_in_dim3A_2168 : vector<16x1xi32> to vector<16xi32>
      %gather3A_2170 = tpu.dynamic_gather %min3A_2164[%gather3A_2169] in [0] : vector<16xi32>, vector<16xi32> -> vector<16xi32>
      %min3A_2171 = arith.minsi %min3A_2164, %gather3A_2170 : vector<16xi32>
      %xor3A_2172 = arith.constant 4 : i32
      %xor3A_2173 = vector.broadcast %xor3A_2172 : i32 to vector<16xi32>
      %xor3A_2174 = arith.xori %iota3A, %xor3A_2173 : vector<16xi32>
      %broadcast_in_dim3A_2175 = vector.shape_cast %xor3A_2174 : vector<16xi32> to vector<16x1xi32>
      %gather3A_2176 = vector.shape_cast %broadcast_in_dim3A_2175 : vector<16x1xi32> to vector<16xi32>
      %gather3A_2177 = tpu.dynamic_gather %min3A_2171[%gather3A_2176] in [0] : vector<16xi32>, vector<16xi32> -> vector<16xi32>
      %min3A_2178 = arith.minsi %min3A_2171, %gather3A_2177 : vector<16xi32>
      %xor3A_2179 = arith.constant 8 : i32
      %xor3A_2180 = vector.broadcast %xor3A_2179 : i32 to vector<16xi32>
      %xor3A_2181 = arith.xori %iota3A, %xor3A_2180 : vector<16xi32>
      %broadcast_in_dim3A_2182 = vector.shape_cast %xor3A_2181 : vector<16xi32> to vector<16x1xi32>
      %gather3A_2183 = vector.shape_cast %broadcast_in_dim3A_2182 : vector<16x1xi32> to vector<16xi32>
      %gather3A_2184 = tpu.dynamic_gather %min3A_2178[%gather3A_2183] in [0] : vector<16xi32>, vector<16xi32> -> vector<16xi32>
      %min3A_2185 = arith.minsi %min3A_2178, %gather3A_2184 : vector<16xi32>
      %eq3A_2186 = arith.constant 6 : i32
      %eq3A_2187 = vector.broadcast %eq3A_2186 : i32 to vector<16xi32>
      %eq3A_2188 = arith.cmpi eq, %iota3A, %eq3A_2187 : vector<16xi32>
      %select_n3A_2189 = arith.select %eq3A_2188, %min3A_2185, %select_n3A_1872 : vector<16xi1>, vector<16xi32>
      %add3A_2190 = arith.constant 0 : i32
      %add3A_2191 = vector.broadcast %add3A_2190 : i32 to vector<16xi32>
      %add3A_2192 = arith.addi %iota3A, %add3A_2191 : vector<16xi32>
      %eq3A_2193 = arith.cmpi eq, %add3A_2192, %min3A_2185 : vector<16xi32>
      %jit3A_2194 = arith.constant -1.000000e+30 : f32
      %broadcast_in_dim3A_2195 = vector.broadcast %jit3A_2194 : f32 to vector<16xf32>
      %select_n3A_2196 = arith.select %eq3A_2193, %broadcast_in_dim3A_2195, %select_n3A_1879 : vector<16xi1>, vector<16xf32>
      %add3A_2197 = arith.constant 16 : i32
      %add3A_2198 = vector.broadcast %add3A_2197 : i32 to vector<16xi32>
      %add3A_2199 = arith.addi %iota3A, %add3A_2198 : vector<16xi32>
      %eq3A_2200 = arith.cmpi eq, %add3A_2199, %min3A_2185 : vector<16xi32>
      %jit3A_2201 = arith.constant -1.000000e+30 : f32
      %broadcast_in_dim3A_2202 = vector.broadcast %jit3A_2201 : f32 to vector<16xf32>
      %select_n3A_2203 = arith.select %eq3A_2200, %broadcast_in_dim3A_2202, %select_n3A_1886 : vector<16xi1>, vector<16xf32>
      %add3A_2204 = arith.constant 32 : i32
      %add3A_2205 = vector.broadcast %add3A_2204 : i32 to vector<16xi32>
      %add3A_2206 = arith.addi %iota3A, %add3A_2205 : vector<16xi32>
      %eq3A_2207 = arith.cmpi eq, %add3A_2206, %min3A_2185 : vector<16xi32>
      %jit3A_2208 = arith.constant -1.000000e+30 : f32
      %broadcast_in_dim3A_2209 = vector.broadcast %jit3A_2208 : f32 to vector<16xf32>
      %select_n3A_2210 = arith.select %eq3A_2207, %broadcast_in_dim3A_2209, %select_n3A_1893 : vector<16xi1>, vector<16xf32>
      %add3A_2211 = arith.constant 48 : i32
      %add3A_2212 = vector.broadcast %add3A_2211 : i32 to vector<16xi32>
      %add3A_2213 = arith.addi %iota3A, %add3A_2212 : vector<16xi32>
      %eq3A_2214 = arith.cmpi eq, %add3A_2213, %min3A_2185 : vector<16xi32>
      %jit3A_2215 = arith.constant -1.000000e+30 : f32
      %broadcast_in_dim3A_2216 = vector.broadcast %jit3A_2215 : f32 to vector<16xf32>
      %select_n3A_2217 = arith.select %eq3A_2214, %broadcast_in_dim3A_2216, %select_n3A_1900 : vector<16xi1>, vector<16xf32>
      %add3A_2218 = arith.constant 64 : i32
      %add3A_2219 = vector.broadcast %add3A_2218 : i32 to vector<16xi32>
      %add3A_2220 = arith.addi %iota3A, %add3A_2219 : vector<16xi32>
      %eq3A_2221 = arith.cmpi eq, %add3A_2220, %min3A_2185 : vector<16xi32>
      %jit3A_2222 = arith.constant -1.000000e+30 : f32
      %broadcast_in_dim3A_2223 = vector.broadcast %jit3A_2222 : f32 to vector<16xf32>
      %select_n3A_2224 = arith.select %eq3A_2221, %broadcast_in_dim3A_2223, %select_n3A_1907 : vector<16xi1>, vector<16xf32>
      %add3A_2225 = arith.constant 80 : i32
      %add3A_2226 = vector.broadcast %add3A_2225 : i32 to vector<16xi32>
      %add3A_2227 = arith.addi %iota3A, %add3A_2226 : vector<16xi32>
      %eq3A_2228 = arith.cmpi eq, %add3A_2227, %min3A_2185 : vector<16xi32>
      %jit3A_2229 = arith.constant -1.000000e+30 : f32
      %broadcast_in_dim3A_2230 = vector.broadcast %jit3A_2229 : f32 to vector<16xf32>
      %select_n3A_2231 = arith.select %eq3A_2228, %broadcast_in_dim3A_2230, %select_n3A_1914 : vector<16xi1>, vector<16xf32>
      %add3A_2232 = arith.constant 96 : i32
      %add3A_2233 = vector.broadcast %add3A_2232 : i32 to vector<16xi32>
      %add3A_2234 = arith.addi %iota3A, %add3A_2233 : vector<16xi32>
      %eq3A_2235 = arith.cmpi eq, %add3A_2234, %min3A_2185 : vector<16xi32>
      %jit3A_2236 = arith.constant -1.000000e+30 : f32
      %broadcast_in_dim3A_2237 = vector.broadcast %jit3A_2236 : f32 to vector<16xf32>
      %select_n3A_2238 = arith.select %eq3A_2235, %broadcast_in_dim3A_2237, %select_n3A_1921 : vector<16xi1>, vector<16xf32>
      %add3A_2239 = arith.constant 112 : i32
      %add3A_2240 = vector.broadcast %add3A_2239 : i32 to vector<16xi32>
      %add3A_2241 = arith.addi %iota3A, %add3A_2240 : vector<16xi32>
      %eq3A_2242 = arith.cmpi eq, %add3A_2241, %min3A_2185 : vector<16xi32>
      %jit3A_2243 = arith.constant -1.000000e+30 : f32
      %broadcast_in_dim3A_2244 = vector.broadcast %jit3A_2243 : f32 to vector<16xf32>
      %select_n3A_2245 = arith.select %eq3A_2242, %broadcast_in_dim3A_2244, %select_n3A_1928 : vector<16xi1>, vector<16xf32>
      %add3A_2246 = arith.constant 128 : i32
      %add3A_2247 = vector.broadcast %add3A_2246 : i32 to vector<16xi32>
      %add3A_2248 = arith.addi %iota3A, %add3A_2247 : vector<16xi32>
      %eq3A_2249 = arith.cmpi eq, %add3A_2248, %min3A_2185 : vector<16xi32>
      %jit3A_2250 = arith.constant -1.000000e+30 : f32
      %broadcast_in_dim3A_2251 = vector.broadcast %jit3A_2250 : f32 to vector<16xf32>
      %select_n3A_2252 = arith.select %eq3A_2249, %broadcast_in_dim3A_2251, %select_n3A_1935 : vector<16xi1>, vector<16xf32>
      %add3A_2253 = arith.constant 144 : i32
      %add3A_2254 = vector.broadcast %add3A_2253 : i32 to vector<16xi32>
      %add3A_2255 = arith.addi %iota3A, %add3A_2254 : vector<16xi32>
      %eq3A_2256 = arith.cmpi eq, %add3A_2255, %min3A_2185 : vector<16xi32>
      %jit3A_2257 = arith.constant -1.000000e+30 : f32
      %broadcast_in_dim3A_2258 = vector.broadcast %jit3A_2257 : f32 to vector<16xf32>
      %select_n3A_2259 = arith.select %eq3A_2256, %broadcast_in_dim3A_2258, %select_n3A_1942 : vector<16xi1>, vector<16xf32>
      %add3A_2260 = arith.constant 160 : i32
      %add3A_2261 = vector.broadcast %add3A_2260 : i32 to vector<16xi32>
      %add3A_2262 = arith.addi %iota3A, %add3A_2261 : vector<16xi32>
      %eq3A_2263 = arith.cmpi eq, %add3A_2262, %min3A_2185 : vector<16xi32>
      %jit3A_2264 = arith.constant -1.000000e+30 : f32
      %broadcast_in_dim3A_2265 = vector.broadcast %jit3A_2264 : f32 to vector<16xf32>
      %select_n3A_2266 = arith.select %eq3A_2263, %broadcast_in_dim3A_2265, %select_n3A_1949 : vector<16xi1>, vector<16xf32>
      %add3A_2267 = arith.constant 176 : i32
      %add3A_2268 = vector.broadcast %add3A_2267 : i32 to vector<16xi32>
      %add3A_2269 = arith.addi %iota3A, %add3A_2268 : vector<16xi32>
      %eq3A_2270 = arith.cmpi eq, %add3A_2269, %min3A_2185 : vector<16xi32>
      %jit3A_2271 = arith.constant -1.000000e+30 : f32
      %broadcast_in_dim3A_2272 = vector.broadcast %jit3A_2271 : f32 to vector<16xf32>
      %select_n3A_2273 = arith.select %eq3A_2270, %broadcast_in_dim3A_2272, %select_n3A_1956 : vector<16xi1>, vector<16xf32>
      %add3A_2274 = arith.constant 192 : i32
      %add3A_2275 = vector.broadcast %add3A_2274 : i32 to vector<16xi32>
      %add3A_2276 = arith.addi %iota3A, %add3A_2275 : vector<16xi32>
      %eq3A_2277 = arith.cmpi eq, %add3A_2276, %min3A_2185 : vector<16xi32>
      %jit3A_2278 = arith.constant -1.000000e+30 : f32
      %broadcast_in_dim3A_2279 = vector.broadcast %jit3A_2278 : f32 to vector<16xf32>
      %select_n3A_2280 = arith.select %eq3A_2277, %broadcast_in_dim3A_2279, %select_n3A_1963 : vector<16xi1>, vector<16xf32>
      %add3A_2281 = arith.constant 208 : i32
      %add3A_2282 = vector.broadcast %add3A_2281 : i32 to vector<16xi32>
      %add3A_2283 = arith.addi %iota3A, %add3A_2282 : vector<16xi32>
      %eq3A_2284 = arith.cmpi eq, %add3A_2283, %min3A_2185 : vector<16xi32>
      %jit3A_2285 = arith.constant -1.000000e+30 : f32
      %broadcast_in_dim3A_2286 = vector.broadcast %jit3A_2285 : f32 to vector<16xf32>
      %select_n3A_2287 = arith.select %eq3A_2284, %broadcast_in_dim3A_2286, %select_n3A_1970 : vector<16xi1>, vector<16xf32>
      %add3A_2288 = arith.constant 224 : i32
      %add3A_2289 = vector.broadcast %add3A_2288 : i32 to vector<16xi32>
      %add3A_2290 = arith.addi %iota3A, %add3A_2289 : vector<16xi32>
      %eq3A_2291 = arith.cmpi eq, %add3A_2290, %min3A_2185 : vector<16xi32>
      %jit3A_2292 = arith.constant -1.000000e+30 : f32
      %broadcast_in_dim3A_2293 = vector.broadcast %jit3A_2292 : f32 to vector<16xf32>
      %select_n3A_2294 = arith.select %eq3A_2291, %broadcast_in_dim3A_2293, %select_n3A_1977 : vector<16xi1>, vector<16xf32>
      %add3A_2295 = arith.constant 240 : i32
      %add3A_2296 = vector.broadcast %add3A_2295 : i32 to vector<16xi32>
      %add3A_2297 = arith.addi %iota3A, %add3A_2296 : vector<16xi32>
      %eq3A_2298 = arith.cmpi eq, %add3A_2297, %min3A_2185 : vector<16xi32>
      %jit3A_2299 = arith.constant -1.000000e+30 : f32
      %broadcast_in_dim3A_2300 = vector.broadcast %jit3A_2299 : f32 to vector<16xf32>
      %select_n3A_2301 = arith.select %eq3A_2298, %broadcast_in_dim3A_2300, %select_n3A_1984 : vector<16xi1>, vector<16xf32>
      %max3A_2302 = arith.maximumf %select_n3A_2196, %select_n3A_2203 : vector<16xf32>
      %max3A_2303 = arith.maximumf %max3A_2302, %select_n3A_2210 : vector<16xf32>
      %max3A_2304 = arith.maximumf %max3A_2303, %select_n3A_2217 : vector<16xf32>
      %max3A_2305 = arith.maximumf %max3A_2304, %select_n3A_2224 : vector<16xf32>
      %max3A_2306 = arith.maximumf %max3A_2305, %select_n3A_2231 : vector<16xf32>
      %max3A_2307 = arith.maximumf %max3A_2306, %select_n3A_2238 : vector<16xf32>
      %max3A_2308 = arith.maximumf %max3A_2307, %select_n3A_2245 : vector<16xf32>
      %max3A_2309 = arith.maximumf %max3A_2308, %select_n3A_2252 : vector<16xf32>
      %max3A_2310 = arith.maximumf %max3A_2309, %select_n3A_2259 : vector<16xf32>
      %max3A_2311 = arith.maximumf %max3A_2310, %select_n3A_2266 : vector<16xf32>
      %max3A_2312 = arith.maximumf %max3A_2311, %select_n3A_2273 : vector<16xf32>
      %max3A_2313 = arith.maximumf %max3A_2312, %select_n3A_2280 : vector<16xf32>
      %max3A_2314 = arith.maximumf %max3A_2313, %select_n3A_2287 : vector<16xf32>
      %max3A_2315 = arith.maximumf %max3A_2314, %select_n3A_2294 : vector<16xf32>
      %max3A_2316 = arith.maximumf %max3A_2315, %select_n3A_2301 : vector<16xf32>
      %xor3A_2317 = arith.constant 1 : i32
      %xor3A_2318 = vector.broadcast %xor3A_2317 : i32 to vector<16xi32>
      %xor3A_2319 = arith.xori %iota3A, %xor3A_2318 : vector<16xi32>
      %broadcast_in_dim3A_2320 = vector.shape_cast %xor3A_2319 : vector<16xi32> to vector<16x1xi32>
      %gather3A_2321 = vector.shape_cast %broadcast_in_dim3A_2320 : vector<16x1xi32> to vector<16xi32>
      %gather3A_2322 = tpu.dynamic_gather %max3A_2316[%gather3A_2321] in [0] : vector<16xf32>, vector<16xi32> -> vector<16xf32>
      %max3A_2323 = arith.maximumf %max3A_2316, %gather3A_2322 : vector<16xf32>
      %xor3A_2324 = arith.constant 2 : i32
      %xor3A_2325 = vector.broadcast %xor3A_2324 : i32 to vector<16xi32>
      %xor3A_2326 = arith.xori %iota3A, %xor3A_2325 : vector<16xi32>
      %broadcast_in_dim3A_2327 = vector.shape_cast %xor3A_2326 : vector<16xi32> to vector<16x1xi32>
      %gather3A_2328 = vector.shape_cast %broadcast_in_dim3A_2327 : vector<16x1xi32> to vector<16xi32>
      %gather3A_2329 = tpu.dynamic_gather %max3A_2323[%gather3A_2328] in [0] : vector<16xf32>, vector<16xi32> -> vector<16xf32>
      %max3A_2330 = arith.maximumf %max3A_2323, %gather3A_2329 : vector<16xf32>
      %xor3A_2331 = arith.constant 4 : i32
      %xor3A_2332 = vector.broadcast %xor3A_2331 : i32 to vector<16xi32>
      %xor3A_2333 = arith.xori %iota3A, %xor3A_2332 : vector<16xi32>
      %broadcast_in_dim3A_2334 = vector.shape_cast %xor3A_2333 : vector<16xi32> to vector<16x1xi32>
      %gather3A_2335 = vector.shape_cast %broadcast_in_dim3A_2334 : vector<16x1xi32> to vector<16xi32>
      %gather3A_2336 = tpu.dynamic_gather %max3A_2330[%gather3A_2335] in [0] : vector<16xf32>, vector<16xi32> -> vector<16xf32>
      %max3A_2337 = arith.maximumf %max3A_2330, %gather3A_2336 : vector<16xf32>
      %xor3A_2338 = arith.constant 8 : i32
      %xor3A_2339 = vector.broadcast %xor3A_2338 : i32 to vector<16xi32>
      %xor3A_2340 = arith.xori %iota3A, %xor3A_2339 : vector<16xi32>
      %broadcast_in_dim3A_2341 = vector.shape_cast %xor3A_2340 : vector<16xi32> to vector<16x1xi32>
      %gather3A_2342 = vector.shape_cast %broadcast_in_dim3A_2341 : vector<16x1xi32> to vector<16xi32>
      %gather3A_2343 = tpu.dynamic_gather %max3A_2337[%gather3A_2342] in [0] : vector<16xf32>, vector<16xi32> -> vector<16xf32>
      %max3A_2344 = arith.maximumf %max3A_2337, %gather3A_2343 : vector<16xf32>
      %broadcast_in_dim3A_2345 = arith.constant 256 : i32
      %broadcast_in_dim3A_2346 = vector.broadcast %broadcast_in_dim3A_2345 : i32 to vector<16xi32>
      %eq3A_2347 = arith.cmpf oeq, %select_n3A_2196, %max3A_2344 : vector<16xf32>
      %add3A_2348 = arith.constant 0 : i32
      %add3A_2349 = vector.broadcast %add3A_2348 : i32 to vector<16xi32>
      %add3A_2350 = arith.addi %iota3A, %add3A_2349 : vector<16xi32>
      %jit3A_2351 = arith.constant 256 : i32
      %broadcast_in_dim3A_2352 = vector.broadcast %jit3A_2351 : i32 to vector<16xi32>
      %select_n3A_2353 = arith.select %eq3A_2347, %add3A_2350, %broadcast_in_dim3A_2352 : vector<16xi1>, vector<16xi32>
      %min3A_2354 = arith.minsi %broadcast_in_dim3A_2346, %select_n3A_2353 : vector<16xi32>
      %eq3A_2355 = arith.cmpf oeq, %select_n3A_2203, %max3A_2344 : vector<16xf32>
      %add3A_2356 = arith.constant 16 : i32
      %add3A_2357 = vector.broadcast %add3A_2356 : i32 to vector<16xi32>
      %add3A_2358 = arith.addi %iota3A, %add3A_2357 : vector<16xi32>
      %jit3A_2359 = arith.constant 256 : i32
      %broadcast_in_dim3A_2360 = vector.broadcast %jit3A_2359 : i32 to vector<16xi32>
      %select_n3A_2361 = arith.select %eq3A_2355, %add3A_2358, %broadcast_in_dim3A_2360 : vector<16xi1>, vector<16xi32>
      %min3A_2362 = arith.minsi %min3A_2354, %select_n3A_2361 : vector<16xi32>
      %eq3A_2363 = arith.cmpf oeq, %select_n3A_2210, %max3A_2344 : vector<16xf32>
      %add3A_2364 = arith.constant 32 : i32
      %add3A_2365 = vector.broadcast %add3A_2364 : i32 to vector<16xi32>
      %add3A_2366 = arith.addi %iota3A, %add3A_2365 : vector<16xi32>
      %jit3A_2367 = arith.constant 256 : i32
      %broadcast_in_dim3A_2368 = vector.broadcast %jit3A_2367 : i32 to vector<16xi32>
      %select_n3A_2369 = arith.select %eq3A_2363, %add3A_2366, %broadcast_in_dim3A_2368 : vector<16xi1>, vector<16xi32>
      %min3A_2370 = arith.minsi %min3A_2362, %select_n3A_2369 : vector<16xi32>
      %eq3A_2371 = arith.cmpf oeq, %select_n3A_2217, %max3A_2344 : vector<16xf32>
      %add3A_2372 = arith.constant 48 : i32
      %add3A_2373 = vector.broadcast %add3A_2372 : i32 to vector<16xi32>
      %add3A_2374 = arith.addi %iota3A, %add3A_2373 : vector<16xi32>
      %jit3A_2375 = arith.constant 256 : i32
      %broadcast_in_dim3A_2376 = vector.broadcast %jit3A_2375 : i32 to vector<16xi32>
      %select_n3A_2377 = arith.select %eq3A_2371, %add3A_2374, %broadcast_in_dim3A_2376 : vector<16xi1>, vector<16xi32>
      %min3A_2378 = arith.minsi %min3A_2370, %select_n3A_2377 : vector<16xi32>
      %eq3A_2379 = arith.cmpf oeq, %select_n3A_2224, %max3A_2344 : vector<16xf32>
      %add3A_2380 = arith.constant 64 : i32
      %add3A_2381 = vector.broadcast %add3A_2380 : i32 to vector<16xi32>
      %add3A_2382 = arith.addi %iota3A, %add3A_2381 : vector<16xi32>
      %jit3A_2383 = arith.constant 256 : i32
      %broadcast_in_dim3A_2384 = vector.broadcast %jit3A_2383 : i32 to vector<16xi32>
      %select_n3A_2385 = arith.select %eq3A_2379, %add3A_2382, %broadcast_in_dim3A_2384 : vector<16xi1>, vector<16xi32>
      %min3A_2386 = arith.minsi %min3A_2378, %select_n3A_2385 : vector<16xi32>
      %eq3A_2387 = arith.cmpf oeq, %select_n3A_2231, %max3A_2344 : vector<16xf32>
      %add3A_2388 = arith.constant 80 : i32
      %add3A_2389 = vector.broadcast %add3A_2388 : i32 to vector<16xi32>
      %add3A_2390 = arith.addi %iota3A, %add3A_2389 : vector<16xi32>
      %jit3A_2391 = arith.constant 256 : i32
      %broadcast_in_dim3A_2392 = vector.broadcast %jit3A_2391 : i32 to vector<16xi32>
      %select_n3A_2393 = arith.select %eq3A_2387, %add3A_2390, %broadcast_in_dim3A_2392 : vector<16xi1>, vector<16xi32>
      %min3A_2394 = arith.minsi %min3A_2386, %select_n3A_2393 : vector<16xi32>
      %eq3A_2395 = arith.cmpf oeq, %select_n3A_2238, %max3A_2344 : vector<16xf32>
      %add3A_2396 = arith.constant 96 : i32
      %add3A_2397 = vector.broadcast %add3A_2396 : i32 to vector<16xi32>
      %add3A_2398 = arith.addi %iota3A, %add3A_2397 : vector<16xi32>
      %jit3A_2399 = arith.constant 256 : i32
      %broadcast_in_dim3A_2400 = vector.broadcast %jit3A_2399 : i32 to vector<16xi32>
      %select_n3A_2401 = arith.select %eq3A_2395, %add3A_2398, %broadcast_in_dim3A_2400 : vector<16xi1>, vector<16xi32>
      %min3A_2402 = arith.minsi %min3A_2394, %select_n3A_2401 : vector<16xi32>
      %eq3A_2403 = arith.cmpf oeq, %select_n3A_2245, %max3A_2344 : vector<16xf32>
      %add3A_2404 = arith.constant 112 : i32
      %add3A_2405 = vector.broadcast %add3A_2404 : i32 to vector<16xi32>
      %add3A_2406 = arith.addi %iota3A, %add3A_2405 : vector<16xi32>
      %jit3A_2407 = arith.constant 256 : i32
      %broadcast_in_dim3A_2408 = vector.broadcast %jit3A_2407 : i32 to vector<16xi32>
      %select_n3A_2409 = arith.select %eq3A_2403, %add3A_2406, %broadcast_in_dim3A_2408 : vector<16xi1>, vector<16xi32>
      %min3A_2410 = arith.minsi %min3A_2402, %select_n3A_2409 : vector<16xi32>
      %eq3A_2411 = arith.cmpf oeq, %select_n3A_2252, %max3A_2344 : vector<16xf32>
      %add3A_2412 = arith.constant 128 : i32
      %add3A_2413 = vector.broadcast %add3A_2412 : i32 to vector<16xi32>
      %add3A_2414 = arith.addi %iota3A, %add3A_2413 : vector<16xi32>
      %jit3A_2415 = arith.constant 256 : i32
      %broadcast_in_dim3A_2416 = vector.broadcast %jit3A_2415 : i32 to vector<16xi32>
      %select_n3A_2417 = arith.select %eq3A_2411, %add3A_2414, %broadcast_in_dim3A_2416 : vector<16xi1>, vector<16xi32>
      %min3A_2418 = arith.minsi %min3A_2410, %select_n3A_2417 : vector<16xi32>
      %eq3A_2419 = arith.cmpf oeq, %select_n3A_2259, %max3A_2344 : vector<16xf32>
      %add3A_2420 = arith.constant 144 : i32
      %add3A_2421 = vector.broadcast %add3A_2420 : i32 to vector<16xi32>
      %add3A_2422 = arith.addi %iota3A, %add3A_2421 : vector<16xi32>
      %jit3A_2423 = arith.constant 256 : i32
      %broadcast_in_dim3A_2424 = vector.broadcast %jit3A_2423 : i32 to vector<16xi32>
      %select_n3A_2425 = arith.select %eq3A_2419, %add3A_2422, %broadcast_in_dim3A_2424 : vector<16xi1>, vector<16xi32>
      %min3A_2426 = arith.minsi %min3A_2418, %select_n3A_2425 : vector<16xi32>
      %eq3A_2427 = arith.cmpf oeq, %select_n3A_2266, %max3A_2344 : vector<16xf32>
      %add3A_2428 = arith.constant 160 : i32
      %add3A_2429 = vector.broadcast %add3A_2428 : i32 to vector<16xi32>
      %add3A_2430 = arith.addi %iota3A, %add3A_2429 : vector<16xi32>
      %jit3A_2431 = arith.constant 256 : i32
      %broadcast_in_dim3A_2432 = vector.broadcast %jit3A_2431 : i32 to vector<16xi32>
      %select_n3A_2433 = arith.select %eq3A_2427, %add3A_2430, %broadcast_in_dim3A_2432 : vector<16xi1>, vector<16xi32>
      %min3A_2434 = arith.minsi %min3A_2426, %select_n3A_2433 : vector<16xi32>
      %eq3A_2435 = arith.cmpf oeq, %select_n3A_2273, %max3A_2344 : vector<16xf32>
      %add3A_2436 = arith.constant 176 : i32
      %add3A_2437 = vector.broadcast %add3A_2436 : i32 to vector<16xi32>
      %add3A_2438 = arith.addi %iota3A, %add3A_2437 : vector<16xi32>
      %jit3A_2439 = arith.constant 256 : i32
      %broadcast_in_dim3A_2440 = vector.broadcast %jit3A_2439 : i32 to vector<16xi32>
      %select_n3A_2441 = arith.select %eq3A_2435, %add3A_2438, %broadcast_in_dim3A_2440 : vector<16xi1>, vector<16xi32>
      %min3A_2442 = arith.minsi %min3A_2434, %select_n3A_2441 : vector<16xi32>
      %eq3A_2443 = arith.cmpf oeq, %select_n3A_2280, %max3A_2344 : vector<16xf32>
      %add3A_2444 = arith.constant 192 : i32
      %add3A_2445 = vector.broadcast %add3A_2444 : i32 to vector<16xi32>
      %add3A_2446 = arith.addi %iota3A, %add3A_2445 : vector<16xi32>
      %jit3A_2447 = arith.constant 256 : i32
      %broadcast_in_dim3A_2448 = vector.broadcast %jit3A_2447 : i32 to vector<16xi32>
      %select_n3A_2449 = arith.select %eq3A_2443, %add3A_2446, %broadcast_in_dim3A_2448 : vector<16xi1>, vector<16xi32>
      %min3A_2450 = arith.minsi %min3A_2442, %select_n3A_2449 : vector<16xi32>
      %eq3A_2451 = arith.cmpf oeq, %select_n3A_2287, %max3A_2344 : vector<16xf32>
      %add3A_2452 = arith.constant 208 : i32
      %add3A_2453 = vector.broadcast %add3A_2452 : i32 to vector<16xi32>
      %add3A_2454 = arith.addi %iota3A, %add3A_2453 : vector<16xi32>
      %jit3A_2455 = arith.constant 256 : i32
      %broadcast_in_dim3A_2456 = vector.broadcast %jit3A_2455 : i32 to vector<16xi32>
      %select_n3A_2457 = arith.select %eq3A_2451, %add3A_2454, %broadcast_in_dim3A_2456 : vector<16xi1>, vector<16xi32>
      %min3A_2458 = arith.minsi %min3A_2450, %select_n3A_2457 : vector<16xi32>
      %eq3A_2459 = arith.cmpf oeq, %select_n3A_2294, %max3A_2344 : vector<16xf32>
      %add3A_2460 = arith.constant 224 : i32
      %add3A_2461 = vector.broadcast %add3A_2460 : i32 to vector<16xi32>
      %add3A_2462 = arith.addi %iota3A, %add3A_2461 : vector<16xi32>
      %jit3A_2463 = arith.constant 256 : i32
      %broadcast_in_dim3A_2464 = vector.broadcast %jit3A_2463 : i32 to vector<16xi32>
      %select_n3A_2465 = arith.select %eq3A_2459, %add3A_2462, %broadcast_in_dim3A_2464 : vector<16xi1>, vector<16xi32>
      %min3A_2466 = arith.minsi %min3A_2458, %select_n3A_2465 : vector<16xi32>
      %eq3A_2467 = arith.cmpf oeq, %select_n3A_2301, %max3A_2344 : vector<16xf32>
      %add3A_2468 = arith.constant 240 : i32
      %add3A_2469 = vector.broadcast %add3A_2468 : i32 to vector<16xi32>
      %add3A_2470 = arith.addi %iota3A, %add3A_2469 : vector<16xi32>
      %jit3A_2471 = arith.constant 256 : i32
      %broadcast_in_dim3A_2472 = vector.broadcast %jit3A_2471 : i32 to vector<16xi32>
      %select_n3A_2473 = arith.select %eq3A_2467, %add3A_2470, %broadcast_in_dim3A_2472 : vector<16xi1>, vector<16xi32>
      %min3A_2474 = arith.minsi %min3A_2466, %select_n3A_2473 : vector<16xi32>
      %xor3A_2475 = arith.constant 1 : i32
      %xor3A_2476 = vector.broadcast %xor3A_2475 : i32 to vector<16xi32>
      %xor3A_2477 = arith.xori %iota3A, %xor3A_2476 : vector<16xi32>
      %broadcast_in_dim3A_2478 = vector.shape_cast %xor3A_2477 : vector<16xi32> to vector<16x1xi32>
      %gather3A_2479 = vector.shape_cast %broadcast_in_dim3A_2478 : vector<16x1xi32> to vector<16xi32>
      %gather3A_2480 = tpu.dynamic_gather %min3A_2474[%gather3A_2479] in [0] : vector<16xi32>, vector<16xi32> -> vector<16xi32>
      %min3A_2481 = arith.minsi %min3A_2474, %gather3A_2480 : vector<16xi32>
      %xor3A_2482 = arith.constant 2 : i32
      %xor3A_2483 = vector.broadcast %xor3A_2482 : i32 to vector<16xi32>
      %xor3A_2484 = arith.xori %iota3A, %xor3A_2483 : vector<16xi32>
      %broadcast_in_dim3A_2485 = vector.shape_cast %xor3A_2484 : vector<16xi32> to vector<16x1xi32>
      %gather3A_2486 = vector.shape_cast %broadcast_in_dim3A_2485 : vector<16x1xi32> to vector<16xi32>
      %gather3A_2487 = tpu.dynamic_gather %min3A_2481[%gather3A_2486] in [0] : vector<16xi32>, vector<16xi32> -> vector<16xi32>
      %min3A_2488 = arith.minsi %min3A_2481, %gather3A_2487 : vector<16xi32>
      %xor3A_2489 = arith.constant 4 : i32
      %xor3A_2490 = vector.broadcast %xor3A_2489 : i32 to vector<16xi32>
      %xor3A_2491 = arith.xori %iota3A, %xor3A_2490 : vector<16xi32>
      %broadcast_in_dim3A_2492 = vector.shape_cast %xor3A_2491 : vector<16xi32> to vector<16x1xi32>
      %gather3A_2493 = vector.shape_cast %broadcast_in_dim3A_2492 : vector<16x1xi32> to vector<16xi32>
      %gather3A_2494 = tpu.dynamic_gather %min3A_2488[%gather3A_2493] in [0] : vector<16xi32>, vector<16xi32> -> vector<16xi32>
      %min3A_2495 = arith.minsi %min3A_2488, %gather3A_2494 : vector<16xi32>
      %xor3A_2496 = arith.constant 8 : i32
      %xor3A_2497 = vector.broadcast %xor3A_2496 : i32 to vector<16xi32>
      %xor3A_2498 = arith.xori %iota3A, %xor3A_2497 : vector<16xi32>
      %broadcast_in_dim3A_2499 = vector.shape_cast %xor3A_2498 : vector<16xi32> to vector<16x1xi32>
      %gather3A_2500 = vector.shape_cast %broadcast_in_dim3A_2499 : vector<16x1xi32> to vector<16xi32>
      %gather3A_2501 = tpu.dynamic_gather %min3A_2495[%gather3A_2500] in [0] : vector<16xi32>, vector<16xi32> -> vector<16xi32>
      %min3A_2502 = arith.minsi %min3A_2495, %gather3A_2501 : vector<16xi32>
      %eq3A_2503 = arith.constant 7 : i32
      %eq3A_2504 = vector.broadcast %eq3A_2503 : i32 to vector<16xi32>
      %eq3A_2505 = arith.cmpi eq, %iota3A, %eq3A_2504 : vector<16xi32>
      %select_n3A_2506 = arith.select %eq3A_2505, %min3A_2502, %select_n3A_2189 : vector<16xi1>, vector<16xi32>
      %add3A_2507 = arith.constant 0 : i32
      %add3A_2508 = vector.broadcast %add3A_2507 : i32 to vector<16xi32>
      %add3A_2509 = arith.addi %iota3A, %add3A_2508 : vector<16xi32>
      %eq3A_2510 = arith.cmpi eq, %add3A_2509, %min3A_2502 : vector<16xi32>
      %jit3A_2511 = arith.constant -1.000000e+30 : f32
      %broadcast_in_dim3A_2512 = vector.broadcast %jit3A_2511 : f32 to vector<16xf32>
      %select_n3A_2513 = arith.select %eq3A_2510, %broadcast_in_dim3A_2512, %select_n3A_2196 : vector<16xi1>, vector<16xf32>
      %add3A_2514 = arith.constant 16 : i32
      %add3A_2515 = vector.broadcast %add3A_2514 : i32 to vector<16xi32>
      %add3A_2516 = arith.addi %iota3A, %add3A_2515 : vector<16xi32>
      %eq3A_2517 = arith.cmpi eq, %add3A_2516, %min3A_2502 : vector<16xi32>
      %jit3A_2518 = arith.constant -1.000000e+30 : f32
      %broadcast_in_dim3A_2519 = vector.broadcast %jit3A_2518 : f32 to vector<16xf32>
      %select_n3A_2520 = arith.select %eq3A_2517, %broadcast_in_dim3A_2519, %select_n3A_2203 : vector<16xi1>, vector<16xf32>
      %add3A_2521 = arith.constant 32 : i32
      %add3A_2522 = vector.broadcast %add3A_2521 : i32 to vector<16xi32>
      %add3A_2523 = arith.addi %iota3A, %add3A_2522 : vector<16xi32>
      %eq3A_2524 = arith.cmpi eq, %add3A_2523, %min3A_2502 : vector<16xi32>
      %jit3A_2525 = arith.constant -1.000000e+30 : f32
      %broadcast_in_dim3A_2526 = vector.broadcast %jit3A_2525 : f32 to vector<16xf32>
      %select_n3A_2527 = arith.select %eq3A_2524, %broadcast_in_dim3A_2526, %select_n3A_2210 : vector<16xi1>, vector<16xf32>
      %add3A_2528 = arith.constant 48 : i32
      %add3A_2529 = vector.broadcast %add3A_2528 : i32 to vector<16xi32>
      %add3A_2530 = arith.addi %iota3A, %add3A_2529 : vector<16xi32>
      %eq3A_2531 = arith.cmpi eq, %add3A_2530, %min3A_2502 : vector<16xi32>
      %jit3A_2532 = arith.constant -1.000000e+30 : f32
      %broadcast_in_dim3A_2533 = vector.broadcast %jit3A_2532 : f32 to vector<16xf32>
      %select_n3A_2534 = arith.select %eq3A_2531, %broadcast_in_dim3A_2533, %select_n3A_2217 : vector<16xi1>, vector<16xf32>
      %add3A_2535 = arith.constant 64 : i32
      %add3A_2536 = vector.broadcast %add3A_2535 : i32 to vector<16xi32>
      %add3A_2537 = arith.addi %iota3A, %add3A_2536 : vector<16xi32>
      %eq3A_2538 = arith.cmpi eq, %add3A_2537, %min3A_2502 : vector<16xi32>
      %jit3A_2539 = arith.constant -1.000000e+30 : f32
      %broadcast_in_dim3A_2540 = vector.broadcast %jit3A_2539 : f32 to vector<16xf32>
      %select_n3A_2541 = arith.select %eq3A_2538, %broadcast_in_dim3A_2540, %select_n3A_2224 : vector<16xi1>, vector<16xf32>
      %add3A_2542 = arith.constant 80 : i32
      %add3A_2543 = vector.broadcast %add3A_2542 : i32 to vector<16xi32>
      %add3A_2544 = arith.addi %iota3A, %add3A_2543 : vector<16xi32>
      %eq3A_2545 = arith.cmpi eq, %add3A_2544, %min3A_2502 : vector<16xi32>
      %jit3A_2546 = arith.constant -1.000000e+30 : f32
      %broadcast_in_dim3A_2547 = vector.broadcast %jit3A_2546 : f32 to vector<16xf32>
      %select_n3A_2548 = arith.select %eq3A_2545, %broadcast_in_dim3A_2547, %select_n3A_2231 : vector<16xi1>, vector<16xf32>
      %add3A_2549 = arith.constant 96 : i32
      %add3A_2550 = vector.broadcast %add3A_2549 : i32 to vector<16xi32>
      %add3A_2551 = arith.addi %iota3A, %add3A_2550 : vector<16xi32>
      %eq3A_2552 = arith.cmpi eq, %add3A_2551, %min3A_2502 : vector<16xi32>
      %jit3A_2553 = arith.constant -1.000000e+30 : f32
      %broadcast_in_dim3A_2554 = vector.broadcast %jit3A_2553 : f32 to vector<16xf32>
      %select_n3A_2555 = arith.select %eq3A_2552, %broadcast_in_dim3A_2554, %select_n3A_2238 : vector<16xi1>, vector<16xf32>
      %add3A_2556 = arith.constant 112 : i32
      %add3A_2557 = vector.broadcast %add3A_2556 : i32 to vector<16xi32>
      %add3A_2558 = arith.addi %iota3A, %add3A_2557 : vector<16xi32>
      %eq3A_2559 = arith.cmpi eq, %add3A_2558, %min3A_2502 : vector<16xi32>
      %jit3A_2560 = arith.constant -1.000000e+30 : f32
      %broadcast_in_dim3A_2561 = vector.broadcast %jit3A_2560 : f32 to vector<16xf32>
      %select_n3A_2562 = arith.select %eq3A_2559, %broadcast_in_dim3A_2561, %select_n3A_2245 : vector<16xi1>, vector<16xf32>
      %add3A_2563 = arith.constant 128 : i32
      %add3A_2564 = vector.broadcast %add3A_2563 : i32 to vector<16xi32>
      %add3A_2565 = arith.addi %iota3A, %add3A_2564 : vector<16xi32>
      %eq3A_2566 = arith.cmpi eq, %add3A_2565, %min3A_2502 : vector<16xi32>
      %jit3A_2567 = arith.constant -1.000000e+30 : f32
      %broadcast_in_dim3A_2568 = vector.broadcast %jit3A_2567 : f32 to vector<16xf32>
      %select_n3A_2569 = arith.select %eq3A_2566, %broadcast_in_dim3A_2568, %select_n3A_2252 : vector<16xi1>, vector<16xf32>
      %add3A_2570 = arith.constant 144 : i32
      %add3A_2571 = vector.broadcast %add3A_2570 : i32 to vector<16xi32>
      %add3A_2572 = arith.addi %iota3A, %add3A_2571 : vector<16xi32>
      %eq3A_2573 = arith.cmpi eq, %add3A_2572, %min3A_2502 : vector<16xi32>
      %jit3A_2574 = arith.constant -1.000000e+30 : f32
      %broadcast_in_dim3A_2575 = vector.broadcast %jit3A_2574 : f32 to vector<16xf32>
      %select_n3A_2576 = arith.select %eq3A_2573, %broadcast_in_dim3A_2575, %select_n3A_2259 : vector<16xi1>, vector<16xf32>
      %add3A_2577 = arith.constant 160 : i32
      %add3A_2578 = vector.broadcast %add3A_2577 : i32 to vector<16xi32>
      %add3A_2579 = arith.addi %iota3A, %add3A_2578 : vector<16xi32>
      %eq3A_2580 = arith.cmpi eq, %add3A_2579, %min3A_2502 : vector<16xi32>
      %jit3A_2581 = arith.constant -1.000000e+30 : f32
      %broadcast_in_dim3A_2582 = vector.broadcast %jit3A_2581 : f32 to vector<16xf32>
      %select_n3A_2583 = arith.select %eq3A_2580, %broadcast_in_dim3A_2582, %select_n3A_2266 : vector<16xi1>, vector<16xf32>
      %add3A_2584 = arith.constant 176 : i32
      %add3A_2585 = vector.broadcast %add3A_2584 : i32 to vector<16xi32>
      %add3A_2586 = arith.addi %iota3A, %add3A_2585 : vector<16xi32>
      %eq3A_2587 = arith.cmpi eq, %add3A_2586, %min3A_2502 : vector<16xi32>
      %jit3A_2588 = arith.constant -1.000000e+30 : f32
      %broadcast_in_dim3A_2589 = vector.broadcast %jit3A_2588 : f32 to vector<16xf32>
      %select_n3A_2590 = arith.select %eq3A_2587, %broadcast_in_dim3A_2589, %select_n3A_2273 : vector<16xi1>, vector<16xf32>
      %add3A_2591 = arith.constant 192 : i32
      %add3A_2592 = vector.broadcast %add3A_2591 : i32 to vector<16xi32>
      %add3A_2593 = arith.addi %iota3A, %add3A_2592 : vector<16xi32>
      %eq3A_2594 = arith.cmpi eq, %add3A_2593, %min3A_2502 : vector<16xi32>
      %jit3A_2595 = arith.constant -1.000000e+30 : f32
      %broadcast_in_dim3A_2596 = vector.broadcast %jit3A_2595 : f32 to vector<16xf32>
      %select_n3A_2597 = arith.select %eq3A_2594, %broadcast_in_dim3A_2596, %select_n3A_2280 : vector<16xi1>, vector<16xf32>
      %add3A_2598 = arith.constant 208 : i32
      %add3A_2599 = vector.broadcast %add3A_2598 : i32 to vector<16xi32>
      %add3A_2600 = arith.addi %iota3A, %add3A_2599 : vector<16xi32>
      %eq3A_2601 = arith.cmpi eq, %add3A_2600, %min3A_2502 : vector<16xi32>
      %jit3A_2602 = arith.constant -1.000000e+30 : f32
      %broadcast_in_dim3A_2603 = vector.broadcast %jit3A_2602 : f32 to vector<16xf32>
      %select_n3A_2604 = arith.select %eq3A_2601, %broadcast_in_dim3A_2603, %select_n3A_2287 : vector<16xi1>, vector<16xf32>
      %add3A_2605 = arith.constant 224 : i32
      %add3A_2606 = vector.broadcast %add3A_2605 : i32 to vector<16xi32>
      %add3A_2607 = arith.addi %iota3A, %add3A_2606 : vector<16xi32>
      %eq3A_2608 = arith.cmpi eq, %add3A_2607, %min3A_2502 : vector<16xi32>
      %jit3A_2609 = arith.constant -1.000000e+30 : f32
      %broadcast_in_dim3A_2610 = vector.broadcast %jit3A_2609 : f32 to vector<16xf32>
      %select_n3A_2611 = arith.select %eq3A_2608, %broadcast_in_dim3A_2610, %select_n3A_2294 : vector<16xi1>, vector<16xf32>
      %add3A_2612 = arith.constant 240 : i32
      %add3A_2613 = vector.broadcast %add3A_2612 : i32 to vector<16xi32>
      %add3A_2614 = arith.addi %iota3A, %add3A_2613 : vector<16xi32>
      %eq3A_2615 = arith.cmpi eq, %add3A_2614, %min3A_2502 : vector<16xi32>
      %jit3A_2616 = arith.constant -1.000000e+30 : f32
      %broadcast_in_dim3A_2617 = vector.broadcast %jit3A_2616 : f32 to vector<16xf32>
      %select_n3A_2618 = arith.select %eq3A_2615, %broadcast_in_dim3A_2617, %select_n3A_2301 : vector<16xi1>, vector<16xf32>
      %shift_right_logical3A = arith.constant 1 : i32
      %shift_right_logical3A_2619 = vector.broadcast %shift_right_logical3A : i32 to vector<16xi32>
      %shift_right_logical3A_2620 = arith.shrui %iota3A, %shift_right_logical3A_2619 : vector<16xi32>
      %and3A_2621 = arith.constant 1 : i32
      %and3A_2622 = vector.broadcast %and3A_2621 : i32 to vector<16xi32>
      %and3A_2623 = arith.andi %iota3A, %and3A_2622 : vector<16xi32>
      %broadcast_in_dim3A_2624 = arith.constant 0 : i32
      %broadcast_in_dim3A_2625 = vector.broadcast %broadcast_in_dim3A_2624 : i32 to vector<16xi32>
      %eq3A_2626 = arith.constant 0 : i32
      %eq3A_2627 = vector.broadcast %eq3A_2626 : i32 to vector<16xi32>
      %eq3A_2628 = arith.cmpi eq, %shift_right_logical3A_2620, %eq3A_2627 : vector<16xi32>
      %mul3A_2629 = arith.constant 2 : i32
      %mul3A_2630 = vector.broadcast %mul3A_2629 : i32 to vector<16xi32>
      %mul3A_2631 = arith.muli %min3A_283, %mul3A_2630 : vector<16xi32>
      %add3A_2632 = arith.addi %mul3A_2631, %and3A_2623 : vector<16xi32>
      %select_n3A_2633 = arith.select %eq3A_2628, %add3A_2632, %broadcast_in_dim3A_2625 : vector<16xi1>, vector<16xi32>
      %eq3A_2634 = arith.constant 1 : i32
      %eq3A_2635 = vector.broadcast %eq3A_2634 : i32 to vector<16xi32>
      %eq3A_2636 = arith.cmpi eq, %shift_right_logical3A_2620, %eq3A_2635 : vector<16xi32>
      %mul3A_2637 = arith.constant 2 : i32
      %mul3A_2638 = vector.broadcast %mul3A_2637 : i32 to vector<16xi32>
      %mul3A_2639 = arith.muli %min3A_600, %mul3A_2638 : vector<16xi32>
      %add3A_2640 = arith.addi %mul3A_2639, %and3A_2623 : vector<16xi32>
      %select_n3A_2641 = arith.select %eq3A_2636, %add3A_2640, %select_n3A_2633 : vector<16xi1>, vector<16xi32>
      %eq3A_2642 = arith.constant 2 : i32
      %eq3A_2643 = vector.broadcast %eq3A_2642 : i32 to vector<16xi32>
      %eq3A_2644 = arith.cmpi eq, %shift_right_logical3A_2620, %eq3A_2643 : vector<16xi32>
      %mul3A_2645 = arith.constant 2 : i32
      %mul3A_2646 = vector.broadcast %mul3A_2645 : i32 to vector<16xi32>
      %mul3A_2647 = arith.muli %min3A_917, %mul3A_2646 : vector<16xi32>
      %add3A_2648 = arith.addi %mul3A_2647, %and3A_2623 : vector<16xi32>
      %select_n3A_2649 = arith.select %eq3A_2644, %add3A_2648, %select_n3A_2641 : vector<16xi1>, vector<16xi32>
      %eq3A_2650 = arith.constant 3 : i32
      %eq3A_2651 = vector.broadcast %eq3A_2650 : i32 to vector<16xi32>
      %eq3A_2652 = arith.cmpi eq, %shift_right_logical3A_2620, %eq3A_2651 : vector<16xi32>
      %mul3A_2653 = arith.constant 2 : i32
      %mul3A_2654 = vector.broadcast %mul3A_2653 : i32 to vector<16xi32>
      %mul3A_2655 = arith.muli %min3A_1234, %mul3A_2654 : vector<16xi32>
      %add3A_2656 = arith.addi %mul3A_2655, %and3A_2623 : vector<16xi32>
      %select_n3A_2657 = arith.select %eq3A_2652, %add3A_2656, %select_n3A_2649 : vector<16xi1>, vector<16xi32>
      %eq3A_2658 = arith.constant 4 : i32
      %eq3A_2659 = vector.broadcast %eq3A_2658 : i32 to vector<16xi32>
      %eq3A_2660 = arith.cmpi eq, %shift_right_logical3A_2620, %eq3A_2659 : vector<16xi32>
      %mul3A_2661 = arith.constant 2 : i32
      %mul3A_2662 = vector.broadcast %mul3A_2661 : i32 to vector<16xi32>
      %mul3A_2663 = arith.muli %min3A_1551, %mul3A_2662 : vector<16xi32>
      %add3A_2664 = arith.addi %mul3A_2663, %and3A_2623 : vector<16xi32>
      %select_n3A_2665 = arith.select %eq3A_2660, %add3A_2664, %select_n3A_2657 : vector<16xi1>, vector<16xi32>
      %eq3A_2666 = arith.constant 5 : i32
      %eq3A_2667 = vector.broadcast %eq3A_2666 : i32 to vector<16xi32>
      %eq3A_2668 = arith.cmpi eq, %shift_right_logical3A_2620, %eq3A_2667 : vector<16xi32>
      %mul3A_2669 = arith.constant 2 : i32
      %mul3A_2670 = vector.broadcast %mul3A_2669 : i32 to vector<16xi32>
      %mul3A_2671 = arith.muli %min3A_1868, %mul3A_2670 : vector<16xi32>
      %add3A_2672 = arith.addi %mul3A_2671, %and3A_2623 : vector<16xi32>
      %select_n3A_2673 = arith.select %eq3A_2668, %add3A_2672, %select_n3A_2665 : vector<16xi1>, vector<16xi32>
      %eq3A_2674 = arith.constant 6 : i32
      %eq3A_2675 = vector.broadcast %eq3A_2674 : i32 to vector<16xi32>
      %eq3A_2676 = arith.cmpi eq, %shift_right_logical3A_2620, %eq3A_2675 : vector<16xi32>
      %mul3A_2677 = arith.constant 2 : i32
      %mul3A_2678 = vector.broadcast %mul3A_2677 : i32 to vector<16xi32>
      %mul3A_2679 = arith.muli %min3A_2185, %mul3A_2678 : vector<16xi32>
      %add3A_2680 = arith.addi %mul3A_2679, %and3A_2623 : vector<16xi32>
      %select_n3A_2681 = arith.select %eq3A_2676, %add3A_2680, %select_n3A_2673 : vector<16xi1>, vector<16xi32>
      %eq3A_2682 = arith.constant 7 : i32
      %eq3A_2683 = vector.broadcast %eq3A_2682 : i32 to vector<16xi32>
      %eq3A_2684 = arith.cmpi eq, %shift_right_logical3A_2620, %eq3A_2683 : vector<16xi32>
      %mul3A_2685 = arith.constant 2 : i32
      %mul3A_2686 = vector.broadcast %mul3A_2685 : i32 to vector<16xi32>
      %mul3A_2687 = arith.muli %min3A_2502, %mul3A_2686 : vector<16xi32>
      %add3A_2688 = arith.addi %mul3A_2687, %and3A_2623 : vector<16xi32>
      %select_n3A_2689 = arith.select %eq3A_2684, %add3A_2688, %select_n3A_2681 : vector<16xi1>, vector<16xi32>
      %mul3A_2690 = arith.constant 512 : i32
      %mul3A_2691 = arith.muli %select_n3A, %mul3A_2690 : i32
      %add3A_2692 = vector.broadcast %mul3A_2691 : i32 to vector<16xi32>
      %add3A_2693 = arith.addi %select_n3A_2689, %add3A_2692 : vector<16xi32>
      %swap3A = arith.constant 0 : index
      %swap3A_2694 = tpu.vector_load %arg14[%swap3A] {strides = array<i32>} : memref<16xi32, #tpu.memory_space<vmem>>, vector<16xi32>,
      %swap3A_2695 = vector.shape_cast %swap3A_2694 : vector<16xi32> to vector<16xi32>
      %swap3A_2696 = vector.shape_cast %add3A_2693 : vector<16xi32> to vector<16xi32>
      tpu.vector_store %arg14[%swap3A], %swap3A_2696 {strides = array<i32>} : memref<16xi32, #tpu.memory_space<vmem>>, vector<16xi32>,
      %swap3A_2697 = arith.constant 0 : index
      %swap3A_2698 = tpu.vector_load %arg17[%swap3A_2697] {strides = array<i32>} : memref<16xi32, #tpu.memory_space<vmem>>, vector<16xi32>,
      %swap3A_2699 = vector.shape_cast %swap3A_2698 : vector<16xi32> to vector<16xi32>
      %swap3A_2700 = vector.shape_cast %select_n3A_2506 : vector<16xi32> to vector<16xi32>
      tpu.vector_store %arg17[%swap3A_2697], %swap3A_2700 {strides = array<i32>} : memref<16xi32, #tpu.memory_space<vmem>>, vector<16xi32>,
      %dma_start3A = arith.constant 0 : i32
      %dma_start3A_2701 = arith.constant 0 : i32
      %dma_start3A_2702 = tpu.memref_slice %arg4[%dma_start3A, %dma_start3A_2701] : memref<8192x128xf32, #tpu.memory_space<hbm>> -> memref<8192x128xf32, #tpu.memory_space<hbm>>
      tpu.enqueue_indirect_dma source(%dma_start3A_2702 : memref<8192x128xf32, #tpu.memory_space<hbm>>) target(%arg15 : memref<16x128xf32, #tpu.memory_space<vmem>>) offsets(%arg14 : memref<16xi32, #tpu.memory_space<vmem>>) semaphore(%arg18 : memref<!tpu.dma_semaphore, #tpu.memory_space<semaphore_mem>>)
      %dma_wait3A = arith.constant 0 : i32
      %dma_wait3A_2703 = arith.constant 0 : i32
      %dma_wait3A_2704 = tpu.memref_slice %arg4[%dma_wait3A, %dma_wait3A_2703] : memref<8192x128xf32, #tpu.memory_space<hbm>> -> memref<8192x128xf32, #tpu.memory_space<hbm>>
      tpu.wait_indirect_dma semaphore(%arg18 : memref<!tpu.dma_semaphore, #tpu.memory_space<semaphore_mem>>) src(%dma_wait3A_2704 : memref<8192x128xf32, #tpu.memory_space<hbm>>) dst(%arg15 : memref<16x128xf32, #tpu.memory_space<vmem>>)
      %dma_start3A_2705 = arith.constant 0 : i32
      %dma_start3A_2706 = arith.constant 0 : i32
      %dma_start3A_2707 = tpu.memref_slice %arg5[%dma_start3A_2705, %dma_start3A_2706] : memref<8192x128xf32, #tpu.memory_space<hbm>> -> memref<8192x128xf32, #tpu.memory_space<hbm>>
      tpu.enqueue_indirect_dma source(%dma_start3A_2707 : memref<8192x128xf32, #tpu.memory_space<hbm>>) target(%arg16 : memref<16x128xf32, #tpu.memory_space<vmem>>) offsets(%arg14 : memref<16xi32, #tpu.memory_space<vmem>>) semaphore(%arg18 : memref<!tpu.dma_semaphore, #tpu.memory_space<semaphore_mem>>)
      %dma_wait3A_2708 = arith.constant 0 : i32
      %dma_wait3A_2709 = arith.constant 0 : i32
      %dma_wait3A_2710 = tpu.memref_slice %arg5[%dma_wait3A_2708, %dma_wait3A_2709] : memref<8192x128xf32, #tpu.memory_space<hbm>> -> memref<8192x128xf32, #tpu.memory_space<hbm>>
      tpu.wait_indirect_dma semaphore(%arg18 : memref<!tpu.dma_semaphore, #tpu.memory_space<semaphore_mem>>) src(%dma_wait3A_2710 : memref<8192x128xf32, #tpu.memory_space<hbm>>) dst(%arg16 : memref<16x128xf32, #tpu.memory_space<vmem>>)
      "tpu.region"() ({
        %run_scoped3A = tpu.sem_alloc : memref<!tpu.dma_semaphore, #tpu.memory_space<semaphore_mem>>
        %dma_start3A_2711 = arith.constant 0 : i32
        %dma_start3A_2712 = arith.constant 0 : i32
        %dma_start3A_2713 = tpu.memref_slice %arg8[%select_n3A, %dma_start3A_2711, %dma_start3A_2712] : memref<16x16x128xf32, #tpu.memory_space<hbm>> -> memref<1x16x128xf32, #tpu.memory_space<hbm>>
        %dma_start3A_2714 = tpu.memref_squeeze %dma_start3A_2713 : memref<1x16x128xf32, #tpu.memory_space<hbm>> -> memref<16x128xf32, #tpu.memory_space<hbm>>
        %dma_start3A_2715 = arith.constant 0 : i32
        %dma_start3A_2716 = arith.constant 0 : i32
        %dma_start3A_2717 = tpu.memref_slice %arg8[%select_n3A, %dma_start3A_2715, %dma_start3A_2716] : memref<16x16x128xf32, #tpu.memory_space<hbm>> -> memref<1x16x128xf32, #tpu.memory_space<hbm>>
        %dma_start3A_2718 = tpu.memref_squeeze %dma_start3A_2717 : memref<1x16x128xf32, #tpu.memory_space<hbm>> -> memref<16x128xf32, #tpu.memory_space<hbm>>
        tpu.enqueue_dma source(%arg15 : memref<16x128xf32, #tpu.memory_space<vmem>>) target(%dma_start3A_2718 : memref<16x128xf32, #tpu.memory_space<hbm>>) target_semaphore(%run_scoped3A : memref<!tpu.dma_semaphore, #tpu.memory_space<semaphore_mem>>)
        %dma_wait3A_2719 = arith.constant 0 : i32
        %dma_wait3A_2720 = arith.constant 0 : i32
        %dma_wait3A_2721 = tpu.memref_slice %arg8[%select_n3A, %dma_wait3A_2719, %dma_wait3A_2720] : memref<16x16x128xf32, #tpu.memory_space<hbm>> -> memref<1x16x128xf32, #tpu.memory_space<hbm>>
        %dma_wait3A_2722 = tpu.memref_squeeze %dma_wait3A_2721 : memref<1x16x128xf32, #tpu.memory_space<hbm>> -> memref<16x128xf32, #tpu.memory_space<hbm>>
        %dma_wait3A_2723 = arith.constant 0 : i32
        %dma_wait3A_2724 = arith.constant 0 : i32
        %dma_wait3A_2725 = tpu.memref_slice %arg8[%select_n3A, %dma_wait3A_2723, %dma_wait3A_2724] : memref<16x16x128xf32, #tpu.memory_space<hbm>> -> memref<1x16x128xf32, #tpu.memory_space<hbm>>
        %dma_wait3A_2726 = tpu.memref_squeeze %dma_wait3A_2725 : memref<1x16x128xf32, #tpu.memory_space<hbm>> -> memref<16x128xf32, #tpu.memory_space<hbm>>
        tpu.wait_dma2 semaphore(%run_scoped3A : memref<!tpu.dma_semaphore, #tpu.memory_space<semaphore_mem>>) src(%arg15 : memref<16x128xf32, #tpu.memory_space<vmem>>) dst(%dma_wait3A_2726 : memref<16x128xf32, #tpu.memory_space<hbm>>)
        tpu.yield
      }) : () -> ()
      "tpu.region"() ({
        %run_scoped3A = tpu.sem_alloc : memref<!tpu.dma_semaphore, #tpu.memory_space<semaphore_mem>>
        %dma_start3A_2711 = arith.constant 0 : i32
        %dma_start3A_2712 = arith.constant 0 : i32
        %dma_start3A_2713 = tpu.memref_slice %arg9[%select_n3A, %dma_start3A_2711, %dma_start3A_2712] : memref<16x16x128xf32, #tpu.memory_space<hbm>> -> memref<1x16x128xf32, #tpu.memory_space<hbm>>
        %dma_start3A_2714 = tpu.memref_squeeze %dma_start3A_2713 : memref<1x16x128xf32, #tpu.memory_space<hbm>> -> memref<16x128xf32, #tpu.memory_space<hbm>>
        %dma_start3A_2715 = arith.constant 0 : i32
        %dma_start3A_2716 = arith.constant 0 : i32
        %dma_start3A_2717 = tpu.memref_slice %arg9[%select_n3A, %dma_start3A_2715, %dma_start3A_2716] : memref<16x16x128xf32, #tpu.memory_space<hbm>> -> memref<1x16x128xf32, #tpu.memory_space<hbm>>
        %dma_start3A_2718 = tpu.memref_squeeze %dma_start3A_2717 : memref<1x16x128xf32, #tpu.memory_space<hbm>> -> memref<16x128xf32, #tpu.memory_space<hbm>>
        tpu.enqueue_dma source(%arg16 : memref<16x128xf32, #tpu.memory_space<vmem>>) target(%dma_start3A_2718 : memref<16x128xf32, #tpu.memory_space<hbm>>) target_semaphore(%run_scoped3A : memref<!tpu.dma_semaphore, #tpu.memory_space<semaphore_mem>>)
        %dma_wait3A_2719 = arith.constant 0 : i32
        %dma_wait3A_2720 = arith.constant 0 : i32
        %dma_wait3A_2721 = tpu.memref_slice %arg9[%select_n3A, %dma_wait3A_2719, %dma_wait3A_2720] : memref<16x16x128xf32, #tpu.memory_space<hbm>> -> memref<1x16x128xf32, #tpu.memory_space<hbm>>
        %dma_wait3A_2722 = tpu.memref_squeeze %dma_wait3A_2721 : memref<1x16x128xf32, #tpu.memory_space<hbm>> -> memref<16x128xf32, #tpu.memory_space<hbm>>
        %dma_wait3A_2723 = arith.constant 0 : i32
        %dma_wait3A_2724 = arith.constant 0 : i32
        %dma_wait3A_2725 = tpu.memref_slice %arg9[%select_n3A, %dma_wait3A_2723, %dma_wait3A_2724] : memref<16x16x128xf32, #tpu.memory_space<hbm>> -> memref<1x16x128xf32, #tpu.memory_space<hbm>>
        %dma_wait3A_2726 = tpu.memref_squeeze %dma_wait3A_2725 : memref<1x16x128xf32, #tpu.memory_space<hbm>> -> memref<16x128xf32, #tpu.memory_space<hbm>>
        tpu.wait_dma2 semaphore(%run_scoped3A : memref<!tpu.dma_semaphore, #tpu.memory_space<semaphore_mem>>) src(%arg16 : memref<16x128xf32, #tpu.memory_space<vmem>>) dst(%dma_wait3A_2726 : memref<16x128xf32, #tpu.memory_space<hbm>>)
        tpu.yield
      }) : () -> ()
      "tpu.region"() ({
        %run_scoped3A = tpu.sem_alloc : memref<!tpu.dma_semaphore, #tpu.memory_space<semaphore_mem>>
        %dma_start3A_2711 = arith.constant 0 : i32
        %dma_start3A_2712 = tpu.memref_slice %arg11[%select_n3A, %dma_start3A_2711] : memref<16x16xi32, #tpu.memory_space<hbm>> -> memref<1x16xi32, #tpu.memory_space<hbm>>
        %dma_start3A_2713 = tpu.memref_squeeze %dma_start3A_2712 : memref<1x16xi32, #tpu.memory_space<hbm>> -> memref<16xi32, #tpu.memory_space<hbm>>
        %dma_start3A_2714 = arith.constant 0 : i32
        %dma_start3A_2715 = tpu.memref_slice %arg11[%select_n3A, %dma_start3A_2714] : memref<16x16xi32, #tpu.memory_space<hbm>> -> memref<1x16xi32, #tpu.memory_space<hbm>>
        %dma_start3A_2716 = tpu.memref_squeeze %dma_start3A_2715 : memref<1x16xi32, #tpu.memory_space<hbm>> -> memref<16xi32, #tpu.memory_space<hbm>>
        tpu.enqueue_dma source(%arg17 : memref<16xi32, #tpu.memory_space<vmem>>) target(%dma_start3A_2716 : memref<16xi32, #tpu.memory_space<hbm>>) target_semaphore(%run_scoped3A : memref<!tpu.dma_semaphore, #tpu.memory_space<semaphore_mem>>)
        %dma_wait3A_2717 = arith.constant 0 : i32
        %dma_wait3A_2718 = tpu.memref_slice %arg11[%select_n3A, %dma_wait3A_2717] : memref<16x16xi32, #tpu.memory_space<hbm>> -> memref<1x16xi32, #tpu.memory_space<hbm>>
        %dma_wait3A_2719 = tpu.memref_squeeze %dma_wait3A_2718 : memref<1x16xi32, #tpu.memory_space<hbm>> -> memref<16xi32, #tpu.memory_space<hbm>>
        %dma_wait3A_2720 = arith.constant 0 : i32
        %dma_wait3A_2721 = tpu.memref_slice %arg11[%select_n3A, %dma_wait3A_2720] : memref<16x16xi32, #tpu.memory_space<hbm>> -> memref<1x16xi32, #tpu.memory_space<hbm>>
        %dma_wait3A_2722 = tpu.memref_squeeze %dma_wait3A_2721 : memref<1x16xi32, #tpu.memory_space<hbm>> -> memref<16xi32, #tpu.memory_space<hbm>>
        tpu.wait_dma2 semaphore(%run_scoped3A : memref<!tpu.dma_semaphore, #tpu.memory_space<semaphore_mem>>) src(%arg17 : memref<16xi32, #tpu.memory_space<vmem>>) dst(%dma_wait3A_2722 : memref<16xi32, #tpu.memory_space<hbm>>)
        tpu.yield
      }) : () -> ()
    } else {
    }
    return
  }
}

module attributes {stable_mosaic.version = 14 : i64} {
  func.func @_pre_kernel(%arg0: i32, %arg1: memref<256x1024xf32, #tpu.memory_space<vmem>>, %arg2: memref<1x1024xf32, #tpu.memory_space<vmem>>, %arg3: memref<1x1024xf32, #tpu.memory_space<vmem>>, %arg4: memref<3072x1024xf32, #tpu.memory_space<vmem>>, %arg5: memref<48x1024xf32, #tpu.memory_space<vmem>>, %arg6: memref<1x48xf32, #tpu.memory_space<vmem>>, %arg7: memref<256x3072xf32, #tpu.memory_space<vmem>>, %arg8: memref<256x48xf32, #tpu.memory_space<vmem>>) attributes {dimension_semantics = [#tpu.dimension_semantics<arbitrary>], iteration_bounds = array<i64: 8>, scalar_prefetch = 0 : i64, scratch_operands = 0 : i64, tpu.core_type = #tpu.core_type<tc>, window_params = [{transform_indices = @transform_0, window_bounds = array<i64: 256, 1024>}, {pipeline_mode = #tpu.pipeline_mode<synchronous>, transform_indices = @transform_1, window_bounds = array<i64: 1, 1024>}, {pipeline_mode = #tpu.pipeline_mode<synchronous>, transform_indices = @transform_2, window_bounds = array<i64: 1, 1024>}, {pipeline_mode = #tpu.pipeline_mode<synchronous>, transform_indices = @transform_3, window_bounds = array<i64: 3072, 1024>}, {pipeline_mode = #tpu.pipeline_mode<synchronous>, transform_indices = @transform_4, window_bounds = array<i64: 48, 1024>}, {pipeline_mode = #tpu.pipeline_mode<synchronous>, transform_indices = @transform_5, window_bounds = array<i64: 1, 48>}, {transform_indices = @transform_6, window_bounds = array<i64: 256, 3072>}, {transform_indices = @transform_7, window_bounds = array<i64: 256, 48>}]} {
    %get3A = arith.constant 0 : index
    %get3A_0 = arith.constant 0 : index
    %get3A_1 = vector.load %arg1[%get3A, %get3A_0] : memref<256x1024xf32, #tpu.memory_space<vmem>>, vector<256x1024xf32>
    %get3A_2 = arith.constant 0 : index
    %get3A_3 = arith.constant 0 : index
    %get3A_4 = vector.load %arg2[%get3A_2, %get3A_3] : memref<1x1024xf32, #tpu.memory_space<vmem>>, vector<1x1024xf32>
    %get3A_5 = arith.constant 0 : index
    %get3A_6 = arith.constant 0 : index
    %get3A_7 = vector.load %arg3[%get3A_5, %get3A_6] : memref<1x1024xf32, #tpu.memory_space<vmem>>, vector<1x1024xf32>
    %reduce_sum3A = arith.constant dense<0.000000e+00> : vector<256xf32>
    %reduce_sum3A_8 = vector.multi_reduction <add>, %get3A_1, %reduce_sum3A [1] : vector<256x1024xf32> to vector<256xf32>
    %broadcast_in_dim3A = vector.shape_cast %reduce_sum3A_8 : vector<256xf32> to vector<256x1xf32>
    %div3A = arith.constant 1.024000e+03 : f32
    %div3A_9 = vector.broadcast %div3A : f32 to vector<256x1xf32>
    %div3A_10 = arith.divf %broadcast_in_dim3A, %div3A_9 : vector<256x1xf32>
    %sub3A = vector.broadcast %div3A_10 : vector<256x1xf32> to vector<256x1024xf32>
    %sub3A_11 = arith.subf %get3A_1, %sub3A : vector<256x1024xf32>
    %integer_pow3A = arith.mulf %sub3A_11, %sub3A_11 : vector<256x1024xf32>
    %reduce_sum3A_12 = arith.constant dense<0.000000e+00> : vector<256xf32>
    %reduce_sum3A_13 = vector.multi_reduction <add>, %integer_pow3A, %reduce_sum3A_12 [1] : vector<256x1024xf32> to vector<256xf32>
    %broadcast_in_dim3A_14 = vector.shape_cast %reduce_sum3A_13 : vector<256xf32> to vector<256x1xf32>
    %div3A_15 = arith.constant 1.024000e+03 : f32
    %div3A_16 = vector.broadcast %div3A_15 : f32 to vector<256x1xf32>
    %div3A_17 = arith.divf %broadcast_in_dim3A_14, %div3A_16 : vector<256x1xf32>
    %sub3A_18 = vector.broadcast %div3A_10 : vector<256x1xf32> to vector<256x1024xf32>
    %sub3A_19 = arith.subf %get3A_1, %sub3A_18 : vector<256x1024xf32>
    %add3A = arith.constant 9.99999974E-6 : f32
    %add3A_20 = vector.broadcast %add3A : f32 to vector<256x1xf32>
    %add3A_21 = arith.addf %div3A_17, %add3A_20 : vector<256x1xf32>
    %sqrt3A = math.sqrt %add3A_21 : vector<256x1xf32>
    %div3A_22 = vector.broadcast %sqrt3A : vector<256x1xf32> to vector<256x1024xf32>
    %div3A_23 = arith.divf %sub3A_19, %div3A_22 : vector<256x1024xf32>
    %mul3A = vector.broadcast %get3A_4 : vector<1x1024xf32> to vector<256x1024xf32>
    %mul3A_24 = arith.mulf %div3A_23, %mul3A : vector<256x1024xf32>
    %add3A_25 = vector.broadcast %get3A_7 : vector<1x1024xf32> to vector<256x1024xf32>
    %add3A_26 = arith.addf %mul3A_24, %add3A_25 : vector<256x1024xf32>
    %get3A_27 = arith.constant 0 : index
    %get3A_28 = arith.constant 0 : index
    %get3A_29 = vector.load %arg4[%get3A_27, %get3A_28] : memref<3072x1024xf32, #tpu.memory_space<vmem>>, vector<3072x1024xf32>
    %dot_general3A = arith.constant dense<0.000000e+00> : vector<256x3072xf32>
    %dot_general3A_30 = tpu.matmul %add3A_26, %get3A_29, %dot_general3A {dimension_numbers = #tpu.dot_dimension_numbers<[1], [1], [0], [0], [0, 0, 1, 0], [], []>, transpose_lhs_hint = false} : vector<256x1024xf32>, vector<3072x1024xf32>, vector<256x3072xf32> -> vector<256x3072xf32>
    %swap3A = arith.constant 0 : index
    %swap3A_31 = arith.constant 0 : index
    %swap3A_32 = vector.load %arg7[%swap3A, %swap3A_31] : memref<256x3072xf32, #tpu.memory_space<vmem>>, vector<256x3072xf32>
    tpu.vector_store %arg7[%swap3A, %swap3A_31], %dot_general3A_30 {strides = array<i32>} : memref<256x3072xf32, #tpu.memory_space<vmem>>, vector<256x3072xf32>,
    %get3A_33 = arith.constant 0 : index
    %get3A_34 = arith.constant 0 : index
    %get3A_35 = vector.load %arg5[%get3A_33, %get3A_34] : memref<48x1024xf32, #tpu.memory_space<vmem>>, vector<48x1024xf32>
    %dot_general3A_36 = arith.constant dense<0.000000e+00> : vector<256x48xf32>
    %dot_general3A_37 = tpu.matmul %add3A_26, %get3A_35, %dot_general3A_36 {dimension_numbers = #tpu.dot_dimension_numbers<[1], [1], [0], [0], [0, 0, 1, 0], [], []>, transpose_lhs_hint = false} : vector<256x1024xf32>, vector<48x1024xf32>, vector<256x48xf32> -> vector<256x48xf32>
    %get3A_38 = arith.constant 0 : index
    %get3A_39 = arith.constant 0 : index
    %get3A_40 = vector.load %arg6[%get3A_38, %get3A_39] : memref<1x48xf32, #tpu.memory_space<vmem>>, vector<1x48xf32>
    %add3A_41 = vector.broadcast %get3A_40 : vector<1x48xf32> to vector<256x48xf32>
    %add3A_42 = arith.addf %dot_general3A_37, %add3A_41 : vector<256x48xf32>
    %logistic3A = arith.negf %add3A_42 : vector<256x48xf32>
    %logistic3A_43 = math.exp %logistic3A : vector<256x48xf32>
    %logistic3A_44 = arith.constant 1.000000e+00 : f32
    %logistic3A_45 = vector.broadcast %logistic3A_44 : f32 to vector<256x48xf32>
    %logistic3A_46 = arith.addf %logistic3A_45, %logistic3A_43 : vector<256x48xf32>
    %logistic3A_47 = arith.divf %logistic3A_45, %logistic3A_46 : vector<256x48xf32>
    %swap3A_48 = arith.constant 0 : index
    %swap3A_49 = arith.constant 0 : index
    %swap3A_50 = vector.load %arg8[%swap3A_48, %swap3A_49] : memref<256x48xf32, #tpu.memory_space<vmem>>, vector<256x48xf32>
    tpu.vector_store %arg8[%swap3A_48, %swap3A_49], %logistic3A_47 {strides = array<i32>} : memref<256x48xf32, #tpu.memory_space<vmem>>, vector<256x48xf32>,
    return
  }
  func.func @transform_0(%arg0: i32) -> (i32, i32) {
    %c0_i32 = arith.constant 0 : i32
    %c0_i32_0 = arith.constant 0 : i32
    return %arg0, %c0_i32 : i32, i32
  }
  func.func @transform_1(%arg0: i32) -> (i32, i32) {
    %c0_i32 = arith.constant 0 : i32
    %c0_i32_0 = arith.constant 0 : i32
    %c0_i32_1 = arith.constant 0 : i32
    return %c0_i32, %c0_i32_0 : i32, i32
  }
  func.func @transform_2(%arg0: i32) -> (i32, i32) {
    %c0_i32 = arith.constant 0 : i32
    %c0_i32_0 = arith.constant 0 : i32
    %c0_i32_1 = arith.constant 0 : i32
    return %c0_i32, %c0_i32_0 : i32, i32
  }
  func.func @transform_3(%arg0: i32) -> (i32, i32) {
    %c0_i32 = arith.constant 0 : i32
    %c0_i32_0 = arith.constant 0 : i32
    %c0_i32_1 = arith.constant 0 : i32
    return %c0_i32, %c0_i32_0 : i32, i32
  }
  func.func @transform_4(%arg0: i32) -> (i32, i32) {
    %c0_i32 = arith.constant 0 : i32
    %c0_i32_0 = arith.constant 0 : i32
    %c0_i32_1 = arith.constant 0 : i32
    return %c0_i32, %c0_i32_0 : i32, i32
  }
  func.func @transform_5(%arg0: i32) -> (i32, i32) {
    %c0_i32 = arith.constant 0 : i32
    %c0_i32_0 = arith.constant 0 : i32
    %c0_i32_1 = arith.constant 0 : i32
    return %c0_i32, %c0_i32_0 : i32, i32
  }
  func.func @transform_6(%arg0: i32) -> (i32, i32) {
    %c0_i32 = arith.constant 0 : i32
    %c0_i32_0 = arith.constant 0 : i32
    return %arg0, %c0_i32 : i32, i32
  }
  func.func @transform_7(%arg0: i32) -> (i32, i32) {
    %c0_i32 = arith.constant 0 : i32
    %c0_i32_0 = arith.constant 0 : i32
    return %arg0, %c0_i32 : i32, i32
  }
}

module attributes {stable_mosaic.version = 14 : i64} {
  func.func @_nsa_kernel(%arg0: i32, %arg1: memref<1x2048x64xf32, #tpu.memory_space<vmem>>, %arg2: memref<1x64x1024xf32, #tpu.memory_space<vmem>>, %arg3: memref<1x64x1024xf32, #tpu.memory_space<vmem>>, %arg4: memref<1x256x256xf32, #tpu.memory_space<vmem>>, %arg5: memref<1x256x256xf32, #tpu.memory_space<vmem>>, %arg6: memref<32x1024xf32, #tpu.memory_space<vmem>>, %arg7: memref<1x32xf32, #tpu.memory_space<vmem>>, %arg8: memref<32x32xf32, #tpu.memory_space<vmem>>, %arg9: memref<1x32xf32, #tpu.memory_space<vmem>>, %arg10: memref<32x1024xf32, #tpu.memory_space<vmem>>, %arg11: memref<1x32xf32, #tpu.memory_space<vmem>>, %arg12: memref<32x32xf32, #tpu.memory_space<vmem>>, %arg13: memref<1x32xf32, #tpu.memory_space<vmem>>, %arg14: memref<32x256xf32, #tpu.memory_space<vmem>>, %arg15: memref<1x32xf32, #tpu.memory_space<vmem>>, %arg16: memref<32x32xf32, #tpu.memory_space<vmem>>, %arg17: memref<1x32xf32, #tpu.memory_space<vmem>>, %arg18: memref<32x256xf32, #tpu.memory_space<vmem>>, %arg19: memref<1x32xf32, #tpu.memory_space<vmem>>, %arg20: memref<32x32xf32, #tpu.memory_space<vmem>>, %arg21: memref<1x32xf32, #tpu.memory_space<vmem>>, %arg22: memref<1x2048x32xf32, #tpu.memory_space<vmem>>, %arg23: memref<1x2048x32xf32, #tpu.memory_space<vmem>>, %arg24: memref<1x1x64xf32, #tpu.memory_space<vmem>>, %arg25: memref<1x1x256xf32, #tpu.memory_space<vmem>>) attributes {dimension_semantics = [#tpu.dimension_semantics<arbitrary>], iteration_bounds = array<i64: 16>, scalar_prefetch = 0 : i64, scratch_operands = 0 : i64, tpu.core_type = #tpu.core_type<tc>, window_params = [{transform_indices = @transform_0, window_bounds = array<i64: 1, 2048, 64>}, {transform_indices = @transform_1, window_bounds = array<i64: 1, 64, 1024>}, {transform_indices = @transform_2, window_bounds = array<i64: 1, 64, 1024>}, {transform_indices = @transform_3, window_bounds = array<i64: 1, 256, 256>}, {transform_indices = @transform_4, window_bounds = array<i64: 1, 256, 256>}, {pipeline_mode = #tpu.pipeline_mode<synchronous>, transform_indices = @transform_5, window_bounds = array<i64: 32, 1024>}, {pipeline_mode = #tpu.pipeline_mode<synchronous>, transform_indices = @transform_6, window_bounds = array<i64: 1, 32>}, {pipeline_mode = #tpu.pipeline_mode<synchronous>, transform_indices = @transform_7, window_bounds = array<i64: 32, 32>}, {pipeline_mode = #tpu.pipeline_mode<synchronous>, transform_indices = @transform_8, window_bounds = array<i64: 1, 32>}, {pipeline_mode = #tpu.pipeline_mode<synchronous>, transform_indices = @transform_9, window_bounds = array<i64: 32, 1024>}, {pipeline_mode = #tpu.pipeline_mode<synchronous>, transform_indices = @transform_10, window_bounds = array<i64: 1, 32>}, {pipeline_mode = #tpu.pipeline_mode<synchronous>, transform_indices = @transform_11, window_bounds = array<i64: 32, 32>}, {pipeline_mode = #tpu.pipeline_mode<synchronous>, transform_indices = @transform_12, window_bounds = array<i64: 1, 32>}, {pipeline_mode = #tpu.pipeline_mode<synchronous>, transform_indices = @transform_13, window_bounds = array<i64: 32, 256>}, {pipeline_mode = #tpu.pipeline_mode<synchronous>, transform_indices = @transform_14, window_bounds = array<i64: 1, 32>}, {pipeline_mode = #tpu.pipeline_mode<synchronous>, transform_indices = @transform_15, window_bounds = array<i64: 32, 32>}, {pipeline_mode = #tpu.pipeline_mode<synchronous>, transform_indices = @transform_16, window_bounds = array<i64: 1, 32>}, {pipeline_mode = #tpu.pipeline_mode<synchronous>, transform_indices = @transform_17, window_bounds = array<i64: 32, 256>}, {pipeline_mode = #tpu.pipeline_mode<synchronous>, transform_indices = @transform_18, window_bounds = array<i64: 1, 32>}, {pipeline_mode = #tpu.pipeline_mode<synchronous>, transform_indices = @transform_19, window_bounds = array<i64: 32, 32>}, {pipeline_mode = #tpu.pipeline_mode<synchronous>, transform_indices = @transform_20, window_bounds = array<i64: 1, 32>}, {transform_indices = @transform_21, window_bounds = array<i64: 1, 2048, 32>}, {transform_indices = @transform_22, window_bounds = array<i64: 1, 2048, 32>}, {transform_indices = @transform_23, window_bounds = array<i64: 1, 1, 64>}, {transform_indices = @transform_24, window_bounds = array<i64: 1, 1, 256>}]} {
    %get3A = arith.constant 0 : index
    %get3A_0 = arith.constant 0 : index
    %get3A_1 = arith.constant 0 : index
    %get3A_2 = vector.load %arg1[%get3A, %get3A_0, %get3A_1] : memref<1x2048x64xf32, #tpu.memory_space<vmem>>, vector<1x2048x64xf32>
    %get3A_3 = vector.shape_cast %get3A_2 : vector<1x2048x64xf32> to vector<2048x64xf32>
    %slice3A = vector.extract_strided_slice %get3A_3 {offsets = [0, 0], sizes = [2048, 32], strides = [1, 1]} : vector<2048x64xf32> to vector<2048x32xf32>
    %get3A_4 = arith.constant 0 : index
    %get3A_5 = arith.constant 0 : index
    %get3A_6 = arith.constant 0 : index
    %get3A_7 = vector.load %arg2[%get3A_4, %get3A_5, %get3A_6] : memref<1x64x1024xf32, #tpu.memory_space<vmem>>, vector<1x64x1024xf32>
    %get3A_8 = vector.shape_cast %get3A_7 : vector<1x64x1024xf32> to vector<64x1024xf32>
    %get3A_9 = arith.constant 0 : index
    %get3A_10 = arith.constant 0 : index
    %get3A_11 = arith.constant 0 : index
    %get3A_12 = vector.load %arg3[%get3A_9, %get3A_10, %get3A_11] : memref<1x64x1024xf32, #tpu.memory_space<vmem>>, vector<1x64x1024xf32>
    %get3A_13 = vector.shape_cast %get3A_12 : vector<1x64x1024xf32> to vector<64x1024xf32>
    %get3A_14 = arith.constant 0 : index
    %get3A_15 = arith.constant 0 : index
    %get3A_16 = vector.load %arg6[%get3A_14, %get3A_15] : memref<32x1024xf32, #tpu.memory_space<vmem>>, vector<32x1024xf32>
    %get3A_17 = arith.constant 0 : index
    %get3A_18 = arith.constant 0 : index
    %get3A_19 = vector.load %arg7[%get3A_17, %get3A_18] : memref<1x32xf32, #tpu.memory_space<vmem>>, vector<1x32xf32>
    %get3A_20 = arith.constant 0 : index
    %get3A_21 = arith.constant 0 : index
    %get3A_22 = vector.load %arg8[%get3A_20, %get3A_21] : memref<32x32xf32, #tpu.memory_space<vmem>>, vector<32x32xf32>
    %get3A_23 = arith.constant 0 : index
    %get3A_24 = arith.constant 0 : index
    %get3A_25 = vector.load %arg9[%get3A_23, %get3A_24] : memref<1x32xf32, #tpu.memory_space<vmem>>, vector<1x32xf32>
    %get3A_26 = arith.constant 0 : index
    %get3A_27 = arith.constant 0 : index
    %get3A_28 = vector.load %arg10[%get3A_26, %get3A_27] : memref<32x1024xf32, #tpu.memory_space<vmem>>, vector<32x1024xf32>
    %get3A_29 = arith.constant 0 : index
    %get3A_30 = arith.constant 0 : index
    %get3A_31 = vector.load %arg11[%get3A_29, %get3A_30] : memref<1x32xf32, #tpu.memory_space<vmem>>, vector<1x32xf32>
    %get3A_32 = arith.constant 0 : index
    %get3A_33 = arith.constant 0 : index
    %get3A_34 = vector.load %arg12[%get3A_32, %get3A_33] : memref<32x32xf32, #tpu.memory_space<vmem>>, vector<32x32xf32>
    %get3A_35 = arith.constant 0 : index
    %get3A_36 = arith.constant 0 : index
    %get3A_37 = vector.load %arg13[%get3A_35, %get3A_36] : memref<1x32xf32, #tpu.memory_space<vmem>>, vector<1x32xf32>
    %dot_general3A = arith.constant dense<0.000000e+00> : vector<64x32xf32>
    %dot_general3A_38 = tpu.matmul %get3A_8, %get3A_16, %dot_general3A {dimension_numbers = #tpu.dot_dimension_numbers<[1], [1], [0], [0], [0, 0, 1, 0], [], []>, transpose_lhs_hint = false} : vector<64x1024xf32>, vector<32x1024xf32>, vector<64x32xf32> -> vector<64x32xf32>
    %add3A = vector.broadcast %get3A_19 : vector<1x32xf32> to vector<64x32xf32>
    %add3A_39 = arith.addf %dot_general3A_38, %add3A : vector<64x32xf32>
    %mul3A = arith.constant 1.702000e+00 : f32
    %mul3A_40 = vector.broadcast %mul3A : f32 to vector<64x32xf32>
    %mul3A_41 = arith.mulf %mul3A_40, %add3A_39 : vector<64x32xf32>
    %logistic3A = arith.negf %mul3A_41 : vector<64x32xf32>
    %logistic3A_42 = math.exp %logistic3A : vector<64x32xf32>
    %logistic3A_43 = arith.constant 1.000000e+00 : f32
    %logistic3A_44 = vector.broadcast %logistic3A_43 : f32 to vector<64x32xf32>
    %logistic3A_45 = arith.addf %logistic3A_44, %logistic3A_42 : vector<64x32xf32>
    %logistic3A_46 = arith.divf %logistic3A_44, %logistic3A_45 : vector<64x32xf32>
    %mul3A_47 = arith.mulf %add3A_39, %logistic3A_46 : vector<64x32xf32>
    %dot_general3A_48 = arith.constant dense<0.000000e+00> : vector<64x32xf32>
    %dot_general3A_49 = tpu.matmul %mul3A_47, %get3A_22, %dot_general3A_48 {dimension_numbers = #tpu.dot_dimension_numbers<[1], [1], [0], [0], [0, 0, 1, 0], [], []>, transpose_lhs_hint = false} : vector<64x32xf32>, vector<32x32xf32>, vector<64x32xf32> -> vector<64x32xf32>
    %add3A_50 = vector.broadcast %get3A_25 : vector<1x32xf32> to vector<64x32xf32>
    %add3A_51 = arith.addf %dot_general3A_49, %add3A_50 : vector<64x32xf32>
    %dot_general3A_52 = arith.constant dense<0.000000e+00> : vector<64x32xf32>
    %dot_general3A_53 = tpu.matmul %get3A_13, %get3A_28, %dot_general3A_52 {dimension_numbers = #tpu.dot_dimension_numbers<[1], [1], [0], [0], [0, 0, 1, 0], [], []>, transpose_lhs_hint = false} : vector<64x1024xf32>, vector<32x1024xf32>, vector<64x32xf32> -> vector<64x32xf32>
    %add3A_54 = vector.broadcast %get3A_31 : vector<1x32xf32> to vector<64x32xf32>
    %add3A_55 = arith.addf %dot_general3A_53, %add3A_54 : vector<64x32xf32>
    %mul3A_56 = arith.constant 1.702000e+00 : f32
    %mul3A_57 = vector.broadcast %mul3A_56 : f32 to vector<64x32xf32>
    %mul3A_58 = arith.mulf %mul3A_57, %add3A_55 : vector<64x32xf32>
    %logistic3A_59 = arith.negf %mul3A_58 : vector<64x32xf32>
    %logistic3A_60 = math.exp %logistic3A_59 : vector<64x32xf32>
    %logistic3A_61 = arith.constant 1.000000e+00 : f32
    %logistic3A_62 = vector.broadcast %logistic3A_61 : f32 to vector<64x32xf32>
    %logistic3A_63 = arith.addf %logistic3A_62, %logistic3A_60 : vector<64x32xf32>
    %logistic3A_64 = arith.divf %logistic3A_62, %logistic3A_63 : vector<64x32xf32>
    %mul3A_65 = arith.mulf %add3A_55, %logistic3A_64 : vector<64x32xf32>
    %dot_general3A_66 = arith.constant dense<0.000000e+00> : vector<64x32xf32>
    %dot_general3A_67 = tpu.matmul %mul3A_65, %get3A_34, %dot_general3A_66 {dimension_numbers = #tpu.dot_dimension_numbers<[1], [1], [0], [0], [0, 0, 1, 0], [], []>, transpose_lhs_hint = false} : vector<64x32xf32>, vector<32x32xf32>, vector<64x32xf32> -> vector<64x32xf32>
    %add3A_68 = vector.broadcast %get3A_37 : vector<1x32xf32> to vector<64x32xf32>
    %add3A_69 = arith.addf %dot_general3A_67, %add3A_68 : vector<64x32xf32>
    %iota3A = tpu.iota {dimensions = array<i32: 0>} : vector<2048x64xi32>
    %jit3A = arith.constant 32 : i32
    %div3A = vector.broadcast %jit3A : i32 to vector<2048x64xi32>
    %div3A_70 = arith.divsi %iota3A, %div3A : vector<2048x64xi32>
    %sign3A = arith.constant 0 : i32
    %sign3A_71 = vector.broadcast %sign3A : i32 to vector<2048x64xi32>
    %sign3A_72 = arith.cmpi sgt, %iota3A, %sign3A_71 : vector<2048x64xi32>
    %sign3A_73 = arith.extui %sign3A_72 : vector<2048x64xi1> to vector<2048x64xi32>
    %sign3A_74 = arith.constant 0 : i32
    %sign3A_75 = vector.broadcast %sign3A_74 : i32 to vector<2048x64xi32>
    %sign3A_76 = arith.cmpi slt, %iota3A, %sign3A_75 : vector<2048x64xi32>
    %sign3A_77 = arith.extui %sign3A_76 : vector<2048x64xi1> to vector<2048x64xi32>
    %sign3A_78 = arith.subi %sign3A_73, %sign3A_77 : vector<2048x64xi32>
    %sign3A_79 = arith.constant 0 : i32
    %sign3A_80 = arith.cmpi sgt, %jit3A, %sign3A_79 : i32
    %sign3A_81 = arith.extui %sign3A_80 : i1 to i32
    %sign3A_82 = arith.constant 0 : i32
    %sign3A_83 = arith.cmpi slt, %jit3A, %sign3A_82 : i32
    %sign3A_84 = arith.extui %sign3A_83 : i1 to i32
    %sign3A_85 = arith.subi %sign3A_81, %sign3A_84 : i32
    %ne3A = vector.broadcast %sign3A_85 : i32 to vector<2048x64xi32>
    %ne3A_86 = arith.cmpi ne, %sign3A_78, %ne3A : vector<2048x64xi32>
    %rem3A = vector.broadcast %jit3A : i32 to vector<2048x64xi32>
    %rem3A_87 = arith.remsi %iota3A, %rem3A : vector<2048x64xi32>
    %ne3A_88 = arith.constant 0 : i32
    %ne3A_89 = vector.broadcast %ne3A_88 : i32 to vector<2048x64xi32>
    %ne3A_90 = arith.cmpi ne, %rem3A_87, %ne3A_89 : vector<2048x64xi32>
    %and3A = arith.andi %ne3A_86, %ne3A_90 : vector<2048x64xi1>
    %sub3A = arith.constant 1 : i32
    %sub3A_91 = vector.broadcast %sub3A : i32 to vector<2048x64xi32>
    %sub3A_92 = arith.subi %div3A_70, %sub3A_91 : vector<2048x64xi32>
    %select_n3A = arith.select %and3A, %sub3A_92, %div3A_70 : vector<2048x64xi1>, vector<2048x64xi32>
    %iota3A_93 = tpu.iota {dimensions = array<i32: 1>} : vector<2048x64xi32>
    %le3A = arith.cmpi sle, %iota3A_93, %select_n3A : vector<2048x64xi32>
    %jit3A_94 = arith.constant 0.000000e+00 : f32
    %jit3A_95 = arith.constant -1.000000e+30 : f32
    %broadcast_in_dim3A = vector.broadcast %jit3A_94 : f32 to vector<2048x64xf32>
    %broadcast_in_dim3A_96 = vector.broadcast %jit3A_95 : f32 to vector<2048x64xf32>
    %select_n3A_97 = arith.select %le3A, %broadcast_in_dim3A, %broadcast_in_dim3A_96 : vector<2048x64xi1>, vector<2048x64xf32>
    %dot_general3A_98 = arith.constant dense<0.000000e+00> : vector<2048x64xf32>
    %dot_general3A_99 = tpu.matmul %slice3A, %add3A_51, %dot_general3A_98 {dimension_numbers = #tpu.dot_dimension_numbers<[1], [1], [0], [0], [0, 0, 1, 0], [], []>, transpose_lhs_hint = false} : vector<2048x32xf32>, vector<64x32xf32>, vector<2048x64xf32> -> vector<2048x64xf32>
    %div3A_100 = arith.constant 5.65685415 : f32
    %div3A_101 = vector.broadcast %div3A_100 : f32 to vector<2048x64xf32>
    %div3A_102 = arith.divf %dot_general3A_99, %div3A_101 : vector<2048x64xf32>
    %add3A_103 = arith.addf %div3A_102, %select_n3A_97 : vector<2048x64xf32>
    %reduce_max3A = arith.constant dense<0xFF800000> : vector<2048xf32>
    %reduce_max3A_104 = vector.multi_reduction <maximumf>, %add3A_103, %reduce_max3A [1] : vector<2048x64xf32> to vector<2048xf32>
    %broadcast_in_dim3A_105 = vector.shape_cast %reduce_max3A_104 : vector<2048xf32> to vector<2048x1xf32>
    %sub3A_106 = vector.broadcast %broadcast_in_dim3A_105 : vector<2048x1xf32> to vector<2048x64xf32>
    %sub3A_107 = arith.subf %add3A_103, %sub3A_106 : vector<2048x64xf32>
    %exp3A = math.exp %sub3A_107 : vector<2048x64xf32>
    %reduce_sum3A = arith.constant dense<0.000000e+00> : vector<2048xf32>
    %reduce_sum3A_108 = vector.multi_reduction <add>, %exp3A, %reduce_sum3A [1] : vector<2048x64xf32> to vector<2048xf32>
    %broadcast_in_dim3A_109 = vector.shape_cast %reduce_sum3A_108 : vector<2048xf32> to vector<2048x1xf32>
    %div3A_110 = vector.broadcast %broadcast_in_dim3A_109 : vector<2048x1xf32> to vector<2048x64xf32>
    %div3A_111 = arith.divf %exp3A, %div3A_110 : vector<2048x64xf32>
    %dot_general3A_112 = arith.constant dense<0.000000e+00> : vector<2048x32xf32>
    %dot_general3A_113 = tpu.matmul %div3A_111, %add3A_69, %dot_general3A_112 {dimension_numbers = #tpu.dot_dimension_numbers<[1], [0], [0], [1], [0, 0, 1, 1], [], []>, transpose_lhs_hint = false} : vector<2048x64xf32>, vector<64x32xf32>, vector<2048x32xf32> -> vector<2048x32xf32>
    %reduce_sum3A_114 = arith.constant dense<0.000000e+00> : vector<64xf32>
    %reduce_sum3A_115 = vector.multi_reduction <add>, %div3A_111, %reduce_sum3A_114 [0] : vector<2048x64xf32> to vector<64xf32>
    %broadcast_in_dim3A_116 = vector.shape_cast %reduce_sum3A_115 : vector<64xf32> to vector<1x64xf32>
    %get3A_117 = arith.constant 0 : index
    %get3A_118 = arith.constant 0 : index
    %get3A_119 = arith.constant 0 : index
    %get3A_120 = vector.load %arg4[%get3A_117, %get3A_118, %get3A_119] : memref<1x256x256xf32, #tpu.memory_space<vmem>>, vector<1x256x256xf32>
    %get3A_121 = vector.shape_cast %get3A_120 : vector<1x256x256xf32> to vector<256x256xf32>
    %get3A_122 = arith.constant 0 : index
    %get3A_123 = arith.constant 0 : index
    %get3A_124 = arith.constant 0 : index
    %get3A_125 = vector.load %arg5[%get3A_122, %get3A_123, %get3A_124] : memref<1x256x256xf32, #tpu.memory_space<vmem>>, vector<1x256x256xf32>
    %get3A_126 = vector.shape_cast %get3A_125 : vector<1x256x256xf32> to vector<256x256xf32>
    %get3A_127 = arith.constant 0 : index
    %get3A_128 = arith.constant 0 : index
    %get3A_129 = vector.load %arg14[%get3A_127, %get3A_128] : memref<32x256xf32, #tpu.memory_space<vmem>>, vector<32x256xf32>
    %get3A_130 = arith.constant 0 : index
    %get3A_131 = arith.constant 0 : index
    %get3A_132 = vector.load %arg15[%get3A_130, %get3A_131] : memref<1x32xf32, #tpu.memory_space<vmem>>, vector<1x32xf32>
    %get3A_133 = arith.constant 0 : index
    %get3A_134 = arith.constant 0 : index
    %get3A_135 = vector.load %arg16[%get3A_133, %get3A_134] : memref<32x32xf32, #tpu.memory_space<vmem>>, vector<32x32xf32>
    %get3A_136 = arith.constant 0 : index
    %get3A_137 = arith.constant 0 : index
    %get3A_138 = vector.load %arg17[%get3A_136, %get3A_137] : memref<1x32xf32, #tpu.memory_space<vmem>>, vector<1x32xf32>
    %get3A_139 = arith.constant 0 : index
    %get3A_140 = arith.constant 0 : index
    %get3A_141 = vector.load %arg18[%get3A_139, %get3A_140] : memref<32x256xf32, #tpu.memory_space<vmem>>, vector<32x256xf32>
    %get3A_142 = arith.constant 0 : index
    %get3A_143 = arith.constant 0 : index
    %get3A_144 = vector.load %arg19[%get3A_142, %get3A_143] : memref<1x32xf32, #tpu.memory_space<vmem>>, vector<1x32xf32>
    %get3A_145 = arith.constant 0 : index
    %get3A_146 = arith.constant 0 : index
    %get3A_147 = vector.load %arg20[%get3A_145, %get3A_146] : memref<32x32xf32, #tpu.memory_space<vmem>>, vector<32x32xf32>
    %get3A_148 = arith.constant 0 : index
    %get3A_149 = arith.constant 0 : index
    %get3A_150 = vector.load %arg21[%get3A_148, %get3A_149] : memref<1x32xf32, #tpu.memory_space<vmem>>, vector<1x32xf32>
    %dot_general3A_151 = arith.constant dense<0.000000e+00> : vector<256x32xf32>
    %dot_general3A_152 = tpu.matmul %get3A_121, %get3A_129, %dot_general3A_151 {dimension_numbers = #tpu.dot_dimension_numbers<[1], [1], [0], [0], [0, 0, 1, 0], [], []>, transpose_lhs_hint = false} : vector<256x256xf32>, vector<32x256xf32>, vector<256x32xf32> -> vector<256x32xf32>
    %add3A_153 = vector.broadcast %get3A_132 : vector<1x32xf32> to vector<256x32xf32>
    %add3A_154 = arith.addf %dot_general3A_152, %add3A_153 : vector<256x32xf32>
    %mul3A_155 = arith.constant 1.702000e+00 : f32
    %mul3A_156 = vector.broadcast %mul3A_155 : f32 to vector<256x32xf32>
    %mul3A_157 = arith.mulf %mul3A_156, %add3A_154 : vector<256x32xf32>
    %logistic3A_158 = arith.negf %mul3A_157 : vector<256x32xf32>
    %logistic3A_159 = math.exp %logistic3A_158 : vector<256x32xf32>
    %logistic3A_160 = arith.constant 1.000000e+00 : f32
    %logistic3A_161 = vector.broadcast %logistic3A_160 : f32 to vector<256x32xf32>
    %logistic3A_162 = arith.addf %logistic3A_161, %logistic3A_159 : vector<256x32xf32>
    %logistic3A_163 = arith.divf %logistic3A_161, %logistic3A_162 : vector<256x32xf32>
    %mul3A_164 = arith.mulf %add3A_154, %logistic3A_163 : vector<256x32xf32>
    %dot_general3A_165 = arith.constant dense<0.000000e+00> : vector<256x32xf32>
    %dot_general3A_166 = tpu.matmul %mul3A_164, %get3A_135, %dot_general3A_165 {dimension_numbers = #tpu.dot_dimension_numbers<[1], [1], [0], [0], [0, 0, 1, 0], [], []>, transpose_lhs_hint = false} : vector<256x32xf32>, vector<32x32xf32>, vector<256x32xf32> -> vector<256x32xf32>
    %add3A_167 = vector.broadcast %get3A_138 : vector<1x32xf32> to vector<256x32xf32>
    %add3A_168 = arith.addf %dot_general3A_166, %add3A_167 : vector<256x32xf32>
    %dot_general3A_169 = arith.constant dense<0.000000e+00> : vector<256x32xf32>
    %dot_general3A_170 = tpu.matmul %get3A_126, %get3A_141, %dot_general3A_169 {dimension_numbers = #tpu.dot_dimension_numbers<[1], [1], [0], [0], [0, 0, 1, 0], [], []>, transpose_lhs_hint = false} : vector<256x256xf32>, vector<32x256xf32>, vector<256x32xf32> -> vector<256x32xf32>
    %add3A_171 = vector.broadcast %get3A_144 : vector<1x32xf32> to vector<256x32xf32>
    %add3A_172 = arith.addf %dot_general3A_170, %add3A_171 : vector<256x32xf32>
    %mul3A_173 = arith.constant 1.702000e+00 : f32
    %mul3A_174 = vector.broadcast %mul3A_173 : f32 to vector<256x32xf32>
    %mul3A_175 = arith.mulf %mul3A_174, %add3A_172 : vector<256x32xf32>
    %logistic3A_176 = arith.negf %mul3A_175 : vector<256x32xf32>
    %logistic3A_177 = math.exp %logistic3A_176 : vector<256x32xf32>
    %logistic3A_178 = arith.constant 1.000000e+00 : f32
    %logistic3A_179 = vector.broadcast %logistic3A_178 : f32 to vector<256x32xf32>
    %logistic3A_180 = arith.addf %logistic3A_179, %logistic3A_177 : vector<256x32xf32>
    %logistic3A_181 = arith.divf %logistic3A_179, %logistic3A_180 : vector<256x32xf32>
    %mul3A_182 = arith.mulf %add3A_172, %logistic3A_181 : vector<256x32xf32>
    %dot_general3A_183 = arith.constant dense<0.000000e+00> : vector<256x32xf32>
    %dot_general3A_184 = tpu.matmul %mul3A_182, %get3A_147, %dot_general3A_183 {dimension_numbers = #tpu.dot_dimension_numbers<[1], [1], [0], [0], [0, 0, 1, 0], [], []>, transpose_lhs_hint = false} : vector<256x32xf32>, vector<32x32xf32>, vector<256x32xf32> -> vector<256x32xf32>
    %add3A_185 = vector.broadcast %get3A_150 : vector<1x32xf32> to vector<256x32xf32>
    %add3A_186 = arith.addf %dot_general3A_184, %add3A_185 : vector<256x32xf32>
    %iota3A_187 = tpu.iota {dimensions = array<i32: 0>} : vector<2048x256xi32>
    %jit3A_188 = arith.constant 8 : i32
    %div3A_189 = vector.broadcast %jit3A_188 : i32 to vector<2048x256xi32>
    %div3A_190 = arith.divsi %iota3A_187, %div3A_189 : vector<2048x256xi32>
    %sign3A_191 = arith.constant 0 : i32
    %sign3A_192 = vector.broadcast %sign3A_191 : i32 to vector<2048x256xi32>
    %sign3A_193 = arith.cmpi sgt, %iota3A_187, %sign3A_192 : vector<2048x256xi32>
    %sign3A_194 = arith.extui %sign3A_193 : vector<2048x256xi1> to vector<2048x256xi32>
    %sign3A_195 = arith.constant 0 : i32
    %sign3A_196 = vector.broadcast %sign3A_195 : i32 to vector<2048x256xi32>
    %sign3A_197 = arith.cmpi slt, %iota3A_187, %sign3A_196 : vector<2048x256xi32>
    %sign3A_198 = arith.extui %sign3A_197 : vector<2048x256xi1> to vector<2048x256xi32>
    %sign3A_199 = arith.subi %sign3A_194, %sign3A_198 : vector<2048x256xi32>
    %sign3A_200 = arith.constant 0 : i32
    %sign3A_201 = arith.cmpi sgt, %jit3A_188, %sign3A_200 : i32
    %sign3A_202 = arith.extui %sign3A_201 : i1 to i32
    %sign3A_203 = arith.constant 0 : i32
    %sign3A_204 = arith.cmpi slt, %jit3A_188, %sign3A_203 : i32
    %sign3A_205 = arith.extui %sign3A_204 : i1 to i32
    %sign3A_206 = arith.subi %sign3A_202, %sign3A_205 : i32
    %ne3A_207 = vector.broadcast %sign3A_206 : i32 to vector<2048x256xi32>
    %ne3A_208 = arith.cmpi ne, %sign3A_199, %ne3A_207 : vector<2048x256xi32>
    %rem3A_209 = vector.broadcast %jit3A_188 : i32 to vector<2048x256xi32>
    %rem3A_210 = arith.remsi %iota3A_187, %rem3A_209 : vector<2048x256xi32>
    %ne3A_211 = arith.constant 0 : i32
    %ne3A_212 = vector.broadcast %ne3A_211 : i32 to vector<2048x256xi32>
    %ne3A_213 = arith.cmpi ne, %rem3A_210, %ne3A_212 : vector<2048x256xi32>
    %and3A_214 = arith.andi %ne3A_208, %ne3A_213 : vector<2048x256xi1>
    %sub3A_215 = arith.constant 1 : i32
    %sub3A_216 = vector.broadcast %sub3A_215 : i32 to vector<2048x256xi32>
    %sub3A_217 = arith.subi %div3A_190, %sub3A_216 : vector<2048x256xi32>
    %select_n3A_218 = arith.select %and3A_214, %sub3A_217, %div3A_190 : vector<2048x256xi1>, vector<2048x256xi32>
    %iota3A_219 = tpu.iota {dimensions = array<i32: 1>} : vector<2048x256xi32>
    %le3A_220 = arith.cmpi sle, %iota3A_219, %select_n3A_218 : vector<2048x256xi32>
    %jit3A_221 = arith.constant 0.000000e+00 : f32
    %jit3A_222 = arith.constant -1.000000e+30 : f32
    %broadcast_in_dim3A_223 = vector.broadcast %jit3A_221 : f32 to vector<2048x256xf32>
    %broadcast_in_dim3A_224 = vector.broadcast %jit3A_222 : f32 to vector<2048x256xf32>
    %select_n3A_225 = arith.select %le3A_220, %broadcast_in_dim3A_223, %broadcast_in_dim3A_224 : vector<2048x256xi1>, vector<2048x256xf32>
    %dot_general3A_226 = arith.constant dense<0.000000e+00> : vector<2048x256xf32>
    %dot_general3A_227 = tpu.matmul %slice3A, %add3A_168, %dot_general3A_226 {dimension_numbers = #tpu.dot_dimension_numbers<[1], [1], [0], [0], [0, 0, 1, 0], [], []>, transpose_lhs_hint = false} : vector<2048x32xf32>, vector<256x32xf32>, vector<2048x256xf32> -> vector<2048x256xf32>
    %div3A_228 = arith.constant 5.65685415 : f32
    %div3A_229 = vector.broadcast %div3A_228 : f32 to vector<2048x256xf32>
    %div3A_230 = arith.divf %dot_general3A_227, %div3A_229 : vector<2048x256xf32>
    %add3A_231 = arith.addf %div3A_230, %select_n3A_225 : vector<2048x256xf32>
    %reduce_max3A_232 = arith.constant dense<0xFF800000> : vector<2048xf32>
    %reduce_max3A_233 = vector.multi_reduction <maximumf>, %add3A_231, %reduce_max3A_232 [1] : vector<2048x256xf32> to vector<2048xf32>
    %broadcast_in_dim3A_234 = vector.shape_cast %reduce_max3A_233 : vector<2048xf32> to vector<2048x1xf32>
    %sub3A_235 = vector.broadcast %broadcast_in_dim3A_234 : vector<2048x1xf32> to vector<2048x256xf32>
    %sub3A_236 = arith.subf %add3A_231, %sub3A_235 : vector<2048x256xf32>
    %exp3A_237 = math.exp %sub3A_236 : vector<2048x256xf32>
    %reduce_sum3A_238 = arith.constant dense<0.000000e+00> : vector<2048xf32>
    %reduce_sum3A_239 = vector.multi_reduction <add>, %exp3A_237, %reduce_sum3A_238 [1] : vector<2048x256xf32> to vector<2048xf32>
    %broadcast_in_dim3A_240 = vector.shape_cast %reduce_sum3A_239 : vector<2048xf32> to vector<2048x1xf32>
    %div3A_241 = vector.broadcast %broadcast_in_dim3A_240 : vector<2048x1xf32> to vector<2048x256xf32>
    %div3A_242 = arith.divf %exp3A_237, %div3A_241 : vector<2048x256xf32>
    %dot_general3A_243 = arith.constant dense<0.000000e+00> : vector<2048x32xf32>
    %dot_general3A_244 = tpu.matmul %div3A_242, %add3A_186, %dot_general3A_243 {dimension_numbers = #tpu.dot_dimension_numbers<[1], [0], [0], [1], [0, 0, 1, 1], [], []>, transpose_lhs_hint = false} : vector<2048x256xf32>, vector<256x32xf32>, vector<2048x32xf32> -> vector<2048x32xf32>
    %reduce_sum3A_245 = arith.constant dense<0.000000e+00> : vector<256xf32>
    %reduce_sum3A_246 = vector.multi_reduction <add>, %div3A_242, %reduce_sum3A_245 [0] : vector<2048x256xf32> to vector<256xf32>
    %broadcast_in_dim3A_247 = vector.shape_cast %reduce_sum3A_246 : vector<256xf32> to vector<1x256xf32>
    %swap3A = arith.constant 0 : index
    %swap3A_248 = arith.constant 0 : index
    %swap3A_249 = arith.constant 0 : index
    %swap3A_250 = vector.load %arg22[%swap3A, %swap3A_248, %swap3A_249] : memref<1x2048x32xf32, #tpu.memory_space<vmem>>, vector<1x2048x32xf32>
    %swap3A_251 = vector.shape_cast %swap3A_250 : vector<1x2048x32xf32> to vector<2048x32xf32>
    %swap3A_252 = vector.shape_cast %dot_general3A_113 : vector<2048x32xf32> to vector<1x2048x32xf32>
    tpu.vector_store %arg22[%swap3A, %swap3A_248, %swap3A_249], %swap3A_252 {strides = array<i32>} : memref<1x2048x32xf32, #tpu.memory_space<vmem>>, vector<1x2048x32xf32>,
    %swap3A_253 = arith.constant 0 : index
    %swap3A_254 = arith.constant 0 : index
    %swap3A_255 = arith.constant 0 : index
    %swap3A_256 = vector.load %arg23[%swap3A_253, %swap3A_254, %swap3A_255] : memref<1x2048x32xf32, #tpu.memory_space<vmem>>, vector<1x2048x32xf32>
    %swap3A_257 = vector.shape_cast %swap3A_256 : vector<1x2048x32xf32> to vector<2048x32xf32>
    %swap3A_258 = vector.shape_cast %dot_general3A_244 : vector<2048x32xf32> to vector<1x2048x32xf32>
    tpu.vector_store %arg23[%swap3A_253, %swap3A_254, %swap3A_255], %swap3A_258 {strides = array<i32>} : memref<1x2048x32xf32, #tpu.memory_space<vmem>>, vector<1x2048x32xf32>,
    %swap3A_259 = arith.constant 0 : index
    %swap3A_260 = arith.constant 0 : index
    %swap3A_261 = arith.constant 0 : index
    %swap3A_262 = vector.load %arg24[%swap3A_259, %swap3A_260, %swap3A_261] : memref<1x1x64xf32, #tpu.memory_space<vmem>>, vector<1x1x64xf32>
    %swap3A_263 = vector.shape_cast %swap3A_262 : vector<1x1x64xf32> to vector<1x64xf32>
    %swap3A_264 = vector.shape_cast %broadcast_in_dim3A_116 : vector<1x64xf32> to vector<1x1x64xf32>
    tpu.vector_store %arg24[%swap3A_259, %swap3A_260, %swap3A_261], %swap3A_264 {strides = array<i32>} : memref<1x1x64xf32, #tpu.memory_space<vmem>>, vector<1x1x64xf32>,
    %swap3A_265 = arith.constant 0 : index
    %swap3A_266 = arith.constant 0 : index
    %swap3A_267 = arith.constant 0 : index
    %swap3A_268 = vector.load %arg25[%swap3A_265, %swap3A_266, %swap3A_267] : memref<1x1x256xf32, #tpu.memory_space<vmem>>, vector<1x1x256xf32>
    %swap3A_269 = vector.shape_cast %swap3A_268 : vector<1x1x256xf32> to vector<1x256xf32>
    %swap3A_270 = vector.shape_cast %broadcast_in_dim3A_247 : vector<1x256xf32> to vector<1x1x256xf32>
    tpu.vector_store %arg25[%swap3A_265, %swap3A_266, %swap3A_267], %swap3A_270 {strides = array<i32>} : memref<1x1x256xf32, #tpu.memory_space<vmem>>, vector<1x1x256xf32>,
    return
  }
  func.func @transform_0(%arg0: i32) -> (i32, i32, i32) {
    %c0_i32 = arith.constant 0 : i32
    %c0_i32_0 = arith.constant 0 : i32
    %c0_i32_1 = arith.constant 0 : i32
    return %arg0, %c0_i32, %c0_i32_0 : i32, i32, i32
  }
  func.func @transform_1(%arg0: i32) -> (i32, i32, i32) {
    %c0_i32 = arith.constant 0 : i32
    %c0_i32_0 = arith.constant 0 : i32
    %c0_i32_1 = arith.constant 0 : i32
    return %arg0, %c0_i32, %c0_i32_0 : i32, i32, i32
  }
  func.func @transform_2(%arg0: i32) -> (i32, i32, i32) {
    %c0_i32 = arith.constant 0 : i32
    %c0_i32_0 = arith.constant 0 : i32
    %c0_i32_1 = arith.constant 0 : i32
    return %arg0, %c0_i32, %c0_i32_0 : i32, i32, i32
  }
  func.func @transform_3(%arg0: i32) -> (i32, i32, i32) {
    %c0_i32 = arith.constant 0 : i32
    %c0_i32_0 = arith.constant 0 : i32
    %c0_i32_1 = arith.constant 0 : i32
    return %arg0, %c0_i32, %c0_i32_0 : i32, i32, i32
  }
  func.func @transform_4(%arg0: i32) -> (i32, i32, i32) {
    %c0_i32 = arith.constant 0 : i32
    %c0_i32_0 = arith.constant 0 : i32
    %c0_i32_1 = arith.constant 0 : i32
    return %arg0, %c0_i32, %c0_i32_0 : i32, i32, i32
  }
  func.func @transform_5(%arg0: i32) -> (i32, i32) {
    %c0_i32 = arith.constant 0 : i32
    %c0_i32_0 = arith.constant 0 : i32
    %c0_i32_1 = arith.constant 0 : i32
    return %c0_i32, %c0_i32_0 : i32, i32
  }
  func.func @transform_6(%arg0: i32) -> (i32, i32) {
    %c0_i32 = arith.constant 0 : i32
    %c0_i32_0 = arith.constant 0 : i32
    %c0_i32_1 = arith.constant 0 : i32
    return %c0_i32, %c0_i32_0 : i32, i32
  }
  func.func @transform_7(%arg0: i32) -> (i32, i32) {
    %c0_i32 = arith.constant 0 : i32
    %c0_i32_0 = arith.constant 0 : i32
    %c0_i32_1 = arith.constant 0 : i32
    return %c0_i32, %c0_i32_0 : i32, i32
  }
  func.func @transform_8(%arg0: i32) -> (i32, i32) {
    %c0_i32 = arith.constant 0 : i32
    %c0_i32_0 = arith.constant 0 : i32
    %c0_i32_1 = arith.constant 0 : i32
    return %c0_i32, %c0_i32_0 : i32, i32
  }
  func.func @transform_9(%arg0: i32) -> (i32, i32) {
    %c0_i32 = arith.constant 0 : i32
    %c0_i32_0 = arith.constant 0 : i32
    %c0_i32_1 = arith.constant 0 : i32
    return %c0_i32, %c0_i32_0 : i32, i32
  }
  func.func @transform_10(%arg0: i32) -> (i32, i32) {
    %c0_i32 = arith.constant 0 : i32
    %c0_i32_0 = arith.constant 0 : i32
    %c0_i32_1 = arith.constant 0 : i32
    return %c0_i32, %c0_i32_0 : i32, i32
  }
  func.func @transform_11(%arg0: i32) -> (i32, i32) {
    %c0_i32 = arith.constant 0 : i32
    %c0_i32_0 = arith.constant 0 : i32
    %c0_i32_1 = arith.constant 0 : i32
    return %c0_i32, %c0_i32_0 : i32, i32
  }
  func.func @transform_12(%arg0: i32) -> (i32, i32) {
    %c0_i32 = arith.constant 0 : i32
    %c0_i32_0 = arith.constant 0 : i32
    %c0_i32_1 = arith.constant 0 : i32
    return %c0_i32, %c0_i32_0 : i32, i32
  }
  func.func @transform_13(%arg0: i32) -> (i32, i32) {
    %c0_i32 = arith.constant 0 : i32
    %c0_i32_0 = arith.constant 0 : i32
    %c0_i32_1 = arith.constant 0 : i32
    return %c0_i32, %c0_i32_0 : i32, i32
  }
  func.func @transform_14(%arg0: i32) -> (i32, i32) {
    %c0_i32 = arith.constant 0 : i32
    %c0_i32_0 = arith.constant 0 : i32
    %c0_i32_1 = arith.constant 0 : i32
    return %c0_i32, %c0_i32_0 : i32, i32
  }
  func.func @transform_15(%arg0: i32) -> (i32, i32) {
    %c0_i32 = arith.constant 0 : i32
    %c0_i32_0 = arith.constant 0 : i32
    %c0_i32_1 = arith.constant 0 : i32
    return %c0_i32, %c0_i32_0 : i32, i32
  }
  func.func @transform_16(%arg0: i32) -> (i32, i32) {
    %c0_i32 = arith.constant 0 : i32
    %c0_i32_0 = arith.constant 0 : i32
    %c0_i32_1 = arith.constant 0 : i32
    return %c0_i32, %c0_i32_0 : i32, i32
  }
  func.func @transform_17(%arg0: i32) -> (i32, i32) {
    %c0_i32 = arith.constant 0 : i32
    %c0_i32_0 = arith.constant 0 : i32
    %c0_i32_1 = arith.constant 0 : i32
    return %c0_i32, %c0_i32_0 : i32, i32
  }
  func.func @transform_18(%arg0: i32) -> (i32, i32) {
    %c0_i32 = arith.constant 0 : i32
    %c0_i32_0 = arith.constant 0 : i32
    %c0_i32_1 = arith.constant 0 : i32
    return %c0_i32, %c0_i32_0 : i32, i32
  }
  func.func @transform_19(%arg0: i32) -> (i32, i32) {
    %c0_i32 = arith.constant 0 : i32
    %c0_i32_0 = arith.constant 0 : i32
    %c0_i32_1 = arith.constant 0 : i32
    return %c0_i32, %c0_i32_0 : i32, i32
  }
  func.func @transform_20(%arg0: i32) -> (i32, i32) {
    %c0_i32 = arith.constant 0 : i32
    %c0_i32_0 = arith.constant 0 : i32
    %c0_i32_1 = arith.constant 0 : i32
    return %c0_i32, %c0_i32_0 : i32, i32
  }
  func.func @transform_21(%arg0: i32) -> (i32, i32, i32) {
    %c0_i32 = arith.constant 0 : i32
    %c0_i32_0 = arith.constant 0 : i32
    %c0_i32_1 = arith.constant 0 : i32
    return %arg0, %c0_i32, %c0_i32_0 : i32, i32, i32
  }
  func.func @transform_22(%arg0: i32) -> (i32, i32, i32) {
    %c0_i32 = arith.constant 0 : i32
    %c0_i32_0 = arith.constant 0 : i32
    %c0_i32_1 = arith.constant 0 : i32
    return %arg0, %c0_i32, %c0_i32_0 : i32, i32, i32
  }
  func.func @transform_23(%arg0: i32) -> (i32, i32, i32) {
    %c0_i32 = arith.constant 0 : i32
    %c0_i32_0 = arith.constant 0 : i32
    %c0_i32_1 = arith.constant 0 : i32
    return %arg0, %c0_i32, %c0_i32_0 : i32, i32, i32
  }
  func.func @transform_24(%arg0: i32) -> (i32, i32, i32) {
    %c0_i32 = arith.constant 0 : i32
    %c0_i32_0 = arith.constant 0 : i32
    %c0_i32_1 = arith.constant 0 : i32
    return %arg0, %c0_i32, %c0_i32_0 : i32, i32, i32
  }
}

module attributes {stable_mosaic.version = 14 : i64} {
  func.func @_glob_kernel(%arg0: i32, %arg1: i32, %arg2: memref<1x1024x64xf32, #tpu.memory_space<vmem>>, %arg3: memref<1x2048x64xf32, #tpu.memory_space<vmem>>, %arg4: memref<1x2048x64xf32, #tpu.memory_space<vmem>>, %arg5: memref<1x1024x64xf32, #tpu.memory_space<vmem>>) attributes {dimension_semantics = [#tpu.dimension_semantics<arbitrary>, #tpu.dimension_semantics<arbitrary>], iteration_bounds = array<i64: 16, 2>, scalar_prefetch = 0 : i64, scratch_operands = 0 : i64, tpu.core_type = #tpu.core_type<tc>, window_params = [{transform_indices = @transform_0, window_bounds = array<i64: 1, 1024, 64>}, {transform_indices = @transform_1, window_bounds = array<i64: 1, 2048, 64>}, {transform_indices = @transform_2, window_bounds = array<i64: 1, 2048, 64>}, {transform_indices = @transform_3, window_bounds = array<i64: 1, 1024, 64>}]} {
    %get3A = arith.constant 0 : index
    %get3A_0 = arith.constant 0 : index
    %get3A_1 = arith.constant 0 : index
    %get3A_2 = vector.load %arg2[%get3A, %get3A_0, %get3A_1] : memref<1x1024x64xf32, #tpu.memory_space<vmem>>, vector<1x1024x64xf32>
    %get3A_3 = vector.shape_cast %get3A_2 : vector<1x1024x64xf32> to vector<1024x64xf32>
    %iota3A = tpu.iota {dimensions = array<i32: 0>} : vector<1024x1024xi32>
    %iota3A_4 = tpu.iota {dimensions = array<i32: 1>} : vector<1024x1024xi32>
    %broadcast_in_dim3A = arith.constant -1.000000e+30 : f32
    %broadcast_in_dim3A_5 = vector.broadcast %broadcast_in_dim3A : f32 to vector<1024x1xf32>
    %broadcast_in_dim3A_6 = arith.constant 0.000000e+00 : f32
    %broadcast_in_dim3A_7 = vector.broadcast %broadcast_in_dim3A_6 : f32 to vector<1024x1xf32>
    %broadcast_in_dim3A_8 = arith.constant 0.000000e+00 : f32
    %broadcast_in_dim3A_9 = vector.broadcast %broadcast_in_dim3A_8 : f32 to vector<1024x64xf32>
    %add3A = arith.constant 1 : i32
    %add3A_10 = arith.addi %arg1, %add3A : i32
    %while3A = arith.constant 0 : i32
    %while3A_11 = arith.subi %add3A_10, %while3A : i32
    %while3A_12 = arith.addi %while3A, %while3A_11 : i32
    %while3A_13 = arith.constant 1 : i32
    %while3A_14 = arith.divsi %while3A_11, %while3A_13 : i32
    %while3A_15 = arith.muli %while3A_14, %while3A_13 : i32
    %while3A_16 = arith.addi %while3A, %while3A_15 : i32
    %while3A_17 = arith.constant 1 : i32
    %while3A_18:3 = scf.for %while3A_27 = %while3A to %while3A_16 step %while3A_17 iter_args(%while3A_28 = %broadcast_in_dim3A_5, %while3A_29 = %broadcast_in_dim3A_7, %while3A_30 = %broadcast_in_dim3A_9) -> (vector<1024x1xf32>, vector<1024x1xf32>, vector<1024x64xf32>)  : i32 {
      %mul3A = arith.constant 1024 : i32
      %mul3A_31 = arith.muli %while3A_27, %mul3A : i32
      %get3A_32 = arith.constant 0 : index
      %get3A_33 = arith.index_cast %mul3A_31 : i32 to index
      %get3A_34 = arith.constant 0 : index
      %get3A_35 = vector.load %arg3[%get3A_32, %get3A_33, %get3A_34] : memref<1x2048x64xf32, #tpu.memory_space<vmem>>, vector<1x1024x64xf32>
      %get3A_36 = vector.shape_cast %get3A_35 : vector<1x1024x64xf32> to vector<1024x64xf32>
      %mul3A_37 = arith.constant 1024 : i32
      %mul3A_38 = arith.muli %while3A_27, %mul3A_37 : i32
      %get3A_39 = arith.constant 0 : index
      %get3A_40 = arith.index_cast %mul3A_38 : i32 to index
      %get3A_41 = arith.constant 0 : index
      %get3A_42 = vector.load %arg4[%get3A_39, %get3A_40, %get3A_41] : memref<1x2048x64xf32, #tpu.memory_space<vmem>>, vector<1x1024x64xf32>
      %get3A_43 = vector.shape_cast %get3A_42 : vector<1x1024x64xf32> to vector<1024x64xf32>
      %dot_general3A = arith.constant dense<0.000000e+00> : vector<1024x1024xf32>
      %dot_general3A_44 = tpu.matmul %get3A_3, %get3A_36, %dot_general3A {dimension_numbers = #tpu.dot_dimension_numbers<[1], [1], [0], [0], [0, 0, 1, 0], [], []>, transpose_lhs_hint = false} : vector<1024x64xf32>, vector<1024x64xf32>, vector<1024x1024xf32> -> vector<1024x1024xf32>
      %div3A_45 = arith.constant 8.000000e+00 : f32
      %div3A_46 = vector.broadcast %div3A_45 : f32 to vector<1024x1024xf32>
      %div3A_47 = arith.divf %dot_general3A_44, %div3A_46 : vector<1024x1024xf32>
      %sub3A = arith.subi %while3A_27, %arg1 : i32
      %mul3A_48 = arith.constant 1024 : i32
      %mul3A_49 = arith.muli %sub3A, %mul3A_48 : i32
      %add3A_50 = vector.broadcast %mul3A_49 : i32 to vector<1024x1024xi32>
      %add3A_51 = arith.addi %iota3A_4, %add3A_50 : vector<1024x1024xi32>
      %le3A = arith.cmpi sle, %add3A_51, %iota3A : vector<1024x1024xi32>
      %jit3A = arith.constant -1.000000e+30 : f32
      %broadcast_in_dim3A_52 = vector.broadcast %jit3A : f32 to vector<1024x1024xf32>
      %select_n3A = arith.select %le3A, %div3A_47, %broadcast_in_dim3A_52 : vector<1024x1024xi1>, vector<1024x1024xf32>
      %reduce_max3A = arith.constant dense<0xFF800000> : vector<1024xf32>
      %reduce_max3A_53 = vector.multi_reduction <maximumf>, %select_n3A, %reduce_max3A [1] : vector<1024x1024xf32> to vector<1024xf32>
      %broadcast_in_dim3A_54 = vector.shape_cast %reduce_max3A_53 : vector<1024xf32> to vector<1024x1xf32>
      %max3A = arith.maximumf %while3A_28, %broadcast_in_dim3A_54 : vector<1024x1xf32>
      %sub3A_55 = vector.broadcast %max3A : vector<1024x1xf32> to vector<1024x1024xf32>
      %sub3A_56 = arith.subf %select_n3A, %sub3A_55 : vector<1024x1024xf32>
      %exp3A = math.exp %sub3A_56 : vector<1024x1024xf32>
      %sub3A_57 = arith.subf %while3A_28, %max3A : vector<1024x1xf32>
      %exp3A_58 = math.exp %sub3A_57 : vector<1024x1xf32>
      %mul3A_59 = arith.mulf %while3A_29, %exp3A_58 : vector<1024x1xf32>
      %reduce_sum3A = arith.constant dense<0.000000e+00> : vector<1024xf32>
      %reduce_sum3A_60 = vector.multi_reduction <add>, %exp3A, %reduce_sum3A [1] : vector<1024x1024xf32> to vector<1024xf32>
      %broadcast_in_dim3A_61 = vector.shape_cast %reduce_sum3A_60 : vector<1024xf32> to vector<1024x1xf32>
      %add3A_62 = arith.addf %mul3A_59, %broadcast_in_dim3A_61 : vector<1024x1xf32>
      %mul3A_63 = vector.broadcast %exp3A_58 : vector<1024x1xf32> to vector<1024x64xf32>
      %mul3A_64 = arith.mulf %while3A_30, %mul3A_63 : vector<1024x64xf32>
      %dot_general3A_65 = arith.constant dense<0.000000e+00> : vector<1024x64xf32>
      %dot_general3A_66 = tpu.matmul %exp3A, %get3A_43, %dot_general3A_65 {dimension_numbers = #tpu.dot_dimension_numbers<[1], [0], [0], [1], [0, 0, 1, 1], [], []>, transpose_lhs_hint = false} : vector<1024x1024xf32>, vector<1024x64xf32>, vector<1024x64xf32> -> vector<1024x64xf32>
      %add3A_67 = arith.addf %mul3A_64, %dot_general3A_66 : vector<1024x64xf32>
      scf.yield %max3A, %add3A_62, %add3A_67 : vector<1024x1xf32>, vector<1024x1xf32>, vector<1024x64xf32>
    }
    %while3A_19 = arith.constant 1 : i32
    %while3A_20:3 = scf.for %while3A_27 = %while3A_16 to %while3A_12 step %while3A_19 iter_args(%while3A_28 = %while3A_18#0, %while3A_29 = %while3A_18#1, %while3A_30 = %while3A_18#2) -> (vector<1024x1xf32>, vector<1024x1xf32>, vector<1024x64xf32>)  : i32 {
      %mul3A = arith.constant 1024 : i32
      %mul3A_31 = arith.muli %while3A_27, %mul3A : i32
      %get3A_32 = arith.constant 0 : index
      %get3A_33 = arith.index_cast %mul3A_31 : i32 to index
      %get3A_34 = arith.constant 0 : index
      %get3A_35 = vector.load %arg3[%get3A_32, %get3A_33, %get3A_34] : memref<1x2048x64xf32, #tpu.memory_space<vmem>>, vector<1x1024x64xf32>
      %get3A_36 = vector.shape_cast %get3A_35 : vector<1x1024x64xf32> to vector<1024x64xf32>
      %mul3A_37 = arith.constant 1024 : i32
      %mul3A_38 = arith.muli %while3A_27, %mul3A_37 : i32
      %get3A_39 = arith.constant 0 : index
      %get3A_40 = arith.index_cast %mul3A_38 : i32 to index
      %get3A_41 = arith.constant 0 : index
      %get3A_42 = vector.load %arg4[%get3A_39, %get3A_40, %get3A_41] : memref<1x2048x64xf32, #tpu.memory_space<vmem>>, vector<1x1024x64xf32>
      %get3A_43 = vector.shape_cast %get3A_42 : vector<1x1024x64xf32> to vector<1024x64xf32>
      %dot_general3A = arith.constant dense<0.000000e+00> : vector<1024x1024xf32>
      %dot_general3A_44 = tpu.matmul %get3A_3, %get3A_36, %dot_general3A {dimension_numbers = #tpu.dot_dimension_numbers<[1], [1], [0], [0], [0, 0, 1, 0], [], []>, transpose_lhs_hint = false} : vector<1024x64xf32>, vector<1024x64xf32>, vector<1024x1024xf32> -> vector<1024x1024xf32>
      %div3A_45 = arith.constant 8.000000e+00 : f32
      %div3A_46 = vector.broadcast %div3A_45 : f32 to vector<1024x1024xf32>
      %div3A_47 = arith.divf %dot_general3A_44, %div3A_46 : vector<1024x1024xf32>
      %sub3A = arith.subi %while3A_27, %arg1 : i32
      %mul3A_48 = arith.constant 1024 : i32
      %mul3A_49 = arith.muli %sub3A, %mul3A_48 : i32
      %add3A_50 = vector.broadcast %mul3A_49 : i32 to vector<1024x1024xi32>
      %add3A_51 = arith.addi %iota3A_4, %add3A_50 : vector<1024x1024xi32>
      %le3A = arith.cmpi sle, %add3A_51, %iota3A : vector<1024x1024xi32>
      %jit3A = arith.constant -1.000000e+30 : f32
      %broadcast_in_dim3A_52 = vector.broadcast %jit3A : f32 to vector<1024x1024xf32>
      %select_n3A = arith.select %le3A, %div3A_47, %broadcast_in_dim3A_52 : vector<1024x1024xi1>, vector<1024x1024xf32>
      %reduce_max3A = arith.constant dense<0xFF800000> : vector<1024xf32>
      %reduce_max3A_53 = vector.multi_reduction <maximumf>, %select_n3A, %reduce_max3A [1] : vector<1024x1024xf32> to vector<1024xf32>
      %broadcast_in_dim3A_54 = vector.shape_cast %reduce_max3A_53 : vector<1024xf32> to vector<1024x1xf32>
      %max3A = arith.maximumf %while3A_28, %broadcast_in_dim3A_54 : vector<1024x1xf32>
      %sub3A_55 = vector.broadcast %max3A : vector<1024x1xf32> to vector<1024x1024xf32>
      %sub3A_56 = arith.subf %select_n3A, %sub3A_55 : vector<1024x1024xf32>
      %exp3A = math.exp %sub3A_56 : vector<1024x1024xf32>
      %sub3A_57 = arith.subf %while3A_28, %max3A : vector<1024x1xf32>
      %exp3A_58 = math.exp %sub3A_57 : vector<1024x1xf32>
      %mul3A_59 = arith.mulf %while3A_29, %exp3A_58 : vector<1024x1xf32>
      %reduce_sum3A = arith.constant dense<0.000000e+00> : vector<1024xf32>
      %reduce_sum3A_60 = vector.multi_reduction <add>, %exp3A, %reduce_sum3A [1] : vector<1024x1024xf32> to vector<1024xf32>
      %broadcast_in_dim3A_61 = vector.shape_cast %reduce_sum3A_60 : vector<1024xf32> to vector<1024x1xf32>
      %add3A_62 = arith.addf %mul3A_59, %broadcast_in_dim3A_61 : vector<1024x1xf32>
      %mul3A_63 = vector.broadcast %exp3A_58 : vector<1024x1xf32> to vector<1024x64xf32>
      %mul3A_64 = arith.mulf %while3A_30, %mul3A_63 : vector<1024x64xf32>
      %dot_general3A_65 = arith.constant dense<0.000000e+00> : vector<1024x64xf32>
      %dot_general3A_66 = tpu.matmul %exp3A, %get3A_43, %dot_general3A_65 {dimension_numbers = #tpu.dot_dimension_numbers<[1], [0], [0], [1], [0, 0, 1, 1], [], []>, transpose_lhs_hint = false} : vector<1024x1024xf32>, vector<1024x64xf32>, vector<1024x64xf32> -> vector<1024x64xf32>
      %add3A_67 = arith.addf %mul3A_64, %dot_general3A_66 : vector<1024x64xf32>
      scf.yield %max3A, %add3A_62, %add3A_67 : vector<1024x1xf32>, vector<1024x1xf32>, vector<1024x64xf32>
    }
    %div3A = vector.broadcast %while3A_20#1 : vector<1024x1xf32> to vector<1024x64xf32>
    %div3A_21 = arith.divf %while3A_20#2, %div3A : vector<1024x64xf32>
    %swap3A = arith.constant 0 : index
    %swap3A_22 = arith.constant 0 : index
    %swap3A_23 = arith.constant 0 : index
    %swap3A_24 = vector.load %arg5[%swap3A, %swap3A_22, %swap3A_23] : memref<1x1024x64xf32, #tpu.memory_space<vmem>>, vector<1x1024x64xf32>
    %swap3A_25 = vector.shape_cast %swap3A_24 : vector<1x1024x64xf32> to vector<1024x64xf32>
    %swap3A_26 = vector.shape_cast %div3A_21 : vector<1024x64xf32> to vector<1x1024x64xf32>
    tpu.vector_store %arg5[%swap3A, %swap3A_22, %swap3A_23], %swap3A_26 {strides = array<i32>} : memref<1x1024x64xf32, #tpu.memory_space<vmem>>, vector<1x1024x64xf32>,
    return
  }
  func.func @transform_0(%arg0: i32, %arg1: i32) -> (i32, i32, i32) {
    %c0_i32 = arith.constant 0 : i32
    %c0_i32_0 = arith.constant 0 : i32
    return %arg0, %arg1, %c0_i32 : i32, i32, i32
  }
  func.func @transform_1(%arg0: i32, %arg1: i32) -> (i32, i32, i32) {
    %add3A = arith.constant 16 : i32
    %add3A_0 = arith.addi %add3A, %arg0 : i32
    %c0_i32 = arith.constant 0 : i32
    %c0_i32_1 = arith.constant 0 : i32
    %c0_i32_2 = arith.constant 0 : i32
    return %add3A_0, %c0_i32, %c0_i32_1 : i32, i32, i32
  }
  func.func @transform_2(%arg0: i32, %arg1: i32) -> (i32, i32, i32) {
    %add3A = arith.constant 32 : i32
    %add3A_0 = arith.addi %add3A, %arg0 : i32
    %c0_i32 = arith.constant 0 : i32
    %c0_i32_1 = arith.constant 0 : i32
    %c0_i32_2 = arith.constant 0 : i32
    return %add3A_0, %c0_i32, %c0_i32_1 : i32, i32, i32
  }
  func.func @transform_3(%arg0: i32, %arg1: i32) -> (i32, i32, i32) {
    %c0_i32 = arith.constant 0 : i32
    %c0_i32_0 = arith.constant 0 : i32
    return %arg0, %arg1, %c0_i32 : i32, i32, i32
  }
}

module attributes {stable_mosaic.version = 14 : i64} {
  func.func @_sel_att_kernel(%arg0: i32, %arg1: memref<1x2048x64xf32, #tpu.memory_space<vmem>>, %arg2: memref<1x16x128xf32, #tpu.memory_space<vmem>>, %arg3: memref<1x16x128xf32, #tpu.memory_space<vmem>>, %arg4: memref<1x16x128xf32, #tpu.memory_space<vmem>>, %arg5: memref<1x16x128xf32, #tpu.memory_space<vmem>>, %arg6: memref<1x1x16xi32, #tpu.memory_space<vmem>>, %arg7: memref<1x1x16xi32, #tpu.memory_space<vmem>>, %arg8: memref<1x2048x32xf32, #tpu.memory_space<vmem>>, %arg9: memref<1x2048x32xf32, #tpu.memory_space<vmem>>) attributes {dimension_semantics = [#tpu.dimension_semantics<arbitrary>], iteration_bounds = array<i64: 16>, scalar_prefetch = 0 : i64, scratch_operands = 0 : i64, tpu.core_type = #tpu.core_type<tc>, window_params = [{transform_indices = @transform_0, window_bounds = array<i64: 1, 2048, 64>}, {transform_indices = @transform_1, window_bounds = array<i64: 1, 16, 128>}, {transform_indices = @transform_2, window_bounds = array<i64: 1, 16, 128>}, {transform_indices = @transform_3, window_bounds = array<i64: 1, 16, 128>}, {transform_indices = @transform_4, window_bounds = array<i64: 1, 16, 128>}, {transform_indices = @transform_5, window_bounds = array<i64: 1, 1, 16>}, {transform_indices = @transform_6, window_bounds = array<i64: 1, 1, 16>}, {transform_indices = @transform_7, window_bounds = array<i64: 1, 2048, 32>}, {transform_indices = @transform_8, window_bounds = array<i64: 1, 2048, 32>}]} {
    %get3A = arith.constant 0 : index
    %get3A_0 = arith.constant 0 : index
    %get3A_1 = arith.constant 0 : index
    %get3A_2 = vector.load %arg1[%get3A, %get3A_0, %get3A_1] : memref<1x2048x64xf32, #tpu.memory_space<vmem>>, vector<1x2048x64xf32>
    %get3A_3 = vector.shape_cast %get3A_2 : vector<1x2048x64xf32> to vector<2048x64xf32>
    %slice3A = vector.extract_strided_slice %get3A_3 {offsets = [0, 32], sizes = [2048, 32], strides = [1, 1]} : vector<2048x64xf32> to vector<2048x32xf32>
    %get3A_4 = arith.constant 0 : index
    %get3A_5 = arith.constant 0 : index
    %get3A_6 = arith.constant 0 : index
    %get3A_7 = vector.load %arg2[%get3A_4, %get3A_5, %get3A_6] : memref<1x16x128xf32, #tpu.memory_space<vmem>>, vector<1x16x128xf32>
    %get3A_8 = vector.shape_cast %get3A_7 : vector<1x16x128xf32> to vector<16x128xf32>
    %get3A_9 = arith.constant 0 : index
    %get3A_10 = arith.constant 0 : index
    %get3A_11 = arith.constant 0 : index
    %get3A_12 = vector.load %arg3[%get3A_9, %get3A_10, %get3A_11] : memref<1x16x128xf32, #tpu.memory_space<vmem>>, vector<1x16x128xf32>
    %get3A_13 = vector.shape_cast %get3A_12 : vector<1x16x128xf32> to vector<16x128xf32>
    %get3A_14 = arith.constant 0 : index
    %get3A_15 = arith.constant 0 : index
    %get3A_16 = arith.constant 0 : index
    %get3A_17 = vector.load %arg6[%get3A_14, %get3A_15, %get3A_16] : memref<1x1x16xi32, #tpu.memory_space<vmem>>, vector<1x1x16xi32>
    %get3A_18 = vector.shape_cast %get3A_17 : vector<1x1x16xi32> to vector<1x16xi32>
    %convert_element_type3A = arith.sitofp %get3A_18 : vector<1x16xi32> to vector<1x16xf32>
    %slice3A_19 = vector.extract_strided_slice %get3A_8 {offsets = [0, 0], sizes = [16, 32], strides = [1, 1]} : vector<16x128xf32> to vector<16x32xf32>
    %slice3A_20 = vector.extract_strided_slice %get3A_8 {offsets = [0, 32], sizes = [16, 32], strides = [1, 1]} : vector<16x128xf32> to vector<16x32xf32>
    %slice3A_21 = vector.extract_strided_slice %get3A_8 {offsets = [0, 64], sizes = [16, 32], strides = [1, 1]} : vector<16x128xf32> to vector<16x32xf32>
    %slice3A_22 = vector.extract_strided_slice %get3A_8 {offsets = [0, 96], sizes = [16, 32], strides = [1, 1]} : vector<16x128xf32> to vector<16x32xf32>
    %concatenate3A = tpu.concatenate %slice3A_19, %slice3A_20, %slice3A_21, %slice3A_22 in 0 : vector<16x32xf32>, vector<16x32xf32>, vector<16x32xf32>, vector<16x32xf32> -> vector<64x32xf32>
    %slice3A_23 = vector.extract_strided_slice %get3A_13 {offsets = [0, 0], sizes = [16, 32], strides = [1, 1]} : vector<16x128xf32> to vector<16x32xf32>
    %slice3A_24 = vector.extract_strided_slice %get3A_13 {offsets = [0, 32], sizes = [16, 32], strides = [1, 1]} : vector<16x128xf32> to vector<16x32xf32>
    %slice3A_25 = vector.extract_strided_slice %get3A_13 {offsets = [0, 64], sizes = [16, 32], strides = [1, 1]} : vector<16x128xf32> to vector<16x32xf32>
    %slice3A_26 = vector.extract_strided_slice %get3A_13 {offsets = [0, 96], sizes = [16, 32], strides = [1, 1]} : vector<16x128xf32> to vector<16x32xf32>
    %concatenate3A_27 = tpu.concatenate %slice3A_23, %slice3A_24, %slice3A_25, %slice3A_26 in 0 : vector<16x32xf32>, vector<16x32xf32>, vector<16x32xf32>, vector<16x32xf32> -> vector<64x32xf32>
    %iota3A = tpu.iota {dimensions = array<i32: 0>} : vector<64x16xi32>
    %jit3A = arith.constant 16 : i32
    %eq3A = arith.constant 0 : i32
    %eq3A_28 = arith.cmpi eq, %jit3A, %eq3A : i32
    %jit3A_29 = arith.constant 1 : i32
    %select_n3A = arith.select %eq3A_28, %jit3A_29, %jit3A : i32
    %rem3A = vector.broadcast %select_n3A : i32 to vector<64x16xi32>
    %rem3A_30 = arith.remsi %iota3A, %rem3A : vector<64x16xi32>
    %ne3A = arith.constant 0 : i32
    %ne3A_31 = vector.broadcast %ne3A : i32 to vector<64x16xi32>
    %ne3A_32 = arith.cmpi ne, %rem3A_30, %ne3A_31 : vector<64x16xi32>
    %lt3A = arith.constant 0 : i32
    %lt3A_33 = vector.broadcast %lt3A : i32 to vector<64x16xi32>
    %lt3A_34 = arith.cmpi slt, %rem3A_30, %lt3A_33 : vector<64x16xi32>
    %lt3A_35 = arith.constant 0 : i32
    %lt3A_36 = arith.cmpi slt, %select_n3A, %lt3A_35 : i32
    %ne3A_37 = vector.broadcast %lt3A_36 : i1 to vector<64x16xi1>
    %ne3A_38 = vector.broadcast %ne3A_37 : vector<64x16xi1> to vector<64x16xi1>
    %ne3A_39 = arith.xori %lt3A_34, %ne3A_38 : vector<64x16xi1>
    %and3A = arith.andi %ne3A_39, %ne3A_32 : vector<64x16xi1>
    %add3A = vector.broadcast %select_n3A : i32 to vector<64x16xi32>
    %add3A_40 = arith.addi %rem3A_30, %add3A : vector<64x16xi32>
    %select_n3A_41 = arith.select %and3A, %add3A_40, %rem3A_30 : vector<64x16xi1>, vector<64x16xi32>
    %jit3A_42 = arith.constant 8 : i32
    %div3A = vector.broadcast %jit3A_42 : i32 to vector<64x16xi32>
    %div3A_43 = arith.divsi %select_n3A_41, %div3A : vector<64x16xi32>
    %sign3A = arith.constant 0 : i32
    %sign3A_44 = vector.broadcast %sign3A : i32 to vector<64x16xi32>
    %sign3A_45 = arith.cmpi sgt, %select_n3A_41, %sign3A_44 : vector<64x16xi32>
    %sign3A_46 = arith.extui %sign3A_45 : vector<64x16xi1> to vector<64x16xi32>
    %sign3A_47 = arith.constant 0 : i32
    %sign3A_48 = vector.broadcast %sign3A_47 : i32 to vector<64x16xi32>
    %sign3A_49 = arith.cmpi slt, %select_n3A_41, %sign3A_48 : vector<64x16xi32>
    %sign3A_50 = arith.extui %sign3A_49 : vector<64x16xi1> to vector<64x16xi32>
    %sign3A_51 = arith.subi %sign3A_46, %sign3A_50 : vector<64x16xi32>
    %sign3A_52 = arith.constant 0 : i32
    %sign3A_53 = arith.cmpi sgt, %jit3A_42, %sign3A_52 : i32
    %sign3A_54 = arith.extui %sign3A_53 : i1 to i32
    %sign3A_55 = arith.constant 0 : i32
    %sign3A_56 = arith.cmpi slt, %jit3A_42, %sign3A_55 : i32
    %sign3A_57 = arith.extui %sign3A_56 : i1 to i32
    %sign3A_58 = arith.subi %sign3A_54, %sign3A_57 : i32
    %ne3A_59 = vector.broadcast %sign3A_58 : i32 to vector<64x16xi32>
    %ne3A_60 = arith.cmpi ne, %sign3A_51, %ne3A_59 : vector<64x16xi32>
    %rem3A_61 = vector.broadcast %jit3A_42 : i32 to vector<64x16xi32>
    %rem3A_62 = arith.remsi %select_n3A_41, %rem3A_61 : vector<64x16xi32>
    %ne3A_63 = arith.constant 0 : i32
    %ne3A_64 = vector.broadcast %ne3A_63 : i32 to vector<64x16xi32>
    %ne3A_65 = arith.cmpi ne, %rem3A_62, %ne3A_64 : vector<64x16xi32>
    %and3A_66 = arith.andi %ne3A_60, %ne3A_65 : vector<64x16xi1>
    %sub3A = arith.constant 1 : i32
    %sub3A_67 = vector.broadcast %sub3A : i32 to vector<64x16xi32>
    %sub3A_68 = arith.subi %div3A_43, %sub3A_67 : vector<64x16xi32>
    %select_n3A_69 = arith.select %and3A_66, %sub3A_68, %div3A_43 : vector<64x16xi1>, vector<64x16xi32>
    %iota3A_70 = tpu.iota {dimensions = array<i32: 1>} : vector<64x16xi32>
    %eq3A_71 = arith.cmpi eq, %select_n3A_69, %iota3A_70 : vector<64x16xi32>
    %convert_element_type3A_72 = arith.extui %eq3A_71 : vector<64x16xi1> to vector<64x16xi32>
    %convert_element_type3A_73 = arith.sitofp %convert_element_type3A_72 : vector<64x16xi32> to vector<64x16xf32>
    %dot_general3A = arith.constant dense<0.000000e+00> : vector<1x64xf32>
    %dot_general3A_74 = tpu.matmul %convert_element_type3A, %convert_element_type3A_73, %dot_general3A {dimension_numbers = #tpu.dot_dimension_numbers<[1], [1], [0], [0], [0, 0, 1, 0], [], []>, transpose_lhs_hint = false} : vector<1x16xf32>, vector<64x16xf32>, vector<1x64xf32> -> vector<1x64xf32>
    %iota3A_75 = tpu.iota {dimensions = array<i32: 0>} : vector<2048x1xi32>
    %jit3A_76 = arith.constant 32 : i32
    %div3A_77 = vector.broadcast %jit3A_76 : i32 to vector<2048x1xi32>
    %div3A_78 = arith.divsi %iota3A_75, %div3A_77 : vector<2048x1xi32>
    %sign3A_79 = arith.constant 0 : i32
    %sign3A_80 = vector.broadcast %sign3A_79 : i32 to vector<2048x1xi32>
    %sign3A_81 = arith.cmpi sgt, %iota3A_75, %sign3A_80 : vector<2048x1xi32>
    %sign3A_82 = arith.extui %sign3A_81 : vector<2048x1xi1> to vector<2048x1xi32>
    %sign3A_83 = arith.constant 0 : i32
    %sign3A_84 = vector.broadcast %sign3A_83 : i32 to vector<2048x1xi32>
    %sign3A_85 = arith.cmpi slt, %iota3A_75, %sign3A_84 : vector<2048x1xi32>
    %sign3A_86 = arith.extui %sign3A_85 : vector<2048x1xi1> to vector<2048x1xi32>
    %sign3A_87 = arith.subi %sign3A_82, %sign3A_86 : vector<2048x1xi32>
    %sign3A_88 = arith.constant 0 : i32
    %sign3A_89 = arith.cmpi sgt, %jit3A_76, %sign3A_88 : i32
    %sign3A_90 = arith.extui %sign3A_89 : i1 to i32
    %sign3A_91 = arith.constant 0 : i32
    %sign3A_92 = arith.cmpi slt, %jit3A_76, %sign3A_91 : i32
    %sign3A_93 = arith.extui %sign3A_92 : i1 to i32
    %sign3A_94 = arith.subi %sign3A_90, %sign3A_93 : i32
    %ne3A_95 = vector.broadcast %sign3A_94 : i32 to vector<2048x1xi32>
    %ne3A_96 = arith.cmpi ne, %sign3A_87, %ne3A_95 : vector<2048x1xi32>
    %rem3A_97 = vector.broadcast %jit3A_76 : i32 to vector<2048x1xi32>
    %rem3A_98 = arith.remsi %iota3A_75, %rem3A_97 : vector<2048x1xi32>
    %ne3A_99 = arith.constant 0 : i32
    %ne3A_100 = vector.broadcast %ne3A_99 : i32 to vector<2048x1xi32>
    %ne3A_101 = arith.cmpi ne, %rem3A_98, %ne3A_100 : vector<2048x1xi32>
    %and3A_102 = arith.andi %ne3A_96, %ne3A_101 : vector<2048x1xi1>
    %sub3A_103 = arith.constant 1 : i32
    %sub3A_104 = vector.broadcast %sub3A_103 : i32 to vector<2048x1xi32>
    %sub3A_105 = arith.subi %div3A_78, %sub3A_104 : vector<2048x1xi32>
    %select_n3A_106 = arith.select %and3A_102, %sub3A_105, %div3A_78 : vector<2048x1xi1>, vector<2048x1xi32>
    %convert_element_type3A_107 = arith.sitofp %select_n3A_106 : vector<2048x1xi32> to vector<2048x1xf32>
    %le3A = vector.broadcast %dot_general3A_74 : vector<1x64xf32> to vector<2048x64xf32>
    %le3A_108 = vector.broadcast %convert_element_type3A_107 : vector<2048x1xf32> to vector<2048x64xf32>
    %le3A_109 = arith.cmpf ole, %le3A, %le3A_108 : vector<2048x64xf32>
    %jit3A_110 = arith.constant 0.000000e+00 : f32
    %jit3A_111 = arith.constant -1.000000e+30 : f32
    %broadcast_in_dim3A = vector.broadcast %jit3A_110 : f32 to vector<2048x64xf32>
    %broadcast_in_dim3A_112 = vector.broadcast %jit3A_111 : f32 to vector<2048x64xf32>
    %select_n3A_113 = arith.select %le3A_109, %broadcast_in_dim3A, %broadcast_in_dim3A_112 : vector<2048x64xi1>, vector<2048x64xf32>
    %dot_general3A_114 = arith.constant dense<0.000000e+00> : vector<2048x64xf32>
    %dot_general3A_115 = tpu.matmul %slice3A, %concatenate3A, %dot_general3A_114 {dimension_numbers = #tpu.dot_dimension_numbers<[1], [1], [0], [0], [0, 0, 1, 0], [], []>, transpose_lhs_hint = false} : vector<2048x32xf32>, vector<64x32xf32>, vector<2048x64xf32> -> vector<2048x64xf32>
    %div3A_116 = arith.constant 5.65685415 : f32
    %div3A_117 = vector.broadcast %div3A_116 : f32 to vector<2048x64xf32>
    %div3A_118 = arith.divf %dot_general3A_115, %div3A_117 : vector<2048x64xf32>
    %add3A_119 = arith.addf %div3A_118, %select_n3A_113 : vector<2048x64xf32>
    %reduce_max3A = arith.constant dense<0xFF800000> : vector<2048xf32>
    %reduce_max3A_120 = vector.multi_reduction <maximumf>, %add3A_119, %reduce_max3A [1] : vector<2048x64xf32> to vector<2048xf32>
    %broadcast_in_dim3A_121 = vector.shape_cast %reduce_max3A_120 : vector<2048xf32> to vector<2048x1xf32>
    %sub3A_122 = vector.broadcast %broadcast_in_dim3A_121 : vector<2048x1xf32> to vector<2048x64xf32>
    %sub3A_123 = arith.subf %add3A_119, %sub3A_122 : vector<2048x64xf32>
    %exp3A = math.exp %sub3A_123 : vector<2048x64xf32>
    %reduce_sum3A = arith.constant dense<0.000000e+00> : vector<2048xf32>
    %reduce_sum3A_124 = vector.multi_reduction <add>, %exp3A, %reduce_sum3A [1] : vector<2048x64xf32> to vector<2048xf32>
    %broadcast_in_dim3A_125 = vector.shape_cast %reduce_sum3A_124 : vector<2048xf32> to vector<2048x1xf32>
    %div3A_126 = vector.broadcast %broadcast_in_dim3A_125 : vector<2048x1xf32> to vector<2048x64xf32>
    %div3A_127 = arith.divf %exp3A, %div3A_126 : vector<2048x64xf32>
    %dot_general3A_128 = arith.constant dense<0.000000e+00> : vector<2048x32xf32>
    %dot_general3A_129 = tpu.matmul %div3A_127, %concatenate3A_27, %dot_general3A_128 {dimension_numbers = #tpu.dot_dimension_numbers<[1], [0], [0], [1], [0, 0, 1, 1], [], []>, transpose_lhs_hint = false} : vector<2048x64xf32>, vector<64x32xf32>, vector<2048x32xf32> -> vector<2048x32xf32>
    %swap3A = arith.constant 0 : index
    %swap3A_130 = arith.constant 0 : index
    %swap3A_131 = arith.constant 0 : index
    %swap3A_132 = vector.load %arg8[%swap3A, %swap3A_130, %swap3A_131] : memref<1x2048x32xf32, #tpu.memory_space<vmem>>, vector<1x2048x32xf32>
    %swap3A_133 = vector.shape_cast %swap3A_132 : vector<1x2048x32xf32> to vector<2048x32xf32>
    %swap3A_134 = vector.shape_cast %dot_general3A_129 : vector<2048x32xf32> to vector<1x2048x32xf32>
    tpu.vector_store %arg8[%swap3A, %swap3A_130, %swap3A_131], %swap3A_134 {strides = array<i32>} : memref<1x2048x32xf32, #tpu.memory_space<vmem>>, vector<1x2048x32xf32>,
    %get3A_135 = arith.constant 0 : index
    %get3A_136 = arith.constant 0 : index
    %get3A_137 = arith.constant 0 : index
    %get3A_138 = vector.load %arg4[%get3A_135, %get3A_136, %get3A_137] : memref<1x16x128xf32, #tpu.memory_space<vmem>>, vector<1x16x128xf32>
    %get3A_139 = vector.shape_cast %get3A_138 : vector<1x16x128xf32> to vector<16x128xf32>
    %get3A_140 = arith.constant 0 : index
    %get3A_141 = arith.constant 0 : index
    %get3A_142 = arith.constant 0 : index
    %get3A_143 = vector.load %arg5[%get3A_140, %get3A_141, %get3A_142] : memref<1x16x128xf32, #tpu.memory_space<vmem>>, vector<1x16x128xf32>
    %get3A_144 = vector.shape_cast %get3A_143 : vector<1x16x128xf32> to vector<16x128xf32>
    %get3A_145 = arith.constant 0 : index
    %get3A_146 = arith.constant 0 : index
    %get3A_147 = arith.constant 0 : index
    %get3A_148 = vector.load %arg7[%get3A_145, %get3A_146, %get3A_147] : memref<1x1x16xi32, #tpu.memory_space<vmem>>, vector<1x1x16xi32>
    %get3A_149 = vector.shape_cast %get3A_148 : vector<1x1x16xi32> to vector<1x16xi32>
    %convert_element_type3A_150 = arith.sitofp %get3A_149 : vector<1x16xi32> to vector<1x16xf32>
    %slice3A_151 = vector.extract_strided_slice %get3A_139 {offsets = [0, 0], sizes = [16, 32], strides = [1, 1]} : vector<16x128xf32> to vector<16x32xf32>
    %slice3A_152 = vector.extract_strided_slice %get3A_139 {offsets = [0, 32], sizes = [16, 32], strides = [1, 1]} : vector<16x128xf32> to vector<16x32xf32>
    %slice3A_153 = vector.extract_strided_slice %get3A_139 {offsets = [0, 64], sizes = [16, 32], strides = [1, 1]} : vector<16x128xf32> to vector<16x32xf32>
    %slice3A_154 = vector.extract_strided_slice %get3A_139 {offsets = [0, 96], sizes = [16, 32], strides = [1, 1]} : vector<16x128xf32> to vector<16x32xf32>
    %concatenate3A_155 = tpu.concatenate %slice3A_151, %slice3A_152, %slice3A_153, %slice3A_154 in 0 : vector<16x32xf32>, vector<16x32xf32>, vector<16x32xf32>, vector<16x32xf32> -> vector<64x32xf32>
    %slice3A_156 = vector.extract_strided_slice %get3A_144 {offsets = [0, 0], sizes = [16, 32], strides = [1, 1]} : vector<16x128xf32> to vector<16x32xf32>
    %slice3A_157 = vector.extract_strided_slice %get3A_144 {offsets = [0, 32], sizes = [16, 32], strides = [1, 1]} : vector<16x128xf32> to vector<16x32xf32>
    %slice3A_158 = vector.extract_strided_slice %get3A_144 {offsets = [0, 64], sizes = [16, 32], strides = [1, 1]} : vector<16x128xf32> to vector<16x32xf32>
    %slice3A_159 = vector.extract_strided_slice %get3A_144 {offsets = [0, 96], sizes = [16, 32], strides = [1, 1]} : vector<16x128xf32> to vector<16x32xf32>
    %concatenate3A_160 = tpu.concatenate %slice3A_156, %slice3A_157, %slice3A_158, %slice3A_159 in 0 : vector<16x32xf32>, vector<16x32xf32>, vector<16x32xf32>, vector<16x32xf32> -> vector<64x32xf32>
    %iota3A_161 = tpu.iota {dimensions = array<i32: 0>} : vector<64x16xi32>
    %jit3A_162 = arith.constant 16 : i32
    %eq3A_163 = arith.constant 0 : i32
    %eq3A_164 = arith.cmpi eq, %jit3A_162, %eq3A_163 : i32
    %jit3A_165 = arith.constant 1 : i32
    %select_n3A_166 = arith.select %eq3A_164, %jit3A_165, %jit3A_162 : i32
    %rem3A_167 = vector.broadcast %select_n3A_166 : i32 to vector<64x16xi32>
    %rem3A_168 = arith.remsi %iota3A_161, %rem3A_167 : vector<64x16xi32>
    %ne3A_169 = arith.constant 0 : i32
    %ne3A_170 = vector.broadcast %ne3A_169 : i32 to vector<64x16xi32>
    %ne3A_171 = arith.cmpi ne, %rem3A_168, %ne3A_170 : vector<64x16xi32>
    %lt3A_172 = arith.constant 0 : i32
    %lt3A_173 = vector.broadcast %lt3A_172 : i32 to vector<64x16xi32>
    %lt3A_174 = arith.cmpi slt, %rem3A_168, %lt3A_173 : vector<64x16xi32>
    %lt3A_175 = arith.constant 0 : i32
    %lt3A_176 = arith.cmpi slt, %select_n3A_166, %lt3A_175 : i32
    %ne3A_177 = vector.broadcast %lt3A_176 : i1 to vector<64x16xi1>
    %ne3A_178 = vector.broadcast %ne3A_177 : vector<64x16xi1> to vector<64x16xi1>
    %ne3A_179 = arith.xori %lt3A_174, %ne3A_178 : vector<64x16xi1>
    %and3A_180 = arith.andi %ne3A_179, %ne3A_171 : vector<64x16xi1>
    %add3A_181 = vector.broadcast %select_n3A_166 : i32 to vector<64x16xi32>
    %add3A_182 = arith.addi %rem3A_168, %add3A_181 : vector<64x16xi32>
    %select_n3A_183 = arith.select %and3A_180, %add3A_182, %rem3A_168 : vector<64x16xi1>, vector<64x16xi32>
    %jit3A_184 = arith.constant 2 : i32
    %div3A_185 = vector.broadcast %jit3A_184 : i32 to vector<64x16xi32>
    %div3A_186 = arith.divsi %select_n3A_183, %div3A_185 : vector<64x16xi32>
    %sign3A_187 = arith.constant 0 : i32
    %sign3A_188 = vector.broadcast %sign3A_187 : i32 to vector<64x16xi32>
    %sign3A_189 = arith.cmpi sgt, %select_n3A_183, %sign3A_188 : vector<64x16xi32>
    %sign3A_190 = arith.extui %sign3A_189 : vector<64x16xi1> to vector<64x16xi32>
    %sign3A_191 = arith.constant 0 : i32
    %sign3A_192 = vector.broadcast %sign3A_191 : i32 to vector<64x16xi32>
    %sign3A_193 = arith.cmpi slt, %select_n3A_183, %sign3A_192 : vector<64x16xi32>
    %sign3A_194 = arith.extui %sign3A_193 : vector<64x16xi1> to vector<64x16xi32>
    %sign3A_195 = arith.subi %sign3A_190, %sign3A_194 : vector<64x16xi32>
    %sign3A_196 = arith.constant 0 : i32
    %sign3A_197 = arith.cmpi sgt, %jit3A_184, %sign3A_196 : i32
    %sign3A_198 = arith.extui %sign3A_197 : i1 to i32
    %sign3A_199 = arith.constant 0 : i32
    %sign3A_200 = arith.cmpi slt, %jit3A_184, %sign3A_199 : i32
    %sign3A_201 = arith.extui %sign3A_200 : i1 to i32
    %sign3A_202 = arith.subi %sign3A_198, %sign3A_201 : i32
    %ne3A_203 = vector.broadcast %sign3A_202 : i32 to vector<64x16xi32>
    %ne3A_204 = arith.cmpi ne, %sign3A_195, %ne3A_203 : vector<64x16xi32>
    %rem3A_205 = vector.broadcast %jit3A_184 : i32 to vector<64x16xi32>
    %rem3A_206 = arith.remsi %select_n3A_183, %rem3A_205 : vector<64x16xi32>
    %ne3A_207 = arith.constant 0 : i32
    %ne3A_208 = vector.broadcast %ne3A_207 : i32 to vector<64x16xi32>
    %ne3A_209 = arith.cmpi ne, %rem3A_206, %ne3A_208 : vector<64x16xi32>
    %and3A_210 = arith.andi %ne3A_204, %ne3A_209 : vector<64x16xi1>
    %sub3A_211 = arith.constant 1 : i32
    %sub3A_212 = vector.broadcast %sub3A_211 : i32 to vector<64x16xi32>
    %sub3A_213 = arith.subi %div3A_186, %sub3A_212 : vector<64x16xi32>
    %select_n3A_214 = arith.select %and3A_210, %sub3A_213, %div3A_186 : vector<64x16xi1>, vector<64x16xi32>
    %iota3A_215 = tpu.iota {dimensions = array<i32: 1>} : vector<64x16xi32>
    %eq3A_216 = arith.cmpi eq, %select_n3A_214, %iota3A_215 : vector<64x16xi32>
    %convert_element_type3A_217 = arith.extui %eq3A_216 : vector<64x16xi1> to vector<64x16xi32>
    %convert_element_type3A_218 = arith.sitofp %convert_element_type3A_217 : vector<64x16xi32> to vector<64x16xf32>
    %dot_general3A_219 = arith.constant dense<0.000000e+00> : vector<1x64xf32>
    %dot_general3A_220 = tpu.matmul %convert_element_type3A_150, %convert_element_type3A_218, %dot_general3A_219 {dimension_numbers = #tpu.dot_dimension_numbers<[1], [1], [0], [0], [0, 0, 1, 0], [], []>, transpose_lhs_hint = false} : vector<1x16xf32>, vector<64x16xf32>, vector<1x64xf32> -> vector<1x64xf32>
    %iota3A_221 = tpu.iota {dimensions = array<i32: 0>} : vector<2048x1xi32>
    %jit3A_222 = arith.constant 8 : i32
    %div3A_223 = vector.broadcast %jit3A_222 : i32 to vector<2048x1xi32>
    %div3A_224 = arith.divsi %iota3A_221, %div3A_223 : vector<2048x1xi32>
    %sign3A_225 = arith.constant 0 : i32
    %sign3A_226 = vector.broadcast %sign3A_225 : i32 to vector<2048x1xi32>
    %sign3A_227 = arith.cmpi sgt, %iota3A_221, %sign3A_226 : vector<2048x1xi32>
    %sign3A_228 = arith.extui %sign3A_227 : vector<2048x1xi1> to vector<2048x1xi32>
    %sign3A_229 = arith.constant 0 : i32
    %sign3A_230 = vector.broadcast %sign3A_229 : i32 to vector<2048x1xi32>
    %sign3A_231 = arith.cmpi slt, %iota3A_221, %sign3A_230 : vector<2048x1xi32>
    %sign3A_232 = arith.extui %sign3A_231 : vector<2048x1xi1> to vector<2048x1xi32>
    %sign3A_233 = arith.subi %sign3A_228, %sign3A_232 : vector<2048x1xi32>
    %sign3A_234 = arith.constant 0 : i32
    %sign3A_235 = arith.cmpi sgt, %jit3A_222, %sign3A_234 : i32
    %sign3A_236 = arith.extui %sign3A_235 : i1 to i32
    %sign3A_237 = arith.constant 0 : i32
    %sign3A_238 = arith.cmpi slt, %jit3A_222, %sign3A_237 : i32
    %sign3A_239 = arith.extui %sign3A_238 : i1 to i32
    %sign3A_240 = arith.subi %sign3A_236, %sign3A_239 : i32
    %ne3A_241 = vector.broadcast %sign3A_240 : i32 to vector<2048x1xi32>
    %ne3A_242 = arith.cmpi ne, %sign3A_233, %ne3A_241 : vector<2048x1xi32>
    %rem3A_243 = vector.broadcast %jit3A_222 : i32 to vector<2048x1xi32>
    %rem3A_244 = arith.remsi %iota3A_221, %rem3A_243 : vector<2048x1xi32>
    %ne3A_245 = arith.constant 0 : i32
    %ne3A_246 = vector.broadcast %ne3A_245 : i32 to vector<2048x1xi32>
    %ne3A_247 = arith.cmpi ne, %rem3A_244, %ne3A_246 : vector<2048x1xi32>
    %and3A_248 = arith.andi %ne3A_242, %ne3A_247 : vector<2048x1xi1>
    %sub3A_249 = arith.constant 1 : i32
    %sub3A_250 = vector.broadcast %sub3A_249 : i32 to vector<2048x1xi32>
    %sub3A_251 = arith.subi %div3A_224, %sub3A_250 : vector<2048x1xi32>
    %select_n3A_252 = arith.select %and3A_248, %sub3A_251, %div3A_224 : vector<2048x1xi1>, vector<2048x1xi32>
    %convert_element_type3A_253 = arith.sitofp %select_n3A_252 : vector<2048x1xi32> to vector<2048x1xf32>
    %le3A_254 = vector.broadcast %dot_general3A_220 : vector<1x64xf32> to vector<2048x64xf32>
    %le3A_255 = vector.broadcast %convert_element_type3A_253 : vector<2048x1xf32> to vector<2048x64xf32>
    %le3A_256 = arith.cmpf ole, %le3A_254, %le3A_255 : vector<2048x64xf32>
    %jit3A_257 = arith.constant 0.000000e+00 : f32
    %jit3A_258 = arith.constant -1.000000e+30 : f32
    %broadcast_in_dim3A_259 = vector.broadcast %jit3A_257 : f32 to vector<2048x64xf32>
    %broadcast_in_dim3A_260 = vector.broadcast %jit3A_258 : f32 to vector<2048x64xf32>
    %select_n3A_261 = arith.select %le3A_256, %broadcast_in_dim3A_259, %broadcast_in_dim3A_260 : vector<2048x64xi1>, vector<2048x64xf32>
    %dot_general3A_262 = arith.constant dense<0.000000e+00> : vector<2048x64xf32>
    %dot_general3A_263 = tpu.matmul %slice3A, %concatenate3A_155, %dot_general3A_262 {dimension_numbers = #tpu.dot_dimension_numbers<[1], [1], [0], [0], [0, 0, 1, 0], [], []>, transpose_lhs_hint = false} : vector<2048x32xf32>, vector<64x32xf32>, vector<2048x64xf32> -> vector<2048x64xf32>
    %div3A_264 = arith.constant 5.65685415 : f32
    %div3A_265 = vector.broadcast %div3A_264 : f32 to vector<2048x64xf32>
    %div3A_266 = arith.divf %dot_general3A_263, %div3A_265 : vector<2048x64xf32>
    %add3A_267 = arith.addf %div3A_266, %select_n3A_261 : vector<2048x64xf32>
    %reduce_max3A_268 = arith.constant dense<0xFF800000> : vector<2048xf32>
    %reduce_max3A_269 = vector.multi_reduction <maximumf>, %add3A_267, %reduce_max3A_268 [1] : vector<2048x64xf32> to vector<2048xf32>
    %broadcast_in_dim3A_270 = vector.shape_cast %reduce_max3A_269 : vector<2048xf32> to vector<2048x1xf32>
    %sub3A_271 = vector.broadcast %broadcast_in_dim3A_270 : vector<2048x1xf32> to vector<2048x64xf32>
    %sub3A_272 = arith.subf %add3A_267, %sub3A_271 : vector<2048x64xf32>
    %exp3A_273 = math.exp %sub3A_272 : vector<2048x64xf32>
    %reduce_sum3A_274 = arith.constant dense<0.000000e+00> : vector<2048xf32>
    %reduce_sum3A_275 = vector.multi_reduction <add>, %exp3A_273, %reduce_sum3A_274 [1] : vector<2048x64xf32> to vector<2048xf32>
    %broadcast_in_dim3A_276 = vector.shape_cast %reduce_sum3A_275 : vector<2048xf32> to vector<2048x1xf32>
    %div3A_277 = vector.broadcast %broadcast_in_dim3A_276 : vector<2048x1xf32> to vector<2048x64xf32>
    %div3A_278 = arith.divf %exp3A_273, %div3A_277 : vector<2048x64xf32>
    %dot_general3A_279 = arith.constant dense<0.000000e+00> : vector<2048x32xf32>
    %dot_general3A_280 = tpu.matmul %div3A_278, %concatenate3A_160, %dot_general3A_279 {dimension_numbers = #tpu.dot_dimension_numbers<[1], [0], [0], [1], [0, 0, 1, 1], [], []>, transpose_lhs_hint = false} : vector<2048x64xf32>, vector<64x32xf32>, vector<2048x32xf32> -> vector<2048x32xf32>
    %swap3A_281 = arith.constant 0 : index
    %swap3A_282 = arith.constant 0 : index
    %swap3A_283 = arith.constant 0 : index
    %swap3A_284 = vector.load %arg9[%swap3A_281, %swap3A_282, %swap3A_283] : memref<1x2048x32xf32, #tpu.memory_space<vmem>>, vector<1x2048x32xf32>
    %swap3A_285 = vector.shape_cast %swap3A_284 : vector<1x2048x32xf32> to vector<2048x32xf32>
    %swap3A_286 = vector.shape_cast %dot_general3A_280 : vector<2048x32xf32> to vector<1x2048x32xf32>
    tpu.vector_store %arg9[%swap3A_281, %swap3A_282, %swap3A_283], %swap3A_286 {strides = array<i32>} : memref<1x2048x32xf32, #tpu.memory_space<vmem>>, vector<1x2048x32xf32>,
    return
  }
  func.func @transform_0(%arg0: i32) -> (i32, i32, i32) {
    %c0_i32 = arith.constant 0 : i32
    %c0_i32_0 = arith.constant 0 : i32
    %c0_i32_1 = arith.constant 0 : i32
    return %arg0, %c0_i32, %c0_i32_0 : i32, i32, i32
  }
  func.func @transform_1(%arg0: i32) -> (i32, i32, i32) {
    %c0_i32 = arith.constant 0 : i32
    %c0_i32_0 = arith.constant 0 : i32
    %c0_i32_1 = arith.constant 0 : i32
    return %arg0, %c0_i32, %c0_i32_0 : i32, i32, i32
  }
  func.func @transform_2(%arg0: i32) -> (i32, i32, i32) {
    %c0_i32 = arith.constant 0 : i32
    %c0_i32_0 = arith.constant 0 : i32
    %c0_i32_1 = arith.constant 0 : i32
    return %arg0, %c0_i32, %c0_i32_0 : i32, i32, i32
  }
  func.func @transform_3(%arg0: i32) -> (i32, i32, i32) {
    %c0_i32 = arith.constant 0 : i32
    %c0_i32_0 = arith.constant 0 : i32
    %c0_i32_1 = arith.constant 0 : i32
    return %arg0, %c0_i32, %c0_i32_0 : i32, i32, i32
  }
  func.func @transform_4(%arg0: i32) -> (i32, i32, i32) {
    %c0_i32 = arith.constant 0 : i32
    %c0_i32_0 = arith.constant 0 : i32
    %c0_i32_1 = arith.constant 0 : i32
    return %arg0, %c0_i32, %c0_i32_0 : i32, i32, i32
  }
  func.func @transform_5(%arg0: i32) -> (i32, i32, i32) {
    %c0_i32 = arith.constant 0 : i32
    %c0_i32_0 = arith.constant 0 : i32
    %c0_i32_1 = arith.constant 0 : i32
    return %arg0, %c0_i32, %c0_i32_0 : i32, i32, i32
  }
  func.func @transform_6(%arg0: i32) -> (i32, i32, i32) {
    %c0_i32 = arith.constant 0 : i32
    %c0_i32_0 = arith.constant 0 : i32
    %c0_i32_1 = arith.constant 0 : i32
    return %arg0, %c0_i32, %c0_i32_0 : i32, i32, i32
  }
  func.func @transform_7(%arg0: i32) -> (i32, i32, i32) {
    %c0_i32 = arith.constant 0 : i32
    %c0_i32_0 = arith.constant 0 : i32
    %c0_i32_1 = arith.constant 0 : i32
    return %arg0, %c0_i32, %c0_i32_0 : i32, i32, i32
  }
  func.func @transform_8(%arg0: i32) -> (i32, i32, i32) {
    %c0_i32 = arith.constant 0 : i32
    %c0_i32_0 = arith.constant 0 : i32
    %c0_i32_1 = arith.constant 0 : i32
    return %arg0, %c0_i32, %c0_i32_0 : i32, i32, i32
  }
}

module attributes {stable_mosaic.version = 14 : i64} {
  func.func @_merge_kernel(%arg0: i32, %arg1: memref<16x256x32xf32, #tpu.memory_space<vmem>>, %arg2: memref<16x256x32xf32, #tpu.memory_space<vmem>>, %arg3: memref<16x256x32xf32, #tpu.memory_space<vmem>>, %arg4: memref<16x256x32xf32, #tpu.memory_space<vmem>>, %arg5: memref<16x256x64xf32, #tpu.memory_space<vmem>>, %arg6: memref<256x48xf32, #tpu.memory_space<vmem>>, %arg7: memref<1x1024xf32, #tpu.memory_space<vmem>>, %arg8: memref<1x1024xf32, #tpu.memory_space<vmem>>, %arg9: memref<1024x1024xf32, #tpu.memory_space<vmem>>, %arg10: memref<256x1024xf32, #tpu.memory_space<vmem>>) attributes {dimension_semantics = [#tpu.dimension_semantics<arbitrary>], iteration_bounds = array<i64: 8>, scalar_prefetch = 0 : i64, scratch_operands = 0 : i64, tpu.core_type = #tpu.core_type<tc>, window_params = [{transform_indices = @transform_0, window_bounds = array<i64: 16, 256, 32>}, {transform_indices = @transform_1, window_bounds = array<i64: 16, 256, 32>}, {transform_indices = @transform_2, window_bounds = array<i64: 16, 256, 32>}, {transform_indices = @transform_3, window_bounds = array<i64: 16, 256, 32>}, {transform_indices = @transform_4, window_bounds = array<i64: 16, 256, 64>}, {transform_indices = @transform_5, window_bounds = array<i64: 256, 48>}, {pipeline_mode = #tpu.pipeline_mode<synchronous>, transform_indices = @transform_6, window_bounds = array<i64: 1, 1024>}, {pipeline_mode = #tpu.pipeline_mode<synchronous>, transform_indices = @transform_7, window_bounds = array<i64: 1, 1024>}, {pipeline_mode = #tpu.pipeline_mode<synchronous>, transform_indices = @transform_8, window_bounds = array<i64: 1024, 1024>}, {transform_indices = @transform_9, window_bounds = array<i64: 256, 1024>}]} {
    %get3A = arith.constant 0 : index
    %get3A_0 = arith.constant 0 : index
    %get3A_1 = vector.load %arg6[%get3A, %get3A_0] : memref<256x48xf32, #tpu.memory_space<vmem>>, vector<256x48xf32>
    %slice3A = vector.extract_strided_slice %get3A_1 {offsets = [0, 0], sizes = [256, 1], strides = [1, 1]} : vector<256x48xf32> to vector<256x1xf32>
    %slice3A_2 = vector.extract_strided_slice %get3A_1 {offsets = [0, 1], sizes = [256, 1], strides = [1, 1]} : vector<256x48xf32> to vector<256x1xf32>
    %slice3A_3 = vector.extract_strided_slice %get3A_1 {offsets = [0, 2], sizes = [256, 1], strides = [1, 1]} : vector<256x48xf32> to vector<256x1xf32>
    %get3A_4 = arith.constant 0 : index
    %get3A_5 = arith.constant 0 : index
    %get3A_6 = arith.constant 0 : index
    %get3A_7 = vector.load %arg1[%get3A_4, %get3A_5, %get3A_6] : memref<16x256x32xf32, #tpu.memory_space<vmem>>, vector<1x256x32xf32>
    %get3A_8 = vector.shape_cast %get3A_7 : vector<1x256x32xf32> to vector<256x32xf32>
    %get3A_9 = arith.constant 0 : index
    %get3A_10 = arith.constant 0 : index
    %get3A_11 = arith.constant 0 : index
    %get3A_12 = vector.load %arg2[%get3A_9, %get3A_10, %get3A_11] : memref<16x256x32xf32, #tpu.memory_space<vmem>>, vector<1x256x32xf32>
    %get3A_13 = vector.shape_cast %get3A_12 : vector<1x256x32xf32> to vector<256x32xf32>
    %concatenate3A = tpu.concatenate %get3A_8, %get3A_13 in 1 : vector<256x32xf32>, vector<256x32xf32> -> vector<256x64xf32>
    %get3A_14 = arith.constant 0 : index
    %get3A_15 = arith.constant 0 : index
    %get3A_16 = arith.constant 0 : index
    %get3A_17 = vector.load %arg3[%get3A_14, %get3A_15, %get3A_16] : memref<16x256x32xf32, #tpu.memory_space<vmem>>, vector<1x256x32xf32>
    %get3A_18 = vector.shape_cast %get3A_17 : vector<1x256x32xf32> to vector<256x32xf32>
    %get3A_19 = arith.constant 0 : index
    %get3A_20 = arith.constant 0 : index
    %get3A_21 = arith.constant 0 : index
    %get3A_22 = vector.load %arg4[%get3A_19, %get3A_20, %get3A_21] : memref<16x256x32xf32, #tpu.memory_space<vmem>>, vector<1x256x32xf32>
    %get3A_23 = vector.shape_cast %get3A_22 : vector<1x256x32xf32> to vector<256x32xf32>
    %concatenate3A_24 = tpu.concatenate %get3A_18, %get3A_23 in 1 : vector<256x32xf32>, vector<256x32xf32> -> vector<256x64xf32>
    %mul3A = vector.broadcast %slice3A : vector<256x1xf32> to vector<256x64xf32>
    %mul3A_25 = arith.mulf %mul3A, %concatenate3A : vector<256x64xf32>
    %mul3A_26 = vector.broadcast %slice3A_2 : vector<256x1xf32> to vector<256x64xf32>
    %mul3A_27 = arith.mulf %mul3A_26, %concatenate3A_24 : vector<256x64xf32>
    %add3A = arith.addf %mul3A_25, %mul3A_27 : vector<256x64xf32>
    %get3A_28 = arith.constant 0 : index
    %get3A_29 = arith.constant 0 : index
    %get3A_30 = arith.constant 0 : index
    %get3A_31 = vector.load %arg5[%get3A_28, %get3A_29, %get3A_30] : memref<16x256x64xf32, #tpu.memory_space<vmem>>, vector<1x256x64xf32>
    %get3A_32 = vector.shape_cast %get3A_31 : vector<1x256x64xf32> to vector<256x64xf32>
    %mul3A_33 = vector.broadcast %slice3A_3 : vector<256x1xf32> to vector<256x64xf32>
    %mul3A_34 = arith.mulf %mul3A_33, %get3A_32 : vector<256x64xf32>
    %add3A_35 = arith.addf %add3A, %mul3A_34 : vector<256x64xf32>
    %slice3A_36 = vector.extract_strided_slice %get3A_1 {offsets = [0, 3], sizes = [256, 1], strides = [1, 1]} : vector<256x48xf32> to vector<256x1xf32>
    %slice3A_37 = vector.extract_strided_slice %get3A_1 {offsets = [0, 4], sizes = [256, 1], strides = [1, 1]} : vector<256x48xf32> to vector<256x1xf32>
    %slice3A_38 = vector.extract_strided_slice %get3A_1 {offsets = [0, 5], sizes = [256, 1], strides = [1, 1]} : vector<256x48xf32> to vector<256x1xf32>
    %get3A_39 = arith.constant 1 : index
    %get3A_40 = arith.constant 0 : index
    %get3A_41 = arith.constant 0 : index
    %get3A_42 = vector.load %arg1[%get3A_39, %get3A_40, %get3A_41] : memref<16x256x32xf32, #tpu.memory_space<vmem>>, vector<1x256x32xf32>
    %get3A_43 = vector.shape_cast %get3A_42 : vector<1x256x32xf32> to vector<256x32xf32>
    %get3A_44 = arith.constant 1 : index
    %get3A_45 = arith.constant 0 : index
    %get3A_46 = arith.constant 0 : index
    %get3A_47 = vector.load %arg2[%get3A_44, %get3A_45, %get3A_46] : memref<16x256x32xf32, #tpu.memory_space<vmem>>, vector<1x256x32xf32>
    %get3A_48 = vector.shape_cast %get3A_47 : vector<1x256x32xf32> to vector<256x32xf32>
    %concatenate3A_49 = tpu.concatenate %get3A_43, %get3A_48 in 1 : vector<256x32xf32>, vector<256x32xf32> -> vector<256x64xf32>
    %get3A_50 = arith.constant 1 : index
    %get3A_51 = arith.constant 0 : index
    %get3A_52 = arith.constant 0 : index
    %get3A_53 = vector.load %arg3[%get3A_50, %get3A_51, %get3A_52] : memref<16x256x32xf32, #tpu.memory_space<vmem>>, vector<1x256x32xf32>
    %get3A_54 = vector.shape_cast %get3A_53 : vector<1x256x32xf32> to vector<256x32xf32>
    %get3A_55 = arith.constant 1 : index
    %get3A_56 = arith.constant 0 : index
    %get3A_57 = arith.constant 0 : index
    %get3A_58 = vector.load %arg4[%get3A_55, %get3A_56, %get3A_57] : memref<16x256x32xf32, #tpu.memory_space<vmem>>, vector<1x256x32xf32>
    %get3A_59 = vector.shape_cast %get3A_58 : vector<1x256x32xf32> to vector<256x32xf32>
    %concatenate3A_60 = tpu.concatenate %get3A_54, %get3A_59 in 1 : vector<256x32xf32>, vector<256x32xf32> -> vector<256x64xf32>
    %mul3A_61 = vector.broadcast %slice3A_36 : vector<256x1xf32> to vector<256x64xf32>
    %mul3A_62 = arith.mulf %mul3A_61, %concatenate3A_49 : vector<256x64xf32>
    %mul3A_63 = vector.broadcast %slice3A_37 : vector<256x1xf32> to vector<256x64xf32>
    %mul3A_64 = arith.mulf %mul3A_63, %concatenate3A_60 : vector<256x64xf32>
    %add3A_65 = arith.addf %mul3A_62, %mul3A_64 : vector<256x64xf32>
    %get3A_66 = arith.constant 1 : index
    %get3A_67 = arith.constant 0 : index
    %get3A_68 = arith.constant 0 : index
    %get3A_69 = vector.load %arg5[%get3A_66, %get3A_67, %get3A_68] : memref<16x256x64xf32, #tpu.memory_space<vmem>>, vector<1x256x64xf32>
    %get3A_70 = vector.shape_cast %get3A_69 : vector<1x256x64xf32> to vector<256x64xf32>
    %mul3A_71 = vector.broadcast %slice3A_38 : vector<256x1xf32> to vector<256x64xf32>
    %mul3A_72 = arith.mulf %mul3A_71, %get3A_70 : vector<256x64xf32>
    %add3A_73 = arith.addf %add3A_65, %mul3A_72 : vector<256x64xf32>
    %slice3A_74 = vector.extract_strided_slice %get3A_1 {offsets = [0, 6], sizes = [256, 1], strides = [1, 1]} : vector<256x48xf32> to vector<256x1xf32>
    %slice3A_75 = vector.extract_strided_slice %get3A_1 {offsets = [0, 7], sizes = [256, 1], strides = [1, 1]} : vector<256x48xf32> to vector<256x1xf32>
    %slice3A_76 = vector.extract_strided_slice %get3A_1 {offsets = [0, 8], sizes = [256, 1], strides = [1, 1]} : vector<256x48xf32> to vector<256x1xf32>
    %get3A_77 = arith.constant 2 : index
    %get3A_78 = arith.constant 0 : index
    %get3A_79 = arith.constant 0 : index
    %get3A_80 = vector.load %arg1[%get3A_77, %get3A_78, %get3A_79] : memref<16x256x32xf32, #tpu.memory_space<vmem>>, vector<1x256x32xf32>
    %get3A_81 = vector.shape_cast %get3A_80 : vector<1x256x32xf32> to vector<256x32xf32>
    %get3A_82 = arith.constant 2 : index
    %get3A_83 = arith.constant 0 : index
    %get3A_84 = arith.constant 0 : index
    %get3A_85 = vector.load %arg2[%get3A_82, %get3A_83, %get3A_84] : memref<16x256x32xf32, #tpu.memory_space<vmem>>, vector<1x256x32xf32>
    %get3A_86 = vector.shape_cast %get3A_85 : vector<1x256x32xf32> to vector<256x32xf32>
    %concatenate3A_87 = tpu.concatenate %get3A_81, %get3A_86 in 1 : vector<256x32xf32>, vector<256x32xf32> -> vector<256x64xf32>
    %get3A_88 = arith.constant 2 : index
    %get3A_89 = arith.constant 0 : index
    %get3A_90 = arith.constant 0 : index
    %get3A_91 = vector.load %arg3[%get3A_88, %get3A_89, %get3A_90] : memref<16x256x32xf32, #tpu.memory_space<vmem>>, vector<1x256x32xf32>
    %get3A_92 = vector.shape_cast %get3A_91 : vector<1x256x32xf32> to vector<256x32xf32>
    %get3A_93 = arith.constant 2 : index
    %get3A_94 = arith.constant 0 : index
    %get3A_95 = arith.constant 0 : index
    %get3A_96 = vector.load %arg4[%get3A_93, %get3A_94, %get3A_95] : memref<16x256x32xf32, #tpu.memory_space<vmem>>, vector<1x256x32xf32>
    %get3A_97 = vector.shape_cast %get3A_96 : vector<1x256x32xf32> to vector<256x32xf32>
    %concatenate3A_98 = tpu.concatenate %get3A_92, %get3A_97 in 1 : vector<256x32xf32>, vector<256x32xf32> -> vector<256x64xf32>
    %mul3A_99 = vector.broadcast %slice3A_74 : vector<256x1xf32> to vector<256x64xf32>
    %mul3A_100 = arith.mulf %mul3A_99, %concatenate3A_87 : vector<256x64xf32>
    %mul3A_101 = vector.broadcast %slice3A_75 : vector<256x1xf32> to vector<256x64xf32>
    %mul3A_102 = arith.mulf %mul3A_101, %concatenate3A_98 : vector<256x64xf32>
    %add3A_103 = arith.addf %mul3A_100, %mul3A_102 : vector<256x64xf32>
    %get3A_104 = arith.constant 2 : index
    %get3A_105 = arith.constant 0 : index
    %get3A_106 = arith.constant 0 : index
    %get3A_107 = vector.load %arg5[%get3A_104, %get3A_105, %get3A_106] : memref<16x256x64xf32, #tpu.memory_space<vmem>>, vector<1x256x64xf32>
    %get3A_108 = vector.shape_cast %get3A_107 : vector<1x256x64xf32> to vector<256x64xf32>
    %mul3A_109 = vector.broadcast %slice3A_76 : vector<256x1xf32> to vector<256x64xf32>
    %mul3A_110 = arith.mulf %mul3A_109, %get3A_108 : vector<256x64xf32>
    %add3A_111 = arith.addf %add3A_103, %mul3A_110 : vector<256x64xf32>
    %slice3A_112 = vector.extract_strided_slice %get3A_1 {offsets = [0, 9], sizes = [256, 1], strides = [1, 1]} : vector<256x48xf32> to vector<256x1xf32>
    %slice3A_113 = vector.extract_strided_slice %get3A_1 {offsets = [0, 10], sizes = [256, 1], strides = [1, 1]} : vector<256x48xf32> to vector<256x1xf32>
    %slice3A_114 = vector.extract_strided_slice %get3A_1 {offsets = [0, 11], sizes = [256, 1], strides = [1, 1]} : vector<256x48xf32> to vector<256x1xf32>
    %get3A_115 = arith.constant 3 : index
    %get3A_116 = arith.constant 0 : index
    %get3A_117 = arith.constant 0 : index
    %get3A_118 = vector.load %arg1[%get3A_115, %get3A_116, %get3A_117] : memref<16x256x32xf32, #tpu.memory_space<vmem>>, vector<1x256x32xf32>
    %get3A_119 = vector.shape_cast %get3A_118 : vector<1x256x32xf32> to vector<256x32xf32>
    %get3A_120 = arith.constant 3 : index
    %get3A_121 = arith.constant 0 : index
    %get3A_122 = arith.constant 0 : index
    %get3A_123 = vector.load %arg2[%get3A_120, %get3A_121, %get3A_122] : memref<16x256x32xf32, #tpu.memory_space<vmem>>, vector<1x256x32xf32>
    %get3A_124 = vector.shape_cast %get3A_123 : vector<1x256x32xf32> to vector<256x32xf32>
    %concatenate3A_125 = tpu.concatenate %get3A_119, %get3A_124 in 1 : vector<256x32xf32>, vector<256x32xf32> -> vector<256x64xf32>
    %get3A_126 = arith.constant 3 : index
    %get3A_127 = arith.constant 0 : index
    %get3A_128 = arith.constant 0 : index
    %get3A_129 = vector.load %arg3[%get3A_126, %get3A_127, %get3A_128] : memref<16x256x32xf32, #tpu.memory_space<vmem>>, vector<1x256x32xf32>
    %get3A_130 = vector.shape_cast %get3A_129 : vector<1x256x32xf32> to vector<256x32xf32>
    %get3A_131 = arith.constant 3 : index
    %get3A_132 = arith.constant 0 : index
    %get3A_133 = arith.constant 0 : index
    %get3A_134 = vector.load %arg4[%get3A_131, %get3A_132, %get3A_133] : memref<16x256x32xf32, #tpu.memory_space<vmem>>, vector<1x256x32xf32>
    %get3A_135 = vector.shape_cast %get3A_134 : vector<1x256x32xf32> to vector<256x32xf32>
    %concatenate3A_136 = tpu.concatenate %get3A_130, %get3A_135 in 1 : vector<256x32xf32>, vector<256x32xf32> -> vector<256x64xf32>
    %mul3A_137 = vector.broadcast %slice3A_112 : vector<256x1xf32> to vector<256x64xf32>
    %mul3A_138 = arith.mulf %mul3A_137, %concatenate3A_125 : vector<256x64xf32>
    %mul3A_139 = vector.broadcast %slice3A_113 : vector<256x1xf32> to vector<256x64xf32>
    %mul3A_140 = arith.mulf %mul3A_139, %concatenate3A_136 : vector<256x64xf32>
    %add3A_141 = arith.addf %mul3A_138, %mul3A_140 : vector<256x64xf32>
    %get3A_142 = arith.constant 3 : index
    %get3A_143 = arith.constant 0 : index
    %get3A_144 = arith.constant 0 : index
    %get3A_145 = vector.load %arg5[%get3A_142, %get3A_143, %get3A_144] : memref<16x256x64xf32, #tpu.memory_space<vmem>>, vector<1x256x64xf32>
    %get3A_146 = vector.shape_cast %get3A_145 : vector<1x256x64xf32> to vector<256x64xf32>
    %mul3A_147 = vector.broadcast %slice3A_114 : vector<256x1xf32> to vector<256x64xf32>
    %mul3A_148 = arith.mulf %mul3A_147, %get3A_146 : vector<256x64xf32>
    %add3A_149 = arith.addf %add3A_141, %mul3A_148 : vector<256x64xf32>
    %slice3A_150 = vector.extract_strided_slice %get3A_1 {offsets = [0, 12], sizes = [256, 1], strides = [1, 1]} : vector<256x48xf32> to vector<256x1xf32>
    %slice3A_151 = vector.extract_strided_slice %get3A_1 {offsets = [0, 13], sizes = [256, 1], strides = [1, 1]} : vector<256x48xf32> to vector<256x1xf32>
    %slice3A_152 = vector.extract_strided_slice %get3A_1 {offsets = [0, 14], sizes = [256, 1], strides = [1, 1]} : vector<256x48xf32> to vector<256x1xf32>
    %get3A_153 = arith.constant 4 : index
    %get3A_154 = arith.constant 0 : index
    %get3A_155 = arith.constant 0 : index
    %get3A_156 = vector.load %arg1[%get3A_153, %get3A_154, %get3A_155] : memref<16x256x32xf32, #tpu.memory_space<vmem>>, vector<1x256x32xf32>
    %get3A_157 = vector.shape_cast %get3A_156 : vector<1x256x32xf32> to vector<256x32xf32>
    %get3A_158 = arith.constant 4 : index
    %get3A_159 = arith.constant 0 : index
    %get3A_160 = arith.constant 0 : index
    %get3A_161 = vector.load %arg2[%get3A_158, %get3A_159, %get3A_160] : memref<16x256x32xf32, #tpu.memory_space<vmem>>, vector<1x256x32xf32>
    %get3A_162 = vector.shape_cast %get3A_161 : vector<1x256x32xf32> to vector<256x32xf32>
    %concatenate3A_163 = tpu.concatenate %get3A_157, %get3A_162 in 1 : vector<256x32xf32>, vector<256x32xf32> -> vector<256x64xf32>
    %get3A_164 = arith.constant 4 : index
    %get3A_165 = arith.constant 0 : index
    %get3A_166 = arith.constant 0 : index
    %get3A_167 = vector.load %arg3[%get3A_164, %get3A_165, %get3A_166] : memref<16x256x32xf32, #tpu.memory_space<vmem>>, vector<1x256x32xf32>
    %get3A_168 = vector.shape_cast %get3A_167 : vector<1x256x32xf32> to vector<256x32xf32>
    %get3A_169 = arith.constant 4 : index
    %get3A_170 = arith.constant 0 : index
    %get3A_171 = arith.constant 0 : index
    %get3A_172 = vector.load %arg4[%get3A_169, %get3A_170, %get3A_171] : memref<16x256x32xf32, #tpu.memory_space<vmem>>, vector<1x256x32xf32>
    %get3A_173 = vector.shape_cast %get3A_172 : vector<1x256x32xf32> to vector<256x32xf32>
    %concatenate3A_174 = tpu.concatenate %get3A_168, %get3A_173 in 1 : vector<256x32xf32>, vector<256x32xf32> -> vector<256x64xf32>
    %mul3A_175 = vector.broadcast %slice3A_150 : vector<256x1xf32> to vector<256x64xf32>
    %mul3A_176 = arith.mulf %mul3A_175, %concatenate3A_163 : vector<256x64xf32>
    %mul3A_177 = vector.broadcast %slice3A_151 : vector<256x1xf32> to vector<256x64xf32>
    %mul3A_178 = arith.mulf %mul3A_177, %concatenate3A_174 : vector<256x64xf32>
    %add3A_179 = arith.addf %mul3A_176, %mul3A_178 : vector<256x64xf32>
    %get3A_180 = arith.constant 4 : index
    %get3A_181 = arith.constant 0 : index
    %get3A_182 = arith.constant 0 : index
    %get3A_183 = vector.load %arg5[%get3A_180, %get3A_181, %get3A_182] : memref<16x256x64xf32, #tpu.memory_space<vmem>>, vector<1x256x64xf32>
    %get3A_184 = vector.shape_cast %get3A_183 : vector<1x256x64xf32> to vector<256x64xf32>
    %mul3A_185 = vector.broadcast %slice3A_152 : vector<256x1xf32> to vector<256x64xf32>
    %mul3A_186 = arith.mulf %mul3A_185, %get3A_184 : vector<256x64xf32>
    %add3A_187 = arith.addf %add3A_179, %mul3A_186 : vector<256x64xf32>
    %slice3A_188 = vector.extract_strided_slice %get3A_1 {offsets = [0, 15], sizes = [256, 1], strides = [1, 1]} : vector<256x48xf32> to vector<256x1xf32>
    %slice3A_189 = vector.extract_strided_slice %get3A_1 {offsets = [0, 16], sizes = [256, 1], strides = [1, 1]} : vector<256x48xf32> to vector<256x1xf32>
    %slice3A_190 = vector.extract_strided_slice %get3A_1 {offsets = [0, 17], sizes = [256, 1], strides = [1, 1]} : vector<256x48xf32> to vector<256x1xf32>
    %get3A_191 = arith.constant 5 : index
    %get3A_192 = arith.constant 0 : index
    %get3A_193 = arith.constant 0 : index
    %get3A_194 = vector.load %arg1[%get3A_191, %get3A_192, %get3A_193] : memref<16x256x32xf32, #tpu.memory_space<vmem>>, vector<1x256x32xf32>
    %get3A_195 = vector.shape_cast %get3A_194 : vector<1x256x32xf32> to vector<256x32xf32>
    %get3A_196 = arith.constant 5 : index
    %get3A_197 = arith.constant 0 : index
    %get3A_198 = arith.constant 0 : index
    %get3A_199 = vector.load %arg2[%get3A_196, %get3A_197, %get3A_198] : memref<16x256x32xf32, #tpu.memory_space<vmem>>, vector<1x256x32xf32>
    %get3A_200 = vector.shape_cast %get3A_199 : vector<1x256x32xf32> to vector<256x32xf32>
    %concatenate3A_201 = tpu.concatenate %get3A_195, %get3A_200 in 1 : vector<256x32xf32>, vector<256x32xf32> -> vector<256x64xf32>
    %get3A_202 = arith.constant 5 : index
    %get3A_203 = arith.constant 0 : index
    %get3A_204 = arith.constant 0 : index
    %get3A_205 = vector.load %arg3[%get3A_202, %get3A_203, %get3A_204] : memref<16x256x32xf32, #tpu.memory_space<vmem>>, vector<1x256x32xf32>
    %get3A_206 = vector.shape_cast %get3A_205 : vector<1x256x32xf32> to vector<256x32xf32>
    %get3A_207 = arith.constant 5 : index
    %get3A_208 = arith.constant 0 : index
    %get3A_209 = arith.constant 0 : index
    %get3A_210 = vector.load %arg4[%get3A_207, %get3A_208, %get3A_209] : memref<16x256x32xf32, #tpu.memory_space<vmem>>, vector<1x256x32xf32>
    %get3A_211 = vector.shape_cast %get3A_210 : vector<1x256x32xf32> to vector<256x32xf32>
    %concatenate3A_212 = tpu.concatenate %get3A_206, %get3A_211 in 1 : vector<256x32xf32>, vector<256x32xf32> -> vector<256x64xf32>
    %mul3A_213 = vector.broadcast %slice3A_188 : vector<256x1xf32> to vector<256x64xf32>
    %mul3A_214 = arith.mulf %mul3A_213, %concatenate3A_201 : vector<256x64xf32>
    %mul3A_215 = vector.broadcast %slice3A_189 : vector<256x1xf32> to vector<256x64xf32>
    %mul3A_216 = arith.mulf %mul3A_215, %concatenate3A_212 : vector<256x64xf32>
    %add3A_217 = arith.addf %mul3A_214, %mul3A_216 : vector<256x64xf32>
    %get3A_218 = arith.constant 5 : index
    %get3A_219 = arith.constant 0 : index
    %get3A_220 = arith.constant 0 : index
    %get3A_221 = vector.load %arg5[%get3A_218, %get3A_219, %get3A_220] : memref<16x256x64xf32, #tpu.memory_space<vmem>>, vector<1x256x64xf32>
    %get3A_222 = vector.shape_cast %get3A_221 : vector<1x256x64xf32> to vector<256x64xf32>
    %mul3A_223 = vector.broadcast %slice3A_190 : vector<256x1xf32> to vector<256x64xf32>
    %mul3A_224 = arith.mulf %mul3A_223, %get3A_222 : vector<256x64xf32>
    %add3A_225 = arith.addf %add3A_217, %mul3A_224 : vector<256x64xf32>
    %slice3A_226 = vector.extract_strided_slice %get3A_1 {offsets = [0, 18], sizes = [256, 1], strides = [1, 1]} : vector<256x48xf32> to vector<256x1xf32>
    %slice3A_227 = vector.extract_strided_slice %get3A_1 {offsets = [0, 19], sizes = [256, 1], strides = [1, 1]} : vector<256x48xf32> to vector<256x1xf32>
    %slice3A_228 = vector.extract_strided_slice %get3A_1 {offsets = [0, 20], sizes = [256, 1], strides = [1, 1]} : vector<256x48xf32> to vector<256x1xf32>
    %get3A_229 = arith.constant 6 : index
    %get3A_230 = arith.constant 0 : index
    %get3A_231 = arith.constant 0 : index
    %get3A_232 = vector.load %arg1[%get3A_229, %get3A_230, %get3A_231] : memref<16x256x32xf32, #tpu.memory_space<vmem>>, vector<1x256x32xf32>
    %get3A_233 = vector.shape_cast %get3A_232 : vector<1x256x32xf32> to vector<256x32xf32>
    %get3A_234 = arith.constant 6 : index
    %get3A_235 = arith.constant 0 : index
    %get3A_236 = arith.constant 0 : index
    %get3A_237 = vector.load %arg2[%get3A_234, %get3A_235, %get3A_236] : memref<16x256x32xf32, #tpu.memory_space<vmem>>, vector<1x256x32xf32>
    %get3A_238 = vector.shape_cast %get3A_237 : vector<1x256x32xf32> to vector<256x32xf32>
    %concatenate3A_239 = tpu.concatenate %get3A_233, %get3A_238 in 1 : vector<256x32xf32>, vector<256x32xf32> -> vector<256x64xf32>
    %get3A_240 = arith.constant 6 : index
    %get3A_241 = arith.constant 0 : index
    %get3A_242 = arith.constant 0 : index
    %get3A_243 = vector.load %arg3[%get3A_240, %get3A_241, %get3A_242] : memref<16x256x32xf32, #tpu.memory_space<vmem>>, vector<1x256x32xf32>
    %get3A_244 = vector.shape_cast %get3A_243 : vector<1x256x32xf32> to vector<256x32xf32>
    %get3A_245 = arith.constant 6 : index
    %get3A_246 = arith.constant 0 : index
    %get3A_247 = arith.constant 0 : index
    %get3A_248 = vector.load %arg4[%get3A_245, %get3A_246, %get3A_247] : memref<16x256x32xf32, #tpu.memory_space<vmem>>, vector<1x256x32xf32>
    %get3A_249 = vector.shape_cast %get3A_248 : vector<1x256x32xf32> to vector<256x32xf32>
    %concatenate3A_250 = tpu.concatenate %get3A_244, %get3A_249 in 1 : vector<256x32xf32>, vector<256x32xf32> -> vector<256x64xf32>
    %mul3A_251 = vector.broadcast %slice3A_226 : vector<256x1xf32> to vector<256x64xf32>
    %mul3A_252 = arith.mulf %mul3A_251, %concatenate3A_239 : vector<256x64xf32>
    %mul3A_253 = vector.broadcast %slice3A_227 : vector<256x1xf32> to vector<256x64xf32>
    %mul3A_254 = arith.mulf %mul3A_253, %concatenate3A_250 : vector<256x64xf32>
    %add3A_255 = arith.addf %mul3A_252, %mul3A_254 : vector<256x64xf32>
    %get3A_256 = arith.constant 6 : index
    %get3A_257 = arith.constant 0 : index
    %get3A_258 = arith.constant 0 : index
    %get3A_259 = vector.load %arg5[%get3A_256, %get3A_257, %get3A_258] : memref<16x256x64xf32, #tpu.memory_space<vmem>>, vector<1x256x64xf32>
    %get3A_260 = vector.shape_cast %get3A_259 : vector<1x256x64xf32> to vector<256x64xf32>
    %mul3A_261 = vector.broadcast %slice3A_228 : vector<256x1xf32> to vector<256x64xf32>
    %mul3A_262 = arith.mulf %mul3A_261, %get3A_260 : vector<256x64xf32>
    %add3A_263 = arith.addf %add3A_255, %mul3A_262 : vector<256x64xf32>
    %slice3A_264 = vector.extract_strided_slice %get3A_1 {offsets = [0, 21], sizes = [256, 1], strides = [1, 1]} : vector<256x48xf32> to vector<256x1xf32>
    %slice3A_265 = vector.extract_strided_slice %get3A_1 {offsets = [0, 22], sizes = [256, 1], strides = [1, 1]} : vector<256x48xf32> to vector<256x1xf32>
    %slice3A_266 = vector.extract_strided_slice %get3A_1 {offsets = [0, 23], sizes = [256, 1], strides = [1, 1]} : vector<256x48xf32> to vector<256x1xf32>
    %get3A_267 = arith.constant 7 : index
    %get3A_268 = arith.constant 0 : index
    %get3A_269 = arith.constant 0 : index
    %get3A_270 = vector.load %arg1[%get3A_267, %get3A_268, %get3A_269] : memref<16x256x32xf32, #tpu.memory_space<vmem>>, vector<1x256x32xf32>
    %get3A_271 = vector.shape_cast %get3A_270 : vector<1x256x32xf32> to vector<256x32xf32>
    %get3A_272 = arith.constant 7 : index
    %get3A_273 = arith.constant 0 : index
    %get3A_274 = arith.constant 0 : index
    %get3A_275 = vector.load %arg2[%get3A_272, %get3A_273, %get3A_274] : memref<16x256x32xf32, #tpu.memory_space<vmem>>, vector<1x256x32xf32>
    %get3A_276 = vector.shape_cast %get3A_275 : vector<1x256x32xf32> to vector<256x32xf32>
    %concatenate3A_277 = tpu.concatenate %get3A_271, %get3A_276 in 1 : vector<256x32xf32>, vector<256x32xf32> -> vector<256x64xf32>
    %get3A_278 = arith.constant 7 : index
    %get3A_279 = arith.constant 0 : index
    %get3A_280 = arith.constant 0 : index
    %get3A_281 = vector.load %arg3[%get3A_278, %get3A_279, %get3A_280] : memref<16x256x32xf32, #tpu.memory_space<vmem>>, vector<1x256x32xf32>
    %get3A_282 = vector.shape_cast %get3A_281 : vector<1x256x32xf32> to vector<256x32xf32>
    %get3A_283 = arith.constant 7 : index
    %get3A_284 = arith.constant 0 : index
    %get3A_285 = arith.constant 0 : index
    %get3A_286 = vector.load %arg4[%get3A_283, %get3A_284, %get3A_285] : memref<16x256x32xf32, #tpu.memory_space<vmem>>, vector<1x256x32xf32>
    %get3A_287 = vector.shape_cast %get3A_286 : vector<1x256x32xf32> to vector<256x32xf32>
    %concatenate3A_288 = tpu.concatenate %get3A_282, %get3A_287 in 1 : vector<256x32xf32>, vector<256x32xf32> -> vector<256x64xf32>
    %mul3A_289 = vector.broadcast %slice3A_264 : vector<256x1xf32> to vector<256x64xf32>
    %mul3A_290 = arith.mulf %mul3A_289, %concatenate3A_277 : vector<256x64xf32>
    %mul3A_291 = vector.broadcast %slice3A_265 : vector<256x1xf32> to vector<256x64xf32>
    %mul3A_292 = arith.mulf %mul3A_291, %concatenate3A_288 : vector<256x64xf32>
    %add3A_293 = arith.addf %mul3A_290, %mul3A_292 : vector<256x64xf32>
    %get3A_294 = arith.constant 7 : index
    %get3A_295 = arith.constant 0 : index
    %get3A_296 = arith.constant 0 : index
    %get3A_297 = vector.load %arg5[%get3A_294, %get3A_295, %get3A_296] : memref<16x256x64xf32, #tpu.memory_space<vmem>>, vector<1x256x64xf32>
    %get3A_298 = vector.shape_cast %get3A_297 : vector<1x256x64xf32> to vector<256x64xf32>
    %mul3A_299 = vector.broadcast %slice3A_266 : vector<256x1xf32> to vector<256x64xf32>
    %mul3A_300 = arith.mulf %mul3A_299, %get3A_298 : vector<256x64xf32>
    %add3A_301 = arith.addf %add3A_293, %mul3A_300 : vector<256x64xf32>
    %slice3A_302 = vector.extract_strided_slice %get3A_1 {offsets = [0, 24], sizes = [256, 1], strides = [1, 1]} : vector<256x48xf32> to vector<256x1xf32>
    %slice3A_303 = vector.extract_strided_slice %get3A_1 {offsets = [0, 25], sizes = [256, 1], strides = [1, 1]} : vector<256x48xf32> to vector<256x1xf32>
    %slice3A_304 = vector.extract_strided_slice %get3A_1 {offsets = [0, 26], sizes = [256, 1], strides = [1, 1]} : vector<256x48xf32> to vector<256x1xf32>
    %get3A_305 = arith.constant 8 : index
    %get3A_306 = arith.constant 0 : index
    %get3A_307 = arith.constant 0 : index
    %get3A_308 = vector.load %arg1[%get3A_305, %get3A_306, %get3A_307] : memref<16x256x32xf32, #tpu.memory_space<vmem>>, vector<1x256x32xf32>
    %get3A_309 = vector.shape_cast %get3A_308 : vector<1x256x32xf32> to vector<256x32xf32>
    %get3A_310 = arith.constant 8 : index
    %get3A_311 = arith.constant 0 : index
    %get3A_312 = arith.constant 0 : index
    %get3A_313 = vector.load %arg2[%get3A_310, %get3A_311, %get3A_312] : memref<16x256x32xf32, #tpu.memory_space<vmem>>, vector<1x256x32xf32>
    %get3A_314 = vector.shape_cast %get3A_313 : vector<1x256x32xf32> to vector<256x32xf32>
    %concatenate3A_315 = tpu.concatenate %get3A_309, %get3A_314 in 1 : vector<256x32xf32>, vector<256x32xf32> -> vector<256x64xf32>
    %get3A_316 = arith.constant 8 : index
    %get3A_317 = arith.constant 0 : index
    %get3A_318 = arith.constant 0 : index
    %get3A_319 = vector.load %arg3[%get3A_316, %get3A_317, %get3A_318] : memref<16x256x32xf32, #tpu.memory_space<vmem>>, vector<1x256x32xf32>
    %get3A_320 = vector.shape_cast %get3A_319 : vector<1x256x32xf32> to vector<256x32xf32>
    %get3A_321 = arith.constant 8 : index
    %get3A_322 = arith.constant 0 : index
    %get3A_323 = arith.constant 0 : index
    %get3A_324 = vector.load %arg4[%get3A_321, %get3A_322, %get3A_323] : memref<16x256x32xf32, #tpu.memory_space<vmem>>, vector<1x256x32xf32>
    %get3A_325 = vector.shape_cast %get3A_324 : vector<1x256x32xf32> to vector<256x32xf32>
    %concatenate3A_326 = tpu.concatenate %get3A_320, %get3A_325 in 1 : vector<256x32xf32>, vector<256x32xf32> -> vector<256x64xf32>
    %mul3A_327 = vector.broadcast %slice3A_302 : vector<256x1xf32> to vector<256x64xf32>
    %mul3A_328 = arith.mulf %mul3A_327, %concatenate3A_315 : vector<256x64xf32>
    %mul3A_329 = vector.broadcast %slice3A_303 : vector<256x1xf32> to vector<256x64xf32>
    %mul3A_330 = arith.mulf %mul3A_329, %concatenate3A_326 : vector<256x64xf32>
    %add3A_331 = arith.addf %mul3A_328, %mul3A_330 : vector<256x64xf32>
    %get3A_332 = arith.constant 8 : index
    %get3A_333 = arith.constant 0 : index
    %get3A_334 = arith.constant 0 : index
    %get3A_335 = vector.load %arg5[%get3A_332, %get3A_333, %get3A_334] : memref<16x256x64xf32, #tpu.memory_space<vmem>>, vector<1x256x64xf32>
    %get3A_336 = vector.shape_cast %get3A_335 : vector<1x256x64xf32> to vector<256x64xf32>
    %mul3A_337 = vector.broadcast %slice3A_304 : vector<256x1xf32> to vector<256x64xf32>
    %mul3A_338 = arith.mulf %mul3A_337, %get3A_336 : vector<256x64xf32>
    %add3A_339 = arith.addf %add3A_331, %mul3A_338 : vector<256x64xf32>
    %slice3A_340 = vector.extract_strided_slice %get3A_1 {offsets = [0, 27], sizes = [256, 1], strides = [1, 1]} : vector<256x48xf32> to vector<256x1xf32>
    %slice3A_341 = vector.extract_strided_slice %get3A_1 {offsets = [0, 28], sizes = [256, 1], strides = [1, 1]} : vector<256x48xf32> to vector<256x1xf32>
    %slice3A_342 = vector.extract_strided_slice %get3A_1 {offsets = [0, 29], sizes = [256, 1], strides = [1, 1]} : vector<256x48xf32> to vector<256x1xf32>
    %get3A_343 = arith.constant 9 : index
    %get3A_344 = arith.constant 0 : index
    %get3A_345 = arith.constant 0 : index
    %get3A_346 = vector.load %arg1[%get3A_343, %get3A_344, %get3A_345] : memref<16x256x32xf32, #tpu.memory_space<vmem>>, vector<1x256x32xf32>
    %get3A_347 = vector.shape_cast %get3A_346 : vector<1x256x32xf32> to vector<256x32xf32>
    %get3A_348 = arith.constant 9 : index
    %get3A_349 = arith.constant 0 : index
    %get3A_350 = arith.constant 0 : index
    %get3A_351 = vector.load %arg2[%get3A_348, %get3A_349, %get3A_350] : memref<16x256x32xf32, #tpu.memory_space<vmem>>, vector<1x256x32xf32>
    %get3A_352 = vector.shape_cast %get3A_351 : vector<1x256x32xf32> to vector<256x32xf32>
    %concatenate3A_353 = tpu.concatenate %get3A_347, %get3A_352 in 1 : vector<256x32xf32>, vector<256x32xf32> -> vector<256x64xf32>
    %get3A_354 = arith.constant 9 : index
    %get3A_355 = arith.constant 0 : index
    %get3A_356 = arith.constant 0 : index
    %get3A_357 = vector.load %arg3[%get3A_354, %get3A_355, %get3A_356] : memref<16x256x32xf32, #tpu.memory_space<vmem>>, vector<1x256x32xf32>
    %get3A_358 = vector.shape_cast %get3A_357 : vector<1x256x32xf32> to vector<256x32xf32>
    %get3A_359 = arith.constant 9 : index
    %get3A_360 = arith.constant 0 : index
    %get3A_361 = arith.constant 0 : index
    %get3A_362 = vector.load %arg4[%get3A_359, %get3A_360, %get3A_361] : memref<16x256x32xf32, #tpu.memory_space<vmem>>, vector<1x256x32xf32>
    %get3A_363 = vector.shape_cast %get3A_362 : vector<1x256x32xf32> to vector<256x32xf32>
    %concatenate3A_364 = tpu.concatenate %get3A_358, %get3A_363 in 1 : vector<256x32xf32>, vector<256x32xf32> -> vector<256x64xf32>
    %mul3A_365 = vector.broadcast %slice3A_340 : vector<256x1xf32> to vector<256x64xf32>
    %mul3A_366 = arith.mulf %mul3A_365, %concatenate3A_353 : vector<256x64xf32>
    %mul3A_367 = vector.broadcast %slice3A_341 : vector<256x1xf32> to vector<256x64xf32>
    %mul3A_368 = arith.mulf %mul3A_367, %concatenate3A_364 : vector<256x64xf32>
    %add3A_369 = arith.addf %mul3A_366, %mul3A_368 : vector<256x64xf32>
    %get3A_370 = arith.constant 9 : index
    %get3A_371 = arith.constant 0 : index
    %get3A_372 = arith.constant 0 : index
    %get3A_373 = vector.load %arg5[%get3A_370, %get3A_371, %get3A_372] : memref<16x256x64xf32, #tpu.memory_space<vmem>>, vector<1x256x64xf32>
    %get3A_374 = vector.shape_cast %get3A_373 : vector<1x256x64xf32> to vector<256x64xf32>
    %mul3A_375 = vector.broadcast %slice3A_342 : vector<256x1xf32> to vector<256x64xf32>
    %mul3A_376 = arith.mulf %mul3A_375, %get3A_374 : vector<256x64xf32>
    %add3A_377 = arith.addf %add3A_369, %mul3A_376 : vector<256x64xf32>
    %slice3A_378 = vector.extract_strided_slice %get3A_1 {offsets = [0, 30], sizes = [256, 1], strides = [1, 1]} : vector<256x48xf32> to vector<256x1xf32>
    %slice3A_379 = vector.extract_strided_slice %get3A_1 {offsets = [0, 31], sizes = [256, 1], strides = [1, 1]} : vector<256x48xf32> to vector<256x1xf32>
    %slice3A_380 = vector.extract_strided_slice %get3A_1 {offsets = [0, 32], sizes = [256, 1], strides = [1, 1]} : vector<256x48xf32> to vector<256x1xf32>
    %get3A_381 = arith.constant 10 : index
    %get3A_382 = arith.constant 0 : index
    %get3A_383 = arith.constant 0 : index
    %get3A_384 = vector.load %arg1[%get3A_381, %get3A_382, %get3A_383] : memref<16x256x32xf32, #tpu.memory_space<vmem>>, vector<1x256x32xf32>
    %get3A_385 = vector.shape_cast %get3A_384 : vector<1x256x32xf32> to vector<256x32xf32>
    %get3A_386 = arith.constant 10 : index
    %get3A_387 = arith.constant 0 : index
    %get3A_388 = arith.constant 0 : index
    %get3A_389 = vector.load %arg2[%get3A_386, %get3A_387, %get3A_388] : memref<16x256x32xf32, #tpu.memory_space<vmem>>, vector<1x256x32xf32>
    %get3A_390 = vector.shape_cast %get3A_389 : vector<1x256x32xf32> to vector<256x32xf32>
    %concatenate3A_391 = tpu.concatenate %get3A_385, %get3A_390 in 1 : vector<256x32xf32>, vector<256x32xf32> -> vector<256x64xf32>
    %get3A_392 = arith.constant 10 : index
    %get3A_393 = arith.constant 0 : index
    %get3A_394 = arith.constant 0 : index
    %get3A_395 = vector.load %arg3[%get3A_392, %get3A_393, %get3A_394] : memref<16x256x32xf32, #tpu.memory_space<vmem>>, vector<1x256x32xf32>
    %get3A_396 = vector.shape_cast %get3A_395 : vector<1x256x32xf32> to vector<256x32xf32>
    %get3A_397 = arith.constant 10 : index
    %get3A_398 = arith.constant 0 : index
    %get3A_399 = arith.constant 0 : index
    %get3A_400 = vector.load %arg4[%get3A_397, %get3A_398, %get3A_399] : memref<16x256x32xf32, #tpu.memory_space<vmem>>, vector<1x256x32xf32>
    %get3A_401 = vector.shape_cast %get3A_400 : vector<1x256x32xf32> to vector<256x32xf32>
    %concatenate3A_402 = tpu.concatenate %get3A_396, %get3A_401 in 1 : vector<256x32xf32>, vector<256x32xf32> -> vector<256x64xf32>
    %mul3A_403 = vector.broadcast %slice3A_378 : vector<256x1xf32> to vector<256x64xf32>
    %mul3A_404 = arith.mulf %mul3A_403, %concatenate3A_391 : vector<256x64xf32>
    %mul3A_405 = vector.broadcast %slice3A_379 : vector<256x1xf32> to vector<256x64xf32>
    %mul3A_406 = arith.mulf %mul3A_405, %concatenate3A_402 : vector<256x64xf32>
    %add3A_407 = arith.addf %mul3A_404, %mul3A_406 : vector<256x64xf32>
    %get3A_408 = arith.constant 10 : index
    %get3A_409 = arith.constant 0 : index
    %get3A_410 = arith.constant 0 : index
    %get3A_411 = vector.load %arg5[%get3A_408, %get3A_409, %get3A_410] : memref<16x256x64xf32, #tpu.memory_space<vmem>>, vector<1x256x64xf32>
    %get3A_412 = vector.shape_cast %get3A_411 : vector<1x256x64xf32> to vector<256x64xf32>
    %mul3A_413 = vector.broadcast %slice3A_380 : vector<256x1xf32> to vector<256x64xf32>
    %mul3A_414 = arith.mulf %mul3A_413, %get3A_412 : vector<256x64xf32>
    %add3A_415 = arith.addf %add3A_407, %mul3A_414 : vector<256x64xf32>
    %slice3A_416 = vector.extract_strided_slice %get3A_1 {offsets = [0, 33], sizes = [256, 1], strides = [1, 1]} : vector<256x48xf32> to vector<256x1xf32>
    %slice3A_417 = vector.extract_strided_slice %get3A_1 {offsets = [0, 34], sizes = [256, 1], strides = [1, 1]} : vector<256x48xf32> to vector<256x1xf32>
    %slice3A_418 = vector.extract_strided_slice %get3A_1 {offsets = [0, 35], sizes = [256, 1], strides = [1, 1]} : vector<256x48xf32> to vector<256x1xf32>
    %get3A_419 = arith.constant 11 : index
    %get3A_420 = arith.constant 0 : index
    %get3A_421 = arith.constant 0 : index
    %get3A_422 = vector.load %arg1[%get3A_419, %get3A_420, %get3A_421] : memref<16x256x32xf32, #tpu.memory_space<vmem>>, vector<1x256x32xf32>
    %get3A_423 = vector.shape_cast %get3A_422 : vector<1x256x32xf32> to vector<256x32xf32>
    %get3A_424 = arith.constant 11 : index
    %get3A_425 = arith.constant 0 : index
    %get3A_426 = arith.constant 0 : index
    %get3A_427 = vector.load %arg2[%get3A_424, %get3A_425, %get3A_426] : memref<16x256x32xf32, #tpu.memory_space<vmem>>, vector<1x256x32xf32>
    %get3A_428 = vector.shape_cast %get3A_427 : vector<1x256x32xf32> to vector<256x32xf32>
    %concatenate3A_429 = tpu.concatenate %get3A_423, %get3A_428 in 1 : vector<256x32xf32>, vector<256x32xf32> -> vector<256x64xf32>
    %get3A_430 = arith.constant 11 : index
    %get3A_431 = arith.constant 0 : index
    %get3A_432 = arith.constant 0 : index
    %get3A_433 = vector.load %arg3[%get3A_430, %get3A_431, %get3A_432] : memref<16x256x32xf32, #tpu.memory_space<vmem>>, vector<1x256x32xf32>
    %get3A_434 = vector.shape_cast %get3A_433 : vector<1x256x32xf32> to vector<256x32xf32>
    %get3A_435 = arith.constant 11 : index
    %get3A_436 = arith.constant 0 : index
    %get3A_437 = arith.constant 0 : index
    %get3A_438 = vector.load %arg4[%get3A_435, %get3A_436, %get3A_437] : memref<16x256x32xf32, #tpu.memory_space<vmem>>, vector<1x256x32xf32>
    %get3A_439 = vector.shape_cast %get3A_438 : vector<1x256x32xf32> to vector<256x32xf32>
    %concatenate3A_440 = tpu.concatenate %get3A_434, %get3A_439 in 1 : vector<256x32xf32>, vector<256x32xf32> -> vector<256x64xf32>
    %mul3A_441 = vector.broadcast %slice3A_416 : vector<256x1xf32> to vector<256x64xf32>
    %mul3A_442 = arith.mulf %mul3A_441, %concatenate3A_429 : vector<256x64xf32>
    %mul3A_443 = vector.broadcast %slice3A_417 : vector<256x1xf32> to vector<256x64xf32>
    %mul3A_444 = arith.mulf %mul3A_443, %concatenate3A_440 : vector<256x64xf32>
    %add3A_445 = arith.addf %mul3A_442, %mul3A_444 : vector<256x64xf32>
    %get3A_446 = arith.constant 11 : index
    %get3A_447 = arith.constant 0 : index
    %get3A_448 = arith.constant 0 : index
    %get3A_449 = vector.load %arg5[%get3A_446, %get3A_447, %get3A_448] : memref<16x256x64xf32, #tpu.memory_space<vmem>>, vector<1x256x64xf32>
    %get3A_450 = vector.shape_cast %get3A_449 : vector<1x256x64xf32> to vector<256x64xf32>
    %mul3A_451 = vector.broadcast %slice3A_418 : vector<256x1xf32> to vector<256x64xf32>
    %mul3A_452 = arith.mulf %mul3A_451, %get3A_450 : vector<256x64xf32>
    %add3A_453 = arith.addf %add3A_445, %mul3A_452 : vector<256x64xf32>
    %slice3A_454 = vector.extract_strided_slice %get3A_1 {offsets = [0, 36], sizes = [256, 1], strides = [1, 1]} : vector<256x48xf32> to vector<256x1xf32>
    %slice3A_455 = vector.extract_strided_slice %get3A_1 {offsets = [0, 37], sizes = [256, 1], strides = [1, 1]} : vector<256x48xf32> to vector<256x1xf32>
    %slice3A_456 = vector.extract_strided_slice %get3A_1 {offsets = [0, 38], sizes = [256, 1], strides = [1, 1]} : vector<256x48xf32> to vector<256x1xf32>
    %get3A_457 = arith.constant 12 : index
    %get3A_458 = arith.constant 0 : index
    %get3A_459 = arith.constant 0 : index
    %get3A_460 = vector.load %arg1[%get3A_457, %get3A_458, %get3A_459] : memref<16x256x32xf32, #tpu.memory_space<vmem>>, vector<1x256x32xf32>
    %get3A_461 = vector.shape_cast %get3A_460 : vector<1x256x32xf32> to vector<256x32xf32>
    %get3A_462 = arith.constant 12 : index
    %get3A_463 = arith.constant 0 : index
    %get3A_464 = arith.constant 0 : index
    %get3A_465 = vector.load %arg2[%get3A_462, %get3A_463, %get3A_464] : memref<16x256x32xf32, #tpu.memory_space<vmem>>, vector<1x256x32xf32>
    %get3A_466 = vector.shape_cast %get3A_465 : vector<1x256x32xf32> to vector<256x32xf32>
    %concatenate3A_467 = tpu.concatenate %get3A_461, %get3A_466 in 1 : vector<256x32xf32>, vector<256x32xf32> -> vector<256x64xf32>
    %get3A_468 = arith.constant 12 : index
    %get3A_469 = arith.constant 0 : index
    %get3A_470 = arith.constant 0 : index
    %get3A_471 = vector.load %arg3[%get3A_468, %get3A_469, %get3A_470] : memref<16x256x32xf32, #tpu.memory_space<vmem>>, vector<1x256x32xf32>
    %get3A_472 = vector.shape_cast %get3A_471 : vector<1x256x32xf32> to vector<256x32xf32>
    %get3A_473 = arith.constant 12 : index
    %get3A_474 = arith.constant 0 : index
    %get3A_475 = arith.constant 0 : index
    %get3A_476 = vector.load %arg4[%get3A_473, %get3A_474, %get3A_475] : memref<16x256x32xf32, #tpu.memory_space<vmem>>, vector<1x256x32xf32>
    %get3A_477 = vector.shape_cast %get3A_476 : vector<1x256x32xf32> to vector<256x32xf32>
    %concatenate3A_478 = tpu.concatenate %get3A_472, %get3A_477 in 1 : vector<256x32xf32>, vector<256x32xf32> -> vector<256x64xf32>
    %mul3A_479 = vector.broadcast %slice3A_454 : vector<256x1xf32> to vector<256x64xf32>
    %mul3A_480 = arith.mulf %mul3A_479, %concatenate3A_467 : vector<256x64xf32>
    %mul3A_481 = vector.broadcast %slice3A_455 : vector<256x1xf32> to vector<256x64xf32>
    %mul3A_482 = arith.mulf %mul3A_481, %concatenate3A_478 : vector<256x64xf32>
    %add3A_483 = arith.addf %mul3A_480, %mul3A_482 : vector<256x64xf32>
    %get3A_484 = arith.constant 12 : index
    %get3A_485 = arith.constant 0 : index
    %get3A_486 = arith.constant 0 : index
    %get3A_487 = vector.load %arg5[%get3A_484, %get3A_485, %get3A_486] : memref<16x256x64xf32, #tpu.memory_space<vmem>>, vector<1x256x64xf32>
    %get3A_488 = vector.shape_cast %get3A_487 : vector<1x256x64xf32> to vector<256x64xf32>
    %mul3A_489 = vector.broadcast %slice3A_456 : vector<256x1xf32> to vector<256x64xf32>
    %mul3A_490 = arith.mulf %mul3A_489, %get3A_488 : vector<256x64xf32>
    %add3A_491 = arith.addf %add3A_483, %mul3A_490 : vector<256x64xf32>
    %slice3A_492 = vector.extract_strided_slice %get3A_1 {offsets = [0, 39], sizes = [256, 1], strides = [1, 1]} : vector<256x48xf32> to vector<256x1xf32>
    %slice3A_493 = vector.extract_strided_slice %get3A_1 {offsets = [0, 40], sizes = [256, 1], strides = [1, 1]} : vector<256x48xf32> to vector<256x1xf32>
    %slice3A_494 = vector.extract_strided_slice %get3A_1 {offsets = [0, 41], sizes = [256, 1], strides = [1, 1]} : vector<256x48xf32> to vector<256x1xf32>
    %get3A_495 = arith.constant 13 : index
    %get3A_496 = arith.constant 0 : index
    %get3A_497 = arith.constant 0 : index
    %get3A_498 = vector.load %arg1[%get3A_495, %get3A_496, %get3A_497] : memref<16x256x32xf32, #tpu.memory_space<vmem>>, vector<1x256x32xf32>
    %get3A_499 = vector.shape_cast %get3A_498 : vector<1x256x32xf32> to vector<256x32xf32>
    %get3A_500 = arith.constant 13 : index
    %get3A_501 = arith.constant 0 : index
    %get3A_502 = arith.constant 0 : index
    %get3A_503 = vector.load %arg2[%get3A_500, %get3A_501, %get3A_502] : memref<16x256x32xf32, #tpu.memory_space<vmem>>, vector<1x256x32xf32>
    %get3A_504 = vector.shape_cast %get3A_503 : vector<1x256x32xf32> to vector<256x32xf32>
    %concatenate3A_505 = tpu.concatenate %get3A_499, %get3A_504 in 1 : vector<256x32xf32>, vector<256x32xf32> -> vector<256x64xf32>
    %get3A_506 = arith.constant 13 : index
    %get3A_507 = arith.constant 0 : index
    %get3A_508 = arith.constant 0 : index
    %get3A_509 = vector.load %arg3[%get3A_506, %get3A_507, %get3A_508] : memref<16x256x32xf32, #tpu.memory_space<vmem>>, vector<1x256x32xf32>
    %get3A_510 = vector.shape_cast %get3A_509 : vector<1x256x32xf32> to vector<256x32xf32>
    %get3A_511 = arith.constant 13 : index
    %get3A_512 = arith.constant 0 : index
    %get3A_513 = arith.constant 0 : index
    %get3A_514 = vector.load %arg4[%get3A_511, %get3A_512, %get3A_513] : memref<16x256x32xf32, #tpu.memory_space<vmem>>, vector<1x256x32xf32>
    %get3A_515 = vector.shape_cast %get3A_514 : vector<1x256x32xf32> to vector<256x32xf32>
    %concatenate3A_516 = tpu.concatenate %get3A_510, %get3A_515 in 1 : vector<256x32xf32>, vector<256x32xf32> -> vector<256x64xf32>
    %mul3A_517 = vector.broadcast %slice3A_492 : vector<256x1xf32> to vector<256x64xf32>
    %mul3A_518 = arith.mulf %mul3A_517, %concatenate3A_505 : vector<256x64xf32>
    %mul3A_519 = vector.broadcast %slice3A_493 : vector<256x1xf32> to vector<256x64xf32>
    %mul3A_520 = arith.mulf %mul3A_519, %concatenate3A_516 : vector<256x64xf32>
    %add3A_521 = arith.addf %mul3A_518, %mul3A_520 : vector<256x64xf32>
    %get3A_522 = arith.constant 13 : index
    %get3A_523 = arith.constant 0 : index
    %get3A_524 = arith.constant 0 : index
    %get3A_525 = vector.load %arg5[%get3A_522, %get3A_523, %get3A_524] : memref<16x256x64xf32, #tpu.memory_space<vmem>>, vector<1x256x64xf32>
    %get3A_526 = vector.shape_cast %get3A_525 : vector<1x256x64xf32> to vector<256x64xf32>
    %mul3A_527 = vector.broadcast %slice3A_494 : vector<256x1xf32> to vector<256x64xf32>
    %mul3A_528 = arith.mulf %mul3A_527, %get3A_526 : vector<256x64xf32>
    %add3A_529 = arith.addf %add3A_521, %mul3A_528 : vector<256x64xf32>
    %slice3A_530 = vector.extract_strided_slice %get3A_1 {offsets = [0, 42], sizes = [256, 1], strides = [1, 1]} : vector<256x48xf32> to vector<256x1xf32>
    %slice3A_531 = vector.extract_strided_slice %get3A_1 {offsets = [0, 43], sizes = [256, 1], strides = [1, 1]} : vector<256x48xf32> to vector<256x1xf32>
    %slice3A_532 = vector.extract_strided_slice %get3A_1 {offsets = [0, 44], sizes = [256, 1], strides = [1, 1]} : vector<256x48xf32> to vector<256x1xf32>
    %get3A_533 = arith.constant 14 : index
    %get3A_534 = arith.constant 0 : index
    %get3A_535 = arith.constant 0 : index
    %get3A_536 = vector.load %arg1[%get3A_533, %get3A_534, %get3A_535] : memref<16x256x32xf32, #tpu.memory_space<vmem>>, vector<1x256x32xf32>
    %get3A_537 = vector.shape_cast %get3A_536 : vector<1x256x32xf32> to vector<256x32xf32>
    %get3A_538 = arith.constant 14 : index
    %get3A_539 = arith.constant 0 : index
    %get3A_540 = arith.constant 0 : index
    %get3A_541 = vector.load %arg2[%get3A_538, %get3A_539, %get3A_540] : memref<16x256x32xf32, #tpu.memory_space<vmem>>, vector<1x256x32xf32>
    %get3A_542 = vector.shape_cast %get3A_541 : vector<1x256x32xf32> to vector<256x32xf32>
    %concatenate3A_543 = tpu.concatenate %get3A_537, %get3A_542 in 1 : vector<256x32xf32>, vector<256x32xf32> -> vector<256x64xf32>
    %get3A_544 = arith.constant 14 : index
    %get3A_545 = arith.constant 0 : index
    %get3A_546 = arith.constant 0 : index
    %get3A_547 = vector.load %arg3[%get3A_544, %get3A_545, %get3A_546] : memref<16x256x32xf32, #tpu.memory_space<vmem>>, vector<1x256x32xf32>
    %get3A_548 = vector.shape_cast %get3A_547 : vector<1x256x32xf32> to vector<256x32xf32>
    %get3A_549 = arith.constant 14 : index
    %get3A_550 = arith.constant 0 : index
    %get3A_551 = arith.constant 0 : index
    %get3A_552 = vector.load %arg4[%get3A_549, %get3A_550, %get3A_551] : memref<16x256x32xf32, #tpu.memory_space<vmem>>, vector<1x256x32xf32>
    %get3A_553 = vector.shape_cast %get3A_552 : vector<1x256x32xf32> to vector<256x32xf32>
    %concatenate3A_554 = tpu.concatenate %get3A_548, %get3A_553 in 1 : vector<256x32xf32>, vector<256x32xf32> -> vector<256x64xf32>
    %mul3A_555 = vector.broadcast %slice3A_530 : vector<256x1xf32> to vector<256x64xf32>
    %mul3A_556 = arith.mulf %mul3A_555, %concatenate3A_543 : vector<256x64xf32>
    %mul3A_557 = vector.broadcast %slice3A_531 : vector<256x1xf32> to vector<256x64xf32>
    %mul3A_558 = arith.mulf %mul3A_557, %concatenate3A_554 : vector<256x64xf32>
    %add3A_559 = arith.addf %mul3A_556, %mul3A_558 : vector<256x64xf32>
    %get3A_560 = arith.constant 14 : index
    %get3A_561 = arith.constant 0 : index
    %get3A_562 = arith.constant 0 : index
    %get3A_563 = vector.load %arg5[%get3A_560, %get3A_561, %get3A_562] : memref<16x256x64xf32, #tpu.memory_space<vmem>>, vector<1x256x64xf32>
    %get3A_564 = vector.shape_cast %get3A_563 : vector<1x256x64xf32> to vector<256x64xf32>
    %mul3A_565 = vector.broadcast %slice3A_532 : vector<256x1xf32> to vector<256x64xf32>
    %mul3A_566 = arith.mulf %mul3A_565, %get3A_564 : vector<256x64xf32>
    %add3A_567 = arith.addf %add3A_559, %mul3A_566 : vector<256x64xf32>
    %slice3A_568 = vector.extract_strided_slice %get3A_1 {offsets = [0, 45], sizes = [256, 1], strides = [1, 1]} : vector<256x48xf32> to vector<256x1xf32>
    %slice3A_569 = vector.extract_strided_slice %get3A_1 {offsets = [0, 46], sizes = [256, 1], strides = [1, 1]} : vector<256x48xf32> to vector<256x1xf32>
    %slice3A_570 = vector.extract_strided_slice %get3A_1 {offsets = [0, 47], sizes = [256, 1], strides = [1, 1]} : vector<256x48xf32> to vector<256x1xf32>
    %get3A_571 = arith.constant 15 : index
    %get3A_572 = arith.constant 0 : index
    %get3A_573 = arith.constant 0 : index
    %get3A_574 = vector.load %arg1[%get3A_571, %get3A_572, %get3A_573] : memref<16x256x32xf32, #tpu.memory_space<vmem>>, vector<1x256x32xf32>
    %get3A_575 = vector.shape_cast %get3A_574 : vector<1x256x32xf32> to vector<256x32xf32>
    %get3A_576 = arith.constant 15 : index
    %get3A_577 = arith.constant 0 : index
    %get3A_578 = arith.constant 0 : index
    %get3A_579 = vector.load %arg2[%get3A_576, %get3A_577, %get3A_578] : memref<16x256x32xf32, #tpu.memory_space<vmem>>, vector<1x256x32xf32>
    %get3A_580 = vector.shape_cast %get3A_579 : vector<1x256x32xf32> to vector<256x32xf32>
    %concatenate3A_581 = tpu.concatenate %get3A_575, %get3A_580 in 1 : vector<256x32xf32>, vector<256x32xf32> -> vector<256x64xf32>
    %get3A_582 = arith.constant 15 : index
    %get3A_583 = arith.constant 0 : index
    %get3A_584 = arith.constant 0 : index
    %get3A_585 = vector.load %arg3[%get3A_582, %get3A_583, %get3A_584] : memref<16x256x32xf32, #tpu.memory_space<vmem>>, vector<1x256x32xf32>
    %get3A_586 = vector.shape_cast %get3A_585 : vector<1x256x32xf32> to vector<256x32xf32>
    %get3A_587 = arith.constant 15 : index
    %get3A_588 = arith.constant 0 : index
    %get3A_589 = arith.constant 0 : index
    %get3A_590 = vector.load %arg4[%get3A_587, %get3A_588, %get3A_589] : memref<16x256x32xf32, #tpu.memory_space<vmem>>, vector<1x256x32xf32>
    %get3A_591 = vector.shape_cast %get3A_590 : vector<1x256x32xf32> to vector<256x32xf32>
    %concatenate3A_592 = tpu.concatenate %get3A_586, %get3A_591 in 1 : vector<256x32xf32>, vector<256x32xf32> -> vector<256x64xf32>
    %mul3A_593 = vector.broadcast %slice3A_568 : vector<256x1xf32> to vector<256x64xf32>
    %mul3A_594 = arith.mulf %mul3A_593, %concatenate3A_581 : vector<256x64xf32>
    %mul3A_595 = vector.broadcast %slice3A_569 : vector<256x1xf32> to vector<256x64xf32>
    %mul3A_596 = arith.mulf %mul3A_595, %concatenate3A_592 : vector<256x64xf32>
    %add3A_597 = arith.addf %mul3A_594, %mul3A_596 : vector<256x64xf32>
    %get3A_598 = arith.constant 15 : index
    %get3A_599 = arith.constant 0 : index
    %get3A_600 = arith.constant 0 : index
    %get3A_601 = vector.load %arg5[%get3A_598, %get3A_599, %get3A_600] : memref<16x256x64xf32, #tpu.memory_space<vmem>>, vector<1x256x64xf32>
    %get3A_602 = vector.shape_cast %get3A_601 : vector<1x256x64xf32> to vector<256x64xf32>
    %mul3A_603 = vector.broadcast %slice3A_570 : vector<256x1xf32> to vector<256x64xf32>
    %mul3A_604 = arith.mulf %mul3A_603, %get3A_602 : vector<256x64xf32>
    %add3A_605 = arith.addf %add3A_597, %mul3A_604 : vector<256x64xf32>
    %concatenate3A_606 = tpu.concatenate %add3A_35, %add3A_73, %add3A_111, %add3A_149, %add3A_187, %add3A_225, %add3A_263, %add3A_301, %add3A_339, %add3A_377, %add3A_415, %add3A_453, %add3A_491, %add3A_529, %add3A_567, %add3A_605 in 1 : vector<256x64xf32>, vector<256x64xf32>, vector<256x64xf32>, vector<256x64xf32>, vector<256x64xf32>, vector<256x64xf32>, vector<256x64xf32>, vector<256x64xf32>, vector<256x64xf32>, vector<256x64xf32>, vector<256x64xf32>, vector<256x64xf32>, vector<256x64xf32>, vector<256x64xf32>, vector<256x64xf32>, vector<256x64xf32> -> vector<256x1024xf32>
    %get3A_607 = arith.constant 0 : index
    %get3A_608 = arith.constant 0 : index
    %get3A_609 = vector.load %arg7[%get3A_607, %get3A_608] : memref<1x1024xf32, #tpu.memory_space<vmem>>, vector<1x1024xf32>
    %get3A_610 = arith.constant 0 : index
    %get3A_611 = arith.constant 0 : index
    %get3A_612 = vector.load %arg8[%get3A_610, %get3A_611] : memref<1x1024xf32, #tpu.memory_space<vmem>>, vector<1x1024xf32>
    %reduce_sum3A = arith.constant dense<0.000000e+00> : vector<256xf32>
    %reduce_sum3A_613 = vector.multi_reduction <add>, %concatenate3A_606, %reduce_sum3A [1] : vector<256x1024xf32> to vector<256xf32>
    %broadcast_in_dim3A = vector.shape_cast %reduce_sum3A_613 : vector<256xf32> to vector<256x1xf32>
    %div3A = arith.constant 1.024000e+03 : f32
    %div3A_614 = vector.broadcast %div3A : f32 to vector<256x1xf32>
    %div3A_615 = arith.divf %broadcast_in_dim3A, %div3A_614 : vector<256x1xf32>
    %sub3A = vector.broadcast %div3A_615 : vector<256x1xf32> to vector<256x1024xf32>
    %sub3A_616 = arith.subf %concatenate3A_606, %sub3A : vector<256x1024xf32>
    %integer_pow3A = arith.mulf %sub3A_616, %sub3A_616 : vector<256x1024xf32>
    %reduce_sum3A_617 = arith.constant dense<0.000000e+00> : vector<256xf32>
    %reduce_sum3A_618 = vector.multi_reduction <add>, %integer_pow3A, %reduce_sum3A_617 [1] : vector<256x1024xf32> to vector<256xf32>
    %broadcast_in_dim3A_619 = vector.shape_cast %reduce_sum3A_618 : vector<256xf32> to vector<256x1xf32>
    %div3A_620 = arith.constant 1.024000e+03 : f32
    %div3A_621 = vector.broadcast %div3A_620 : f32 to vector<256x1xf32>
    %div3A_622 = arith.divf %broadcast_in_dim3A_619, %div3A_621 : vector<256x1xf32>
    %sub3A_623 = vector.broadcast %div3A_615 : vector<256x1xf32> to vector<256x1024xf32>
    %sub3A_624 = arith.subf %concatenate3A_606, %sub3A_623 : vector<256x1024xf32>
    %add3A_625 = arith.constant 9.99999974E-6 : f32
    %add3A_626 = vector.broadcast %add3A_625 : f32 to vector<256x1xf32>
    %add3A_627 = arith.addf %div3A_622, %add3A_626 : vector<256x1xf32>
    %sqrt3A = math.sqrt %add3A_627 : vector<256x1xf32>
    %div3A_628 = vector.broadcast %sqrt3A : vector<256x1xf32> to vector<256x1024xf32>
    %div3A_629 = arith.divf %sub3A_624, %div3A_628 : vector<256x1024xf32>
    %mul3A_630 = vector.broadcast %get3A_609 : vector<1x1024xf32> to vector<256x1024xf32>
    %mul3A_631 = arith.mulf %div3A_629, %mul3A_630 : vector<256x1024xf32>
    %add3A_632 = vector.broadcast %get3A_612 : vector<1x1024xf32> to vector<256x1024xf32>
    %add3A_633 = arith.addf %mul3A_631, %add3A_632 : vector<256x1024xf32>
    %get3A_634 = arith.constant 0 : index
    %get3A_635 = arith.constant 0 : index
    %get3A_636 = vector.load %arg9[%get3A_634, %get3A_635] : memref<1024x1024xf32, #tpu.memory_space<vmem>>, vector<1024x1024xf32>
    %dot_general3A = arith.constant dense<0.000000e+00> : vector<256x1024xf32>
    %dot_general3A_637 = tpu.matmul %add3A_633, %get3A_636, %dot_general3A {dimension_numbers = #tpu.dot_dimension_numbers<[1], [1], [0], [0], [0, 0, 1, 0], [], []>, transpose_lhs_hint = false} : vector<256x1024xf32>, vector<1024x1024xf32>, vector<256x1024xf32> -> vector<256x1024xf32>
    %swap3A = arith.constant 0 : index
    %swap3A_638 = arith.constant 0 : index
    %swap3A_639 = vector.load %arg10[%swap3A, %swap3A_638] : memref<256x1024xf32, #tpu.memory_space<vmem>>, vector<256x1024xf32>
    tpu.vector_store %arg10[%swap3A, %swap3A_638], %dot_general3A_637 {strides = array<i32>} : memref<256x1024xf32, #tpu.memory_space<vmem>>, vector<256x1024xf32>,
    return
  }
  func.func @transform_0(%arg0: i32) -> (i32, i32, i32) {
    %c0_i32 = arith.constant 0 : i32
    %c0_i32_0 = arith.constant 0 : i32
    %c0_i32_1 = arith.constant 0 : i32
    return %c0_i32, %arg0, %c0_i32_0 : i32, i32, i32
  }
  func.func @transform_1(%arg0: i32) -> (i32, i32, i32) {
    %c0_i32 = arith.constant 0 : i32
    %c0_i32_0 = arith.constant 0 : i32
    %c0_i32_1 = arith.constant 0 : i32
    return %c0_i32, %arg0, %c0_i32_0 : i32, i32, i32
  }
  func.func @transform_2(%arg0: i32) -> (i32, i32, i32) {
    %c0_i32 = arith.constant 0 : i32
    %c0_i32_0 = arith.constant 0 : i32
    %c0_i32_1 = arith.constant 0 : i32
    return %c0_i32, %arg0, %c0_i32_0 : i32, i32, i32
  }
  func.func @transform_3(%arg0: i32) -> (i32, i32, i32) {
    %c0_i32 = arith.constant 0 : i32
    %c0_i32_0 = arith.constant 0 : i32
    %c0_i32_1 = arith.constant 0 : i32
    return %c0_i32, %arg0, %c0_i32_0 : i32, i32, i32
  }
  func.func @transform_4(%arg0: i32) -> (i32, i32, i32) {
    %c0_i32 = arith.constant 0 : i32
    %c0_i32_0 = arith.constant 0 : i32
    %c0_i32_1 = arith.constant 0 : i32
    return %c0_i32, %arg0, %c0_i32_0 : i32, i32, i32
  }
  func.func @transform_5(%arg0: i32) -> (i32, i32) {
    %c0_i32 = arith.constant 0 : i32
    %c0_i32_0 = arith.constant 0 : i32
    return %arg0, %c0_i32 : i32, i32
  }
  func.func @transform_6(%arg0: i32) -> (i32, i32) {
    %c0_i32 = arith.constant 0 : i32
    %c0_i32_0 = arith.constant 0 : i32
    %c0_i32_1 = arith.constant 0 : i32
    return %c0_i32, %c0_i32_0 : i32, i32
  }
  func.func @transform_7(%arg0: i32) -> (i32, i32) {
    %c0_i32 = arith.constant 0 : i32
    %c0_i32_0 = arith.constant 0 : i32
    %c0_i32_1 = arith.constant 0 : i32
    return %c0_i32, %c0_i32_0 : i32, i32
  }
  func.func @transform_8(%arg0: i32) -> (i32, i32) {
    %c0_i32 = arith.constant 0 : i32
    %c0_i32_0 = arith.constant 0 : i32
    %c0_i32_1 = arith.constant 0 : i32
    return %c0_i32, %c0_i32_0 : i32, i32
  }
  func.func @transform_9(%arg0: i32) -> (i32, i32) {
    %c0_i32 = arith.constant 0 : i32
    %c0_i32_0 = arith.constant 0 : i32
    return %arg0, %c0_i32 : i32, i32
  }
}

</mosaic_0001>

<sc_bundles>
// kernel: kernel.8.cloned.1.call-start
scs
__scs_entry_jumppad:
0x0: {  	(pc) =	sbr.rel $0x88, $3  }
0x1: {  	(tag) =	ssettag $0x0;
	lr =	simm.s32 $0x1  }
0x2: {  	[smem:$0x3F8A] =	sst lr;
	_ =	strace $0xD0000000  }
0x3: {  	_ = 	snop  }
0x4: {  	_ = 	snop  }
0x5: {  	_ = 	snop  }
0x6: {  	_ = 	snop  }
0x7: {  	_ = 	snop  }
__scs_overlays_trampoline_lowered:
0x8: {  	[smem:$0x3F99] =	sst s0  }
0x9: {  	[smem:$0x3F9A] =	sst s1  }
0xa: {  	[smem:$0x3F9B] =	sst s2  }
0xb: {  	[smem:$0x3F9C] =	sst s3  }
0xc: {  	[smem:$0x3F9D] =	sst s4  }
0xd: {  	[smem:$0x3F9E] =	sst s5  }
0xe: {  	[smem:$0x3F9F] =	sst s6  }
0xf: {  	[smem:$0x3FA0] =	sst s7  }
0x10: {  	[smem:$0x3FA1] =	sst s8  }
0x11: {  	[smem:$0x3FA2] =	sst s9;
	s0 =	simm.s32 @!p0 $0x0  }
0x12: {  	s1 =	sld [smem:$0x3F88];
	s0 =	simm.s32 @p0 $0x1  }
0x13: {  	[smem:$0x3FA3] =	sst s0;
	s0 =	simm.s32 @!p1 $0x0  }
0x14: {  	s2 =	sld [smem:$0x3F87];
	s0 =	simm.s32 @p1 $0x1  }
0x15: {  	[smem:$0x3FA4] =	sst s0;
	s0 =	simm.s32 @!p2 $0x0  }
0x16: {  	s3 =	sld [smem:$0x3FDB];
	s0 =	simm.s32 @p2 $0x1  }
0x17: {  	s4 =	simm.s32 $0x1BF5;
	[smem:$0x3FA6] =	sst s0  }
0x18: {  	s0 =	sld [smem:$0x3F89];
	_ =	swait.ge [sflag:s4], $0x0  }
0x19: {  	s7 =	sld [smem:$0x3F8A]  }
0x1a: {  	s8 =	sadd.s32 $0xFFFFE003, lr  }
0x1b: {  	s9 =	sadd.s32 $0xFFFFFEF7, lr;
	s5 =	simm.s32 $0xFFFFFFFF;
	p2 =	slt.u32 s8, $0xFFFFF086  }
0x1c: {  	p1 =	slt.u32 s9, $0xF7A;
	s5 =	simm.s32 @!p2 $0x0  }
0x1d: {  	s5 =	simm.s32 @p1 $0x1;
	p0 =	seq.s32 s7, s2  }
0x1e: {  	s7 =	smul.u32 @!p0 $0xF7A, s2;
	p2 =	seq.s32 @!p0 s5, $0x0  }
0x1f: {  	s9 =	smul.u32 $0xF7A, s1;
	s8 =	simm.s32 @!p0 $0x1BF5;
	p2 =	por !p2, p0  }
0x20: {  	[sflag:s8] =	ssyncset.s32 @!p0 $0xFFFFF086;
	s6 =	sadd.s32 @!p0 s3, s7;
	s7 =	simm.s32 @!p0 $0x108  }
0x21: {  	s3 =	sadd.s32 s3, s9;
	s6 =	sadd.s32 @!p0 $0x88, s6;
	s7 =	simm.s32 @p2 $0x1082  }
0x22: {  	[simem:s7], [sflag:s8] =	dma.local @!p0 [hbm:s6], $0xF7A  }
0x23: {  	s9 =	sor.u32 $0xD0000000, s2;
	s6 =	simm.s32 $0x108;
	_ =	swait.ge @!p0 [sflag:s8], $0x0  }
0x24: {  	s3 =	sadd.s32 $0x88, s3;
	s6 =	simm.s32 @!p1 $0x1082;
	[sflag:s4] =	ssyncset.s32 $0xFFFFF086  }
0x25: {  	[simem:s6], [sflag:s4] =	dma.local [hbm:s3], $0xF7A  }
0x26: {  	[smem:$0x3F8A] =	sst s1;
	(tag) =	ssettag s2;
	_ =	strace s9  }
0x27: {  	s1 =	sld [smem:$0x3F9A]  }
0x28: {  	s2 =	sld [smem:$0x3F9B]  }
0x29: {  	s4 =	sld [smem:$0x3F9D]  }
0x2a: {  	p0 =	seq.s32 s5, $0x0;
	s5 =	sld [smem:$0x3F9E]  }
0x2b: {  	s6 =	sld [smem:$0x3F9F]  }
0x2c: {  	s7 =	sld [smem:$0x3FA0]  }
0x2d: {  	s3 =	simm.s32 $0x108;
	s8 =	sld [smem:$0x3FA1]  }
0x2e: {  	s3 =	simm.s32 @!p0 $0x1082;
	s9 =	sld [smem:$0x3FA2]  }
0x2f: {  	lr =	sadd.s32 s0, s3;
	s0 =	sld [smem:$0x3F99]  }
0x30: {  	s3 =	sld [smem:$0x3F9C]  }
0x31: {  	[smem:$0x3FA5] =	sst s10  }
0x32: {  	s10 =	sld [smem:$0x3FA3];
	_ =	sdelay $0x3  }
0x33: {  	p0 =	seq.s32 s10, $0x1;
	s10 =	sld [smem:$0x3FA5];
	_ =	sdelay $0x3  }
0x34: {  	[smem:$0x3FA5] =	sst s10  }
0x35: {  	s10 =	sld [smem:$0x3FA4];
	_ =	sdelay $0x3  }
0x36: {  	p1 =	seq.s32 s10, $0x1;
	s10 =	sld [smem:$0x3FA5];
	_ =	sdelay $0x3  }
0x37: {  	[smem:$0x3FA5] =	sst s10  }
0x38: {  	s10 =	sld [smem:$0x3FA6]  }
0x39: {  	_ = 	snop;
	(pc) =	sbr.ind lr, $3  }
0x3a: {  	_ = 	snop  }
0x3b: {  	_ = 	snop  }
0x3c: {  	p2 =	seq.s32 s10, $0x1;
	s10 =	sld [smem:$0x3FA5]  }
0x3d: {  	_ =	shalt  }
0x3e: {  	_ =	shalt  }
0x3f: {  	_ =	shalt  }
0x40: {  	_ =	shalt  }
0x41: {  	_ =	shalt  }
0x42: {  	_ =	shalt  }
0x43: {  	_ =	shalt  }
0x44: {  	_ =	shalt  }
0x45: {  	_ =	shalt  }
0x46: {  	_ =	shalt  }
0x47: {  	_ =	shalt  }
0x48: {  	_ =	shalt  }
0x49: {  	_ =	shalt  }
0x4a: {  	_ =	shalt  }
0x4b: {  	_ =	shalt  }
0x4c: {  	_ =	shalt  }
0x4d: {  	_ =	shalt  }
0x4e: {  	_ =	shalt  }
0x4f: {  	_ =	shalt  }
0x50: {  	_ =	shalt  }
0x51: {  	_ =	shalt  }
0x52: {  	_ =	shalt  }
0x53: {  	_ =	shalt  }
0x54: {  	_ =	shalt  }
0x55: {  	_ =	shalt  }
0x56: {  	_ =	shalt  }
0x57: {  	_ =	shalt  }
0x58: {  	_ =	shalt  }
0x59: {  	_ =	shalt  }
0x5a: {  	_ =	shalt  }
0x5b: {  	_ =	shalt  }
0x5c: {  	_ =	shalt  }
0x5d: {  	_ =	shalt  }
0x5e: {  	_ =	shalt  }
0x5f: {  	_ =	shalt  }
0x60: {  	_ =	shalt  }
0x61: {  	_ =	shalt  }
0x62: {  	_ =	shalt  }
0x63: {  	_ =	shalt  }
0x64: {  	_ =	shalt  }
0x65: {  	_ =	shalt  }
0x66: {  	_ =	shalt  }
0x67: {  	_ =	shalt  }
0x68: {  	_ =	shalt  }
0x69: {  	_ =	shalt  }
0x6a: {  	_ =	shalt  }
0x6b: {  	_ =	shalt  }
0x6c: {  	_ =	shalt  }
0x6d: {  	_ =	shalt  }
0x6e: {  	_ =	shalt  }
0x6f: {  	_ =	shalt  }
0x70: {  	_ =	shalt  }
0x71: {  	_ =	shalt  }
0x72: {  	_ =	shalt  }
0x73: {  	_ =	shalt  }
0x74: {  	_ =	shalt  }
0x75: {  	_ =	shalt  }
0x76: {  	_ =	shalt  }
0x77: {  	_ =	shalt  }
0x78: {  	_ =	shalt  }
0x79: {  	_ =	shalt  }
0x7a: {  	_ =	shalt  }
0x7b: {  	_ =	shalt  }
0x7c: {  	_ =	shalt  }
0x7d: {  	_ =	shalt  }
0x7e: {  	_ =	shalt  }
0x7f: {  	_ =	shalt  }
0x80: {  	_ =	shalt  }
0x81: {  	_ =	shalt  }
0x82: {  	_ =	shalt  }
0x83: {  	_ =	shalt  }
0x84: {  	_ =	shalt  }
0x85: {  	_ =	shalt  }
0x86: {  	_ =	shalt  }
0x87: {  	_ =	shalt  }
.Lfunc_end0:
.L_simem_size_0:
called_computation_lowered:
.L_overlay_start_0:
0x88: {  	s2 =	sld [smem:$0x3FD9]  }
0x89: {  	s3 =	sld [smem:$0x3FFE];
	_ =	sdelay $0x1  }
0x8a: {  	s1 =	srdreg.scid  }
0x8b: {  	s0 =	sand.u32 $0x1, s1  }
0x8c: {  	s17 =	sshll.u32 s0, $0xA;
	s2 =	sadd.s32 s3, s2  }
0x8d: {  	s2 =	sadd.s32 s2, s17  }
0x8e: {  	[smem:$0x3FB1] =	sst s2  }
0x8f: {  	_ = 	snop  }
0x90: {  	s2 =	sld [smem:$0x3FD0];
	(tm) =	ssettm $0x1  }
0x91: {  	s18 =	sld [smem:$0x3FFB];
	_ =	sdelay $0x3  }
0x92: {  	_ =	strace s18  }
0x93: {  	s3 =	sld [smem:$0x3FFC];
	_ =	sdelay $0x3  }
0x94: {  	_ =	strace s3  }
0x95: {  	s3 =	sld [smem:$0x3FFD];
	_ =	sdelay $0x3  }
0x96: {  	_ =	strace s3  }
0x97: {  	_ =	strace $0x8FFFFFFF  }
0x98: {  	s19 =	sld [smem:$0x3FDB];
	_ =	sdelay $0x1  }
0x99: {  	s4 =	simm.s32 $_scs_section_size  }
0x9a: {  	s5 =	simm.s32 $_size__tile_overlayer_lowered;
	s6 =	simm.s32 $_tile_overlayer_lowered  }
0x9b: {  	s22 =	simm.s32 $0x1BFF;
	s21 =	sshll.u32 s6, $0x1;
	s3 =	sadd.s32 s4, s19  }
0x9c: {  	s7 =	simm.s32 $0x0;
	s20 =	sshll.u32 s5, $0x1;
	s5 =	sadd.s32 s21, s3  }
0x9d: {  	[timem:s7], [sflag:s22] =	dma.local [hbm:s5], s20  }
0x9e: {  	_ =	swait.ge [sflag:s22], s20  }
0x9f: {  	s4 =	ssub.s32 $0x0, s20;
	[sflag:s22] =	ssyncset.done $0x0  }
0xa0: {  	[sflag:s22] =	ssyncadd.s32 s4;
	_ =	sdelay $0x1  }
0xa1: {  	s23 =	simm.s32 $0x1B8B  }
0xa2: {  	_ =	swait.ge [sflag:s23], $0x1  }
0xa3: {  	[sflag:s23] =	ssyncset.done $0x0  }
0xa4: {  	s25 =	simm.s32 $0x1B8E;
	s24 =	sld [smem:$0x3FFE];
	[sflag:s23] =	ssyncadd.s32 $0xFFFFFFFF  }
0xa5: {  	s26 =	simm.s32 $execute0_lowered;
	[smem:$0x3FD2] =	sst s25  }
0xa6: {  	s5 =	sshll.u32 s26, $0x1;
	_ =	strace $0x80000046;
	[dreg:$0x1] =	wrdreg $0xFFFFFFFF  }
0xa7: {  	s28 =	simm.s32 $_size_execute0_lowered;
	s3 =	sadd.s32 s3, s5;
	[dreg:$0x0] =	wrdreg $0x0  }
0xa8: {  	s5 =	sshll.u32 s28, $0x1;
	[dreg:$0x2] =	wrdreg s3  }
0xa9: {  	[dreg:$0x3] =	wrdreg s5  }
0xaa: {  	[dreg:$0x4] =	wrdreg $0xC0  }
0xab: {  	_ =	task [dreg:s7], $0x5FFFF  }
0xac: {  	[dreg:$0x1] =	wrdreg $0xFFFFFFFF  }
0xad: {  	[dreg:$0x0] =	wrdreg $0x60  }
0xae: {  	[dreg:$0x2] =	wrdreg s24  }
0xaf: {  	[dreg:$0x3] =	wrdreg s2  }
0xb0: {  	[dreg:$0x4] =	wrdreg $0x9  }
0xb1: {  	_ =	task.clear_ibuf [dreg:s7], $0x5FFFF;
	_ =	strace $0x90000046  }
0xb2: {  	s29 =	simm.s32 $0x9;
	_ =	strace $0x80000048  }
0xb3: {  	_ =	swait.ge [sflag:s29], $0x1  }
0xb4: {  	[sflag:s29] =	ssyncadd.s32 $0xFFFFFFFF  }
0xb5: {  	_ =	strace $0x90000048  }
0xb6: {  	_ =	sfence  }
0xb7: {  	s30 =	sld [smem:$0x0];
	_ =	sdelay $0x2  }
0xb8: {  	s31 =	sshll.u32 s1, $0xD;
	s1 =	sshrl.u32 s1, $0x2  }
0xb9: {  	s3 =	sand.u32 $0x4000, s31;
	s1 =	sadd.s32 s1, s30  }
0xba: {  	s0 =	sor.u32 s3, s0;
	s1 =	sshll.u32 s1, $0x11  }
0xbb: {  	s0 =	sor.u32 s1, s0  }
0xbc: {  	s0 =	sadd.s32 $0x8F2B, s0  }
0xbd: {  	[sflag:s0] =	ssyncadd.remote.s32 $0x1  }
0xbe: {  	_ =	sfence.sel $0xFFFF  }
0xbf: {  	[dreg:$0x0] =	wrdreg $0xFFFFFFFF;
	(pc) =	sbr.abs _section_cstart, $3  }
0xc0: {  	[dreg:$0x1] =	wrdreg $0xFFFFFFFF  }
0xc1: {  	_ =	task.clear_ibuf [dreg:s7], $0x2FFFF;
	_ =	strace $0x9FFFFFFF  }
0xc2: {  	(tm) =	ssettm $0x7FFFFFFF  }
0xc3: {  	_ =	shalt  }
tec
execute0_lowered:
.L_overlay_start_1:
0x0: {  	(tag) =	ssettag $0x1  }
0x1: {  	v0 =	vlaneseq.u32;
	v2 =	vimm.s32 $0xEFCDAB89  }
0x2: {  	s1 =	srdreg.scid;
	v5 =	vimm.s32 $0xDCFE98BA;
	v6 =	vimm.s32 $0x54761032;
	v7 =	vimm.s32 $0xBA98FEDC;
	s6 =	rddreg [dreg:$0x0]  }
0x3: {  	s0 =	stileid.u32;
	v8 =	vimm.s32 $0x32107654;
	s2 =	rddreg [dreg:$0x1];
	v9 =	vimm.s32 $0xFEDCBA98;
	s3 =	simm.s32 $0x0;
	v10 =	vimm.s32 $0x76543210  }
0x4: {  	vm3 =	vmmov $0x1;
	vm8 =	vcmask $0x1320;
	vm9 =	vcmask $0x1720;
	s17 =	simm.s32 $0x2;
	s18 =	simm.s32 $0x10;
	s19 =	simm.s32 $0x180  }
0x5: {  	vm10 =	vcmask $0x1B20;
	vm11 =	vmmov $0x3;
	vm12 =	vmmov $0xf;
	s20 =	simm.s32 $0x200;
	s21 =	simm.s32 $0xA00;
	s15 =	sand.u32 $0x1, s1  }
0x6: {  	vm13 =	vmmov $0x3f;
	vm14 =	vmmov $0xff;
	vm15 =	vmmov $0x3ff;
	s22 =	simm.s32 $0x1200;
	s25 =	sshll.u32 s0, $0x9;
	s1 =	sor.u32 s15, s0  }
0x7: {  	vm4 =	vmmov $0xfff;
	vm5 =	vmmov $0x3fff;
	v1 =	vand.u32 $0x7, v0;
	[smem:$0x7FF] =	sst s3;
	p0 =	seq.s32 s15, $0x1;
	p1 =	seq.s32 s1, $0x0  }
0x8: {  	v3 =	vand.u32 $0x1, v0;
	v4 =	vunpack.c.l.s4.s8 v2;
	v5 =	vunpack.c.l.s4.s8 v5;
	s11 =	sshll.u32 s0, $0x8;
	s30 =	sshll.u32 s0, $0x4;
	p1 =	por !p1, !p0  }
0x9: {  	v6 =	vunpack.c.l.s4.s8 v6;
	v7 =	vunpack.c.l.s4.s8 v7;
	v8 =	vunpack.c.l.s4.s8 v8;
	s31 =	ssub.s32 $0x2, s15;
	s1 =	simm.s32 $0x1;
	p1 =	por !p1, !p1  }
0xa: {  	v9 =	vunpack.c.l.s4.s8 v9;
	v11 =	vor.u32 $0xB0, v0;
	v12 =	vor.u32 $0xA0, v0;
	s11 =	sadd.s32 s11, s6;
	s13 =	sshrl.u32 s31, $0x1;
	s1 =	simm.s32 @!p1 $0x0  }
0xb: {  	v13 =	vor.u32 $0x90, v0;
	v14 =	vor.u32 $0x80, v0;
	v15 =	vor.u32 $0x70, v0;
	s16 =	ssub.s32 s31, s13;
	p1 =	seq.s32 @!p0 s15, $0x0;
	s5 =	ssub.s32 s0, s1  }
0xc: {  	v16 =	vor.u32 $0x60, v0;
	v17 =	vor.u32 $0x50, v0;
	v18 =	vor.u32 $0x40, v0;
	s15 =	simm.s32 $0x400;
	s1 =	rddreg [dreg:$0x2];
	s26 =	sshll.u32 s5, $0x9  }
0xd: {  	v19 =	vor.u32 $0x30, v0;
	_ =	strace $0x80000047;
	p1 =	por p0, !p1;
	s7 =	sshrl.u32 s5, $0x3;
	v2 =	vor.u32 s26, v3;
	v3 =	vimm.s32 $0x67452301  }
0xe: {  	v20 =	vor.u32 $0x20, v0;
	v1 =	vor.u32 s25, v1;
	s4 =	sshll.u32 s5, $0x7;
	s29 =	sshll.u32 s5, $0x8;
	s5 =	sadd.s32 $0x86000, s6;
	v3 =	vunpack.c.l.s4.s8 v3  }
0xf: {  	vm0 =	vmmov @!p0 $0x1;
	v4 =	vunpack.c.0.s8.s32 v4;
	v5 =	vunpack.c.0.s8.s32 v5;
	s8 =	sand.u32 $0x380, s4;
	s28 =	sshll.u32 s7, $0xB;
	s7 =	sshll.u32 s7, $0xA  }
0x10: {  	v6 =	vunpack.c.0.s8.s32 v6;
	v7 =	vunpack.c.0.s8.s32 v7;
	s4 =	sor.u32 s8, s28;
	s7 =	sor.u32 s8, s7;
	s8 =	sadd.s32 $0xA7000, s11;
	v3 =	vunpack.c.0.s8.s32 v3  }
0x11: {  	v8 =	vunpack.c.0.s8.s32 v8;
	vm1 =	vcmask @!p0 $0x308;
	vm2 =	vmmov @!p0 $0xff;
	s9 =	sshrl.u32 s4, $0x3;
	s4 =	simm.s32 $0x1;
	s7 =	sshrl.u32 s7, $0x3  }
.Ltmp0:
0x12: {  	v5 =	vcombine.low v6, v5;
	s10 =	sadd.s32 s9, s6;
	s9 =	sand.u32 $0x1FFFFF00, s29;
	v3 =	vcombine.low v3, v4;
	v4 =	vunpack.c.l.s4.s8 v10;
	(pc) =	sbr.rel .LBB2_1-.Ltmp0, $4  }
0x13: {  	v6 =	vcombine.low v8, v7;
	v7 =	vunpack.c.0.s8.s32 v9;
	v9 =	vor.u32 $0xD0, v0;
	s14 =	sadd.s32 s7, s6;
	s7 =	sadd.s32 $0xA6000, s11;
	s12 =	sadd.s32 s9, s6  }
0x14: {  	s9 =	sadd.s32 s30, s6;
	s10 =	sadd.s32 $0x85E00, s10;
	s13 =	sadd.s32 $0xAA200, s14;
	v10 =	vor.u32 $0xC0, v0;
	v3 =	vand.u32 $0xF, v3;
	v8 =	vunpack.c.0.s8.s32 v4  }
0x15: {  	s14 =	smax.u32 s16, $0x1;
	s16 =	simm.s32 $0x80;
	s6 =	sadd.s32 $0x85C00, s9;
	v4 =	vand.u32 $0xF, v5;
	v5 =	vand.u32 $0xF, v6;
	v6 =	vand.u32 $0xF, v7  }
0x16: {  	s9 =	sadd.s32 $0xAA000, s9;
	s11 =	sadd.s32 $0xA8000, s12;
	s12 =	sadd.s32 $0xA9000, s12;
	v7 =	vor.u32 $0xF0, v0;
	v6 =	vcombine.low v6, v8;
	v8 =	vor.u32 $0xE0, v0  }
.LBB2_3:
0x17: {  	s14 =	sadd.s32 $0xFFFFFFFF, s14  }
0x18: {  	p2 =	sne.s32 s14, $0x0  }
.Ltmp1:
0x19: {  	_ = 	snop;
	(pc) =	sbr.rel @!p2 .LBB2_4-.Ltmp1, $1  }
0x1a: {  	_ =	sdelay $0x3  }
.LBB2_1:
0x1b: {  	s24 =	simm.s32 @!p0 $0x0;
	s23 =	simm.s32 @!p0 $0x2  }
0x1c: {  	[tilespmem:s24], [sflag:$0x2] =	stream.linear.gather @!p0 [hbm4b:s6+s24], $0x80, $0x38;
	[tilespmem:$0x1280] =	vst v63  }
0x1d: {  	_ =	swait.ge @!p0 [sflag:s23], $0x80  }
0x1e: {  	[sflag:s23] =	ssyncset.done @!p0 $0x0  }
0x1f: {  	[sflag:s23] =	ssyncadd.s32 @!p0 $0xFFFFFF80  }
0x20: {  	v23 =	vimm.s32 @!p0 $0xEFCDAB89;
	v24 =	vimm.s32 @!p0 $0x67452301;
	v21 =	vld @!p0 [tilespmem:$0x0]  }
0x21: {  	v23 =	vunpack.c.l.s4.s8 @!p0 v23;
	v24 =	vunpack.c.l.s4.s8 @!p0 v24;
	v22 =	vld @!p0 [tilespmem:$0x10]  }
0x22: {  	v25 =	vld @!p0 [tilespmem:$0x20]  }
0x23: {  	v23 =	vunpack.c.0.s8.s32 @!p0 v23;
	v24 =	vunpack.c.0.s8.s32 @!p0 v24;
	v26 =	vld @!p0 [tilespmem:$0x30]  }
0x24: {  	v28 =	vimm.s32 @!p0 $0x54761032;
	v30 =	vimm.s32 @!p0 $0xBA98FEDC  }
0x25: {  	v28 =	vunpack.c.l.s4.s8 @!p0 v28;
	v23 =	vcombine.low @!p0 v24, v23;
	v24 =	vimm.s32 @!p0 $0xDCFE98BA  }
0x26: {  	v31 =	vimm.s32 @!p0 $0x32107654;
	v24 =	vunpack.c.l.s4.s8 @!p0 v24;
	v27 =	vmax.f32 @!p0 v21, v22  }
0x27: {  	v30 =	vunpack.c.l.s4.s8 @!p0 v30;
	v28 =	vunpack.c.0.s8.s32 @!p0 v28;
	v27 =	vmax.f32 @!p0 v27, v25  }
0x28: {  	v23 =	vand.u32 @!p0 $0xF, v23;
	v24 =	vunpack.c.0.s8.s32 @!p0 v24;
	v27 =	vmax.f32 @!p0 v27, v26  }
0x29: {  	v31 =	vunpack.c.l.s4.s8 @!p0 v31;
	v29 =	vperm.xlane @!p0 v27, v23  }
0x2a: {  	v24 =	vcombine.low @!p0 v28, v24;
	v28 =	vunpack.c.0.s8.s32 @!p0 v30  }
0x2b: {  	v30 =	vimm.s32 @!p0 $0xFEDCBA98;
	v27 =	vmax.f32 @!p0 v27, v29;
	v29 =	vunpack.c.0.s8.s32 @!p0 v31  }
0x2c: {  	v30 =	vunpack.c.l.s4.s8 @!p0 v30;
	v24 =	vand.u32 @!p0 $0xF, v24;
	v31 =	vimm.s32 @!p0 $0x76543210  }
0x2d: {  	v32 =	vperm.xlane @!p0 v27, v24;
	v28 =	vcombine.low @!p0 v29, v28;
	v29 =	vunpack.c.l.s4.s8 @!p0 v31  }
0x2e: {  	v30 =	vunpack.c.0.s8.s32 @!p0 v30  }
0x2f: {  	v27 =	vmax.f32 @!p0 v27, v32;
	v28 =	vand.u32 @!p0 $0xF, v28;
	v29 =	vunpack.c.0.s8.s32 @!p0 v29  }
0x30: {  	v30 =	vand.u32 @!p0 $0xF, v30;
	v31 =	vperm.xlane @!p0 v27, v28  }
0x31: {  	v29 =	vcombine.low @!p0 v30, v29  }
0x32: {  	v27 =	vmax.f32 @!p0 v27, v31  }
0x33: {  	v30 =	vperm.xlane @!p0 v27, v29;
	_ =	sdelay $0x1  }
0x34: {  	v27 =	vmax.f32 @!p0 v27, v30;
	v30 =	vlaneseq.u32 @!p0  }
0x35: {  	vm6 =	veq.f32 @!p0 v26, v27;
	v31 =	vor.u32 @!p0 $0x30, v30  }
0x36: {  	vm7 =	veq.f32 @!p0 v25, v27;
	v33 =	vor.u32 @!p0 $0x20, v30;
	v32 =	vnsel @!p0 vm6, $0x40, v31  }
0x37: {  	v34 =	vor.u32 @!p0 $0x10, v30;
	vm6 =	veq.f32 @!p0 v22, v27;
	v32 =	vsel @!p0 vm7, v33, v32  }
0x38: {  	vm7 =	veq.f32 @!p0 v21, v27;
	v27 =	vsel @!p0 vm6, v34, v32  }
0x39: {  	v27 =	vsel @!p0 vm7, v30, v27  }
0x3a: {  	v32 =	vperm.xlane @!p0 v27, v23;
	_ =	sdelay $0x1  }
0x3b: {  	vm6 =	vlt.s32 @!p0 v27, v32  }
0x3c: {  	v27 =	vsel @!p0 vm6, v27, v32  }
0x3d: {  	v32 =	vperm.xlane @!p0 v27, v24;
	_ =	sdelay $0x1  }
0x3e: {  	vm6 =	vlt.s32 @!p0 v27, v32  }
0x3f: {  	v27 =	vsel @!p0 vm6, v27, v32  }
0x40: {  	v32 =	vperm.xlane @!p0 v27, v28;
	_ =	sdelay $0x1  }
0x41: {  	vm6 =	vlt.s32 @!p0 v27, v32  }
0x42: {  	v27 =	vsel @!p0 vm6, v27, v32  }
0x43: {  	v32 =	vperm.xlane @!p0 v27, v29;
	_ =	sdelay $0x1  }
0x44: {  	vm6 =	vlt.s32 @!p0 v27, v32  }
0x45: {  	v27 =	vsel @!p0 vm6, v27, v32  }
0x46: {  	vm6 =	veq.s32 @!p0 v27, v30;
	vm7 =	veq.s32 @!p0 v27, v34  }
0x47: {  	v21 =	vsel @!p0 vm6, $0xF149F2CA, v21;
	v22 =	vsel @!p0 vm7, $0xF149F2CA, v22;
	vm6 =	veq.s32 @!p0 v27, v33  }
0x48: {  	v25 =	vsel @!p0 vm6, $0xF149F2CA, v25;
	vm6 =	veq.s32 @!p0 v27, v31;
	v32 =	vmax.f32 @!p0 v21, v22  }
0x49: {  	v26 =	vsel @!p0 vm6, $0xF149F2CA, v26;
	v32 =	vmax.f32 @!p0 v32, v25  }
0x4a: {  	v32 =	vmax.f32 @!p0 v32, v26  }
0x4b: {  	v35 =	vperm.xlane @!p0 v32, v23;
	_ =	sdelay $0x1  }
0x4c: {  	v32 =	vmax.f32 @!p0 v32, v35  }
0x4d: {  	v35 =	vperm.xlane @!p0 v32, v24;
	_ =	sdelay $0x1  }
0x4e: {  	v32 =	vmax.f32 @!p0 v32, v35  }
0x4f: {  	v35 =	vperm.xlane @!p0 v32, v28;
	_ =	sdelay $0x1  }
0x50: {  	v32 =	vmax.f32 @!p0 v32, v35  }
0x51: {  	v35 =	vperm.xlane @!p0 v32, v29;
	_ =	sdelay $0x1  }
0x52: {  	v32 =	vmax.f32 @!p0 v32, v35  }
0x53: {  	vm6 =	veq.f32 @!p0 v26, v32  }
0x54: {  	vm7 =	veq.f32 @!p0 v25, v32;
	v25 =	vnsel @!p0 vm6, $0x40, v31  }
0x55: {  	vm6 =	veq.f32 @!p0 v22, v32;
	v22 =	vsel @!p0 vm7, v33, v25  }
0x56: {  	vm7 =	veq.f32 @!p0 v21, v32;
	v21 =	vsel @!p0 vm6, v34, v22  }
0x57: {  	v21 =	vsel @!p0 vm7, v30, v21  }
0x58: {  	v22 =	vperm.xlane @!p0 v21, v23;
	_ =	sdelay $0x1  }
0x59: {  	vm6 =	vlt.s32 @!p0 v21, v22  }
0x5a: {  	v21 =	vsel @!p0 vm6, v21, v22  }
0x5b: {  	v22 =	vperm.xlane @!p0 v21, v24;
	_ =	sdelay $0x1  }
0x5c: {  	vm6 =	vlt.s32 @!p0 v21, v22  }
0x5d: {  	v21 =	vsel @!p0 vm6, v21, v22  }
0x5e: {  	v22 =	vperm.xlane @!p0 v21, v28;
	_ =	sdelay $0x1  }
0x5f: {  	vm6 =	vlt.s32 @!p0 v21, v22  }
0x60: {  	v21 =	vsel @!p0 vm6, v21, v22  }
0x61: {  	v22 =	vperm.xlane @!p0 v21, v29;
	_ =	sdelay $0x1  }
0x62: {  	vm6 =	vlt.s32 @!p0 v21, v22  }
0x63: {  	v21 =	vsel @!p0 vm6, v21, v22  }
0x64: {  	v23 =	vnsel @!p0 vm0, $0x0, v27;
	v22 =	vsel @!p0 vm2, v27, v21  }
0x65: {  	v21 =	vsel @!p0 vm1, v23, v21;
	v22 =	vshll.u32 @!p0 v22, $0x3  }
0x66: {  	s25 =	simm.s32 @!p0 $0x10;
	[tilespmem:$0x1200] =	vst @!p0 v21;
	v22 =	vadd.s32 @!p0 v22, v1  }
0x67: {  	s26 =	simm.s32 @!p0 $0x180;
	s28 =	simm.s32 @!p0 $0x200;
	s29 =	simm.s32 @!p0 $0x1;
	[tilespmem:$0x180] =	vst @!p0 v22  }
0x68: {  	[tilespmem:s28], [sflag:$0x1] =	stream.indirect.gather @!p0 [hbm4b:s2+s25], $0x80, s26, s25, $0xb8;
	[tilespmem:$0x1280] =	vst v63  }
0x69: {  	_ =	swait.ge @!p0 [sflag:s29], $0x800  }
0x6a: {  	[sflag:s29] =	ssyncset.done @!p0 $0x0  }
0x6b: {  	s30 =	simm.s32 @!p0 $0xA00;
	[sflag:s29] =	ssyncadd.s32 @!p0 $0xFFFFF800  }
0x6c: {  	[tilespmem:s30], [sflag:$0x1] =	stream.indirect.gather @!p0 [hbm4b:s5+s25], $0x80, s26, s25, $0xb8;
	[tilespmem:$0x1280] =	vst v63  }
0x6d: {  	_ =	swait.ge @!p0 [sflag:s29], $0x800  }
0x6e: {  	[sflag:s29] =	ssyncset.done @!p0 $0x0  }
0x6f: {  	[sflag:s29] =	ssyncadd.s32 @!p0 $0xFFFFF800  }
0x70: {  	[hbm4b:s7+s24] =	stream.linear.scatter @!p0 [tilespmem:s28], [sflag:$0x2], $0x800, $0x38;
	[tilespmem:$0x1280] =	vst v63  }
0x71: {  	_ =	swait.ge @!p0 [sflag:s23], $0x800  }
0x72: {  	[sflag:s23] =	ssyncset.done @!p0 $0x0  }
0x73: {  	[sflag:s23] =	ssyncadd.s32 @!p0 $0xFFFFF800  }
0x74: {  	[hbm4b:s8+s24] =	stream.linear.scatter @!p0 [tilespmem:s30], [sflag:$0x2], $0x800, $0x38;
	[tilespmem:$0x1280] =	vst v63  }
0x75: {  	_ =	swait.ge @!p0 [sflag:s23], $0x800  }
0x76: {  	[sflag:s23] =	ssyncset.done @!p0 $0x0  }
.Ltmp2:
0x77: {  	s25 =	simm.s32 @!p0 $0x1200;
	[sflag:s23] =	ssyncadd.s32 @!p0 $0xFFFFF800;
	(pc) =	sbr.rel @!p1 .LBB2_3-.Ltmp2, $4  }
0x78: {  	[hbm4b:s9+s24] =	stream.linear.scatter @!p0 [tilespmem:s25], [sflag:$0x2], $0x80, $0x38;
	[tilespmem:$0x1280] =	vst v63  }
0x79: {  	_ =	swait.ge @!p0 [sflag:s23], $0x80  }
0x7a: {  	[sflag:s23] =	ssyncset.done @!p0 $0x0  }
0x7b: {  	[sflag:s23] =	ssyncadd.s32 @!p0 $0xFFFFFF80  }
0x7c: {  	[tilespmem:s16], [sflag:$0x2] =	stream.strided.gather [hbm4b:s10+s16], $0x100, s15, s16, $0x38;
	[tilespmem:$0x1280] =	vst v63  }
0x7d: {  	_ =	swait.ge [sflag:s17], $0x100  }
0x7e: {  	[sflag:s17] =	ssyncset.done $0x0  }
0x7f: {  	[sflag:s17] =	ssyncadd.s32 $0xFFFFFF00  }
0x80: {  	v23 =	vld [tilespmem:$0x80]  }
0x81: {  	v24 =	vld [tilespmem:$0x90]  }
0x82: {  	v25 =	vld [tilespmem:$0xA0]  }
0x83: {  	v26 =	vld [tilespmem:$0xB0]  }
0x84: {  	v27 =	vld [tilespmem:$0xC0]  }
0x85: {  	v28 =	vld [tilespmem:$0xD0]  }
0x86: {  	v29 =	vld [tilespmem:$0xE0];
	v21 =	vmax.f32 v23, v24  }
0x87: {  	v30 =	vld [tilespmem:$0xF0];
	v21 =	vmax.f32 v21, v25  }
0x88: {  	v31 =	vld [tilespmem:$0x100];
	v21 =	vmax.f32 v21, v26  }
0x89: {  	v32 =	vld [tilespmem:$0x110];
	v21 =	vmax.f32 v21, v27  }
0x8a: {  	v33 =	vld [tilespmem:$0x120];
	v21 =	vmax.f32 v21, v28  }
0x8b: {  	v34 =	vld [tilespmem:$0x130];
	v21 =	vmax.f32 v21, v29  }
0x8c: {  	v35 =	vld [tilespmem:$0x140];
	v21 =	vmax.f32 v21, v30  }
0x8d: {  	v36 =	vld [tilespmem:$0x150];
	v21 =	vmax.f32 v21, v31  }
0x8e: {  	v37 =	vld [tilespmem:$0x160];
	v21 =	vmax.f32 v21, v32  }
0x8f: {  	v38 =	vld [tilespmem:$0x170];
	v21 =	vmax.f32 v21, v33  }
0x90: {  	v21 =	vmax.f32 v21, v34  }
0x91: {  	v21 =	vmax.f32 v21, v35  }
0x92: {  	v21 =	vmax.f32 v21, v36  }
0x93: {  	v21 =	vmax.f32 v21, v37  }
0x94: {  	v21 =	vmax.f32 v21, v38  }
0x95: {  	v22 =	vperm.xlane v21, v3;
	_ =	sdelay $0x1  }
0x96: {  	v21 =	vmax.f32 v21, v22  }
0x97: {  	v22 =	vperm.xlane v21, v4;
	_ =	sdelay $0x1  }
0x98: {  	v21 =	vmax.f32 v21, v22  }
0x99: {  	v22 =	vperm.xlane v21, v5;
	_ =	sdelay $0x1  }
0x9a: {  	v21 =	vmax.f32 v21, v22  }
0x9b: {  	v22 =	vperm.xlane v21, v6;
	_ =	sdelay $0x1  }
0x9c: {  	v22 =	vmax.f32 v21, v22  }
0x9d: {  	vm6 =	veq.f32 v38, v22  }
0x9e: {  	vm7 =	veq.f32 v37, v22;
	v21 =	vnsel vm6, $0x100, v7  }
0x9f: {  	vm6 =	veq.f32 v36, v22;
	v21 =	vsel vm7, v8, v21  }
0xa0: {  	vm7 =	veq.f32 v35, v22;
	v21 =	vsel vm6, v9, v21  }
0xa1: {  	vm6 =	veq.f32 v34, v22;
	v21 =	vsel vm7, v10, v21  }
0xa2: {  	vm7 =	veq.f32 v33, v22;
	v21 =	vsel vm6, v11, v21  }
0xa3: {  	vm6 =	veq.f32 v32, v22;
	v21 =	vsel vm7, v12, v21  }
0xa4: {  	vm7 =	veq.f32 v31, v22;
	v21 =	vsel vm6, v13, v21  }
0xa5: {  	vm6 =	veq.f32 v30, v22;
	v21 =	vsel vm7, v14, v21  }
0xa6: {  	vm7 =	veq.f32 v29, v22;
	v21 =	vsel vm6, v15, v21  }
0xa7: {  	vm6 =	veq.f32 v28, v22;
	v21 =	vsel vm7, v16, v21  }
0xa8: {  	vm7 =	veq.f32 v27, v22;
	v21 =	vsel vm6, v17, v21  }
0xa9: {  	vm6 =	veq.f32 v26, v22;
	v21 =	vsel vm7, v18, v21  }
0xaa: {  	vm7 =	veq.f32 v25, v22;
	v21 =	vsel vm6, v19, v21  }
0xab: {  	vm6 =	veq.f32 v24, v22;
	v39 =	vsel vm7, v20, v21;
	v21 =	vor.u32 $0x10, v0  }
0xac: {  	vm7 =	veq.f32 v23, v22;
	v22 =	vsel vm6, v21, v39  }
0xad: {  	v22 =	vsel vm7, v0, v22  }
0xae: {  	v50 =	vperm.xlane v22, v3;
	_ =	sdelay $0x1  }
0xaf: {  	vm6 =	vlt.s32 v22, v50  }
0xb0: {  	v22 =	vsel vm6, v22, v50  }
0xb1: {  	v39 =	vperm.xlane v22, v4;
	_ =	sdelay $0x1  }
0xb2: {  	vm6 =	vlt.s32 v22, v39  }
0xb3: {  	v22 =	vsel vm6, v22, v39  }
0xb4: {  	v39 =	vperm.xlane v22, v5;
	_ =	sdelay $0x1  }
0xb5: {  	vm6 =	vlt.s32 v22, v39  }
0xb6: {  	v22 =	vsel vm6, v22, v39  }
0xb7: {  	v39 =	vperm.xlane v22, v6;
	_ =	sdelay $0x1  }
0xb8: {  	vm6 =	vlt.s32 v22, v39  }
0xb9: {  	v22 =	vsel vm6, v22, v39  }
0xba: {  	vm6 =	veq.s32 v22, v0;
	vm7 =	veq.s32 v22, v21  }
0xbb: {  	v51 =	vsel vm6, $0xF149F2CA, v23;
	v24 =	vsel vm7, $0xF149F2CA, v24;
	vm6 =	veq.s32 v22, v20  }
0xbc: {  	v25 =	vsel vm6, $0xF149F2CA, v25;
	vm6 =	veq.s32 v22, v19;
	v23 =	vmax.f32 v51, v24  }
0xbd: {  	v26 =	vsel vm6, $0xF149F2CA, v26;
	vm6 =	veq.s32 v22, v18;
	v23 =	vmax.f32 v23, v25  }
0xbe: {  	v27 =	vsel vm6, $0xF149F2CA, v27;
	vm6 =	veq.s32 v22, v17;
	v23 =	vmax.f32 v23, v26  }
0xbf: {  	v28 =	vsel vm6, $0xF149F2CA, v28;
	vm6 =	veq.s32 v22, v16;
	v23 =	vmax.f32 v23, v27  }
0xc0: {  	v29 =	vsel vm6, $0xF149F2CA, v29;
	vm6 =	veq.s32 v22, v15;
	v23 =	vmax.f32 v23, v28  }
0xc1: {  	v30 =	vsel vm6, $0xF149F2CA, v30;
	vm6 =	veq.s32 v22, v14;
	v23 =	vmax.f32 v23, v29  }
0xc2: {  	v31 =	vsel vm6, $0xF149F2CA, v31;
	vm6 =	veq.s32 v22, v13;
	v23 =	vmax.f32 v23, v30  }
0xc3: {  	v32 =	vsel vm6, $0xF149F2CA, v32;
	vm6 =	veq.s32 v22, v12;
	v23 =	vmax.f32 v23, v31  }
0xc4: {  	v33 =	vsel vm6, $0xF149F2CA, v33;
	vm6 =	veq.s32 v22, v11;
	v23 =	vmax.f32 v23, v32  }
0xc5: {  	v34 =	vsel vm6, $0xF149F2CA, v34;
	vm6 =	veq.s32 v22, v10;
	v23 =	vmax.f32 v23, v33  }
0xc6: {  	v35 =	vsel vm6, $0xF149F2CA, v35;
	vm6 =	veq.s32 v22, v9;
	v23 =	vmax.f32 v23, v34  }
0xc7: {  	v36 =	vsel vm6, $0xF149F2CA, v36;
	vm6 =	veq.s32 v22, v8;
	v23 =	vmax.f32 v23, v35  }
0xc8: {  	v37 =	vsel vm6, $0xF149F2CA, v37;
	vm6 =	veq.s32 v22, v7;
	v23 =	vmax.f32 v23, v36  }
0xc9: {  	v38 =	vsel vm6, $0xF149F2CA, v38;
	v23 =	vmax.f32 v23, v37  }
0xca: {  	v23 =	vmax.f32 v23, v38  }
0xcb: {  	v40 =	vperm.xlane v23, v3;
	_ =	sdelay $0x1  }
0xcc: {  	v23 =	vmax.f32 v23, v40  }
0xcd: {  	v40 =	vperm.xlane v23, v4;
	_ =	sdelay $0x1  }
0xce: {  	v23 =	vmax.f32 v23, v40  }
0xcf: {  	v40 =	vperm.xlane v23, v5;
	_ =	sdelay $0x1  }
0xd0: {  	v23 =	vmax.f32 v23, v40  }
0xd1: {  	v40 =	vperm.xlane v23, v6;
	_ =	sdelay $0x1  }
0xd2: {  	v23 =	vmax.f32 v23, v40  }
0xd3: {  	vm6 =	veq.f32 v38, v23  }
0xd4: {  	vm7 =	veq.f32 v37, v23;
	v52 =	vnsel vm6, $0x100, v7  }
0xd5: {  	vm6 =	veq.f32 v36, v23;
	v40 =	vsel vm7, v8, v52  }
0xd6: {  	vm7 =	veq.f32 v35, v23;
	v40 =	vsel vm6, v9, v40  }
0xd7: {  	vm6 =	veq.f32 v34, v23;
	v40 =	vsel vm7, v10, v40  }
0xd8: {  	vm7 =	veq.f32 v33, v23;
	v40 =	vsel vm6, v11, v40  }
0xd9: {  	vm6 =	veq.f32 v32, v23;
	v40 =	vsel vm7, v12, v40  }
0xda: {  	vm7 =	veq.f32 v31, v23;
	v40 =	vsel vm6, v13, v40  }
0xdb: {  	vm6 =	veq.f32 v30, v23;
	v40 =	vsel vm7, v14, v40  }
0xdc: {  	vm7 =	veq.f32 v29, v23;
	v40 =	vsel vm6, v15, v40  }
0xdd: {  	vm6 =	veq.f32 v28, v23;
	v40 =	vsel vm7, v16, v40  }
0xde: {  	vm7 =	veq.f32 v27, v23;
	v40 =	vsel vm6, v17, v40  }
0xdf: {  	vm6 =	veq.f32 v26, v23;
	v40 =	vsel vm7, v18, v40  }
0xe0: {  	vm7 =	veq.f32 v25, v23;
	v40 =	vsel vm6, v19, v40  }
0xe1: {  	vm6 =	veq.f32 v24, v23;
	v40 =	vsel vm7, v20, v40  }
0xe2: {  	vm7 =	veq.f32 v51, v23;
	v23 =	vsel vm6, v21, v40  }
0xe3: {  	v23 =	vsel vm7, v0, v23  }
0xe4: {  	v53 =	vperm.xlane v23, v3;
	_ =	sdelay $0x1  }
0xe5: {  	vm6 =	vlt.s32 v23, v53  }
0xe6: {  	v23 =	vsel vm6, v23, v53  }
0xe7: {  	v40 =	vperm.xlane v23, v4;
	_ =	sdelay $0x1  }
0xe8: {  	vm6 =	vlt.s32 v23, v40  }
0xe9: {  	v23 =	vsel vm6, v23, v40  }
0xea: {  	v40 =	vperm.xlane v23, v5;
	_ =	sdelay $0x1  }
0xeb: {  	vm6 =	vlt.s32 v23, v40  }
0xec: {  	v23 =	vsel vm6, v23, v40  }
0xed: {  	v40 =	vperm.xlane v23, v6;
	_ =	sdelay $0x1  }
0xee: {  	vm6 =	vlt.s32 v23, v40  }
0xef: {  	v23 =	vsel vm6, v23, v40  }
0xf0: {  	vm6 =	veq.s32 v23, v0;
	vm7 =	veq.s32 v23, v21  }
0xf1: {  	v39 =	vsel vm6, $0xF149F2CA, v51;
	v54 =	vsel vm7, $0xF149F2CA, v24;
	vm6 =	veq.s32 v23, v20  }
0xf2: {  	v25 =	vsel vm6, $0xF149F2CA, v25;
	vm6 =	veq.s32 v23, v19;
	v24 =	vmax.f32 v39, v54  }
0xf3: {  	v26 =	vsel vm6, $0xF149F2CA, v26;
	vm6 =	veq.s32 v23, v18;
	v24 =	vmax.f32 v24, v25  }
0xf4: {  	v27 =	vsel vm6, $0xF149F2CA, v27;
	vm6 =	veq.s32 v23, v17;
	v24 =	vmax.f32 v24, v26  }
0xf5: {  	v28 =	vsel vm6, $0xF149F2CA, v28;
	vm6 =	veq.s32 v23, v16;
	v24 =	vmax.f32 v24, v27  }
0xf6: {  	v29 =	vsel vm6, $0xF149F2CA, v29;
	vm6 =	veq.s32 v23, v15;
	v24 =	vmax.f32 v24, v28  }
0xf7: {  	v30 =	vsel vm6, $0xF149F2CA, v30;
	vm6 =	veq.s32 v23, v14;
	v24 =	vmax.f32 v24, v29  }
0xf8: {  	v31 =	vsel vm6, $0xF149F2CA, v31;
	vm6 =	veq.s32 v23, v13;
	v24 =	vmax.f32 v24, v30  }
0xf9: {  	v32 =	vsel vm6, $0xF149F2CA, v32;
	vm6 =	veq.s32 v23, v12;
	v24 =	vmax.f32 v24, v31  }
0xfa: {  	v33 =	vsel vm6, $0xF149F2CA, v33;
	vm6 =	veq.s32 v23, v11;
	v24 =	vmax.f32 v24, v32  }
0xfb: {  	v34 =	vsel vm6, $0xF149F2CA, v34;
	vm6 =	veq.s32 v23, v10;
	v24 =	vmax.f32 v24, v33  }
0xfc: {  	v35 =	vsel vm6, $0xF149F2CA, v35;
	vm6 =	veq.s32 v23, v9;
	v24 =	vmax.f32 v24, v34  }
0xfd: {  	v36 =	vsel vm6, $0xF149F2CA, v36;
	vm6 =	veq.s32 v23, v8;
	v24 =	vmax.f32 v24, v35  }
0xfe: {  	v37 =	vsel vm6, $0xF149F2CA, v37;
	vm6 =	veq.s32 v23, v7;
	v24 =	vmax.f32 v24, v36  }
0xff: {  	v38 =	vsel vm6, $0xF149F2CA, v38;
	v24 =	vmax.f32 v24, v37  }
0x100: {  	v24 =	vmax.f32 v24, v38  }
0x101: {  	v41 =	vperm.xlane v24, v3;
	_ =	sdelay $0x1  }
0x102: {  	v24 =	vmax.f32 v24, v41  }
0x103: {  	v41 =	vperm.xlane v24, v4;
	_ =	sdelay $0x1  }
0x104: {  	v24 =	vmax.f32 v24, v41  }
0x105: {  	v41 =	vperm.xlane v24, v5;
	_ =	sdelay $0x1  }
0x106: {  	v24 =	vmax.f32 v24, v41  }
0x107: {  	v41 =	vperm.xlane v24, v6;
	_ =	sdelay $0x1  }
0x108: {  	v24 =	vmax.f32 v24, v41  }
0x109: {  	vm6 =	veq.f32 v38, v24  }
0x10a: {  	vm7 =	veq.f32 v37, v24;
	v55 =	vnsel vm6, $0x100, v7  }
0x10b: {  	vm6 =	veq.f32 v36, v24;
	v41 =	vsel vm7, v8, v55  }
0x10c: {  	vm7 =	veq.f32 v35, v24;
	v41 =	vsel vm6, v9, v41  }
0x10d: {  	vm6 =	veq.f32 v34, v24;
	v41 =	vsel vm7, v10, v41  }
0x10e: {  	vm7 =	veq.f32 v33, v24;
	v41 =	vsel vm6, v11, v41  }
0x10f: {  	vm6 =	veq.f32 v32, v24;
	v41 =	vsel vm7, v12, v41  }
0x110: {  	vm7 =	veq.f32 v31, v24;
	v41 =	vsel vm6, v13, v41  }
0x111: {  	vm6 =	veq.f32 v30, v24;
	v41 =	vsel vm7, v14, v41  }
0x112: {  	vm7 =	veq.f32 v29, v24;
	v41 =	vsel vm6, v15, v41  }
0x113: {  	vm6 =	veq.f32 v28, v24;
	v41 =	vsel vm7, v16, v41  }
0x114: {  	vm7 =	veq.f32 v27, v24;
	v41 =	vsel vm6, v17, v41  }
0x115: {  	vm6 =	veq.f32 v26, v24;
	v41 =	vsel vm7, v18, v41  }
0x116: {  	vm7 =	veq.f32 v25, v24;
	v41 =	vsel vm6, v19, v41  }
0x117: {  	vm6 =	veq.f32 v54, v24;
	v41 =	vsel vm7, v20, v41  }
0x118: {  	vm7 =	veq.f32 v39, v24;
	v56 =	vsel vm6, v21, v41  }
0x119: {  	v24 =	vsel vm7, v0, v56  }
0x11a: {  	v57 =	vperm.xlane v24, v3;
	_ =	sdelay $0x1  }
0x11b: {  	vm6 =	vlt.s32 v24, v57  }
0x11c: {  	v24 =	vsel vm6, v24, v57  }
0x11d: {  	v41 =	vperm.xlane v24, v4;
	_ =	sdelay $0x1  }
0x11e: {  	vm6 =	vlt.s32 v24, v41  }
0x11f: {  	v24 =	vsel vm6, v24, v41  }
0x120: {  	v41 =	vperm.xlane v24, v5;
	_ =	sdelay $0x1  }
0x121: {  	vm6 =	vlt.s32 v24, v41  }
0x122: {  	v24 =	vsel vm6, v24, v41  }
0x123: {  	v41 =	vperm.xlane v24, v6;
	_ =	sdelay $0x1  }
0x124: {  	vm6 =	vlt.s32 v24, v41  }
0x125: {  	v24 =	vsel vm6, v24, v41  }
0x126: {  	vm6 =	veq.s32 v24, v0;
	vm7 =	veq.s32 v24, v21  }
0x127: {  	v39 =	vsel vm6, $0xF149F2CA, v39;
	v40 =	vsel vm7, $0xF149F2CA, v54;
	vm6 =	veq.s32 v24, v20  }
0x128: {  	v58 =	vsel vm6, $0xF149F2CA, v25;
	vm6 =	veq.s32 v24, v19;
	v59 =	vmax.f32 v39, v40  }
0x129: {  	v26 =	vsel vm6, $0xF149F2CA, v26;
	vm6 =	veq.s32 v24, v18;
	v25 =	vmax.f32 v59, v58  }
0x12a: {  	v27 =	vsel vm6, $0xF149F2CA, v27;
	vm6 =	veq.s32 v24, v17;
	v25 =	vmax.f32 v25, v26  }
0x12b: {  	v28 =	vsel vm6, $0xF149F2CA, v28;
	vm6 =	veq.s32 v24, v16;
	v25 =	vmax.f32 v25, v27  }
0x12c: {  	v29 =	vsel vm6, $0xF149F2CA, v29;
	vm6 =	veq.s32 v24, v15;
	v25 =	vmax.f32 v25, v28  }
0x12d: {  	v30 =	vsel vm6, $0xF149F2CA, v30;
	vm6 =	veq.s32 v24, v14;
	v25 =	vmax.f32 v25, v29  }
0x12e: {  	v31 =	vsel vm6, $0xF149F2CA, v31;
	vm6 =	veq.s32 v24, v13;
	v25 =	vmax.f32 v25, v30  }
0x12f: {  	v32 =	vsel vm6, $0xF149F2CA, v32;
	vm6 =	veq.s32 v24, v12;
	v25 =	vmax.f32 v25, v31  }
0x130: {  	v33 =	vsel vm6, $0xF149F2CA, v33;
	vm6 =	veq.s32 v24, v11;
	v25 =	vmax.f32 v25, v32  }
0x131: {  	v34 =	vsel vm6, $0xF149F2CA, v34;
	vm6 =	veq.s32 v24, v10;
	v25 =	vmax.f32 v25, v33  }
0x132: {  	v35 =	vsel vm6, $0xF149F2CA, v35;
	vm6 =	veq.s32 v24, v9;
	v25 =	vmax.f32 v25, v34  }
0x133: {  	v36 =	vsel vm6, $0xF149F2CA, v36;
	vm6 =	veq.s32 v24, v8;
	v25 =	vmax.f32 v25, v35  }
0x134: {  	v37 =	vsel vm6, $0xF149F2CA, v37;
	vm6 =	veq.s32 v24, v7;
	v25 =	vmax.f32 v25, v36  }
0x135: {  	v38 =	vsel vm6, $0xF149F2CA, v38;
	v25 =	vmax.f32 v25, v37  }
0x136: {  	v25 =	vmax.f32 v25, v38  }
0x137: {  	v42 =	vperm.xlane v25, v3;
	_ =	sdelay $0x1  }
0x138: {  	v25 =	vmax.f32 v25, v42  }
0x139: {  	v42 =	vperm.xlane v25, v4;
	_ =	sdelay $0x1  }
0x13a: {  	v25 =	vmax.f32 v25, v42  }
0x13b: {  	v42 =	vperm.xlane v25, v5;
	_ =	sdelay $0x1  }
0x13c: {  	v25 =	vmax.f32 v25, v42  }
0x13d: {  	v42 =	vperm.xlane v25, v6;
	_ =	sdelay $0x1  }
0x13e: {  	v25 =	vmax.f32 v25, v42  }
0x13f: {  	vm6 =	veq.f32 v38, v25  }
0x140: {  	vm7 =	veq.f32 v37, v25;
	v60 =	vnsel vm6, $0x100, v7  }
0x141: {  	vm6 =	veq.f32 v36, v25;
	v42 =	vsel vm7, v8, v60  }
0x142: {  	vm7 =	veq.f32 v35, v25;
	v42 =	vsel vm6, v9, v42  }
0x143: {  	vm6 =	veq.f32 v34, v25;
	v42 =	vsel vm7, v10, v42  }
0x144: {  	vm7 =	veq.f32 v33, v25;
	v42 =	vsel vm6, v11, v42  }
0x145: {  	vm6 =	veq.f32 v32, v25;
	v42 =	vsel vm7, v12, v42  }
0x146: {  	vm7 =	veq.f32 v31, v25;
	v42 =	vsel vm6, v13, v42  }
0x147: {  	vm6 =	veq.f32 v30, v25;
	v42 =	vsel vm7, v14, v42  }
0x148: {  	vm7 =	veq.f32 v29, v25;
	v42 =	vsel vm6, v15, v42  }
0x149: {  	vm6 =	veq.f32 v28, v25;
	v42 =	vsel vm7, v16, v42  }
0x14a: {  	vm7 =	veq.f32 v27, v25;
	v42 =	vsel vm6, v17, v42  }
0x14b: {  	vm6 =	veq.f32 v26, v25;
	v42 =	vsel vm7, v18, v42  }
0x14c: {  	vm7 =	veq.f32 v58, v25;
	v42 =	vsel vm6, v19, v42  }
0x14d: {  	vm6 =	veq.f32 v40, v25;
	v42 =	vsel vm7, v20, v42  }
0x14e: {  	vm7 =	veq.f32 v39, v25;
	v61 =	vsel vm6, v21, v42  }
0x14f: {  	v25 =	vsel vm7, v0, v61  }
0x150: {  	v62 =	vperm.xlane v25, v3;
	_ =	sdelay $0x1  }
0x151: {  	vm6 =	vlt.s32 v25, v62  }
0x152: {  	v25 =	vsel vm6, v25, v62  }
0x153: {  	v42 =	vperm.xlane v25, v4;
	_ =	sdelay $0x1  }
0x154: {  	vm6 =	vlt.s32 v25, v42  }
0x155: {  	v25 =	vsel vm6, v25, v42  }
0x156: {  	v42 =	vperm.xlane v25, v5;
	_ =	sdelay $0x1  }
0x157: {  	vm6 =	vlt.s32 v25, v42  }
0x158: {  	v25 =	vsel vm6, v25, v42  }
0x159: {  	v42 =	vperm.xlane v25, v6;
	_ =	sdelay $0x1  }
0x15a: {  	vm6 =	vlt.s32 v25, v42  }
0x15b: {  	v25 =	vsel vm6, v25, v42  }
0x15c: {  	vm6 =	veq.s32 v25, v0;
	vm7 =	veq.s32 v25, v21  }
0x15d: {  	v39 =	vsel vm6, $0xF149F2CA, v39;
	v40 =	vsel vm7, $0xF149F2CA, v40;
	vm6 =	veq.s32 v25, v20  }
0x15e: {  	v41 =	vsel vm6, $0xF149F2CA, v58;
	vm6 =	veq.s32 v25, v19;
	v63 =	vmax.f32 v39, v40  }
0x15f: {  	v43 =	vsel vm6, $0xF149F2CA, v26;
	vm6 =	veq.s32 v25, v18;
	v44 =	vmax.f32 v63, v41  }
0x160: {  	v27 =	vsel vm6, $0xF149F2CA, v27;
	vm6 =	veq.s32 v25, v17;
	v26 =	vmax.f32 v44, v43  }
0x161: {  	v28 =	vsel vm6, $0xF149F2CA, v28;
	vm6 =	veq.s32 v25, v16;
	v26 =	vmax.f32 v26, v27  }
0x162: {  	v29 =	vsel vm6, $0xF149F2CA, v29;
	vm6 =	veq.s32 v25, v15;
	v26 =	vmax.f32 v26, v28  }
0x163: {  	v30 =	vsel vm6, $0xF149F2CA, v30;
	vm6 =	veq.s32 v25, v14;
	v26 =	vmax.f32 v26, v29  }
0x164: {  	v31 =	vsel vm6, $0xF149F2CA, v31;
	vm6 =	veq.s32 v25, v13;
	v26 =	vmax.f32 v26, v30  }
0x165: {  	v32 =	vsel vm6, $0xF149F2CA, v32;
	vm6 =	veq.s32 v25, v12;
	v26 =	vmax.f32 v26, v31  }
0x166: {  	v33 =	vsel vm6, $0xF149F2CA, v33;
	vm6 =	veq.s32 v25, v11;
	v26 =	vmax.f32 v26, v32  }
0x167: {  	v34 =	vsel vm6, $0xF149F2CA, v34;
	vm6 =	veq.s32 v25, v10;
	v26 =	vmax.f32 v26, v33  }
0x168: {  	v35 =	vsel vm6, $0xF149F2CA, v35;
	vm6 =	veq.s32 v25, v9;
	v26 =	vmax.f32 v26, v34  }
0x169: {  	v36 =	vsel vm6, $0xF149F2CA, v36;
	vm6 =	veq.s32 v25, v8;
	v26 =	vmax.f32 v26, v35  }
0x16a: {  	v37 =	vsel vm6, $0xF149F2CA, v37;
	vm6 =	veq.s32 v25, v7;
	v26 =	vmax.f32 v26, v36  }
0x16b: {  	v38 =	vsel vm6, $0xF149F2CA, v38;
	v26 =	vmax.f32 v26, v37  }
0x16c: {  	v26 =	vmax.f32 v26, v38  }
0x16d: {  	v45 =	vperm.xlane v26, v3;
	_ =	sdelay $0x1  }
0x16e: {  	v26 =	vmax.f32 v26, v45  }
0x16f: {  	v42 =	vperm.xlane v26, v4;
	_ =	sdelay $0x1  }
0x170: {  	v26 =	vmax.f32 v26, v42  }
0x171: {  	v42 =	vperm.xlane v26, v5;
	_ =	sdelay $0x1  }
0x172: {  	v26 =	vmax.f32 v26, v42  }
0x173: {  	v42 =	vperm.xlane v26, v6;
	_ =	sdelay $0x1  }
0x174: {  	v26 =	vmax.f32 v26, v42  }
0x175: {  	vm6 =	veq.f32 v38, v26  }
0x176: {  	vm7 =	veq.f32 v37, v26;
	v46 =	vnsel vm6, $0x100, v7  }
0x177: {  	vm6 =	veq.f32 v36, v26;
	v42 =	vsel vm7, v8, v46  }
0x178: {  	vm7 =	veq.f32 v35, v26;
	v42 =	vsel vm6, v9, v42  }
0x179: {  	vm6 =	veq.f32 v34, v26;
	v42 =	vsel vm7, v10, v42  }
0x17a: {  	vm7 =	veq.f32 v33, v26;
	v42 =	vsel vm6, v11, v42  }
0x17b: {  	vm6 =	veq.f32 v32, v26;
	v42 =	vsel vm7, v12, v42  }
0x17c: {  	vm7 =	veq.f32 v31, v26;
	v42 =	vsel vm6, v13, v42  }
0x17d: {  	vm6 =	veq.f32 v30, v26;
	v42 =	vsel vm7, v14, v42  }
0x17e: {  	vm7 =	veq.f32 v29, v26;
	v42 =	vsel vm6, v15, v42  }
0x17f: {  	vm6 =	veq.f32 v28, v26;
	v42 =	vsel vm7, v16, v42  }
0x180: {  	vm7 =	veq.f32 v27, v26;
	v42 =	vsel vm6, v17, v42  }
0x181: {  	vm6 =	veq.f32 v43, v26;
	v42 =	vsel vm7, v18, v42  }
0x182: {  	vm7 =	veq.f32 v41, v26;
	v42 =	vsel vm6, v19, v42  }
0x183: {  	vm6 =	veq.f32 v40, v26;
	v42 =	vsel vm7, v20, v42  }
0x184: {  	vm7 =	veq.f32 v39, v26;
	v47 =	vsel vm6, v21, v42  }
0x185: {  	v26 =	vsel vm7, v0, v47  }
0x186: {  	v48 =	vperm.xlane v26, v3;
	_ =	sdelay $0x1  }
0x187: {  	vm6 =	vlt.s32 v26, v48  }
0x188: {  	v26 =	vsel vm6, v26, v48  }
0x189: {  	v42 =	vperm.xlane v26, v4;
	_ =	sdelay $0x1  }
0x18a: {  	vm6 =	vlt.s32 v26, v42  }
0x18b: {  	v26 =	vsel vm6, v26, v42  }
0x18c: {  	v42 =	vperm.xlane v26, v5;
	_ =	sdelay $0x1  }
0x18d: {  	vm6 =	vlt.s32 v26, v42  }
0x18e: {  	v26 =	vsel vm6, v26, v42  }
0x18f: {  	v42 =	vperm.xlane v26, v6;
	_ =	sdelay $0x1  }
0x190: {  	vm6 =	vlt.s32 v26, v42  }
0x191: {  	v26 =	vsel vm6, v26, v42  }
0x192: {  	vm6 =	veq.s32 v26, v0;
	vm7 =	veq.s32 v26, v21  }
0x193: {  	v39 =	vsel vm6, $0xF149F2CA, v39;
	v40 =	vsel vm7, $0xF149F2CA, v40;
	vm6 =	veq.s32 v26, v20  }
0x194: {  	v41 =	vsel vm6, $0xF149F2CA, v41;
	vm6 =	veq.s32 v26, v19;
	v49 =	vmax.f32 v39, v40  }
0x195: {  	v43 =	vsel vm6, $0xF149F2CA, v43;
	vm6 =	veq.s32 v26, v18;
	v42 =	vmax.f32 v49, v41  }
0x196: {  	v44 =	vsel vm6, $0xF149F2CA, v27;
	vm6 =	veq.s32 v26, v17;
	v50 =	vmax.f32 v42, v43  }
0x197: {  	v28 =	vsel vm6, $0xF149F2CA, v28;
	vm6 =	veq.s32 v26, v16;
	v27 =	vmax.f32 v50, v44  }
0x198: {  	v29 =	vsel vm6, $0xF149F2CA, v29;
	vm6 =	veq.s32 v26, v15;
	v27 =	vmax.f32 v27, v28  }
0x199: {  	v30 =	vsel vm6, $0xF149F2CA, v30;
	vm6 =	veq.s32 v26, v14;
	v27 =	vmax.f32 v27, v29  }
0x19a: {  	v31 =	vsel vm6, $0xF149F2CA, v31;
	vm6 =	veq.s32 v26, v13;
	v27 =	vmax.f32 v27, v30  }
0x19b: {  	v32 =	vsel vm6, $0xF149F2CA, v32;
	vm6 =	veq.s32 v26, v12;
	v27 =	vmax.f32 v27, v31  }
0x19c: {  	v33 =	vsel vm6, $0xF149F2CA, v33;
	vm6 =	veq.s32 v26, v11;
	v27 =	vmax.f32 v27, v32  }
0x19d: {  	v34 =	vsel vm6, $0xF149F2CA, v34;
	vm6 =	veq.s32 v26, v10;
	v27 =	vmax.f32 v27, v33  }
0x19e: {  	v35 =	vsel vm6, $0xF149F2CA, v35;
	vm6 =	veq.s32 v26, v9;
	v27 =	vmax.f32 v27, v34  }
0x19f: {  	v36 =	vsel vm6, $0xF149F2CA, v36;
	vm6 =	veq.s32 v26, v8;
	v27 =	vmax.f32 v27, v35  }
0x1a0: {  	v37 =	vsel vm6, $0xF149F2CA, v37;
	vm6 =	veq.s32 v26, v7;
	v27 =	vmax.f32 v27, v36  }
0x1a1: {  	v38 =	vsel vm6, $0xF149F2CA, v38;
	v27 =	vmax.f32 v27, v37  }
0x1a2: {  	v27 =	vmax.f32 v27, v38  }
0x1a3: {  	v51 =	vperm.xlane v27, v3;
	_ =	sdelay $0x1  }
0x1a4: {  	v27 =	vmax.f32 v27, v51  }
0x1a5: {  	v42 =	vperm.xlane v27, v4;
	_ =	sdelay $0x1  }
0x1a6: {  	v27 =	vmax.f32 v27, v42  }
0x1a7: {  	v42 =	vperm.xlane v27, v5;
	_ =	sdelay $0x1  }
0x1a8: {  	v27 =	vmax.f32 v27, v42  }
0x1a9: {  	v42 =	vperm.xlane v27, v6;
	_ =	sdelay $0x1  }
0x1aa: {  	v27 =	vmax.f32 v27, v42  }
0x1ab: {  	vm6 =	veq.f32 v38, v27  }
0x1ac: {  	vm7 =	veq.f32 v37, v27;
	v52 =	vnsel vm6, $0x100, v7  }
0x1ad: {  	vm6 =	veq.f32 v36, v27;
	v42 =	vsel vm7, v8, v52  }
0x1ae: {  	vm7 =	veq.f32 v35, v27;
	v42 =	vsel vm6, v9, v42  }
0x1af: {  	vm6 =	veq.f32 v34, v27;
	v42 =	vsel vm7, v10, v42  }
0x1b0: {  	vm7 =	veq.f32 v33, v27;
	v42 =	vsel vm6, v11, v42  }
0x1b1: {  	vm6 =	veq.f32 v32, v27;
	v42 =	vsel vm7, v12, v42  }
0x1b2: {  	vm7 =	veq.f32 v31, v27;
	v42 =	vsel vm6, v13, v42  }
0x1b3: {  	vm6 =	veq.f32 v30, v27;
	v42 =	vsel vm7, v14, v42  }
0x1b4: {  	vm7 =	veq.f32 v29, v27;
	v42 =	vsel vm6, v15, v42  }
0x1b5: {  	vm6 =	veq.f32 v28, v27;
	v42 =	vsel vm7, v16, v42  }
0x1b6: {  	vm7 =	veq.f32 v44, v27;
	v42 =	vsel vm6, v17, v42  }
0x1b7: {  	vm6 =	veq.f32 v43, v27;
	v42 =	vsel vm7, v18, v42  }
0x1b8: {  	vm7 =	veq.f32 v41, v27;
	v42 =	vsel vm6, v19, v42  }
0x1b9: {  	vm6 =	veq.f32 v40, v27;
	v42 =	vsel vm7, v20, v42  }
0x1ba: {  	vm7 =	veq.f32 v39, v27;
	v53 =	vsel vm6, v21, v42  }
0x1bb: {  	v27 =	vsel vm7, v0, v53  }
0x1bc: {  	v54 =	vperm.xlane v27, v3;
	_ =	sdelay $0x1  }
0x1bd: {  	vm6 =	vlt.s32 v27, v54  }
0x1be: {  	v27 =	vsel vm6, v27, v54  }
0x1bf: {  	v42 =	vperm.xlane v27, v4;
	_ =	sdelay $0x1  }
0x1c0: {  	vm6 =	vlt.s32 v27, v42  }
0x1c1: {  	v27 =	vsel vm6, v27, v42  }
0x1c2: {  	v42 =	vperm.xlane v27, v5;
	_ =	sdelay $0x1  }
0x1c3: {  	vm6 =	vlt.s32 v27, v42  }
0x1c4: {  	v27 =	vsel vm6, v27, v42  }
0x1c5: {  	v42 =	vperm.xlane v27, v6;
	_ =	sdelay $0x1  }
0x1c6: {  	vm6 =	vlt.s32 v27, v42  }
0x1c7: {  	v27 =	vsel vm6, v27, v42  }
0x1c8: {  	vm6 =	veq.s32 v27, v0;
	vm7 =	veq.s32 v27, v21  }
0x1c9: {  	v39 =	vsel vm6, $0xF149F2CA, v39;
	v40 =	vsel vm7, $0xF149F2CA, v40;
	vm6 =	veq.s32 v27, v20  }
0x1ca: {  	v41 =	vsel vm6, $0xF149F2CA, v41;
	vm6 =	veq.s32 v27, v19;
	v55 =	vmax.f32 v39, v40  }
0x1cb: {  	v43 =	vsel vm6, $0xF149F2CA, v43;
	vm6 =	veq.s32 v27, v18;
	v42 =	vmax.f32 v55, v41  }
0x1cc: {  	v44 =	vsel vm6, $0xF149F2CA, v44;
	vm6 =	veq.s32 v27, v17;
	v42 =	vmax.f32 v42, v43  }
0x1cd: {  	v28 =	vsel vm6, $0xF149F2CA, v28;
	vm6 =	veq.s32 v27, v16;
	v42 =	vmax.f32 v42, v44  }
0x1ce: {  	v29 =	vsel vm6, $0xF149F2CA, v29;
	vm6 =	veq.s32 v27, v15;
	v42 =	vmax.f32 v42, v28  }
0x1cf: {  	v30 =	vsel vm6, $0xF149F2CA, v30;
	vm6 =	veq.s32 v27, v14;
	v42 =	vmax.f32 v42, v29  }
0x1d0: {  	v31 =	vsel vm6, $0xF149F2CA, v31;
	vm6 =	veq.s32 v27, v13;
	v42 =	vmax.f32 v42, v30  }
0x1d1: {  	v32 =	vsel vm6, $0xF149F2CA, v32;
	vm6 =	veq.s32 v27, v12;
	v42 =	vmax.f32 v42, v31  }
0x1d2: {  	v33 =	vsel vm6, $0xF149F2CA, v33;
	vm6 =	veq.s32 v27, v11;
	v42 =	vmax.f32 v42, v32  }
0x1d3: {  	v34 =	vsel vm6, $0xF149F2CA, v34;
	vm6 =	veq.s32 v27, v10;
	v42 =	vmax.f32 v42, v33  }
0x1d4: {  	v35 =	vsel vm6, $0xF149F2CA, v35;
	vm6 =	veq.s32 v27, v9;
	v42 =	vmax.f32 v42, v34  }
0x1d5: {  	v36 =	vsel vm6, $0xF149F2CA, v36;
	vm6 =	veq.s32 v27, v8;
	v42 =	vmax.f32 v42, v35  }
0x1d6: {  	v37 =	vsel vm6, $0xF149F2CA, v37;
	vm6 =	veq.s32 v27, v7;
	v42 =	vmax.f32 v42, v36  }
0x1d7: {  	v38 =	vsel vm6, $0xF149F2CA, v38;
	v42 =	vmax.f32 v42, v37  }
0x1d8: {  	v42 =	vmax.f32 v42, v38  }
0x1d9: {  	v45 =	vperm.xlane v42, v3;
	_ =	sdelay $0x1  }
0x1da: {  	v42 =	vmax.f32 v42, v45  }
0x1db: {  	v45 =	vperm.xlane v42, v4;
	_ =	sdelay $0x1  }
0x1dc: {  	v42 =	vmax.f32 v42, v45  }
0x1dd: {  	v45 =	vperm.xlane v42, v5;
	_ =	sdelay $0x1  }
0x1de: {  	v42 =	vmax.f32 v42, v45  }
0x1df: {  	v45 =	vperm.xlane v42, v6;
	_ =	sdelay $0x1  }
0x1e0: {  	v42 =	vmax.f32 v42, v45  }
0x1e1: {  	vm6 =	veq.f32 v38, v42  }
0x1e2: {  	vm7 =	veq.f32 v37, v42;
	v56 =	vnsel vm6, $0x100, v7  }
0x1e3: {  	vm6 =	veq.f32 v36, v42;
	v45 =	vsel vm7, v8, v56  }
0x1e4: {  	vm7 =	veq.f32 v35, v42;
	v45 =	vsel vm6, v9, v45  }
0x1e5: {  	vm6 =	veq.f32 v34, v42;
	v45 =	vsel vm7, v10, v45  }
0x1e6: {  	vm7 =	veq.f32 v33, v42;
	v45 =	vsel vm6, v11, v45  }
0x1e7: {  	vm6 =	veq.f32 v32, v42;
	v45 =	vsel vm7, v12, v45  }
0x1e8: {  	vm7 =	veq.f32 v31, v42;
	v45 =	vsel vm6, v13, v45  }
0x1e9: {  	vm6 =	veq.f32 v30, v42;
	v45 =	vsel vm7, v14, v45  }
0x1ea: {  	vm7 =	veq.f32 v29, v42;
	v45 =	vsel vm6, v15, v45  }
0x1eb: {  	vm6 =	veq.f32 v28, v42;
	v45 =	vsel vm7, v16, v45  }
0x1ec: {  	vm7 =	veq.f32 v44, v42;
	v45 =	vsel vm6, v17, v45  }
0x1ed: {  	vm6 =	veq.f32 v43, v42;
	v45 =	vsel vm7, v18, v45  }
0x1ee: {  	vm7 =	veq.f32 v41, v42;
	v45 =	vsel vm6, v19, v45  }
0x1ef: {  	vm6 =	veq.f32 v40, v42;
	v45 =	vsel vm7, v20, v45  }
0x1f0: {  	vm7 =	veq.f32 v39, v42;
	v57 =	vsel vm6, v21, v45  }
0x1f1: {  	v42 =	vsel vm7, v0, v57  }
0x1f2: {  	v58 =	vperm.xlane v42, v3;
	_ =	sdelay $0x1  }
0x1f3: {  	vm6 =	vlt.s32 v42, v58  }
0x1f4: {  	v42 =	vsel vm6, v42, v58  }
0x1f5: {  	v45 =	vperm.xlane v42, v4;
	_ =	sdelay $0x1  }
0x1f6: {  	vm6 =	vlt.s32 v42, v45  }
0x1f7: {  	v42 =	vsel vm6, v42, v45  }
0x1f8: {  	v45 =	vperm.xlane v42, v5;
	_ =	sdelay $0x1  }
0x1f9: {  	vm6 =	vlt.s32 v42, v45  }
0x1fa: {  	v42 =	vsel vm6, v42, v45  }
0x1fb: {  	v45 =	vperm.xlane v42, v6;
	_ =	sdelay $0x1  }
0x1fc: {  	vm6 =	vlt.s32 v42, v45  }
0x1fd: {  	v42 =	vsel vm6, v42, v45  }
0x1fe: {  	vm6 =	veq.s32 v42, v0;
	vm7 =	veq.s32 v42, v21  }
0x1ff: {  	v39 =	vsel vm6, $0xF149F2CA, v39;
	v40 =	vsel vm7, $0xF149F2CA, v40;
	vm6 =	veq.s32 v42, v20  }
0x200: {  	v41 =	vsel vm6, $0xF149F2CA, v41;
	vm6 =	veq.s32 v42, v19;
	v59 =	vmax.f32 v39, v40  }
0x201: {  	v43 =	vsel vm6, $0xF149F2CA, v43;
	vm6 =	veq.s32 v42, v18;
	v45 =	vmax.f32 v59, v41  }
0x202: {  	v44 =	vsel vm6, $0xF149F2CA, v44;
	vm6 =	veq.s32 v42, v17;
	v45 =	vmax.f32 v45, v43  }
0x203: {  	v28 =	vsel vm6, $0xF149F2CA, v28;
	vm6 =	veq.s32 v42, v16;
	v45 =	vmax.f32 v45, v44  }
0x204: {  	v29 =	vsel vm6, $0xF149F2CA, v29;
	vm6 =	veq.s32 v42, v15;
	v45 =	vmax.f32 v45, v28  }
0x205: {  	v30 =	vsel vm6, $0xF149F2CA, v30;
	vm6 =	veq.s32 v42, v14;
	v45 =	vmax.f32 v45, v29  }
0x206: {  	v31 =	vsel vm6, $0xF149F2CA, v31;
	vm6 =	veq.s32 v42, v13;
	v45 =	vmax.f32 v45, v30  }
0x207: {  	v32 =	vsel vm6, $0xF149F2CA, v32;
	vm6 =	veq.s32 v42, v12;
	v45 =	vmax.f32 v45, v31  }
0x208: {  	v33 =	vsel vm6, $0xF149F2CA, v33;
	vm6 =	veq.s32 v42, v11;
	v45 =	vmax.f32 v45, v32  }
0x209: {  	v34 =	vsel vm6, $0xF149F2CA, v34;
	vm6 =	veq.s32 v42, v10;
	v45 =	vmax.f32 v45, v33  }
0x20a: {  	v35 =	vsel vm6, $0xF149F2CA, v35;
	vm6 =	veq.s32 v42, v9;
	v45 =	vmax.f32 v45, v34  }
0x20b: {  	v36 =	vsel vm6, $0xF149F2CA, v36;
	vm6 =	veq.s32 v42, v8;
	v45 =	vmax.f32 v45, v35  }
0x20c: {  	v37 =	vsel vm6, $0xF149F2CA, v37;
	vm6 =	veq.s32 v42, v7;
	v45 =	vmax.f32 v45, v36  }
0x20d: {  	v38 =	vsel vm6, $0xF149F2CA, v38;
	v45 =	vmax.f32 v45, v37  }
0x20e: {  	v45 =	vmax.f32 v45, v38  }
0x20f: {  	v46 =	vperm.xlane v45, v3;
	_ =	sdelay $0x1  }
0x210: {  	v45 =	vmax.f32 v45, v46  }
0x211: {  	v46 =	vperm.xlane v45, v4;
	_ =	sdelay $0x1  }
0x212: {  	v45 =	vmax.f32 v45, v46  }
0x213: {  	v46 =	vperm.xlane v45, v5;
	_ =	sdelay $0x1  }
0x214: {  	v45 =	vmax.f32 v45, v46  }
0x215: {  	v46 =	vperm.xlane v45, v6;
	_ =	sdelay $0x1  }
0x216: {  	v45 =	vmax.f32 v45, v46  }
0x217: {  	vm6 =	veq.f32 v38, v45  }
0x218: {  	v38 =	vnsel vm6, $0x100, v7;
	vm6 =	veq.f32 v37, v45  }
0x219: {  	v37 =	vsel vm6, v8, v38;
	vm6 =	veq.f32 v36, v45  }
0x21a: {  	v36 =	vsel vm6, v9, v37;
	vm6 =	veq.f32 v35, v45  }
0x21b: {  	v35 =	vsel vm6, v10, v36;
	vm6 =	veq.f32 v34, v45  }
0x21c: {  	v34 =	vsel vm6, v11, v35;
	vm6 =	veq.f32 v33, v45  }
0x21d: {  	v33 =	vsel vm6, v12, v34;
	vm6 =	veq.f32 v32, v45  }
0x21e: {  	v32 =	vsel vm6, v13, v33;
	vm6 =	veq.f32 v31, v45  }
0x21f: {  	v31 =	vsel vm6, v14, v32;
	vm6 =	veq.f32 v30, v45  }
0x220: {  	v30 =	vsel vm6, v15, v31;
	vm6 =	veq.f32 v29, v45  }
0x221: {  	v29 =	vsel vm6, v16, v30;
	vm6 =	veq.f32 v28, v45  }
0x222: {  	v28 =	vsel vm6, v17, v29;
	vm6 =	veq.f32 v44, v45  }
0x223: {  	v28 =	vsel vm6, v18, v28;
	vm6 =	veq.f32 v43, v45  }
0x224: {  	v28 =	vsel vm6, v19, v28;
	vm6 =	veq.f32 v41, v45  }
0x225: {  	v28 =	vsel vm6, v20, v28;
	vm6 =	veq.f32 v40, v45  }
0x226: {  	v21 =	vsel vm6, v21, v28;
	vm6 =	veq.f32 v39, v45  }
0x227: {  	v21 =	vsel vm6, v0, v21  }
0x228: {  	v60 =	vperm.xlane v21, v3;
	_ =	sdelay $0x1  }
0x229: {  	vm6 =	vlt.s32 v21, v60  }
0x22a: {  	v21 =	vsel vm6, v21, v60  }
0x22b: {  	v28 =	vperm.xlane v21, v4;
	_ =	sdelay $0x1  }
0x22c: {  	vm6 =	vlt.s32 v21, v28  }
0x22d: {  	v21 =	vsel vm6, v21, v28  }
0x22e: {  	v28 =	vperm.xlane v21, v5;
	_ =	sdelay $0x1  }
0x22f: {  	vm6 =	vlt.s32 v21, v28  }
0x230: {  	v61 =	vsel vm11, v22, v23;
	v22 =	vnsel vm3, $0x0, v22;
	v21 =	vsel vm6, v21, v28  }
0x231: {  	v62 =	vsel vm12, v61, v24;
	vm6 =	vcmask $0x320;
	v63 =	vperm.xlane v21, v6  }
0x232: {  	v28 =	vsel vm13, v62, v25;
	v22 =	vsel vm6, v22, v23;
	vm6 =	vcmask $0x720  }
0x233: {  	v23 =	vsel vm14, v28, v26;
	v22 =	vsel vm6, v22, v24;
	vm6 =	vlt.s32 v21, v63  }
0x234: {  	v23 =	vsel vm15, v23, v27;
	v21 =	vsel vm6, v21, v63;
	vm6 =	vcmask $0xB20  }
0x235: {  	v23 =	vsel vm4, v23, v42;
	v22 =	vsel vm6, v22, v25;
	vm6 =	vcmask $0xF20  }
0x236: {  	v23 =	vsel vm5, v23, v21;
	v22 =	vsel vm6, v22, v26  }
0x237: {  	v23 =	vshll.u32 v23, $0x1;
	v22 =	vsel vm8, v22, v27  }
0x238: {  	v23 =	vadd.s32 v23, v2;
	v22 =	vsel vm9, v22, v42  }
0x239: {  	[tilespmem:$0x180] =	vst v23;
	v21 =	vsel vm10, v22, v21  }
0x23a: {  	[tilespmem:$0x1200] =	vst v21  }
0x23b: {  	[tilespmem:s20], [sflag:$0x1] =	stream.indirect.gather [hbm4b:s2+s18], $0x80, s19, s18, $0xb8;
	[tilespmem:$0x1280] =	vst v63  }
0x23c: {  	_ =	swait.ge [sflag:s4], $0x800  }
0x23d: {  	[sflag:s4] =	ssyncset.done $0x0  }
0x23e: {  	[sflag:s4] =	ssyncadd.s32 $0xFFFFF800  }
0x23f: {  	[tilespmem:s21], [sflag:$0x1] =	stream.indirect.gather [hbm4b:s5+s18], $0x80, s19, s18, $0xb8;
	[tilespmem:$0x1280] =	vst v63  }
0x240: {  	_ =	swait.ge [sflag:s4], $0x800  }
0x241: {  	[sflag:s4] =	ssyncset.done $0x0  }
0x242: {  	[sflag:s4] =	ssyncadd.s32 $0xFFFFF800  }
0x243: {  	[hbm4b:s11+s3] =	stream.linear.scatter [tilespmem:s20], [sflag:$0x2], $0x800, $0x38;
	[tilespmem:$0x1280] =	vst v63  }
0x244: {  	_ =	swait.ge [sflag:s17], $0x800  }
0x245: {  	[sflag:s17] =	ssyncset.done $0x0  }
0x246: {  	[sflag:s17] =	ssyncadd.s32 $0xFFFFF800  }
0x247: {  	[hbm4b:s12+s3] =	stream.linear.scatter [tilespmem:s21], [sflag:$0x2], $0x800, $0x38;
	[tilespmem:$0x1280] =	vst v63  }
0x248: {  	_ =	swait.ge [sflag:s17], $0x800  }
0x249: {  	[sflag:s17] =	ssyncset.done $0x0  }
.Ltmp3:
0x24a: {  	[sflag:s17] =	ssyncadd.s32 $0xFFFFF800;
	(pc) =	sbr.rel .LBB2_3-.Ltmp3, $4  }
0x24b: {  	[hbm4b:s13+s3] =	stream.linear.scatter [tilespmem:s22], [sflag:$0x2], $0x80, $0x38;
	[tilespmem:$0x1280] =	vst v63  }
0x24c: {  	_ =	swait.ge [sflag:s17], $0x80  }
0x24d: {  	[sflag:s17] =	ssyncset.done $0x0  }
0x24e: {  	[sflag:s17] =	ssyncadd.s32 $0xFFFFFF80  }
.LBB2_4:
0x24f: {  	_ =	sfence.sel $0x180000  }
0x250: {  	[bflag:$0x0] =	sbarrier.arrive $0xFFFF  }
0x251: {  	p0 =	sne.s32 s0, $0x0;
	_ =	strace $0x90000047  }
0x252: {  	s0 =	sadd.s32 @!p0 $0x100000, s1;
	[bflag:$0x2] =	sbarrier.arrive $0xFFFF  }
0x253: {  	[sflag:s0] =	ssyncadd.tile.s32 @!p0 $0x1;
	_ =	shalt  }
.Lfunc_end2:
_tile_overlayer_lowered:
.L_overlay_start_2:
0x254: {  	(tag) =	ssettag $0x2  }
0x255: {  	s0 =	rddreg [dreg:$0x0];
	s2 =	stileid.u32  }
0x256: {  	s1 =	rddreg [dreg:$0x1];
	p0 =	sne.s32 s2, $0x0  }
0x257: {  	s3 =	rddreg [dreg:$0x2];
	[bflag:$0x3] =	sbarrier.arrive $0xFFFF;
	s2 =	simm.s32 @!p0 $0x1C02  }
0x258: {  	[timem:s3], [sflag:s2] =	dma.local @!p0 [hbm:s0], s1  }
0x259: {  	s0 =	simm.s32 @!p0 $0x2  }
0x25a: {  	_ =	swait.ge @!p0 [sflag:s0], s1  }
0x25b: {  	s1 =	ssub.s32 @!p0 $0x0, s1;
	[sflag:s0] =	ssyncset.done @!p0 $0x0  }
0x25c: {  	[sflag:s0] =	ssyncadd.s32 @!p0 s1  }
0x25d: {  	[bflag:$0x3] =	sbarrier.arrive $0xFFFF  }
0x25e: {  	_ =	shalt  }

</sc_bundles>
